<compile_context>
chip_gen: v7x
topology: tpu7x:2x2x1
jax: 0.10.2.dev20260603
libtpu: 0.0.44.dev20260713+nightly
codegen_flags: <defaults>
</compile_context>

<pallas_src>
import functools

import jax
import jax.numpy as jnp
from jax import lax
from jax.experimental import pallas as pl
from jax.experimental.pallas import tpu as pltpu
from jax.experimental.pallas import tpu_sc as plsc

N = 10000
D = 128
E = 320000
NC = 2
NS = 16
NW = NC * NS
CHUNK = 128
KPT = 80
NCHUNK = NW * KPT
E_PAD = NCHUNK * CHUNK
GCHUNK = 64
GTCH = E_PAD // GCHUNK
NBUF = 4
GSTAGE = 32
F0 = 256
F1 = 64
assert NS * (F0 + F1) == GTCH
ACC_ROWS = 10240
RPT = ACC_ROWS // NS

_MESH = plsc.VectorSubcoreMesh(core_axis_name="c", subcore_axis_name="s")


@functools.partial(
    pl.kernel,
    out_type=jax.ShapeDtypeStruct((NC * ACC_ROWS, D), jnp.float32),
    mesh=_MESH,
    scratch_types=[
        pltpu.VMEM((KPT, CHUNK), jnp.int32),
        pltpu.VMEM((CHUNK, D), jnp.float32),
        pltpu.VMEM((CHUNK, D), jnp.float32),
        pltpu.VMEM_SHARED((ACC_ROWS, D), jnp.float32),
    ],
)
def _sc_degree(dst_hbm, ones_hbm, zeros_hbm, out_hbm,
               idx_v, ones_v, buf_v, deg_sh):
  cid = lax.axis_index("c")
  sid = lax.axis_index("s")
  wid = sid * NC + cid
  pltpu.sync_copy(zeros_hbm, buf_v)
  for j in range(RPT // CHUNK):
    pltpu.sync_copy(buf_v, deg_sh.at[pl.ds(sid * RPT + j * CHUNK, CHUNK)])
  pltpu.sync_copy(ones_hbm, ones_v)
  pltpu.sync_copy(dst_hbm.at[pl.ds(wid * KPT, KPT)], idx_v)
  plsc.subcore_barrier()

  def body(k, carry):
    pltpu.sync_copy(ones_v, deg_sh.at[idx_v.at[k]], add=True)
    return carry

  lax.fori_loop(0, KPT, body, 0)
  plsc.subcore_barrier()
  for j in range(RPT // CHUNK):
    off = sid * RPT + j * CHUNK
    pltpu.sync_copy(deg_sh.at[pl.ds(off, CHUNK)], buf_v)
    pltpu.sync_copy(buf_v, out_hbm.at[pl.ds(cid * ACC_ROWS + off, CHUNK)])


@functools.partial(
    pl.kernel,
    out_type=jax.ShapeDtypeStruct((NC * ACC_ROWS, D), jnp.float32),
    mesh=_MESH,
    scratch_types=[
        pltpu.VMEM((GSTAGE, GCHUNK), jnp.int32),
        pltpu.VMEM((GSTAGE, GCHUNK), jnp.int32),
        pltpu.VMEM((NBUF, GCHUNK, D), jnp.float32),
        pltpu.VMEM_SHARED((ACC_ROWS, D), jnp.float32),
        pltpu.SemaphoreType.DMA,
        pltpu.SemaphoreType.DMA,
        pltpu.SemaphoreType.DMA,
        pltpu.SemaphoreType.DMA,
    ],
)
def _sc_scatter(src_hbm, dst_hbm, hp_hbm, zeros_hbm, out_hbm,
                src_v, dst_v, rows_v, agg_sh, *sems):
  cid = lax.axis_index("c")
  sid = lax.axis_index("s")
  pltpu.sync_copy(zeros_hbm, rows_v.at[0])
  for j in range(RPT // GCHUNK):
    pltpu.sync_copy(rows_v.at[0],
                    agg_sh.at[pl.ds(sid * RPT + j * GCHUNK, GCHUNK)])
  plsc.subcore_barrier()

  tile_base = jnp.where(cid == 0, sid * F0, NS * F0 + sid * F1)
  nstages = jnp.where(cid == 0, F0 // GSTAGE, F1 // GSTAGE)

  def gather(k, buf):
    pltpu.async_copy(hp_hbm.at[src_v.at[k]], rows_v.at[buf], sems[buf])

  def gwait(buf):
    pltpu.make_async_copy(hp_hbm.at[src_v.at[0]], rows_v.at[buf],
                          sems[buf]).wait()

  def stage(h, carry):
    sb = tile_base + h * GSTAGE
    pltpu.sync_copy(src_hbm.at[pl.ds(sb, GSTAGE)], src_v)
    pltpu.sync_copy(dst_hbm.at[pl.ds(sb, GSTAGE)], dst_v)
    for b in range(NBUF):
      gather(b, b)

    def body(g, carry2):
      base = NBUF * g
      for b in range(NBUF):
        k = base + b
        gwait(b)
        pltpu.sync_copy(rows_v.at[b], agg_sh.at[dst_v.at[k]], add=True)
        gather(jnp.where(k + NBUF < GSTAGE, k + NBUF, 0), b)
      return carry2

    lax.fori_loop(0, GSTAGE // NBUF, body, 0)
    for b in range(NBUF):
      gwait(b)
    return carry

  lax.fori_loop(0, nstages, stage, 0)
  plsc.subcore_barrier()
  for j in range(RPT // GCHUNK):
    off = sid * RPT + j * GCHUNK
    pltpu.sync_copy(agg_sh.at[pl.ds(off, GCHUNK)], rows_v.at[0])
    pltpu.sync_copy(rows_v.at[0], out_hbm.at[pl.ds(cid * ACC_ROWS + off, GCHUNK)])


def _tc0_body(x_ref, w1_ref, h_ref):
  h_ref[...] = jnp.dot(x_ref[...], w1_ref[...],
                       preferred_element_type=jnp.float32)


def _tc1_body(h_ref, deg_ref, hp_ref, dinv_ref):
  d = deg_ref[...]
  cnt = d[0] + d[1] + 1.0
  dinv = lax.rsqrt(jnp.maximum(cnt, 1.0))
  dinv_ref[...] = dinv
  hp_ref[...] = h_ref[...] * dinv


def _tc2_body(agg_ref, hp_ref, dinv_ref, b1_ref, w2_ref, emb_ref, gp_ref):
  dinv = dinv_ref[...]
  agg = agg_ref[0] + agg_ref[1] + hp_ref[...]
  emb = jnp.maximum(agg * dinv + b1_ref[...], 0.0)
  emb_ref[...] = emb
  g = jnp.dot(emb, w2_ref[...], preferred_element_type=jnp.float32)
  gp_ref[...] = g * dinv


def _tc3_body(agg_ref, gp_ref, dinv_ref, b2_ref, out_ref):
  agg = agg_ref[0] + agg_ref[1] + gp_ref[...]
  out_ref[...] = agg * dinv_ref[...] + b2_ref[...]


_RB = 1000
_GRID = N // _RB

_agg_spec = pl.BlockSpec((NC, _RB, D), lambda i: (0, i, 0))
_row_spec = pl.BlockSpec((_RB, D), lambda i: (i, 0))
_w_spec = pl.BlockSpec((D, D), lambda i: (0, 0))
_b_spec = pl.BlockSpec((1, D), lambda i: (0, 0))


def kernel(x, edge_index, W1, b1, W2, b2):
  edge = edge_index.astype(jnp.int32)
  npad = E_PAD - E
  src2d = jnp.concatenate(
      [edge[0], jnp.zeros((npad,), jnp.int32)]).reshape(NCHUNK, CHUNK)
  dst2d = jnp.concatenate(
      [edge[1], jnp.full((npad,), N, jnp.int32)]).reshape(NCHUNK, CHUNK)
  src2dg = src2d.reshape(GTCH, GCHUNK)
  dst2dg = dst2d.reshape(GTCH, GCHUNK)
  ones128 = jnp.ones((CHUNK, D), jnp.float32)
  zeros128 = jnp.zeros((CHUNK, D), jnp.float32)
  zeros64 = jnp.zeros((GCHUNK, D), jnp.float32)
  b1r = b1.reshape(1, D)
  b2r = b2.reshape(1, D)

  deg = _sc_degree(dst2d, ones128, zeros128).reshape(NC, ACC_ROWS, D)

  h1 = pl.pallas_call(
      _tc0_body,
      grid=(_GRID,),
      in_specs=[_row_spec, _w_spec],
      out_specs=_row_spec,
      out_shape=jax.ShapeDtypeStruct((N, D), jnp.float32),
  )(x, W1)

  hp1, dinvb = pl.pallas_call(
      _tc1_body,
      grid=(_GRID,),
      in_specs=[_row_spec, _agg_spec],
      out_specs=[_row_spec, _row_spec],
      out_shape=[
          jax.ShapeDtypeStruct((N, D), jnp.float32),
          jax.ShapeDtypeStruct((N, D), jnp.float32),
      ],
  )(h1, deg)

  agg1 = _sc_scatter(src2dg, dst2dg, hp1, zeros64).reshape(NC, ACC_ROWS, D)

  emb, gp2 = pl.pallas_call(
      _tc2_body,
      grid=(_GRID,),
      in_specs=[_agg_spec, _row_spec, _row_spec, _b_spec, _w_spec],
      out_specs=[_row_spec, _row_spec],
      out_shape=[
          jax.ShapeDtypeStruct((N, D), jnp.float32),
          jax.ShapeDtypeStruct((N, D), jnp.float32),
      ],
  )(agg1, hp1, dinvb, b1r, W2)

  agg2 = _sc_scatter(src2dg, dst2dg, gp2, zeros64).reshape(NC, ACC_ROWS, D)

  out = pl.pallas_call(
      _tc3_body,
      grid=(_GRID,),
      in_specs=[_agg_spec, _row_spec, _row_spec, _b_spec],
      out_specs=_row_spec,
      out_shape=jax.ShapeDtypeStruct((N, D), jnp.float32),
  )(agg2, gp2, dinvb, b2r)

  return (emb, out)

# --- scband reference (transcript-rebuilt; emitter-appended) ---
"""Pipeline reference for scband-gcn-81716047773931 (READ-ONLY COPY).

The authoritative reference and input builder live on the scoring server;
editing this copy changes nothing except your own understanding.
"""

import jax, jax.numpy as jnp
import numpy as np

N_NODES = 10000
D_IN = 128
D_HID = 128
D_OUT = 128
N_EDGES = 320000


def gcn_conv(x, edge_index, W, b):
    n = x.shape[0]
    src = edge_index[0]
    dst = edge_index[1]
    # add self loops (PyG GCNConv default add_self_loops=True)
    loop = jnp.arange(n, dtype=edge_index.dtype)
    src = jnp.concatenate([src, loop])
    dst = jnp.concatenate([dst, loop])
    # symmetric normalization D^{-1/2} (A+I) D^{-1/2}
    deg = jnp.zeros((n,), dtype=x.dtype).at[dst].add(1.0)
    dinv = 1.0 / jnp.sqrt(jnp.clip(deg, 1.0))
    norm = dinv[src] * dinv[dst]
    h = x @ W
    msg = h[src] * norm[:, None]
    out = jnp.zeros((n, W.shape[1]), dtype=x.dtype).at[dst].add(msg)
    return out + b


def setup_inputs(seed: int = 0) -> dict:
    key = jax.random.key(seed)
    k1, k2, k3, k4, k5, k6 = jax.random.split(key, 6)
    x = jax.random.normal(k1, (N_NODES, D_IN), dtype=jnp.float32)
    edge_index = jax.random.randint(k2, (2, N_EDGES), 0, N_NODES, dtype=jnp.int64)
    # glorot-style init for weights, zeros for bias (PyG GCNConv default)
    s1 = float(np.sqrt(6.0 / (D_IN + D_HID)))
    s2 = float(np.sqrt(6.0 / (D_HID + D_OUT)))
    W1 = jax.random.uniform(k3, (D_IN, D_HID), dtype=jnp.float32, minval=-s1, maxval=s1)
    b1 = jnp.zeros((D_HID,), dtype=jnp.float32)
    W2 = jax.random.uniform(k4, (D_HID, D_OUT), dtype=jnp.float32, minval=-s2, maxval=s2)
    b2 = jnp.zeros((D_OUT,), dtype=jnp.float32)
    return {"x": x, "edge_index": edge_index, "W1": W1, "b1": b1, "W2": W2, "b2": b2}


def reference(x, edge_index, W1, b1, W2, b2):
    h = gcn_conv(x, edge_index, W1, b1)
    h = jax.nn.relu(h)
    embedding = h  # dropout p=0.0 -> identity
    out = gcn_conv(embedding, edge_index, W2, b2)
    return (embedding, out)

if __name__ == "__main__":
    import jax
    _d = setup_inputs()
    print(jax.jit(kernel)(*tuple(_d.values())))

</pallas_src>

<mosaic_0001>
#map = affine_map<(d0, d1) -> (0, 0)>
module attributes {stable_mosaic.version = 14 : i64} {
  func.func @_sc_degree(%arg0: i32, %arg1: i32, %arg2: memref<2560x128xi32, #tpu.memory_space<hbm>>, %arg3: memref<128x128xf32, #tpu.memory_space<hbm>>, %arg4: memref<128x128xf32, #tpu.memory_space<hbm>>, %arg5: memref<20480x128xf32, #tpu.memory_space<hbm>>, %arg6: memref<80x128xi32, #tpu.memory_space<vmem>>, %arg7: memref<128x128xf32, #tpu.memory_space<vmem>>, %arg8: memref<128x128xf32, #tpu.memory_space<vmem>>, %arg9: memref<10240x128xf32, #tpu.memory_space<vmem_shared>>) attributes {dimension_semantics = [#tpu.dimension_semantics<core_parallel>, #tpu.dimension_semantics<subcore_parallel>], iteration_bounds = array<i64: 2, 16>, scalar_prefetch = 0 : i64, scratch_operands = 4 : i64, tpu.core_type = #tpu.core_type<sc_vector_subcore>, window_params = [{transform_indices = #map}, {transform_indices = #map}, {transform_indices = #map}, {transform_indices = #map}]} {
    %mul3A = arith.constant 2 : i32
    %mul3A_0 = arith.muli %arg1, %mul3A : i32
    %add3A = arith.addi %mul3A_0, %arg0 : i32
    "tpu.region"() ({
      %run_scoped3A = tpu.sem_alloc : memref<!tpu.dma_semaphore, #tpu.memory_space<semaphore_mem>>
      tpu.enqueue_dma source(%arg4 : memref<128x128xf32, #tpu.memory_space<hbm>>) target(%arg8 : memref<128x128xf32, #tpu.memory_space<vmem>>) target_semaphore(%run_scoped3A : memref<!tpu.dma_semaphore, #tpu.memory_space<semaphore_mem>>)
      tpu.wait_dma2 semaphore(%run_scoped3A : memref<!tpu.dma_semaphore, #tpu.memory_space<semaphore_mem>>) src(%arg4 : memref<128x128xf32, #tpu.memory_space<hbm>>) dst(%arg8 : memref<128x128xf32, #tpu.memory_space<vmem>>)
      tpu.yield
    }) : () -> ()
    %mul3A_1 = arith.constant 640 : i32
    %mul3A_2 = arith.muli %arg1, %mul3A_1 : i32
    %add3A_3 = arith.constant 0 : i32
    %add3A_4 = arith.addi %mul3A_2, %add3A_3 : i32
    "tpu.region"() ({
      %run_scoped3A = tpu.sem_alloc : memref<!tpu.dma_semaphore, #tpu.memory_space<semaphore_mem>>
      %dma_start3A = arith.constant 0 : i32
      %dma_start3A_64 = tpu.memref_slice %arg9[%add3A_4, %dma_start3A] : memref<10240x128xf32, #tpu.memory_space<vmem_shared>> -> memref<128x128xf32, #tpu.memory_space<vmem_shared>>
      %dma_start3A_65 = arith.constant 0 : i32
      %dma_start3A_66 = tpu.memref_slice %arg9[%add3A_4, %dma_start3A_65] : memref<10240x128xf32, #tpu.memory_space<vmem_shared>> -> memref<128x128xf32, #tpu.memory_space<vmem_shared>>
      tpu.enqueue_dma source(%arg8 : memref<128x128xf32, #tpu.memory_space<vmem>>) target(%dma_start3A_66 : memref<128x128xf32, #tpu.memory_space<vmem_shared>>) target_semaphore(%run_scoped3A : memref<!tpu.dma_semaphore, #tpu.memory_space<semaphore_mem>>)
      %dma_wait3A = arith.constant 0 : i32
      %dma_wait3A_67 = tpu.memref_slice %arg9[%add3A_4, %dma_wait3A] : memref<10240x128xf32, #tpu.memory_space<vmem_shared>> -> memref<128x128xf32, #tpu.memory_space<vmem_shared>>
      %dma_wait3A_68 = arith.constant 0 : i32
      %dma_wait3A_69 = tpu.memref_slice %arg9[%add3A_4, %dma_wait3A_68] : memref<10240x128xf32, #tpu.memory_space<vmem_shared>> -> memref<128x128xf32, #tpu.memory_space<vmem_shared>>
      tpu.wait_dma2 semaphore(%run_scoped3A : memref<!tpu.dma_semaphore, #tpu.memory_space<semaphore_mem>>) src(%arg8 : memref<128x128xf32, #tpu.memory_space<vmem>>) dst(%dma_wait3A_69 : memref<128x128xf32, #tpu.memory_space<vmem_shared>>)
      tpu.yield
    }) : () -> ()
    %mul3A_5 = arith.constant 640 : i32
    %mul3A_6 = arith.muli %arg1, %mul3A_5 : i32
    %add3A_7 = arith.constant 128 : i32
    %add3A_8 = arith.addi %mul3A_6, %add3A_7 : i32
    "tpu.region"() ({
      %run_scoped3A = tpu.sem_alloc : memref<!tpu.dma_semaphore, #tpu.memory_space<semaphore_mem>>
      %dma_start3A = arith.constant 0 : i32
      %dma_start3A_64 = tpu.memref_slice %arg9[%add3A_8, %dma_start3A] : memref<10240x128xf32, #tpu.memory_space<vmem_shared>> -> memref<128x128xf32, #tpu.memory_space<vmem_shared>>
      %dma_start3A_65 = arith.constant 0 : i32
      %dma_start3A_66 = tpu.memref_slice %arg9[%add3A_8, %dma_start3A_65] : memref<10240x128xf32, #tpu.memory_space<vmem_shared>> -> memref<128x128xf32, #tpu.memory_space<vmem_shared>>
      tpu.enqueue_dma source(%arg8 : memref<128x128xf32, #tpu.memory_space<vmem>>) target(%dma_start3A_66 : memref<128x128xf32, #tpu.memory_space<vmem_shared>>) target_semaphore(%run_scoped3A : memref<!tpu.dma_semaphore, #tpu.memory_space<semaphore_mem>>)
      %dma_wait3A = arith.constant 0 : i32
      %dma_wait3A_67 = tpu.memref_slice %arg9[%add3A_8, %dma_wait3A] : memref<10240x128xf32, #tpu.memory_space<vmem_shared>> -> memref<128x128xf32, #tpu.memory_space<vmem_shared>>
      %dma_wait3A_68 = arith.constant 0 : i32
      %dma_wait3A_69 = tpu.memref_slice %arg9[%add3A_8, %dma_wait3A_68] : memref<10240x128xf32, #tpu.memory_space<vmem_shared>> -> memref<128x128xf32, #tpu.memory_space<vmem_shared>>
      tpu.wait_dma2 semaphore(%run_scoped3A : memref<!tpu.dma_semaphore, #tpu.memory_space<semaphore_mem>>) src(%arg8 : memref<128x128xf32, #tpu.memory_space<vmem>>) dst(%dma_wait3A_69 : memref<128x128xf32, #tpu.memory_space<vmem_shared>>)
      tpu.yield
    }) : () -> ()
    %mul3A_9 = arith.constant 640 : i32
    %mul3A_10 = arith.muli %arg1, %mul3A_9 : i32
    %add3A_11 = arith.constant 256 : i32
    %add3A_12 = arith.addi %mul3A_10, %add3A_11 : i32
    "tpu.region"() ({
      %run_scoped3A = tpu.sem_alloc : memref<!tpu.dma_semaphore, #tpu.memory_space<semaphore_mem>>
      %dma_start3A = arith.constant 0 : i32
      %dma_start3A_64 = tpu.memref_slice %arg9[%add3A_12, %dma_start3A] : memref<10240x128xf32, #tpu.memory_space<vmem_shared>> -> memref<128x128xf32, #tpu.memory_space<vmem_shared>>
      %dma_start3A_65 = arith.constant 0 : i32
      %dma_start3A_66 = tpu.memref_slice %arg9[%add3A_12, %dma_start3A_65] : memref<10240x128xf32, #tpu.memory_space<vmem_shared>> -> memref<128x128xf32, #tpu.memory_space<vmem_shared>>
      tpu.enqueue_dma source(%arg8 : memref<128x128xf32, #tpu.memory_space<vmem>>) target(%dma_start3A_66 : memref<128x128xf32, #tpu.memory_space<vmem_shared>>) target_semaphore(%run_scoped3A : memref<!tpu.dma_semaphore, #tpu.memory_space<semaphore_mem>>)
      %dma_wait3A = arith.constant 0 : i32
      %dma_wait3A_67 = tpu.memref_slice %arg9[%add3A_12, %dma_wait3A] : memref<10240x128xf32, #tpu.memory_space<vmem_shared>> -> memref<128x128xf32, #tpu.memory_space<vmem_shared>>
      %dma_wait3A_68 = arith.constant 0 : i32
      %dma_wait3A_69 = tpu.memref_slice %arg9[%add3A_12, %dma_wait3A_68] : memref<10240x128xf32, #tpu.memory_space<vmem_shared>> -> memref<128x128xf32, #tpu.memory_space<vmem_shared>>
      tpu.wait_dma2 semaphore(%run_scoped3A : memref<!tpu.dma_semaphore, #tpu.memory_space<semaphore_mem>>) src(%arg8 : memref<128x128xf32, #tpu.memory_space<vmem>>) dst(%dma_wait3A_69 : memref<128x128xf32, #tpu.memory_space<vmem_shared>>)
      tpu.yield
    }) : () -> ()
    %mul3A_13 = arith.constant 640 : i32
    %mul3A_14 = arith.muli %arg1, %mul3A_13 : i32
    %add3A_15 = arith.constant 384 : i32
    %add3A_16 = arith.addi %mul3A_14, %add3A_15 : i32
    "tpu.region"() ({
      %run_scoped3A = tpu.sem_alloc : memref<!tpu.dma_semaphore, #tpu.memory_space<semaphore_mem>>
      %dma_start3A = arith.constant 0 : i32
      %dma_start3A_64 = tpu.memref_slice %arg9[%add3A_16, %dma_start3A] : memref<10240x128xf32, #tpu.memory_space<vmem_shared>> -> memref<128x128xf32, #tpu.memory_space<vmem_shared>>
      %dma_start3A_65 = arith.constant 0 : i32
      %dma_start3A_66 = tpu.memref_slice %arg9[%add3A_16, %dma_start3A_65] : memref<10240x128xf32, #tpu.memory_space<vmem_shared>> -> memref<128x128xf32, #tpu.memory_space<vmem_shared>>
      tpu.enqueue_dma source(%arg8 : memref<128x128xf32, #tpu.memory_space<vmem>>) target(%dma_start3A_66 : memref<128x128xf32, #tpu.memory_space<vmem_shared>>) target_semaphore(%run_scoped3A : memref<!tpu.dma_semaphore, #tpu.memory_space<semaphore_mem>>)
      %dma_wait3A = arith.constant 0 : i32
      %dma_wait3A_67 = tpu.memref_slice %arg9[%add3A_16, %dma_wait3A] : memref<10240x128xf32, #tpu.memory_space<vmem_shared>> -> memref<128x128xf32, #tpu.memory_space<vmem_shared>>
      %dma_wait3A_68 = arith.constant 0 : i32
      %dma_wait3A_69 = tpu.memref_slice %arg9[%add3A_16, %dma_wait3A_68] : memref<10240x128xf32, #tpu.memory_space<vmem_shared>> -> memref<128x128xf32, #tpu.memory_space<vmem_shared>>
      tpu.wait_dma2 semaphore(%run_scoped3A : memref<!tpu.dma_semaphore, #tpu.memory_space<semaphore_mem>>) src(%arg8 : memref<128x128xf32, #tpu.memory_space<vmem>>) dst(%dma_wait3A_69 : memref<128x128xf32, #tpu.memory_space<vmem_shared>>)
      tpu.yield
    }) : () -> ()
    %mul3A_17 = arith.constant 640 : i32
    %mul3A_18 = arith.muli %arg1, %mul3A_17 : i32
    %add3A_19 = arith.constant 512 : i32
    %add3A_20 = arith.addi %mul3A_18, %add3A_19 : i32
    "tpu.region"() ({
      %run_scoped3A = tpu.sem_alloc : memref<!tpu.dma_semaphore, #tpu.memory_space<semaphore_mem>>
      %dma_start3A = arith.constant 0 : i32
      %dma_start3A_64 = tpu.memref_slice %arg9[%add3A_20, %dma_start3A] : memref<10240x128xf32, #tpu.memory_space<vmem_shared>> -> memref<128x128xf32, #tpu.memory_space<vmem_shared>>
      %dma_start3A_65 = arith.constant 0 : i32
      %dma_start3A_66 = tpu.memref_slice %arg9[%add3A_20, %dma_start3A_65] : memref<10240x128xf32, #tpu.memory_space<vmem_shared>> -> memref<128x128xf32, #tpu.memory_space<vmem_shared>>
      tpu.enqueue_dma source(%arg8 : memref<128x128xf32, #tpu.memory_space<vmem>>) target(%dma_start3A_66 : memref<128x128xf32, #tpu.memory_space<vmem_shared>>) target_semaphore(%run_scoped3A : memref<!tpu.dma_semaphore, #tpu.memory_space<semaphore_mem>>)
      %dma_wait3A = arith.constant 0 : i32
      %dma_wait3A_67 = tpu.memref_slice %arg9[%add3A_20, %dma_wait3A] : memref<10240x128xf32, #tpu.memory_space<vmem_shared>> -> memref<128x128xf32, #tpu.memory_space<vmem_shared>>
      %dma_wait3A_68 = arith.constant 0 : i32
      %dma_wait3A_69 = tpu.memref_slice %arg9[%add3A_20, %dma_wait3A_68] : memref<10240x128xf32, #tpu.memory_space<vmem_shared>> -> memref<128x128xf32, #tpu.memory_space<vmem_shared>>
      tpu.wait_dma2 semaphore(%run_scoped3A : memref<!tpu.dma_semaphore, #tpu.memory_space<semaphore_mem>>) src(%arg8 : memref<128x128xf32, #tpu.memory_space<vmem>>) dst(%dma_wait3A_69 : memref<128x128xf32, #tpu.memory_space<vmem_shared>>)
      tpu.yield
    }) : () -> ()
    "tpu.region"() ({
      %run_scoped3A = tpu.sem_alloc : memref<!tpu.dma_semaphore, #tpu.memory_space<semaphore_mem>>
      tpu.enqueue_dma source(%arg3 : memref<128x128xf32, #tpu.memory_space<hbm>>) target(%arg7 : memref<128x128xf32, #tpu.memory_space<vmem>>) target_semaphore(%run_scoped3A : memref<!tpu.dma_semaphore, #tpu.memory_space<semaphore_mem>>)
      tpu.wait_dma2 semaphore(%run_scoped3A : memref<!tpu.dma_semaphore, #tpu.memory_space<semaphore_mem>>) src(%arg3 : memref<128x128xf32, #tpu.memory_space<hbm>>) dst(%arg7 : memref<128x128xf32, #tpu.memory_space<vmem>>)
      tpu.yield
    }) : () -> ()
    %mul3A_21 = arith.constant 80 : i32
    %mul3A_22 = arith.muli %add3A, %mul3A_21 : i32
    "tpu.region"() ({
      %run_scoped3A = tpu.sem_alloc : memref<!tpu.dma_semaphore, #tpu.memory_space<semaphore_mem>>
      %dma_start3A = arith.constant 0 : i32
      %dma_start3A_64 = tpu.memref_slice %arg2[%mul3A_22, %dma_start3A] : memref<2560x128xi32, #tpu.memory_space<hbm>> -> memref<80x128xi32, #tpu.memory_space<hbm>>
      %dma_start3A_65 = arith.constant 0 : i32
      %dma_start3A_66 = tpu.memref_slice %arg2[%mul3A_22, %dma_start3A_65] : memref<2560x128xi32, #tpu.memory_space<hbm>> -> memref<80x128xi32, #tpu.memory_space<hbm>>
      tpu.enqueue_dma source(%dma_start3A_66 : memref<80x128xi32, #tpu.memory_space<hbm>>) target(%arg6 : memref<80x128xi32, #tpu.memory_space<vmem>>) target_semaphore(%run_scoped3A : memref<!tpu.dma_semaphore, #tpu.memory_space<semaphore_mem>>)
      %dma_wait3A = arith.constant 0 : i32
      %dma_wait3A_67 = tpu.memref_slice %arg2[%mul3A_22, %dma_wait3A] : memref<2560x128xi32, #tpu.memory_space<hbm>> -> memref<80x128xi32, #tpu.memory_space<hbm>>
      %dma_wait3A_68 = arith.constant 0 : i32
      %dma_wait3A_69 = tpu.memref_slice %arg2[%mul3A_22, %dma_wait3A_68] : memref<2560x128xi32, #tpu.memory_space<hbm>> -> memref<80x128xi32, #tpu.memory_space<hbm>>
      tpu.wait_dma2 semaphore(%run_scoped3A : memref<!tpu.dma_semaphore, #tpu.memory_space<semaphore_mem>>) src(%dma_wait3A_69 : memref<80x128xi32, #tpu.memory_space<hbm>>) dst(%arg6 : memref<80x128xi32, #tpu.memory_space<vmem>>)
      tpu.yield
    }) : () -> ()
    %barrier3A = arith.constant 0 : index
    tpu.barrier barrier_id(%barrier3A)
    %scan3A = arith.constant 0 : i32
    %scan3A_23 = arith.constant 0 : i32
    %scan3A_24 = arith.constant 80 : i32
    %scan3A_25 = arith.addi %scan3A_23, %scan3A_24 : i32
    %scan3A_26 = arith.constant 1 : i32
    scf.for %scan3A_64 = %scan3A_23 to %scan3A_25 step %scan3A_26  : i32 {
      "tpu.region"() ({
        %run_scoped3A = tpu.sem_alloc : memref<!tpu.dma_semaphore, #tpu.memory_space<semaphore_mem>>
        %dma_start3A = arith.constant 0 : i32
        %dma_start3A_65 = tpu.memref_slice %arg6[%scan3A_64, %dma_start3A] : memref<80x128xi32, #tpu.memory_space<vmem>> -> memref<1x128xi32, #tpu.memory_space<vmem>>
        %dma_start3A_66 = tpu.memref_squeeze %dma_start3A_65 : memref<1x128xi32, #tpu.memory_space<vmem>> -> memref<128xi32, #tpu.memory_space<vmem>>
        %dma_start3A_67 = arith.constant 0 : i32
        %dma_start3A_68 = arith.constant 0 : i32
        %dma_start3A_69 = tpu.memref_slice %arg9[%dma_start3A_67, %dma_start3A_68] : memref<10240x128xf32, #tpu.memory_space<vmem_shared>> -> memref<10240x128xf32, #tpu.memory_space<vmem_shared>>
        tpu.enqueue_indirect_dma source(%arg7 : memref<128x128xf32, #tpu.memory_space<vmem>>) target(%dma_start3A_69 : memref<10240x128xf32, #tpu.memory_space<vmem_shared>>) offsets(%dma_start3A_66 : memref<128xi32, #tpu.memory_space<vmem>>) semaphore(%run_scoped3A : memref<!tpu.dma_semaphore, #tpu.memory_space<semaphore_mem>>) {add = true}
        %dma_wait3A = arith.constant 0 : i32
        %dma_wait3A_70 = tpu.memref_slice %arg6[%scan3A_64, %dma_wait3A] : memref<80x128xi32, #tpu.memory_space<vmem>> -> memref<1x128xi32, #tpu.memory_space<vmem>>
        %dma_wait3A_71 = tpu.memref_squeeze %dma_wait3A_70 : memref<1x128xi32, #tpu.memory_space<vmem>> -> memref<128xi32, #tpu.memory_space<vmem>>
        %dma_wait3A_72 = arith.constant 0 : i32
        %dma_wait3A_73 = arith.constant 0 : i32
        %dma_wait3A_74 = tpu.memref_slice %arg9[%dma_wait3A_72, %dma_wait3A_73] : memref<10240x128xf32, #tpu.memory_space<vmem_shared>> -> memref<10240x128xf32, #tpu.memory_space<vmem_shared>>
        tpu.wait_indirect_dma semaphore(%run_scoped3A : memref<!tpu.dma_semaphore, #tpu.memory_space<semaphore_mem>>) src(%arg7 : memref<128x128xf32, #tpu.memory_space<vmem>>) dst(%dma_wait3A_74 : memref<10240x128xf32, #tpu.memory_space<vmem_shared>>)
        tpu.yield
      }) : () -> ()
    }
    %scan3A_27 = arith.constant 80 : i32
    %barrier3A_28 = arith.constant 0 : index
    tpu.barrier barrier_id(%barrier3A_28)
    %mul3A_29 = arith.constant 640 : i32
    %mul3A_30 = arith.muli %arg1, %mul3A_29 : i32
    %add3A_31 = arith.constant 0 : i32
    %add3A_32 = arith.addi %mul3A_30, %add3A_31 : i32
    "tpu.region"() ({
      %run_scoped3A = tpu.sem_alloc : memref<!tpu.dma_semaphore, #tpu.memory_space<semaphore_mem>>
      %dma_start3A = arith.constant 0 : i32
      %dma_start3A_64 = tpu.memref_slice %arg9[%add3A_32, %dma_start3A] : memref<10240x128xf32, #tpu.memory_space<vmem_shared>> -> memref<128x128xf32, #tpu.memory_space<vmem_shared>>
      %dma_start3A_65 = arith.constant 0 : i32
      %dma_start3A_66 = tpu.memref_slice %arg9[%add3A_32, %dma_start3A_65] : memref<10240x128xf32, #tpu.memory_space<vmem_shared>> -> memref<128x128xf32, #tpu.memory_space<vmem_shared>>
      tpu.enqueue_dma source(%dma_start3A_66 : memref<128x128xf32, #tpu.memory_space<vmem_shared>>) target(%arg8 : memref<128x128xf32, #tpu.memory_space<vmem>>) target_semaphore(%run_scoped3A : memref<!tpu.dma_semaphore, #tpu.memory_space<semaphore_mem>>)
      %dma_wait3A = arith.constant 0 : i32
      %dma_wait3A_67 = tpu.memref_slice %arg9[%add3A_32, %dma_wait3A] : memref<10240x128xf32, #tpu.memory_space<vmem_shared>> -> memref<128x128xf32, #tpu.memory_space<vmem_shared>>
      %dma_wait3A_68 = arith.constant 0 : i32
      %dma_wait3A_69 = tpu.memref_slice %arg9[%add3A_32, %dma_wait3A_68] : memref<10240x128xf32, #tpu.memory_space<vmem_shared>> -> memref<128x128xf32, #tpu.memory_space<vmem_shared>>
      tpu.wait_dma2 semaphore(%run_scoped3A : memref<!tpu.dma_semaphore, #tpu.memory_space<semaphore_mem>>) src(%dma_wait3A_69 : memref<128x128xf32, #tpu.memory_space<vmem_shared>>) dst(%arg8 : memref<128x128xf32, #tpu.memory_space<vmem>>)
      tpu.yield
    }) : () -> ()
    %mul3A_33 = arith.constant 10240 : i32
    %mul3A_34 = arith.muli %arg0, %mul3A_33 : i32
    %add3A_35 = arith.addi %mul3A_34, %add3A_32 : i32
    "tpu.region"() ({
      %run_scoped3A = tpu.sem_alloc : memref<!tpu.dma_semaphore, #tpu.memory_space<semaphore_mem>>
      %dma_start3A = arith.constant 0 : i32
      %dma_start3A_64 = tpu.memref_slice %arg5[%add3A_35, %dma_start3A] : memref<20480x128xf32, #tpu.memory_space<hbm>> -> memref<128x128xf32, #tpu.memory_space<hbm>>
      %dma_start3A_65 = arith.constant 0 : i32
      %dma_start3A_66 = tpu.memref_slice %arg5[%add3A_35, %dma_start3A_65] : memref<20480x128xf32, #tpu.memory_space<hbm>> -> memref<128x128xf32, #tpu.memory_space<hbm>>
      tpu.enqueue_dma source(%arg8 : memref<128x128xf32, #tpu.memory_space<vmem>>) target(%dma_start3A_66 : memref<128x128xf32, #tpu.memory_space<hbm>>) target_semaphore(%run_scoped3A : memref<!tpu.dma_semaphore, #tpu.memory_space<semaphore_mem>>)
      %dma_wait3A = arith.constant 0 : i32
      %dma_wait3A_67 = tpu.memref_slice %arg5[%add3A_35, %dma_wait3A] : memref<20480x128xf32, #tpu.memory_space<hbm>> -> memref<128x128xf32, #tpu.memory_space<hbm>>
      %dma_wait3A_68 = arith.constant 0 : i32
      %dma_wait3A_69 = tpu.memref_slice %arg5[%add3A_35, %dma_wait3A_68] : memref<20480x128xf32, #tpu.memory_space<hbm>> -> memref<128x128xf32, #tpu.memory_space<hbm>>
      tpu.wait_dma2 semaphore(%run_scoped3A : memref<!tpu.dma_semaphore, #tpu.memory_space<semaphore_mem>>) src(%arg8 : memref<128x128xf32, #tpu.memory_space<vmem>>) dst(%dma_wait3A_69 : memref<128x128xf32, #tpu.memory_space<hbm>>)
      tpu.yield
    }) : () -> ()
    %mul3A_36 = arith.constant 640 : i32
    %mul3A_37 = arith.muli %arg1, %mul3A_36 : i32
    %add3A_38 = arith.constant 128 : i32
    %add3A_39 = arith.addi %mul3A_37, %add3A_38 : i32
    "tpu.region"() ({
      %run_scoped3A = tpu.sem_alloc : memref<!tpu.dma_semaphore, #tpu.memory_space<semaphore_mem>>
      %dma_start3A = arith.constant 0 : i32
      %dma_start3A_64 = tpu.memref_slice %arg9[%add3A_39, %dma_start3A] : memref<10240x128xf32, #tpu.memory_space<vmem_shared>> -> memref<128x128xf32, #tpu.memory_space<vmem_shared>>
      %dma_start3A_65 = arith.constant 0 : i32
      %dma_start3A_66 = tpu.memref_slice %arg9[%add3A_39, %dma_start3A_65] : memref<10240x128xf32, #tpu.memory_space<vmem_shared>> -> memref<128x128xf32, #tpu.memory_space<vmem_shared>>
      tpu.enqueue_dma source(%dma_start3A_66 : memref<128x128xf32, #tpu.memory_space<vmem_shared>>) target(%arg8 : memref<128x128xf32, #tpu.memory_space<vmem>>) target_semaphore(%run_scoped3A : memref<!tpu.dma_semaphore, #tpu.memory_space<semaphore_mem>>)
      %dma_wait3A = arith.constant 0 : i32
      %dma_wait3A_67 = tpu.memref_slice %arg9[%add3A_39, %dma_wait3A] : memref<10240x128xf32, #tpu.memory_space<vmem_shared>> -> memref<128x128xf32, #tpu.memory_space<vmem_shared>>
      %dma_wait3A_68 = arith.constant 0 : i32
      %dma_wait3A_69 = tpu.memref_slice %arg9[%add3A_39, %dma_wait3A_68] : memref<10240x128xf32, #tpu.memory_space<vmem_shared>> -> memref<128x128xf32, #tpu.memory_space<vmem_shared>>
      tpu.wait_dma2 semaphore(%run_scoped3A : memref<!tpu.dma_semaphore, #tpu.memory_space<semaphore_mem>>) src(%dma_wait3A_69 : memref<128x128xf32, #tpu.memory_space<vmem_shared>>) dst(%arg8 : memref<128x128xf32, #tpu.memory_space<vmem>>)
      tpu.yield
    }) : () -> ()
    %mul3A_40 = arith.constant 10240 : i32
    %mul3A_41 = arith.muli %arg0, %mul3A_40 : i32
    %add3A_42 = arith.addi %mul3A_41, %add3A_39 : i32
    "tpu.region"() ({
      %run_scoped3A = tpu.sem_alloc : memref<!tpu.dma_semaphore, #tpu.memory_space<semaphore_mem>>
      %dma_start3A = arith.constant 0 : i32
      %dma_start3A_64 = tpu.memref_slice %arg5[%add3A_42, %dma_start3A] : memref<20480x128xf32, #tpu.memory_space<hbm>> -> memref<128x128xf32, #tpu.memory_space<hbm>>
      %dma_start3A_65 = arith.constant 0 : i32
      %dma_start3A_66 = tpu.memref_slice %arg5[%add3A_42, %dma_start3A_65] : memref<20480x128xf32, #tpu.memory_space<hbm>> -> memref<128x128xf32, #tpu.memory_space<hbm>>
      tpu.enqueue_dma source(%arg8 : memref<128x128xf32, #tpu.memory_space<vmem>>) target(%dma_start3A_66 : memref<128x128xf32, #tpu.memory_space<hbm>>) target_semaphore(%run_scoped3A : memref<!tpu.dma_semaphore, #tpu.memory_space<semaphore_mem>>)
      %dma_wait3A = arith.constant 0 : i32
      %dma_wait3A_67 = tpu.memref_slice %arg5[%add3A_42, %dma_wait3A] : memref<20480x128xf32, #tpu.memory_space<hbm>> -> memref<128x128xf32, #tpu.memory_space<hbm>>
      %dma_wait3A_68 = arith.constant 0 : i32
      %dma_wait3A_69 = tpu.memref_slice %arg5[%add3A_42, %dma_wait3A_68] : memref<20480x128xf32, #tpu.memory_space<hbm>> -> memref<128x128xf32, #tpu.memory_space<hbm>>
      tpu.wait_dma2 semaphore(%run_scoped3A : memref<!tpu.dma_semaphore, #tpu.memory_space<semaphore_mem>>) src(%arg8 : memref<128x128xf32, #tpu.memory_space<vmem>>) dst(%dma_wait3A_69 : memref<128x128xf32, #tpu.memory_space<hbm>>)
      tpu.yield
    }) : () -> ()
    %mul3A_43 = arith.constant 640 : i32
    %mul3A_44 = arith.muli %arg1, %mul3A_43 : i32
    %add3A_45 = arith.constant 256 : i32
    %add3A_46 = arith.addi %mul3A_44, %add3A_45 : i32
    "tpu.region"() ({
      %run_scoped3A = tpu.sem_alloc : memref<!tpu.dma_semaphore, #tpu.memory_space<semaphore_mem>>
      %dma_start3A = arith.constant 0 : i32
      %dma_start3A_64 = tpu.memref_slice %arg9[%add3A_46, %dma_start3A] : memref<10240x128xf32, #tpu.memory_space<vmem_shared>> -> memref<128x128xf32, #tpu.memory_space<vmem_shared>>
      %dma_start3A_65 = arith.constant 0 : i32
      %dma_start3A_66 = tpu.memref_slice %arg9[%add3A_46, %dma_start3A_65] : memref<10240x128xf32, #tpu.memory_space<vmem_shared>> -> memref<128x128xf32, #tpu.memory_space<vmem_shared>>
      tpu.enqueue_dma source(%dma_start3A_66 : memref<128x128xf32, #tpu.memory_space<vmem_shared>>) target(%arg8 : memref<128x128xf32, #tpu.memory_space<vmem>>) target_semaphore(%run_scoped3A : memref<!tpu.dma_semaphore, #tpu.memory_space<semaphore_mem>>)
      %dma_wait3A = arith.constant 0 : i32
      %dma_wait3A_67 = tpu.memref_slice %arg9[%add3A_46, %dma_wait3A] : memref<10240x128xf32, #tpu.memory_space<vmem_shared>> -> memref<128x128xf32, #tpu.memory_space<vmem_shared>>
      %dma_wait3A_68 = arith.constant 0 : i32
      %dma_wait3A_69 = tpu.memref_slice %arg9[%add3A_46, %dma_wait3A_68] : memref<10240x128xf32, #tpu.memory_space<vmem_shared>> -> memref<128x128xf32, #tpu.memory_space<vmem_shared>>
      tpu.wait_dma2 semaphore(%run_scoped3A : memref<!tpu.dma_semaphore, #tpu.memory_space<semaphore_mem>>) src(%dma_wait3A_69 : memref<128x128xf32, #tpu.memory_space<vmem_shared>>) dst(%arg8 : memref<128x128xf32, #tpu.memory_space<vmem>>)
      tpu.yield
    }) : () -> ()
    %mul3A_47 = arith.constant 10240 : i32
    %mul3A_48 = arith.muli %arg0, %mul3A_47 : i32
    %add3A_49 = arith.addi %mul3A_48, %add3A_46 : i32
    "tpu.region"() ({
      %run_scoped3A = tpu.sem_alloc : memref<!tpu.dma_semaphore, #tpu.memory_space<semaphore_mem>>
      %dma_start3A = arith.constant 0 : i32
      %dma_start3A_64 = tpu.memref_slice %arg5[%add3A_49, %dma_start3A] : memref<20480x128xf32, #tpu.memory_space<hbm>> -> memref<128x128xf32, #tpu.memory_space<hbm>>
      %dma_start3A_65 = arith.constant 0 : i32
      %dma_start3A_66 = tpu.memref_slice %arg5[%add3A_49, %dma_start3A_65] : memref<20480x128xf32, #tpu.memory_space<hbm>> -> memref<128x128xf32, #tpu.memory_space<hbm>>
      tpu.enqueue_dma source(%arg8 : memref<128x128xf32, #tpu.memory_space<vmem>>) target(%dma_start3A_66 : memref<128x128xf32, #tpu.memory_space<hbm>>) target_semaphore(%run_scoped3A : memref<!tpu.dma_semaphore, #tpu.memory_space<semaphore_mem>>)
      %dma_wait3A = arith.constant 0 : i32
      %dma_wait3A_67 = tpu.memref_slice %arg5[%add3A_49, %dma_wait3A] : memref<20480x128xf32, #tpu.memory_space<hbm>> -> memref<128x128xf32, #tpu.memory_space<hbm>>
      %dma_wait3A_68 = arith.constant 0 : i32
      %dma_wait3A_69 = tpu.memref_slice %arg5[%add3A_49, %dma_wait3A_68] : memref<20480x128xf32, #tpu.memory_space<hbm>> -> memref<128x128xf32, #tpu.memory_space<hbm>>
      tpu.wait_dma2 semaphore(%run_scoped3A : memref<!tpu.dma_semaphore, #tpu.memory_space<semaphore_mem>>) src(%arg8 : memref<128x128xf32, #tpu.memory_space<vmem>>) dst(%dma_wait3A_69 : memref<128x128xf32, #tpu.memory_space<hbm>>)
      tpu.yield
    }) : () -> ()
    %mul3A_50 = arith.constant 640 : i32
    %mul3A_51 = arith.muli %arg1, %mul3A_50 : i32
    %add3A_52 = arith.constant 384 : i32
    %add3A_53 = arith.addi %mul3A_51, %add3A_52 : i32
    "tpu.region"() ({
      %run_scoped3A = tpu.sem_alloc : memref<!tpu.dma_semaphore, #tpu.memory_space<semaphore_mem>>
      %dma_start3A = arith.constant 0 : i32
      %dma_start3A_64 = tpu.memref_slice %arg9[%add3A_53, %dma_start3A] : memref<10240x128xf32, #tpu.memory_space<vmem_shared>> -> memref<128x128xf32, #tpu.memory_space<vmem_shared>>
      %dma_start3A_65 = arith.constant 0 : i32
      %dma_start3A_66 = tpu.memref_slice %arg9[%add3A_53, %dma_start3A_65] : memref<10240x128xf32, #tpu.memory_space<vmem_shared>> -> memref<128x128xf32, #tpu.memory_space<vmem_shared>>
      tpu.enqueue_dma source(%dma_start3A_66 : memref<128x128xf32, #tpu.memory_space<vmem_shared>>) target(%arg8 : memref<128x128xf32, #tpu.memory_space<vmem>>) target_semaphore(%run_scoped3A : memref<!tpu.dma_semaphore, #tpu.memory_space<semaphore_mem>>)
      %dma_wait3A = arith.constant 0 : i32
      %dma_wait3A_67 = tpu.memref_slice %arg9[%add3A_53, %dma_wait3A] : memref<10240x128xf32, #tpu.memory_space<vmem_shared>> -> memref<128x128xf32, #tpu.memory_space<vmem_shared>>
      %dma_wait3A_68 = arith.constant 0 : i32
      %dma_wait3A_69 = tpu.memref_slice %arg9[%add3A_53, %dma_wait3A_68] : memref<10240x128xf32, #tpu.memory_space<vmem_shared>> -> memref<128x128xf32, #tpu.memory_space<vmem_shared>>
      tpu.wait_dma2 semaphore(%run_scoped3A : memref<!tpu.dma_semaphore, #tpu.memory_space<semaphore_mem>>) src(%dma_wait3A_69 : memref<128x128xf32, #tpu.memory_space<vmem_shared>>) dst(%arg8 : memref<128x128xf32, #tpu.memory_space<vmem>>)
      tpu.yield
    }) : () -> ()
    %mul3A_54 = arith.constant 10240 : i32
    %mul3A_55 = arith.muli %arg0, %mul3A_54 : i32
    %add3A_56 = arith.addi %mul3A_55, %add3A_53 : i32
    "tpu.region"() ({
      %run_scoped3A = tpu.sem_alloc : memref<!tpu.dma_semaphore, #tpu.memory_space<semaphore_mem>>
      %dma_start3A = arith.constant 0 : i32
      %dma_start3A_64 = tpu.memref_slice %arg5[%add3A_56, %dma_start3A] : memref<20480x128xf32, #tpu.memory_space<hbm>> -> memref<128x128xf32, #tpu.memory_space<hbm>>
      %dma_start3A_65 = arith.constant 0 : i32
      %dma_start3A_66 = tpu.memref_slice %arg5[%add3A_56, %dma_start3A_65] : memref<20480x128xf32, #tpu.memory_space<hbm>> -> memref<128x128xf32, #tpu.memory_space<hbm>>
      tpu.enqueue_dma source(%arg8 : memref<128x128xf32, #tpu.memory_space<vmem>>) target(%dma_start3A_66 : memref<128x128xf32, #tpu.memory_space<hbm>>) target_semaphore(%run_scoped3A : memref<!tpu.dma_semaphore, #tpu.memory_space<semaphore_mem>>)
      %dma_wait3A = arith.constant 0 : i32
      %dma_wait3A_67 = tpu.memref_slice %arg5[%add3A_56, %dma_wait3A] : memref<20480x128xf32, #tpu.memory_space<hbm>> -> memref<128x128xf32, #tpu.memory_space<hbm>>
      %dma_wait3A_68 = arith.constant 0 : i32
      %dma_wait3A_69 = tpu.memref_slice %arg5[%add3A_56, %dma_wait3A_68] : memref<20480x128xf32, #tpu.memory_space<hbm>> -> memref<128x128xf32, #tpu.memory_space<hbm>>
      tpu.wait_dma2 semaphore(%run_scoped3A : memref<!tpu.dma_semaphore, #tpu.memory_space<semaphore_mem>>) src(%arg8 : memref<128x128xf32, #tpu.memory_space<vmem>>) dst(%dma_wait3A_69 : memref<128x128xf32, #tpu.memory_space<hbm>>)
      tpu.yield
    }) : () -> ()
    %mul3A_57 = arith.constant 640 : i32
    %mul3A_58 = arith.muli %arg1, %mul3A_57 : i32
    %add3A_59 = arith.constant 512 : i32
    %add3A_60 = arith.addi %mul3A_58, %add3A_59 : i32
    "tpu.region"() ({
      %run_scoped3A = tpu.sem_alloc : memref<!tpu.dma_semaphore, #tpu.memory_space<semaphore_mem>>
      %dma_start3A = arith.constant 0 : i32
      %dma_start3A_64 = tpu.memref_slice %arg9[%add3A_60, %dma_start3A] : memref<10240x128xf32, #tpu.memory_space<vmem_shared>> -> memref<128x128xf32, #tpu.memory_space<vmem_shared>>
      %dma_start3A_65 = arith.constant 0 : i32
      %dma_start3A_66 = tpu.memref_slice %arg9[%add3A_60, %dma_start3A_65] : memref<10240x128xf32, #tpu.memory_space<vmem_shared>> -> memref<128x128xf32, #tpu.memory_space<vmem_shared>>
      tpu.enqueue_dma source(%dma_start3A_66 : memref<128x128xf32, #tpu.memory_space<vmem_shared>>) target(%arg8 : memref<128x128xf32, #tpu.memory_space<vmem>>) target_semaphore(%run_scoped3A : memref<!tpu.dma_semaphore, #tpu.memory_space<semaphore_mem>>)
      %dma_wait3A = arith.constant 0 : i32
      %dma_wait3A_67 = tpu.memref_slice %arg9[%add3A_60, %dma_wait3A] : memref<10240x128xf32, #tpu.memory_space<vmem_shared>> -> memref<128x128xf32, #tpu.memory_space<vmem_shared>>
      %dma_wait3A_68 = arith.constant 0 : i32
      %dma_wait3A_69 = tpu.memref_slice %arg9[%add3A_60, %dma_wait3A_68] : memref<10240x128xf32, #tpu.memory_space<vmem_shared>> -> memref<128x128xf32, #tpu.memory_space<vmem_shared>>
      tpu.wait_dma2 semaphore(%run_scoped3A : memref<!tpu.dma_semaphore, #tpu.memory_space<semaphore_mem>>) src(%dma_wait3A_69 : memref<128x128xf32, #tpu.memory_space<vmem_shared>>) dst(%arg8 : memref<128x128xf32, #tpu.memory_space<vmem>>)
      tpu.yield
    }) : () -> ()
    %mul3A_61 = arith.constant 10240 : i32
    %mul3A_62 = arith.muli %arg0, %mul3A_61 : i32
    %add3A_63 = arith.addi %mul3A_62, %add3A_60 : i32
    "tpu.region"() ({
      %run_scoped3A = tpu.sem_alloc : memref<!tpu.dma_semaphore, #tpu.memory_space<semaphore_mem>>
      %dma_start3A = arith.constant 0 : i32
      %dma_start3A_64 = tpu.memref_slice %arg5[%add3A_63, %dma_start3A] : memref<20480x128xf32, #tpu.memory_space<hbm>> -> memref<128x128xf32, #tpu.memory_space<hbm>>
      %dma_start3A_65 = arith.constant 0 : i32
      %dma_start3A_66 = tpu.memref_slice %arg5[%add3A_63, %dma_start3A_65] : memref<20480x128xf32, #tpu.memory_space<hbm>> -> memref<128x128xf32, #tpu.memory_space<hbm>>
      tpu.enqueue_dma source(%arg8 : memref<128x128xf32, #tpu.memory_space<vmem>>) target(%dma_start3A_66 : memref<128x128xf32, #tpu.memory_space<hbm>>) target_semaphore(%run_scoped3A : memref<!tpu.dma_semaphore, #tpu.memory_space<semaphore_mem>>)
      %dma_wait3A = arith.constant 0 : i32
      %dma_wait3A_67 = tpu.memref_slice %arg5[%add3A_63, %dma_wait3A] : memref<20480x128xf32, #tpu.memory_space<hbm>> -> memref<128x128xf32, #tpu.memory_space<hbm>>
      %dma_wait3A_68 = arith.constant 0 : i32
      %dma_wait3A_69 = tpu.memref_slice %arg5[%add3A_63, %dma_wait3A_68] : memref<20480x128xf32, #tpu.memory_space<hbm>> -> memref<128x128xf32, #tpu.memory_space<hbm>>
      tpu.wait_dma2 semaphore(%run_scoped3A : memref<!tpu.dma_semaphore, #tpu.memory_space<semaphore_mem>>) src(%arg8 : memref<128x128xf32, #tpu.memory_space<vmem>>) dst(%dma_wait3A_69 : memref<128x128xf32, #tpu.memory_space<hbm>>)
      tpu.yield
    }) : () -> ()
    return
  }
}

#map = affine_map<(d0, d1) -> (0, 0)>
module attributes {stable_mosaic.version = 14 : i64} {
  func.func @_sc_scatter(%arg0: i32, %arg1: i32, %arg2: memref<5120x64xi32, #tpu.memory_space<hbm>>, %arg3: memref<5120x64xi32, #tpu.memory_space<hbm>>, %arg4: memref<10000x128xf32, #tpu.memory_space<hbm>>, %arg5: memref<64x128xf32, #tpu.memory_space<hbm>>, %arg6: memref<20480x128xf32, #tpu.memory_space<hbm>>, %arg7: memref<32x64xi32, #tpu.memory_space<vmem>>, %arg8: memref<32x64xi32, #tpu.memory_space<vmem>>, %arg9: memref<4x64x128xf32, #tpu.memory_space<vmem>>, %arg10: memref<10240x128xf32, #tpu.memory_space<vmem_shared>>, %arg11: memref<!tpu.dma_semaphore, #tpu.memory_space<semaphore_mem>>, %arg12: memref<!tpu.dma_semaphore, #tpu.memory_space<semaphore_mem>>, %arg13: memref<!tpu.dma_semaphore, #tpu.memory_space<semaphore_mem>>, %arg14: memref<!tpu.dma_semaphore, #tpu.memory_space<semaphore_mem>>) attributes {dimension_semantics = [#tpu.dimension_semantics<core_parallel>, #tpu.dimension_semantics<subcore_parallel>], iteration_bounds = array<i64: 2, 16>, scalar_prefetch = 0 : i64, scratch_operands = 8 : i64, tpu.core_type = #tpu.core_type<sc_vector_subcore>, window_params = [{transform_indices = #map}, {transform_indices = #map}, {transform_indices = #map}, {transform_indices = #map}, {transform_indices = #map}]} {
    %run_scoped3A = arith.constant 0 : i32
    "tpu.region"() ({
      %run_scoped3A_159 = tpu.sem_alloc : memref<!tpu.dma_semaphore, #tpu.memory_space<semaphore_mem>>
      %dma_start3A = arith.constant 0 : i32
      %dma_start3A_160 = arith.constant 0 : i32
      %dma_start3A_161 = tpu.memref_slice %arg9[%run_scoped3A, %dma_start3A, %dma_start3A_160] : memref<4x64x128xf32, #tpu.memory_space<vmem>> -> memref<1x64x128xf32, #tpu.memory_space<vmem>>
      %dma_start3A_162 = tpu.memref_squeeze %dma_start3A_161 : memref<1x64x128xf32, #tpu.memory_space<vmem>> -> memref<64x128xf32, #tpu.memory_space<vmem>>
      %dma_start3A_163 = arith.constant 0 : i32
      %dma_start3A_164 = arith.constant 0 : i32
      %dma_start3A_165 = tpu.memref_slice %arg9[%run_scoped3A, %dma_start3A_163, %dma_start3A_164] : memref<4x64x128xf32, #tpu.memory_space<vmem>> -> memref<1x64x128xf32, #tpu.memory_space<vmem>>
      %dma_start3A_166 = tpu.memref_squeeze %dma_start3A_165 : memref<1x64x128xf32, #tpu.memory_space<vmem>> -> memref<64x128xf32, #tpu.memory_space<vmem>>
      tpu.enqueue_dma source(%arg5 : memref<64x128xf32, #tpu.memory_space<hbm>>) target(%dma_start3A_166 : memref<64x128xf32, #tpu.memory_space<vmem>>) target_semaphore(%run_scoped3A_159 : memref<!tpu.dma_semaphore, #tpu.memory_space<semaphore_mem>>)
      %dma_wait3A = arith.constant 0 : i32
      %dma_wait3A_167 = arith.constant 0 : i32
      %dma_wait3A_168 = tpu.memref_slice %arg9[%run_scoped3A, %dma_wait3A, %dma_wait3A_167] : memref<4x64x128xf32, #tpu.memory_space<vmem>> -> memref<1x64x128xf32, #tpu.memory_space<vmem>>
      %dma_wait3A_169 = tpu.memref_squeeze %dma_wait3A_168 : memref<1x64x128xf32, #tpu.memory_space<vmem>> -> memref<64x128xf32, #tpu.memory_space<vmem>>
      %dma_wait3A_170 = arith.constant 0 : i32
      %dma_wait3A_171 = arith.constant 0 : i32
      %dma_wait3A_172 = tpu.memref_slice %arg9[%run_scoped3A, %dma_wait3A_170, %dma_wait3A_171] : memref<4x64x128xf32, #tpu.memory_space<vmem>> -> memref<1x64x128xf32, #tpu.memory_space<vmem>>
      %dma_wait3A_173 = tpu.memref_squeeze %dma_wait3A_172 : memref<1x64x128xf32, #tpu.memory_space<vmem>> -> memref<64x128xf32, #tpu.memory_space<vmem>>
      tpu.wait_dma2 semaphore(%run_scoped3A_159 : memref<!tpu.dma_semaphore, #tpu.memory_space<semaphore_mem>>) src(%arg5 : memref<64x128xf32, #tpu.memory_space<hbm>>) dst(%dma_wait3A_173 : memref<64x128xf32, #tpu.memory_space<vmem>>)
      tpu.yield
    }) : () -> ()
    %mul3A = arith.constant 640 : i32
    %mul3A_0 = arith.muli %arg1, %mul3A : i32
    %add3A = arith.constant 0 : i32
    %add3A_1 = arith.addi %mul3A_0, %add3A : i32
    %run_scoped3A_2 = arith.constant 0 : i32
    "tpu.region"() ({
      %run_scoped3A_159 = tpu.sem_alloc : memref<!tpu.dma_semaphore, #tpu.memory_space<semaphore_mem>>
      %dma_start3A = arith.constant 0 : i32
      %dma_start3A_160 = arith.constant 0 : i32
      %dma_start3A_161 = tpu.memref_slice %arg9[%run_scoped3A_2, %dma_start3A, %dma_start3A_160] : memref<4x64x128xf32, #tpu.memory_space<vmem>> -> memref<1x64x128xf32, #tpu.memory_space<vmem>>
      %dma_start3A_162 = tpu.memref_squeeze %dma_start3A_161 : memref<1x64x128xf32, #tpu.memory_space<vmem>> -> memref<64x128xf32, #tpu.memory_space<vmem>>
      %dma_start3A_163 = arith.constant 0 : i32
      %dma_start3A_164 = tpu.memref_slice %arg10[%add3A_1, %dma_start3A_163] : memref<10240x128xf32, #tpu.memory_space<vmem_shared>> -> memref<64x128xf32, #tpu.memory_space<vmem_shared>>
      %dma_start3A_165 = arith.constant 0 : i32
      %dma_start3A_166 = tpu.memref_slice %arg10[%add3A_1, %dma_start3A_165] : memref<10240x128xf32, #tpu.memory_space<vmem_shared>> -> memref<64x128xf32, #tpu.memory_space<vmem_shared>>
      %dma_start3A_167 = arith.constant 0 : i32
      %dma_start3A_168 = arith.constant 0 : i32
      %dma_start3A_169 = tpu.memref_slice %arg9[%run_scoped3A_2, %dma_start3A_167, %dma_start3A_168] : memref<4x64x128xf32, #tpu.memory_space<vmem>> -> memref<1x64x128xf32, #tpu.memory_space<vmem>>
      %dma_start3A_170 = tpu.memref_squeeze %dma_start3A_169 : memref<1x64x128xf32, #tpu.memory_space<vmem>> -> memref<64x128xf32, #tpu.memory_space<vmem>>
      tpu.enqueue_dma source(%dma_start3A_170 : memref<64x128xf32, #tpu.memory_space<vmem>>) target(%dma_start3A_166 : memref<64x128xf32, #tpu.memory_space<vmem_shared>>) target_semaphore(%run_scoped3A_159 : memref<!tpu.dma_semaphore, #tpu.memory_space<semaphore_mem>>)
      %dma_wait3A = arith.constant 0 : i32
      %dma_wait3A_171 = arith.constant 0 : i32
      %dma_wait3A_172 = tpu.memref_slice %arg9[%run_scoped3A_2, %dma_wait3A, %dma_wait3A_171] : memref<4x64x128xf32, #tpu.memory_space<vmem>> -> memref<1x64x128xf32, #tpu.memory_space<vmem>>
      %dma_wait3A_173 = tpu.memref_squeeze %dma_wait3A_172 : memref<1x64x128xf32, #tpu.memory_space<vmem>> -> memref<64x128xf32, #tpu.memory_space<vmem>>
      %dma_wait3A_174 = arith.constant 0 : i32
      %dma_wait3A_175 = tpu.memref_slice %arg10[%add3A_1, %dma_wait3A_174] : memref<10240x128xf32, #tpu.memory_space<vmem_shared>> -> memref<64x128xf32, #tpu.memory_space<vmem_shared>>
      %dma_wait3A_176 = arith.constant 0 : i32
      %dma_wait3A_177 = tpu.memref_slice %arg10[%add3A_1, %dma_wait3A_176] : memref<10240x128xf32, #tpu.memory_space<vmem_shared>> -> memref<64x128xf32, #tpu.memory_space<vmem_shared>>
      %dma_wait3A_178 = arith.constant 0 : i32
      %dma_wait3A_179 = arith.constant 0 : i32
      %dma_wait3A_180 = tpu.memref_slice %arg9[%run_scoped3A_2, %dma_wait3A_178, %dma_wait3A_179] : memref<4x64x128xf32, #tpu.memory_space<vmem>> -> memref<1x64x128xf32, #tpu.memory_space<vmem>>
      %dma_wait3A_181 = tpu.memref_squeeze %dma_wait3A_180 : memref<1x64x128xf32, #tpu.memory_space<vmem>> -> memref<64x128xf32, #tpu.memory_space<vmem>>
      tpu.wait_dma2 semaphore(%run_scoped3A_159 : memref<!tpu.dma_semaphore, #tpu.memory_space<semaphore_mem>>) src(%dma_wait3A_181 : memref<64x128xf32, #tpu.memory_space<vmem>>) dst(%dma_wait3A_177 : memref<64x128xf32, #tpu.memory_space<vmem_shared>>)
      tpu.yield
    }) : () -> ()
    %mul3A_3 = arith.constant 640 : i32
    %mul3A_4 = arith.muli %arg1, %mul3A_3 : i32
    %add3A_5 = arith.constant 64 : i32
    %add3A_6 = arith.addi %mul3A_4, %add3A_5 : i32
    %run_scoped3A_7 = arith.constant 0 : i32
    "tpu.region"() ({
      %run_scoped3A_159 = tpu.sem_alloc : memref<!tpu.dma_semaphore, #tpu.memory_space<semaphore_mem>>
      %dma_start3A = arith.constant 0 : i32
      %dma_start3A_160 = arith.constant 0 : i32
      %dma_start3A_161 = tpu.memref_slice %arg9[%run_scoped3A_7, %dma_start3A, %dma_start3A_160] : memref<4x64x128xf32, #tpu.memory_space<vmem>> -> memref<1x64x128xf32, #tpu.memory_space<vmem>>
      %dma_start3A_162 = tpu.memref_squeeze %dma_start3A_161 : memref<1x64x128xf32, #tpu.memory_space<vmem>> -> memref<64x128xf32, #tpu.memory_space<vmem>>
      %dma_start3A_163 = arith.constant 0 : i32
      %dma_start3A_164 = tpu.memref_slice %arg10[%add3A_6, %dma_start3A_163] : memref<10240x128xf32, #tpu.memory_space<vmem_shared>> -> memref<64x128xf32, #tpu.memory_space<vmem_shared>>
      %dma_start3A_165 = arith.constant 0 : i32
      %dma_start3A_166 = tpu.memref_slice %arg10[%add3A_6, %dma_start3A_165] : memref<10240x128xf32, #tpu.memory_space<vmem_shared>> -> memref<64x128xf32, #tpu.memory_space<vmem_shared>>
      %dma_start3A_167 = arith.constant 0 : i32
      %dma_start3A_168 = arith.constant 0 : i32
      %dma_start3A_169 = tpu.memref_slice %arg9[%run_scoped3A_7, %dma_start3A_167, %dma_start3A_168] : memref<4x64x128xf32, #tpu.memory_space<vmem>> -> memref<1x64x128xf32, #tpu.memory_space<vmem>>
      %dma_start3A_170 = tpu.memref_squeeze %dma_start3A_169 : memref<1x64x128xf32, #tpu.memory_space<vmem>> -> memref<64x128xf32, #tpu.memory_space<vmem>>
      tpu.enqueue_dma source(%dma_start3A_170 : memref<64x128xf32, #tpu.memory_space<vmem>>) target(%dma_start3A_166 : memref<64x128xf32, #tpu.memory_space<vmem_shared>>) target_semaphore(%run_scoped3A_159 : memref<!tpu.dma_semaphore, #tpu.memory_space<semaphore_mem>>)
      %dma_wait3A = arith.constant 0 : i32
      %dma_wait3A_171 = arith.constant 0 : i32
      %dma_wait3A_172 = tpu.memref_slice %arg9[%run_scoped3A_7, %dma_wait3A, %dma_wait3A_171] : memref<4x64x128xf32, #tpu.memory_space<vmem>> -> memref<1x64x128xf32, #tpu.memory_space<vmem>>
      %dma_wait3A_173 = tpu.memref_squeeze %dma_wait3A_172 : memref<1x64x128xf32, #tpu.memory_space<vmem>> -> memref<64x128xf32, #tpu.memory_space<vmem>>
      %dma_wait3A_174 = arith.constant 0 : i32
      %dma_wait3A_175 = tpu.memref_slice %arg10[%add3A_6, %dma_wait3A_174] : memref<10240x128xf32, #tpu.memory_space<vmem_shared>> -> memref<64x128xf32, #tpu.memory_space<vmem_shared>>
      %dma_wait3A_176 = arith.constant 0 : i32
      %dma_wait3A_177 = tpu.memref_slice %arg10[%add3A_6, %dma_wait3A_176] : memref<10240x128xf32, #tpu.memory_space<vmem_shared>> -> memref<64x128xf32, #tpu.memory_space<vmem_shared>>
      %dma_wait3A_178 = arith.constant 0 : i32
      %dma_wait3A_179 = arith.constant 0 : i32
      %dma_wait3A_180 = tpu.memref_slice %arg9[%run_scoped3A_7, %dma_wait3A_178, %dma_wait3A_179] : memref<4x64x128xf32, #tpu.memory_space<vmem>> -> memref<1x64x128xf32, #tpu.memory_space<vmem>>
      %dma_wait3A_181 = tpu.memref_squeeze %dma_wait3A_180 : memref<1x64x128xf32, #tpu.memory_space<vmem>> -> memref<64x128xf32, #tpu.memory_space<vmem>>
      tpu.wait_dma2 semaphore(%run_scoped3A_159 : memref<!tpu.dma_semaphore, #tpu.memory_space<semaphore_mem>>) src(%dma_wait3A_181 : memref<64x128xf32, #tpu.memory_space<vmem>>) dst(%dma_wait3A_177 : memref<64x128xf32, #tpu.memory_space<vmem_shared>>)
      tpu.yield
    }) : () -> ()
    %mul3A_8 = arith.constant 640 : i32
    %mul3A_9 = arith.muli %arg1, %mul3A_8 : i32
    %add3A_10 = arith.constant 128 : i32
    %add3A_11 = arith.addi %mul3A_9, %add3A_10 : i32
    %run_scoped3A_12 = arith.constant 0 : i32
    "tpu.region"() ({
      %run_scoped3A_159 = tpu.sem_alloc : memref<!tpu.dma_semaphore, #tpu.memory_space<semaphore_mem>>
      %dma_start3A = arith.constant 0 : i32
      %dma_start3A_160 = arith.constant 0 : i32
      %dma_start3A_161 = tpu.memref_slice %arg9[%run_scoped3A_12, %dma_start3A, %dma_start3A_160] : memref<4x64x128xf32, #tpu.memory_space<vmem>> -> memref<1x64x128xf32, #tpu.memory_space<vmem>>
      %dma_start3A_162 = tpu.memref_squeeze %dma_start3A_161 : memref<1x64x128xf32, #tpu.memory_space<vmem>> -> memref<64x128xf32, #tpu.memory_space<vmem>>
      %dma_start3A_163 = arith.constant 0 : i32
      %dma_start3A_164 = tpu.memref_slice %arg10[%add3A_11, %dma_start3A_163] : memref<10240x128xf32, #tpu.memory_space<vmem_shared>> -> memref<64x128xf32, #tpu.memory_space<vmem_shared>>
      %dma_start3A_165 = arith.constant 0 : i32
      %dma_start3A_166 = tpu.memref_slice %arg10[%add3A_11, %dma_start3A_165] : memref<10240x128xf32, #tpu.memory_space<vmem_shared>> -> memref<64x128xf32, #tpu.memory_space<vmem_shared>>
      %dma_start3A_167 = arith.constant 0 : i32
      %dma_start3A_168 = arith.constant 0 : i32
      %dma_start3A_169 = tpu.memref_slice %arg9[%run_scoped3A_12, %dma_start3A_167, %dma_start3A_168] : memref<4x64x128xf32, #tpu.memory_space<vmem>> -> memref<1x64x128xf32, #tpu.memory_space<vmem>>
      %dma_start3A_170 = tpu.memref_squeeze %dma_start3A_169 : memref<1x64x128xf32, #tpu.memory_space<vmem>> -> memref<64x128xf32, #tpu.memory_space<vmem>>
      tpu.enqueue_dma source(%dma_start3A_170 : memref<64x128xf32, #tpu.memory_space<vmem>>) target(%dma_start3A_166 : memref<64x128xf32, #tpu.memory_space<vmem_shared>>) target_semaphore(%run_scoped3A_159 : memref<!tpu.dma_semaphore, #tpu.memory_space<semaphore_mem>>)
      %dma_wait3A = arith.constant 0 : i32
      %dma_wait3A_171 = arith.constant 0 : i32
      %dma_wait3A_172 = tpu.memref_slice %arg9[%run_scoped3A_12, %dma_wait3A, %dma_wait3A_171] : memref<4x64x128xf32, #tpu.memory_space<vmem>> -> memref<1x64x128xf32, #tpu.memory_space<vmem>>
      %dma_wait3A_173 = tpu.memref_squeeze %dma_wait3A_172 : memref<1x64x128xf32, #tpu.memory_space<vmem>> -> memref<64x128xf32, #tpu.memory_space<vmem>>
      %dma_wait3A_174 = arith.constant 0 : i32
      %dma_wait3A_175 = tpu.memref_slice %arg10[%add3A_11, %dma_wait3A_174] : memref<10240x128xf32, #tpu.memory_space<vmem_shared>> -> memref<64x128xf32, #tpu.memory_space<vmem_shared>>
      %dma_wait3A_176 = arith.constant 0 : i32
      %dma_wait3A_177 = tpu.memref_slice %arg10[%add3A_11, %dma_wait3A_176] : memref<10240x128xf32, #tpu.memory_space<vmem_shared>> -> memref<64x128xf32, #tpu.memory_space<vmem_shared>>
      %dma_wait3A_178 = arith.constant 0 : i32
      %dma_wait3A_179 = arith.constant 0 : i32
      %dma_wait3A_180 = tpu.memref_slice %arg9[%run_scoped3A_12, %dma_wait3A_178, %dma_wait3A_179] : memref<4x64x128xf32, #tpu.memory_space<vmem>> -> memref<1x64x128xf32, #tpu.memory_space<vmem>>
      %dma_wait3A_181 = tpu.memref_squeeze %dma_wait3A_180 : memref<1x64x128xf32, #tpu.memory_space<vmem>> -> memref<64x128xf32, #tpu.memory_space<vmem>>
      tpu.wait_dma2 semaphore(%run_scoped3A_159 : memref<!tpu.dma_semaphore, #tpu.memory_space<semaphore_mem>>) src(%dma_wait3A_181 : memref<64x128xf32, #tpu.memory_space<vmem>>) dst(%dma_wait3A_177 : memref<64x128xf32, #tpu.memory_space<vmem_shared>>)
      tpu.yield
    }) : () -> ()
    %mul3A_13 = arith.constant 640 : i32
    %mul3A_14 = arith.muli %arg1, %mul3A_13 : i32
    %add3A_15 = arith.constant 192 : i32
    %add3A_16 = arith.addi %mul3A_14, %add3A_15 : i32
    %run_scoped3A_17 = arith.constant 0 : i32
    "tpu.region"() ({
      %run_scoped3A_159 = tpu.sem_alloc : memref<!tpu.dma_semaphore, #tpu.memory_space<semaphore_mem>>
      %dma_start3A = arith.constant 0 : i32
      %dma_start3A_160 = arith.constant 0 : i32
      %dma_start3A_161 = tpu.memref_slice %arg9[%run_scoped3A_17, %dma_start3A, %dma_start3A_160] : memref<4x64x128xf32, #tpu.memory_space<vmem>> -> memref<1x64x128xf32, #tpu.memory_space<vmem>>
      %dma_start3A_162 = tpu.memref_squeeze %dma_start3A_161 : memref<1x64x128xf32, #tpu.memory_space<vmem>> -> memref<64x128xf32, #tpu.memory_space<vmem>>
      %dma_start3A_163 = arith.constant 0 : i32
      %dma_start3A_164 = tpu.memref_slice %arg10[%add3A_16, %dma_start3A_163] : memref<10240x128xf32, #tpu.memory_space<vmem_shared>> -> memref<64x128xf32, #tpu.memory_space<vmem_shared>>
      %dma_start3A_165 = arith.constant 0 : i32
      %dma_start3A_166 = tpu.memref_slice %arg10[%add3A_16, %dma_start3A_165] : memref<10240x128xf32, #tpu.memory_space<vmem_shared>> -> memref<64x128xf32, #tpu.memory_space<vmem_shared>>
      %dma_start3A_167 = arith.constant 0 : i32
      %dma_start3A_168 = arith.constant 0 : i32
      %dma_start3A_169 = tpu.memref_slice %arg9[%run_scoped3A_17, %dma_start3A_167, %dma_start3A_168] : memref<4x64x128xf32, #tpu.memory_space<vmem>> -> memref<1x64x128xf32, #tpu.memory_space<vmem>>
      %dma_start3A_170 = tpu.memref_squeeze %dma_start3A_169 : memref<1x64x128xf32, #tpu.memory_space<vmem>> -> memref<64x128xf32, #tpu.memory_space<vmem>>
      tpu.enqueue_dma source(%dma_start3A_170 : memref<64x128xf32, #tpu.memory_space<vmem>>) target(%dma_start3A_166 : memref<64x128xf32, #tpu.memory_space<vmem_shared>>) target_semaphore(%run_scoped3A_159 : memref<!tpu.dma_semaphore, #tpu.memory_space<semaphore_mem>>)
      %dma_wait3A = arith.constant 0 : i32
      %dma_wait3A_171 = arith.constant 0 : i32
      %dma_wait3A_172 = tpu.memref_slice %arg9[%run_scoped3A_17, %dma_wait3A, %dma_wait3A_171] : memref<4x64x128xf32, #tpu.memory_space<vmem>> -> memref<1x64x128xf32, #tpu.memory_space<vmem>>
      %dma_wait3A_173 = tpu.memref_squeeze %dma_wait3A_172 : memref<1x64x128xf32, #tpu.memory_space<vmem>> -> memref<64x128xf32, #tpu.memory_space<vmem>>
      %dma_wait3A_174 = arith.constant 0 : i32
      %dma_wait3A_175 = tpu.memref_slice %arg10[%add3A_16, %dma_wait3A_174] : memref<10240x128xf32, #tpu.memory_space<vmem_shared>> -> memref<64x128xf32, #tpu.memory_space<vmem_shared>>
      %dma_wait3A_176 = arith.constant 0 : i32
      %dma_wait3A_177 = tpu.memref_slice %arg10[%add3A_16, %dma_wait3A_176] : memref<10240x128xf32, #tpu.memory_space<vmem_shared>> -> memref<64x128xf32, #tpu.memory_space<vmem_shared>>
      %dma_wait3A_178 = arith.constant 0 : i32
      %dma_wait3A_179 = arith.constant 0 : i32
      %dma_wait3A_180 = tpu.memref_slice %arg9[%run_scoped3A_17, %dma_wait3A_178, %dma_wait3A_179] : memref<4x64x128xf32, #tpu.memory_space<vmem>> -> memref<1x64x128xf32, #tpu.memory_space<vmem>>
      %dma_wait3A_181 = tpu.memref_squeeze %dma_wait3A_180 : memref<1x64x128xf32, #tpu.memory_space<vmem>> -> memref<64x128xf32, #tpu.memory_space<vmem>>
      tpu.wait_dma2 semaphore(%run_scoped3A_159 : memref<!tpu.dma_semaphore, #tpu.memory_space<semaphore_mem>>) src(%dma_wait3A_181 : memref<64x128xf32, #tpu.memory_space<vmem>>) dst(%dma_wait3A_177 : memref<64x128xf32, #tpu.memory_space<vmem_shared>>)
      tpu.yield
    }) : () -> ()
    %mul3A_18 = arith.constant 640 : i32
    %mul3A_19 = arith.muli %arg1, %mul3A_18 : i32
    %add3A_20 = arith.constant 256 : i32
    %add3A_21 = arith.addi %mul3A_19, %add3A_20 : i32
    %run_scoped3A_22 = arith.constant 0 : i32
    "tpu.region"() ({
      %run_scoped3A_159 = tpu.sem_alloc : memref<!tpu.dma_semaphore, #tpu.memory_space<semaphore_mem>>
      %dma_start3A = arith.constant 0 : i32
      %dma_start3A_160 = arith.constant 0 : i32
      %dma_start3A_161 = tpu.memref_slice %arg9[%run_scoped3A_22, %dma_start3A, %dma_start3A_160] : memref<4x64x128xf32, #tpu.memory_space<vmem>> -> memref<1x64x128xf32, #tpu.memory_space<vmem>>
      %dma_start3A_162 = tpu.memref_squeeze %dma_start3A_161 : memref<1x64x128xf32, #tpu.memory_space<vmem>> -> memref<64x128xf32, #tpu.memory_space<vmem>>
      %dma_start3A_163 = arith.constant 0 : i32
      %dma_start3A_164 = tpu.memref_slice %arg10[%add3A_21, %dma_start3A_163] : memref<10240x128xf32, #tpu.memory_space<vmem_shared>> -> memref<64x128xf32, #tpu.memory_space<vmem_shared>>
      %dma_start3A_165 = arith.constant 0 : i32
      %dma_start3A_166 = tpu.memref_slice %arg10[%add3A_21, %dma_start3A_165] : memref<10240x128xf32, #tpu.memory_space<vmem_shared>> -> memref<64x128xf32, #tpu.memory_space<vmem_shared>>
      %dma_start3A_167 = arith.constant 0 : i32
      %dma_start3A_168 = arith.constant 0 : i32
      %dma_start3A_169 = tpu.memref_slice %arg9[%run_scoped3A_22, %dma_start3A_167, %dma_start3A_168] : memref<4x64x128xf32, #tpu.memory_space<vmem>> -> memref<1x64x128xf32, #tpu.memory_space<vmem>>
      %dma_start3A_170 = tpu.memref_squeeze %dma_start3A_169 : memref<1x64x128xf32, #tpu.memory_space<vmem>> -> memref<64x128xf32, #tpu.memory_space<vmem>>
      tpu.enqueue_dma source(%dma_start3A_170 : memref<64x128xf32, #tpu.memory_space<vmem>>) target(%dma_start3A_166 : memref<64x128xf32, #tpu.memory_space<vmem_shared>>) target_semaphore(%run_scoped3A_159 : memref<!tpu.dma_semaphore, #tpu.memory_space<semaphore_mem>>)
      %dma_wait3A = arith.constant 0 : i32
      %dma_wait3A_171 = arith.constant 0 : i32
      %dma_wait3A_172 = tpu.memref_slice %arg9[%run_scoped3A_22, %dma_wait3A, %dma_wait3A_171] : memref<4x64x128xf32, #tpu.memory_space<vmem>> -> memref<1x64x128xf32, #tpu.memory_space<vmem>>
      %dma_wait3A_173 = tpu.memref_squeeze %dma_wait3A_172 : memref<1x64x128xf32, #tpu.memory_space<vmem>> -> memref<64x128xf32, #tpu.memory_space<vmem>>
      %dma_wait3A_174 = arith.constant 0 : i32
      %dma_wait3A_175 = tpu.memref_slice %arg10[%add3A_21, %dma_wait3A_174] : memref<10240x128xf32, #tpu.memory_space<vmem_shared>> -> memref<64x128xf32, #tpu.memory_space<vmem_shared>>
      %dma_wait3A_176 = arith.constant 0 : i32
      %dma_wait3A_177 = tpu.memref_slice %arg10[%add3A_21, %dma_wait3A_176] : memref<10240x128xf32, #tpu.memory_space<vmem_shared>> -> memref<64x128xf32, #tpu.memory_space<vmem_shared>>
      %dma_wait3A_178 = arith.constant 0 : i32
      %dma_wait3A_179 = arith.constant 0 : i32
      %dma_wait3A_180 = tpu.memref_slice %arg9[%run_scoped3A_22, %dma_wait3A_178, %dma_wait3A_179] : memref<4x64x128xf32, #tpu.memory_space<vmem>> -> memref<1x64x128xf32, #tpu.memory_space<vmem>>
      %dma_wait3A_181 = tpu.memref_squeeze %dma_wait3A_180 : memref<1x64x128xf32, #tpu.memory_space<vmem>> -> memref<64x128xf32, #tpu.memory_space<vmem>>
      tpu.wait_dma2 semaphore(%run_scoped3A_159 : memref<!tpu.dma_semaphore, #tpu.memory_space<semaphore_mem>>) src(%dma_wait3A_181 : memref<64x128xf32, #tpu.memory_space<vmem>>) dst(%dma_wait3A_177 : memref<64x128xf32, #tpu.memory_space<vmem_shared>>)
      tpu.yield
    }) : () -> ()
    %mul3A_23 = arith.constant 640 : i32
    %mul3A_24 = arith.muli %arg1, %mul3A_23 : i32
    %add3A_25 = arith.constant 320 : i32
    %add3A_26 = arith.addi %mul3A_24, %add3A_25 : i32
    %run_scoped3A_27 = arith.constant 0 : i32
    "tpu.region"() ({
      %run_scoped3A_159 = tpu.sem_alloc : memref<!tpu.dma_semaphore, #tpu.memory_space<semaphore_mem>>
      %dma_start3A = arith.constant 0 : i32
      %dma_start3A_160 = arith.constant 0 : i32
      %dma_start3A_161 = tpu.memref_slice %arg9[%run_scoped3A_27, %dma_start3A, %dma_start3A_160] : memref<4x64x128xf32, #tpu.memory_space<vmem>> -> memref<1x64x128xf32, #tpu.memory_space<vmem>>
      %dma_start3A_162 = tpu.memref_squeeze %dma_start3A_161 : memref<1x64x128xf32, #tpu.memory_space<vmem>> -> memref<64x128xf32, #tpu.memory_space<vmem>>
      %dma_start3A_163 = arith.constant 0 : i32
      %dma_start3A_164 = tpu.memref_slice %arg10[%add3A_26, %dma_start3A_163] : memref<10240x128xf32, #tpu.memory_space<vmem_shared>> -> memref<64x128xf32, #tpu.memory_space<vmem_shared>>
      %dma_start3A_165 = arith.constant 0 : i32
      %dma_start3A_166 = tpu.memref_slice %arg10[%add3A_26, %dma_start3A_165] : memref<10240x128xf32, #tpu.memory_space<vmem_shared>> -> memref<64x128xf32, #tpu.memory_space<vmem_shared>>
      %dma_start3A_167 = arith.constant 0 : i32
      %dma_start3A_168 = arith.constant 0 : i32
      %dma_start3A_169 = tpu.memref_slice %arg9[%run_scoped3A_27, %dma_start3A_167, %dma_start3A_168] : memref<4x64x128xf32, #tpu.memory_space<vmem>> -> memref<1x64x128xf32, #tpu.memory_space<vmem>>
      %dma_start3A_170 = tpu.memref_squeeze %dma_start3A_169 : memref<1x64x128xf32, #tpu.memory_space<vmem>> -> memref<64x128xf32, #tpu.memory_space<vmem>>
      tpu.enqueue_dma source(%dma_start3A_170 : memref<64x128xf32, #tpu.memory_space<vmem>>) target(%dma_start3A_166 : memref<64x128xf32, #tpu.memory_space<vmem_shared>>) target_semaphore(%run_scoped3A_159 : memref<!tpu.dma_semaphore, #tpu.memory_space<semaphore_mem>>)
      %dma_wait3A = arith.constant 0 : i32
      %dma_wait3A_171 = arith.constant 0 : i32
      %dma_wait3A_172 = tpu.memref_slice %arg9[%run_scoped3A_27, %dma_wait3A, %dma_wait3A_171] : memref<4x64x128xf32, #tpu.memory_space<vmem>> -> memref<1x64x128xf32, #tpu.memory_space<vmem>>
      %dma_wait3A_173 = tpu.memref_squeeze %dma_wait3A_172 : memref<1x64x128xf32, #tpu.memory_space<vmem>> -> memref<64x128xf32, #tpu.memory_space<vmem>>
      %dma_wait3A_174 = arith.constant 0 : i32
      %dma_wait3A_175 = tpu.memref_slice %arg10[%add3A_26, %dma_wait3A_174] : memref<10240x128xf32, #tpu.memory_space<vmem_shared>> -> memref<64x128xf32, #tpu.memory_space<vmem_shared>>
      %dma_wait3A_176 = arith.constant 0 : i32
      %dma_wait3A_177 = tpu.memref_slice %arg10[%add3A_26, %dma_wait3A_176] : memref<10240x128xf32, #tpu.memory_space<vmem_shared>> -> memref<64x128xf32, #tpu.memory_space<vmem_shared>>
      %dma_wait3A_178 = arith.constant 0 : i32
      %dma_wait3A_179 = arith.constant 0 : i32
      %dma_wait3A_180 = tpu.memref_slice %arg9[%run_scoped3A_27, %dma_wait3A_178, %dma_wait3A_179] : memref<4x64x128xf32, #tpu.memory_space<vmem>> -> memref<1x64x128xf32, #tpu.memory_space<vmem>>
      %dma_wait3A_181 = tpu.memref_squeeze %dma_wait3A_180 : memref<1x64x128xf32, #tpu.memory_space<vmem>> -> memref<64x128xf32, #tpu.memory_space<vmem>>
      tpu.wait_dma2 semaphore(%run_scoped3A_159 : memref<!tpu.dma_semaphore, #tpu.memory_space<semaphore_mem>>) src(%dma_wait3A_181 : memref<64x128xf32, #tpu.memory_space<vmem>>) dst(%dma_wait3A_177 : memref<64x128xf32, #tpu.memory_space<vmem_shared>>)
      tpu.yield
    }) : () -> ()
    %mul3A_28 = arith.constant 640 : i32
    %mul3A_29 = arith.muli %arg1, %mul3A_28 : i32
    %add3A_30 = arith.constant 384 : i32
    %add3A_31 = arith.addi %mul3A_29, %add3A_30 : i32
    %run_scoped3A_32 = arith.constant 0 : i32
    "tpu.region"() ({
      %run_scoped3A_159 = tpu.sem_alloc : memref<!tpu.dma_semaphore, #tpu.memory_space<semaphore_mem>>
      %dma_start3A = arith.constant 0 : i32
      %dma_start3A_160 = arith.constant 0 : i32
      %dma_start3A_161 = tpu.memref_slice %arg9[%run_scoped3A_32, %dma_start3A, %dma_start3A_160] : memref<4x64x128xf32, #tpu.memory_space<vmem>> -> memref<1x64x128xf32, #tpu.memory_space<vmem>>
      %dma_start3A_162 = tpu.memref_squeeze %dma_start3A_161 : memref<1x64x128xf32, #tpu.memory_space<vmem>> -> memref<64x128xf32, #tpu.memory_space<vmem>>
      %dma_start3A_163 = arith.constant 0 : i32
      %dma_start3A_164 = tpu.memref_slice %arg10[%add3A_31, %dma_start3A_163] : memref<10240x128xf32, #tpu.memory_space<vmem_shared>> -> memref<64x128xf32, #tpu.memory_space<vmem_shared>>
      %dma_start3A_165 = arith.constant 0 : i32
      %dma_start3A_166 = tpu.memref_slice %arg10[%add3A_31, %dma_start3A_165] : memref<10240x128xf32, #tpu.memory_space<vmem_shared>> -> memref<64x128xf32, #tpu.memory_space<vmem_shared>>
      %dma_start3A_167 = arith.constant 0 : i32
      %dma_start3A_168 = arith.constant 0 : i32
      %dma_start3A_169 = tpu.memref_slice %arg9[%run_scoped3A_32, %dma_start3A_167, %dma_start3A_168] : memref<4x64x128xf32, #tpu.memory_space<vmem>> -> memref<1x64x128xf32, #tpu.memory_space<vmem>>
      %dma_start3A_170 = tpu.memref_squeeze %dma_start3A_169 : memref<1x64x128xf32, #tpu.memory_space<vmem>> -> memref<64x128xf32, #tpu.memory_space<vmem>>
      tpu.enqueue_dma source(%dma_start3A_170 : memref<64x128xf32, #tpu.memory_space<vmem>>) target(%dma_start3A_166 : memref<64x128xf32, #tpu.memory_space<vmem_shared>>) target_semaphore(%run_scoped3A_159 : memref<!tpu.dma_semaphore, #tpu.memory_space<semaphore_mem>>)
      %dma_wait3A = arith.constant 0 : i32
      %dma_wait3A_171 = arith.constant 0 : i32
      %dma_wait3A_172 = tpu.memref_slice %arg9[%run_scoped3A_32, %dma_wait3A, %dma_wait3A_171] : memref<4x64x128xf32, #tpu.memory_space<vmem>> -> memref<1x64x128xf32, #tpu.memory_space<vmem>>
      %dma_wait3A_173 = tpu.memref_squeeze %dma_wait3A_172 : memref<1x64x128xf32, #tpu.memory_space<vmem>> -> memref<64x128xf32, #tpu.memory_space<vmem>>
      %dma_wait3A_174 = arith.constant 0 : i32
      %dma_wait3A_175 = tpu.memref_slice %arg10[%add3A_31, %dma_wait3A_174] : memref<10240x128xf32, #tpu.memory_space<vmem_shared>> -> memref<64x128xf32, #tpu.memory_space<vmem_shared>>
      %dma_wait3A_176 = arith.constant 0 : i32
      %dma_wait3A_177 = tpu.memref_slice %arg10[%add3A_31, %dma_wait3A_176] : memref<10240x128xf32, #tpu.memory_space<vmem_shared>> -> memref<64x128xf32, #tpu.memory_space<vmem_shared>>
      %dma_wait3A_178 = arith.constant 0 : i32
      %dma_wait3A_179 = arith.constant 0 : i32
      %dma_wait3A_180 = tpu.memref_slice %arg9[%run_scoped3A_32, %dma_wait3A_178, %dma_wait3A_179] : memref<4x64x128xf32, #tpu.memory_space<vmem>> -> memref<1x64x128xf32, #tpu.memory_space<vmem>>
      %dma_wait3A_181 = tpu.memref_squeeze %dma_wait3A_180 : memref<1x64x128xf32, #tpu.memory_space<vmem>> -> memref<64x128xf32, #tpu.memory_space<vmem>>
      tpu.wait_dma2 semaphore(%run_scoped3A_159 : memref<!tpu.dma_semaphore, #tpu.memory_space<semaphore_mem>>) src(%dma_wait3A_181 : memref<64x128xf32, #tpu.memory_space<vmem>>) dst(%dma_wait3A_177 : memref<64x128xf32, #tpu.memory_space<vmem_shared>>)
      tpu.yield
    }) : () -> ()
    %mul3A_33 = arith.constant 640 : i32
    %mul3A_34 = arith.muli %arg1, %mul3A_33 : i32
    %add3A_35 = arith.constant 448 : i32
    %add3A_36 = arith.addi %mul3A_34, %add3A_35 : i32
    %run_scoped3A_37 = arith.constant 0 : i32
    "tpu.region"() ({
      %run_scoped3A_159 = tpu.sem_alloc : memref<!tpu.dma_semaphore, #tpu.memory_space<semaphore_mem>>
      %dma_start3A = arith.constant 0 : i32
      %dma_start3A_160 = arith.constant 0 : i32
      %dma_start3A_161 = tpu.memref_slice %arg9[%run_scoped3A_37, %dma_start3A, %dma_start3A_160] : memref<4x64x128xf32, #tpu.memory_space<vmem>> -> memref<1x64x128xf32, #tpu.memory_space<vmem>>
      %dma_start3A_162 = tpu.memref_squeeze %dma_start3A_161 : memref<1x64x128xf32, #tpu.memory_space<vmem>> -> memref<64x128xf32, #tpu.memory_space<vmem>>
      %dma_start3A_163 = arith.constant 0 : i32
      %dma_start3A_164 = tpu.memref_slice %arg10[%add3A_36, %dma_start3A_163] : memref<10240x128xf32, #tpu.memory_space<vmem_shared>> -> memref<64x128xf32, #tpu.memory_space<vmem_shared>>
      %dma_start3A_165 = arith.constant 0 : i32
      %dma_start3A_166 = tpu.memref_slice %arg10[%add3A_36, %dma_start3A_165] : memref<10240x128xf32, #tpu.memory_space<vmem_shared>> -> memref<64x128xf32, #tpu.memory_space<vmem_shared>>
      %dma_start3A_167 = arith.constant 0 : i32
      %dma_start3A_168 = arith.constant 0 : i32
      %dma_start3A_169 = tpu.memref_slice %arg9[%run_scoped3A_37, %dma_start3A_167, %dma_start3A_168] : memref<4x64x128xf32, #tpu.memory_space<vmem>> -> memref<1x64x128xf32, #tpu.memory_space<vmem>>
      %dma_start3A_170 = tpu.memref_squeeze %dma_start3A_169 : memref<1x64x128xf32, #tpu.memory_space<vmem>> -> memref<64x128xf32, #tpu.memory_space<vmem>>
      tpu.enqueue_dma source(%dma_start3A_170 : memref<64x128xf32, #tpu.memory_space<vmem>>) target(%dma_start3A_166 : memref<64x128xf32, #tpu.memory_space<vmem_shared>>) target_semaphore(%run_scoped3A_159 : memref<!tpu.dma_semaphore, #tpu.memory_space<semaphore_mem>>)
      %dma_wait3A = arith.constant 0 : i32
      %dma_wait3A_171 = arith.constant 0 : i32
      %dma_wait3A_172 = tpu.memref_slice %arg9[%run_scoped3A_37, %dma_wait3A, %dma_wait3A_171] : memref<4x64x128xf32, #tpu.memory_space<vmem>> -> memref<1x64x128xf32, #tpu.memory_space<vmem>>
      %dma_wait3A_173 = tpu.memref_squeeze %dma_wait3A_172 : memref<1x64x128xf32, #tpu.memory_space<vmem>> -> memref<64x128xf32, #tpu.memory_space<vmem>>
      %dma_wait3A_174 = arith.constant 0 : i32
      %dma_wait3A_175 = tpu.memref_slice %arg10[%add3A_36, %dma_wait3A_174] : memref<10240x128xf32, #tpu.memory_space<vmem_shared>> -> memref<64x128xf32, #tpu.memory_space<vmem_shared>>
      %dma_wait3A_176 = arith.constant 0 : i32
      %dma_wait3A_177 = tpu.memref_slice %arg10[%add3A_36, %dma_wait3A_176] : memref<10240x128xf32, #tpu.memory_space<vmem_shared>> -> memref<64x128xf32, #tpu.memory_space<vmem_shared>>
      %dma_wait3A_178 = arith.constant 0 : i32
      %dma_wait3A_179 = arith.constant 0 : i32
      %dma_wait3A_180 = tpu.memref_slice %arg9[%run_scoped3A_37, %dma_wait3A_178, %dma_wait3A_179] : memref<4x64x128xf32, #tpu.memory_space<vmem>> -> memref<1x64x128xf32, #tpu.memory_space<vmem>>
      %dma_wait3A_181 = tpu.memref_squeeze %dma_wait3A_180 : memref<1x64x128xf32, #tpu.memory_space<vmem>> -> memref<64x128xf32, #tpu.memory_space<vmem>>
      tpu.wait_dma2 semaphore(%run_scoped3A_159 : memref<!tpu.dma_semaphore, #tpu.memory_space<semaphore_mem>>) src(%dma_wait3A_181 : memref<64x128xf32, #tpu.memory_space<vmem>>) dst(%dma_wait3A_177 : memref<64x128xf32, #tpu.memory_space<vmem_shared>>)
      tpu.yield
    }) : () -> ()
    %mul3A_38 = arith.constant 640 : i32
    %mul3A_39 = arith.muli %arg1, %mul3A_38 : i32
    %add3A_40 = arith.constant 512 : i32
    %add3A_41 = arith.addi %mul3A_39, %add3A_40 : i32
    %run_scoped3A_42 = arith.constant 0 : i32
    "tpu.region"() ({
      %run_scoped3A_159 = tpu.sem_alloc : memref<!tpu.dma_semaphore, #tpu.memory_space<semaphore_mem>>
      %dma_start3A = arith.constant 0 : i32
      %dma_start3A_160 = arith.constant 0 : i32
      %dma_start3A_161 = tpu.memref_slice %arg9[%run_scoped3A_42, %dma_start3A, %dma_start3A_160] : memref<4x64x128xf32, #tpu.memory_space<vmem>> -> memref<1x64x128xf32, #tpu.memory_space<vmem>>
      %dma_start3A_162 = tpu.memref_squeeze %dma_start3A_161 : memref<1x64x128xf32, #tpu.memory_space<vmem>> -> memref<64x128xf32, #tpu.memory_space<vmem>>
      %dma_start3A_163 = arith.constant 0 : i32
      %dma_start3A_164 = tpu.memref_slice %arg10[%add3A_41, %dma_start3A_163] : memref<10240x128xf32, #tpu.memory_space<vmem_shared>> -> memref<64x128xf32, #tpu.memory_space<vmem_shared>>
      %dma_start3A_165 = arith.constant 0 : i32
      %dma_start3A_166 = tpu.memref_slice %arg10[%add3A_41, %dma_start3A_165] : memref<10240x128xf32, #tpu.memory_space<vmem_shared>> -> memref<64x128xf32, #tpu.memory_space<vmem_shared>>
      %dma_start3A_167 = arith.constant 0 : i32
      %dma_start3A_168 = arith.constant 0 : i32
      %dma_start3A_169 = tpu.memref_slice %arg9[%run_scoped3A_42, %dma_start3A_167, %dma_start3A_168] : memref<4x64x128xf32, #tpu.memory_space<vmem>> -> memref<1x64x128xf32, #tpu.memory_space<vmem>>
      %dma_start3A_170 = tpu.memref_squeeze %dma_start3A_169 : memref<1x64x128xf32, #tpu.memory_space<vmem>> -> memref<64x128xf32, #tpu.memory_space<vmem>>
      tpu.enqueue_dma source(%dma_start3A_170 : memref<64x128xf32, #tpu.memory_space<vmem>>) target(%dma_start3A_166 : memref<64x128xf32, #tpu.memory_space<vmem_shared>>) target_semaphore(%run_scoped3A_159 : memref<!tpu.dma_semaphore, #tpu.memory_space<semaphore_mem>>)
      %dma_wait3A = arith.constant 0 : i32
      %dma_wait3A_171 = arith.constant 0 : i32
      %dma_wait3A_172 = tpu.memref_slice %arg9[%run_scoped3A_42, %dma_wait3A, %dma_wait3A_171] : memref<4x64x128xf32, #tpu.memory_space<vmem>> -> memref<1x64x128xf32, #tpu.memory_space<vmem>>
      %dma_wait3A_173 = tpu.memref_squeeze %dma_wait3A_172 : memref<1x64x128xf32, #tpu.memory_space<vmem>> -> memref<64x128xf32, #tpu.memory_space<vmem>>
      %dma_wait3A_174 = arith.constant 0 : i32
      %dma_wait3A_175 = tpu.memref_slice %arg10[%add3A_41, %dma_wait3A_174] : memref<10240x128xf32, #tpu.memory_space<vmem_shared>> -> memref<64x128xf32, #tpu.memory_space<vmem_shared>>
      %dma_wait3A_176 = arith.constant 0 : i32
      %dma_wait3A_177 = tpu.memref_slice %arg10[%add3A_41, %dma_wait3A_176] : memref<10240x128xf32, #tpu.memory_space<vmem_shared>> -> memref<64x128xf32, #tpu.memory_space<vmem_shared>>
      %dma_wait3A_178 = arith.constant 0 : i32
      %dma_wait3A_179 = arith.constant 0 : i32
      %dma_wait3A_180 = tpu.memref_slice %arg9[%run_scoped3A_42, %dma_wait3A_178, %dma_wait3A_179] : memref<4x64x128xf32, #tpu.memory_space<vmem>> -> memref<1x64x128xf32, #tpu.memory_space<vmem>>
      %dma_wait3A_181 = tpu.memref_squeeze %dma_wait3A_180 : memref<1x64x128xf32, #tpu.memory_space<vmem>> -> memref<64x128xf32, #tpu.memory_space<vmem>>
      tpu.wait_dma2 semaphore(%run_scoped3A_159 : memref<!tpu.dma_semaphore, #tpu.memory_space<semaphore_mem>>) src(%dma_wait3A_181 : memref<64x128xf32, #tpu.memory_space<vmem>>) dst(%dma_wait3A_177 : memref<64x128xf32, #tpu.memory_space<vmem_shared>>)
      tpu.yield
    }) : () -> ()
    %mul3A_43 = arith.constant 640 : i32
    %mul3A_44 = arith.muli %arg1, %mul3A_43 : i32
    %add3A_45 = arith.constant 576 : i32
    %add3A_46 = arith.addi %mul3A_44, %add3A_45 : i32
    %run_scoped3A_47 = arith.constant 0 : i32
    "tpu.region"() ({
      %run_scoped3A_159 = tpu.sem_alloc : memref<!tpu.dma_semaphore, #tpu.memory_space<semaphore_mem>>
      %dma_start3A = arith.constant 0 : i32
      %dma_start3A_160 = arith.constant 0 : i32
      %dma_start3A_161 = tpu.memref_slice %arg9[%run_scoped3A_47, %dma_start3A, %dma_start3A_160] : memref<4x64x128xf32, #tpu.memory_space<vmem>> -> memref<1x64x128xf32, #tpu.memory_space<vmem>>
      %dma_start3A_162 = tpu.memref_squeeze %dma_start3A_161 : memref<1x64x128xf32, #tpu.memory_space<vmem>> -> memref<64x128xf32, #tpu.memory_space<vmem>>
      %dma_start3A_163 = arith.constant 0 : i32
      %dma_start3A_164 = tpu.memref_slice %arg10[%add3A_46, %dma_start3A_163] : memref<10240x128xf32, #tpu.memory_space<vmem_shared>> -> memref<64x128xf32, #tpu.memory_space<vmem_shared>>
      %dma_start3A_165 = arith.constant 0 : i32
      %dma_start3A_166 = tpu.memref_slice %arg10[%add3A_46, %dma_start3A_165] : memref<10240x128xf32, #tpu.memory_space<vmem_shared>> -> memref<64x128xf32, #tpu.memory_space<vmem_shared>>
      %dma_start3A_167 = arith.constant 0 : i32
      %dma_start3A_168 = arith.constant 0 : i32
      %dma_start3A_169 = tpu.memref_slice %arg9[%run_scoped3A_47, %dma_start3A_167, %dma_start3A_168] : memref<4x64x128xf32, #tpu.memory_space<vmem>> -> memref<1x64x128xf32, #tpu.memory_space<vmem>>
      %dma_start3A_170 = tpu.memref_squeeze %dma_start3A_169 : memref<1x64x128xf32, #tpu.memory_space<vmem>> -> memref<64x128xf32, #tpu.memory_space<vmem>>
      tpu.enqueue_dma source(%dma_start3A_170 : memref<64x128xf32, #tpu.memory_space<vmem>>) target(%dma_start3A_166 : memref<64x128xf32, #tpu.memory_space<vmem_shared>>) target_semaphore(%run_scoped3A_159 : memref<!tpu.dma_semaphore, #tpu.memory_space<semaphore_mem>>)
      %dma_wait3A = arith.constant 0 : i32
      %dma_wait3A_171 = arith.constant 0 : i32
      %dma_wait3A_172 = tpu.memref_slice %arg9[%run_scoped3A_47, %dma_wait3A, %dma_wait3A_171] : memref<4x64x128xf32, #tpu.memory_space<vmem>> -> memref<1x64x128xf32, #tpu.memory_space<vmem>>
      %dma_wait3A_173 = tpu.memref_squeeze %dma_wait3A_172 : memref<1x64x128xf32, #tpu.memory_space<vmem>> -> memref<64x128xf32, #tpu.memory_space<vmem>>
      %dma_wait3A_174 = arith.constant 0 : i32
      %dma_wait3A_175 = tpu.memref_slice %arg10[%add3A_46, %dma_wait3A_174] : memref<10240x128xf32, #tpu.memory_space<vmem_shared>> -> memref<64x128xf32, #tpu.memory_space<vmem_shared>>
      %dma_wait3A_176 = arith.constant 0 : i32
      %dma_wait3A_177 = tpu.memref_slice %arg10[%add3A_46, %dma_wait3A_176] : memref<10240x128xf32, #tpu.memory_space<vmem_shared>> -> memref<64x128xf32, #tpu.memory_space<vmem_shared>>
      %dma_wait3A_178 = arith.constant 0 : i32
      %dma_wait3A_179 = arith.constant 0 : i32
      %dma_wait3A_180 = tpu.memref_slice %arg9[%run_scoped3A_47, %dma_wait3A_178, %dma_wait3A_179] : memref<4x64x128xf32, #tpu.memory_space<vmem>> -> memref<1x64x128xf32, #tpu.memory_space<vmem>>
      %dma_wait3A_181 = tpu.memref_squeeze %dma_wait3A_180 : memref<1x64x128xf32, #tpu.memory_space<vmem>> -> memref<64x128xf32, #tpu.memory_space<vmem>>
      tpu.wait_dma2 semaphore(%run_scoped3A_159 : memref<!tpu.dma_semaphore, #tpu.memory_space<semaphore_mem>>) src(%dma_wait3A_181 : memref<64x128xf32, #tpu.memory_space<vmem>>) dst(%dma_wait3A_177 : memref<64x128xf32, #tpu.memory_space<vmem_shared>>)
      tpu.yield
    }) : () -> ()
    %barrier3A = arith.constant 0 : index
    tpu.barrier barrier_id(%barrier3A)
    %eq3A = arith.constant 0 : i32
    %eq3A_48 = arith.cmpi eq, %arg0, %eq3A : i32
    %mul3A_49 = arith.constant 256 : i32
    %mul3A_50 = arith.muli %arg1, %mul3A_49 : i32
    %mul3A_51 = arith.constant 64 : i32
    %mul3A_52 = arith.muli %arg1, %mul3A_51 : i32
    %add3A_53 = arith.constant 4096 : i32
    %add3A_54 = arith.addi %add3A_53, %mul3A_52 : i32
    %select_n3A = arith.select %eq3A_48, %mul3A_50, %add3A_54 : i32
    %eq3A_55 = arith.constant 0 : i32
    %eq3A_56 = arith.cmpi eq, %arg0, %eq3A_55 : i32
    %jit3A = arith.constant 8 : i32
    %jit3A_57 = arith.constant 2 : i32
    %select_n3A_58 = arith.select %eq3A_56, %jit3A, %jit3A_57 : i32
    %while3A = arith.constant 0 : i32
    %while3A_59 = arith.constant 0 : i32
    %while3A_60 = arith.subi %select_n3A_58, %while3A_59 : i32
    %while3A_61 = arith.addi %while3A_59, %while3A_60 : i32
    %while3A_62 = arith.constant 1 : i32
    %while3A_63 = arith.divsi %while3A_60, %while3A_62 : i32
    %while3A_64 = arith.muli %while3A_63, %while3A_62 : i32
    %while3A_65 = arith.addi %while3A_59, %while3A_64 : i32
    %while3A_66 = arith.constant 1 : i32
    scf.for %while3A_159 = %while3A_59 to %while3A_65 step %while3A_66  : i32 {
      %mul3A_160 = arith.constant 32 : i32
      %mul3A_161 = arith.muli %while3A_159, %mul3A_160 : i32
      %add3A_162 = arith.addi %select_n3A, %mul3A_161 : i32
      "tpu.region"() ({
        %run_scoped3A_262 = tpu.sem_alloc : memref<!tpu.dma_semaphore, #tpu.memory_space<semaphore_mem>>
        %dma_start3A_263 = arith.constant 0 : i32
        %dma_start3A_264 = tpu.memref_slice %arg2[%add3A_162, %dma_start3A_263] : memref<5120x64xi32, #tpu.memory_space<hbm>> -> memref<32x64xi32, #tpu.memory_space<hbm>>
        %dma_start3A_265 = arith.constant 0 : i32
        %dma_start3A_266 = tpu.memref_slice %arg2[%add3A_162, %dma_start3A_265] : memref<5120x64xi32, #tpu.memory_space<hbm>> -> memref<32x64xi32, #tpu.memory_space<hbm>>
        tpu.enqueue_dma source(%dma_start3A_266 : memref<32x64xi32, #tpu.memory_space<hbm>>) target(%arg7 : memref<32x64xi32, #tpu.memory_space<vmem>>) target_semaphore(%run_scoped3A_262 : memref<!tpu.dma_semaphore, #tpu.memory_space<semaphore_mem>>)
        %dma_wait3A_267 = arith.constant 0 : i32
        %dma_wait3A_268 = tpu.memref_slice %arg2[%add3A_162, %dma_wait3A_267] : memref<5120x64xi32, #tpu.memory_space<hbm>> -> memref<32x64xi32, #tpu.memory_space<hbm>>
        %dma_wait3A_269 = arith.constant 0 : i32
        %dma_wait3A_270 = tpu.memref_slice %arg2[%add3A_162, %dma_wait3A_269] : memref<5120x64xi32, #tpu.memory_space<hbm>> -> memref<32x64xi32, #tpu.memory_space<hbm>>
        tpu.wait_dma2 semaphore(%run_scoped3A_262 : memref<!tpu.dma_semaphore, #tpu.memory_space<semaphore_mem>>) src(%dma_wait3A_270 : memref<32x64xi32, #tpu.memory_space<hbm>>) dst(%arg7 : memref<32x64xi32, #tpu.memory_space<vmem>>)
        tpu.yield
      }) : () -> ()
      "tpu.region"() ({
        %run_scoped3A_262 = tpu.sem_alloc : memref<!tpu.dma_semaphore, #tpu.memory_space<semaphore_mem>>
        %dma_start3A_263 = arith.constant 0 : i32
        %dma_start3A_264 = tpu.memref_slice %arg3[%add3A_162, %dma_start3A_263] : memref<5120x64xi32, #tpu.memory_space<hbm>> -> memref<32x64xi32, #tpu.memory_space<hbm>>
        %dma_start3A_265 = arith.constant 0 : i32
        %dma_start3A_266 = tpu.memref_slice %arg3[%add3A_162, %dma_start3A_265] : memref<5120x64xi32, #tpu.memory_space<hbm>> -> memref<32x64xi32, #tpu.memory_space<hbm>>
        tpu.enqueue_dma source(%dma_start3A_266 : memref<32x64xi32, #tpu.memory_space<hbm>>) target(%arg8 : memref<32x64xi32, #tpu.memory_space<vmem>>) target_semaphore(%run_scoped3A_262 : memref<!tpu.dma_semaphore, #tpu.memory_space<semaphore_mem>>)
        %dma_wait3A_267 = arith.constant 0 : i32
        %dma_wait3A_268 = tpu.memref_slice %arg3[%add3A_162, %dma_wait3A_267] : memref<5120x64xi32, #tpu.memory_space<hbm>> -> memref<32x64xi32, #tpu.memory_space<hbm>>
        %dma_wait3A_269 = arith.constant 0 : i32
        %dma_wait3A_270 = tpu.memref_slice %arg3[%add3A_162, %dma_wait3A_269] : memref<5120x64xi32, #tpu.memory_space<hbm>> -> memref<32x64xi32, #tpu.memory_space<hbm>>
        tpu.wait_dma2 semaphore(%run_scoped3A_262 : memref<!tpu.dma_semaphore, #tpu.memory_space<semaphore_mem>>) src(%dma_wait3A_270 : memref<32x64xi32, #tpu.memory_space<hbm>>) dst(%arg8 : memref<32x64xi32, #tpu.memory_space<vmem>>)
        tpu.yield
      }) : () -> ()
      %dma_start3A = arith.constant 0 : i32
      %dma_start3A_163 = arith.constant 0 : i32
      %dma_start3A_164 = arith.constant 0 : i32
      %dma_start3A_165 = arith.constant 0 : i32
      %dma_start3A_166 = tpu.memref_slice %arg9[%dma_start3A_163, %dma_start3A_164, %dma_start3A_165] : memref<4x64x128xf32, #tpu.memory_space<vmem>> -> memref<1x64x128xf32, #tpu.memory_space<vmem>>
      %dma_start3A_167 = tpu.memref_squeeze %dma_start3A_166 : memref<1x64x128xf32, #tpu.memory_space<vmem>> -> memref<64x128xf32, #tpu.memory_space<vmem>>
      %dma_start3A_168 = arith.constant 0 : i32
      %dma_start3A_169 = tpu.memref_slice %arg7[%dma_start3A, %dma_start3A_168] : memref<32x64xi32, #tpu.memory_space<vmem>> -> memref<1x64xi32, #tpu.memory_space<vmem>>
      %dma_start3A_170 = tpu.memref_squeeze %dma_start3A_169 : memref<1x64xi32, #tpu.memory_space<vmem>> -> memref<64xi32, #tpu.memory_space<vmem>>
      %dma_start3A_171 = arith.constant 0 : i32
      %dma_start3A_172 = arith.constant 0 : i32
      %dma_start3A_173 = tpu.memref_slice %arg4[%dma_start3A_171, %dma_start3A_172] : memref<10000x128xf32, #tpu.memory_space<hbm>> -> memref<10000x128xf32, #tpu.memory_space<hbm>>
      tpu.enqueue_indirect_dma source(%dma_start3A_173 : memref<10000x128xf32, #tpu.memory_space<hbm>>) target(%dma_start3A_167 : memref<64x128xf32, #tpu.memory_space<vmem>>) offsets(%dma_start3A_170 : memref<64xi32, #tpu.memory_space<vmem>>) semaphore(%arg11 : memref<!tpu.dma_semaphore, #tpu.memory_space<semaphore_mem>>)
      %dma_start3A_174 = arith.constant 1 : i32
      %dma_start3A_175 = arith.constant 1 : i32
      %dma_start3A_176 = arith.constant 0 : i32
      %dma_start3A_177 = arith.constant 0 : i32
      %dma_start3A_178 = tpu.memref_slice %arg9[%dma_start3A_175, %dma_start3A_176, %dma_start3A_177] : memref<4x64x128xf32, #tpu.memory_space<vmem>> -> memref<1x64x128xf32, #tpu.memory_space<vmem>>
      %dma_start3A_179 = tpu.memref_squeeze %dma_start3A_178 : memref<1x64x128xf32, #tpu.memory_space<vmem>> -> memref<64x128xf32, #tpu.memory_space<vmem>>
      %dma_start3A_180 = arith.constant 0 : i32
      %dma_start3A_181 = tpu.memref_slice %arg7[%dma_start3A_174, %dma_start3A_180] : memref<32x64xi32, #tpu.memory_space<vmem>> -> memref<1x64xi32, #tpu.memory_space<vmem>>
      %dma_start3A_182 = tpu.memref_squeeze %dma_start3A_181 : memref<1x64xi32, #tpu.memory_space<vmem>> -> memref<64xi32, #tpu.memory_space<vmem>>
      %dma_start3A_183 = arith.constant 0 : i32
      %dma_start3A_184 = arith.constant 0 : i32
      %dma_start3A_185 = tpu.memref_slice %arg4[%dma_start3A_183, %dma_start3A_184] : memref<10000x128xf32, #tpu.memory_space<hbm>> -> memref<10000x128xf32, #tpu.memory_space<hbm>>
      tpu.enqueue_indirect_dma source(%dma_start3A_185 : memref<10000x128xf32, #tpu.memory_space<hbm>>) target(%dma_start3A_179 : memref<64x128xf32, #tpu.memory_space<vmem>>) offsets(%dma_start3A_182 : memref<64xi32, #tpu.memory_space<vmem>>) semaphore(%arg12 : memref<!tpu.dma_semaphore, #tpu.memory_space<semaphore_mem>>)
      %dma_start3A_186 = arith.constant 2 : i32
      %dma_start3A_187 = arith.constant 2 : i32
      %dma_start3A_188 = arith.constant 0 : i32
      %dma_start3A_189 = arith.constant 0 : i32
      %dma_start3A_190 = tpu.memref_slice %arg9[%dma_start3A_187, %dma_start3A_188, %dma_start3A_189] : memref<4x64x128xf32, #tpu.memory_space<vmem>> -> memref<1x64x128xf32, #tpu.memory_space<vmem>>
      %dma_start3A_191 = tpu.memref_squeeze %dma_start3A_190 : memref<1x64x128xf32, #tpu.memory_space<vmem>> -> memref<64x128xf32, #tpu.memory_space<vmem>>
      %dma_start3A_192 = arith.constant 0 : i32
      %dma_start3A_193 = tpu.memref_slice %arg7[%dma_start3A_186, %dma_start3A_192] : memref<32x64xi32, #tpu.memory_space<vmem>> -> memref<1x64xi32, #tpu.memory_space<vmem>>
      %dma_start3A_194 = tpu.memref_squeeze %dma_start3A_193 : memref<1x64xi32, #tpu.memory_space<vmem>> -> memref<64xi32, #tpu.memory_space<vmem>>
      %dma_start3A_195 = arith.constant 0 : i32
      %dma_start3A_196 = arith.constant 0 : i32
      %dma_start3A_197 = tpu.memref_slice %arg4[%dma_start3A_195, %dma_start3A_196] : memref<10000x128xf32, #tpu.memory_space<hbm>> -> memref<10000x128xf32, #tpu.memory_space<hbm>>
      tpu.enqueue_indirect_dma source(%dma_start3A_197 : memref<10000x128xf32, #tpu.memory_space<hbm>>) target(%dma_start3A_191 : memref<64x128xf32, #tpu.memory_space<vmem>>) offsets(%dma_start3A_194 : memref<64xi32, #tpu.memory_space<vmem>>) semaphore(%arg13 : memref<!tpu.dma_semaphore, #tpu.memory_space<semaphore_mem>>)
      %dma_start3A_198 = arith.constant 3 : i32
      %dma_start3A_199 = arith.constant 3 : i32
      %dma_start3A_200 = arith.constant 0 : i32
      %dma_start3A_201 = arith.constant 0 : i32
      %dma_start3A_202 = tpu.memref_slice %arg9[%dma_start3A_199, %dma_start3A_200, %dma_start3A_201] : memref<4x64x128xf32, #tpu.memory_space<vmem>> -> memref<1x64x128xf32, #tpu.memory_space<vmem>>
      %dma_start3A_203 = tpu.memref_squeeze %dma_start3A_202 : memref<1x64x128xf32, #tpu.memory_space<vmem>> -> memref<64x128xf32, #tpu.memory_space<vmem>>
      %dma_start3A_204 = arith.constant 0 : i32
      %dma_start3A_205 = tpu.memref_slice %arg7[%dma_start3A_198, %dma_start3A_204] : memref<32x64xi32, #tpu.memory_space<vmem>> -> memref<1x64xi32, #tpu.memory_space<vmem>>
      %dma_start3A_206 = tpu.memref_squeeze %dma_start3A_205 : memref<1x64xi32, #tpu.memory_space<vmem>> -> memref<64xi32, #tpu.memory_space<vmem>>
      %dma_start3A_207 = arith.constant 0 : i32
      %dma_start3A_208 = arith.constant 0 : i32
      %dma_start3A_209 = tpu.memref_slice %arg4[%dma_start3A_207, %dma_start3A_208] : memref<10000x128xf32, #tpu.memory_space<hbm>> -> memref<10000x128xf32, #tpu.memory_space<hbm>>
      tpu.enqueue_indirect_dma source(%dma_start3A_209 : memref<10000x128xf32, #tpu.memory_space<hbm>>) target(%dma_start3A_203 : memref<64x128xf32, #tpu.memory_space<vmem>>) offsets(%dma_start3A_206 : memref<64xi32, #tpu.memory_space<vmem>>) semaphore(%arg14 : memref<!tpu.dma_semaphore, #tpu.memory_space<semaphore_mem>>)
      %scan3A = arith.constant 0 : i32
      %scan3A_210 = arith.constant 0 : i32
      %scan3A_211 = arith.constant 8 : i32
      %scan3A_212 = arith.addi %scan3A_210, %scan3A_211 : i32
      %scan3A_213 = arith.constant 1 : i32
      scf.for %scan3A_262 = %scan3A_210 to %scan3A_212 step %scan3A_213  : i32 {
        %mul3A_263 = arith.constant 4 : i32
        %mul3A_264 = arith.muli %mul3A_263, %scan3A_262 : i32
        %add3A_265 = arith.constant 0 : i32
        %add3A_266 = arith.addi %mul3A_264, %add3A_265 : i32
        %dma_wait3A_267 = arith.constant 0 : i32
        %dma_wait3A_268 = arith.constant 0 : i32
        %dma_wait3A_269 = arith.constant 0 : i32
        %dma_wait3A_270 = arith.constant 0 : i32
        %dma_wait3A_271 = tpu.memref_slice %arg9[%dma_wait3A_268, %dma_wait3A_269, %dma_wait3A_270] : memref<4x64x128xf32, #tpu.memory_space<vmem>> -> memref<1x64x128xf32, #tpu.memory_space<vmem>>
        %dma_wait3A_272 = tpu.memref_squeeze %dma_wait3A_271 : memref<1x64x128xf32, #tpu.memory_space<vmem>> -> memref<64x128xf32, #tpu.memory_space<vmem>>
        %dma_wait3A_273 = arith.constant 0 : i32
        %dma_wait3A_274 = tpu.memref_slice %arg7[%dma_wait3A_267, %dma_wait3A_273] : memref<32x64xi32, #tpu.memory_space<vmem>> -> memref<1x64xi32, #tpu.memory_space<vmem>>
        %dma_wait3A_275 = tpu.memref_squeeze %dma_wait3A_274 : memref<1x64xi32, #tpu.memory_space<vmem>> -> memref<64xi32, #tpu.memory_space<vmem>>
        %dma_wait3A_276 = arith.constant 0 : i32
        %dma_wait3A_277 = arith.constant 0 : i32
        %dma_wait3A_278 = tpu.memref_slice %arg4[%dma_wait3A_276, %dma_wait3A_277] : memref<10000x128xf32, #tpu.memory_space<hbm>> -> memref<10000x128xf32, #tpu.memory_space<hbm>>
        tpu.wait_indirect_dma semaphore(%arg11 : memref<!tpu.dma_semaphore, #tpu.memory_space<semaphore_mem>>) src(%dma_wait3A_278 : memref<10000x128xf32, #tpu.memory_space<hbm>>) dst(%dma_wait3A_272 : memref<64x128xf32, #tpu.memory_space<vmem>>)
        %run_scoped3A_279 = arith.constant 0 : i32
        "tpu.region"() ({
          %run_scoped3A_400 = tpu.sem_alloc : memref<!tpu.dma_semaphore, #tpu.memory_space<semaphore_mem>>
          %dma_start3A_401 = arith.constant 0 : i32
          %dma_start3A_402 = arith.constant 0 : i32
          %dma_start3A_403 = tpu.memref_slice %arg9[%run_scoped3A_279, %dma_start3A_401, %dma_start3A_402] : memref<4x64x128xf32, #tpu.memory_space<vmem>> -> memref<1x64x128xf32, #tpu.memory_space<vmem>>
          %dma_start3A_404 = tpu.memref_squeeze %dma_start3A_403 : memref<1x64x128xf32, #tpu.memory_space<vmem>> -> memref<64x128xf32, #tpu.memory_space<vmem>>
          %dma_start3A_405 = arith.constant 0 : i32
          %dma_start3A_406 = tpu.memref_slice %arg8[%add3A_266, %dma_start3A_405] : memref<32x64xi32, #tpu.memory_space<vmem>> -> memref<1x64xi32, #tpu.memory_space<vmem>>
          %dma_start3A_407 = tpu.memref_squeeze %dma_start3A_406 : memref<1x64xi32, #tpu.memory_space<vmem>> -> memref<64xi32, #tpu.memory_space<vmem>>
          %dma_start3A_408 = arith.constant 0 : i32
          %dma_start3A_409 = arith.constant 0 : i32
          %dma_start3A_410 = tpu.memref_slice %arg10[%dma_start3A_408, %dma_start3A_409] : memref<10240x128xf32, #tpu.memory_space<vmem_shared>> -> memref<10240x128xf32, #tpu.memory_space<vmem_shared>>
          tpu.enqueue_indirect_dma source(%dma_start3A_404 : memref<64x128xf32, #tpu.memory_space<vmem>>) target(%dma_start3A_410 : memref<10240x128xf32, #tpu.memory_space<vmem_shared>>) offsets(%dma_start3A_407 : memref<64xi32, #tpu.memory_space<vmem>>) semaphore(%run_scoped3A_400 : memref<!tpu.dma_semaphore, #tpu.memory_space<semaphore_mem>>) {add = true}
          %dma_wait3A_411 = arith.constant 0 : i32
          %dma_wait3A_412 = arith.constant 0 : i32
          %dma_wait3A_413 = tpu.memref_slice %arg9[%run_scoped3A_279, %dma_wait3A_411, %dma_wait3A_412] : memref<4x64x128xf32, #tpu.memory_space<vmem>> -> memref<1x64x128xf32, #tpu.memory_space<vmem>>
          %dma_wait3A_414 = tpu.memref_squeeze %dma_wait3A_413 : memref<1x64x128xf32, #tpu.memory_space<vmem>> -> memref<64x128xf32, #tpu.memory_space<vmem>>
          %dma_wait3A_415 = arith.constant 0 : i32
          %dma_wait3A_416 = tpu.memref_slice %arg8[%add3A_266, %dma_wait3A_415] : memref<32x64xi32, #tpu.memory_space<vmem>> -> memref<1x64xi32, #tpu.memory_space<vmem>>
          %dma_wait3A_417 = tpu.memref_squeeze %dma_wait3A_416 : memref<1x64xi32, #tpu.memory_space<vmem>> -> memref<64xi32, #tpu.memory_space<vmem>>
          %dma_wait3A_418 = arith.constant 0 : i32
          %dma_wait3A_419 = arith.constant 0 : i32
          %dma_wait3A_420 = tpu.memref_slice %arg10[%dma_wait3A_418, %dma_wait3A_419] : memref<10240x128xf32, #tpu.memory_space<vmem_shared>> -> memref<10240x128xf32, #tpu.memory_space<vmem_shared>>
          tpu.wait_indirect_dma semaphore(%run_scoped3A_400 : memref<!tpu.dma_semaphore, #tpu.memory_space<semaphore_mem>>) src(%dma_wait3A_414 : memref<64x128xf32, #tpu.memory_space<vmem>>) dst(%dma_wait3A_420 : memref<10240x128xf32, #tpu.memory_space<vmem_shared>>)
          tpu.yield
        }) : () -> ()
        %add3A_280 = arith.constant 4 : i32
        %add3A_281 = arith.addi %add3A_266, %add3A_280 : i32
        %lt3A = arith.constant 32 : i32
        %lt3A_282 = arith.cmpi slt, %add3A_281, %lt3A : i32
        %add3A_283 = arith.constant 4 : i32
        %add3A_284 = arith.addi %add3A_266, %add3A_283 : i32
        %jit3A_285 = arith.constant 0 : i32
        %select_n3A_286 = arith.select %lt3A_282, %add3A_284, %jit3A_285 : i32
        %dma_start3A_287 = arith.constant 0 : i32
        %dma_start3A_288 = arith.constant 0 : i32
        %dma_start3A_289 = arith.constant 0 : i32
        %dma_start3A_290 = tpu.memref_slice %arg9[%dma_start3A_287, %dma_start3A_288, %dma_start3A_289] : memref<4x64x128xf32, #tpu.memory_space<vmem>> -> memref<1x64x128xf32, #tpu.memory_space<vmem>>
        %dma_start3A_291 = tpu.memref_squeeze %dma_start3A_290 : memref<1x64x128xf32, #tpu.memory_space<vmem>> -> memref<64x128xf32, #tpu.memory_space<vmem>>
        %dma_start3A_292 = arith.constant 0 : i32
        %dma_start3A_293 = tpu.memref_slice %arg7[%select_n3A_286, %dma_start3A_292] : memref<32x64xi32, #tpu.memory_space<vmem>> -> memref<1x64xi32, #tpu.memory_space<vmem>>
        %dma_start3A_294 = tpu.memref_squeeze %dma_start3A_293 : memref<1x64xi32, #tpu.memory_space<vmem>> -> memref<64xi32, #tpu.memory_space<vmem>>
        %dma_start3A_295 = arith.constant 0 : i32
        %dma_start3A_296 = arith.constant 0 : i32
        %dma_start3A_297 = tpu.memref_slice %arg4[%dma_start3A_295, %dma_start3A_296] : memref<10000x128xf32, #tpu.memory_space<hbm>> -> memref<10000x128xf32, #tpu.memory_space<hbm>>
        tpu.enqueue_indirect_dma source(%dma_start3A_297 : memref<10000x128xf32, #tpu.memory_space<hbm>>) target(%dma_start3A_291 : memref<64x128xf32, #tpu.memory_space<vmem>>) offsets(%dma_start3A_294 : memref<64xi32, #tpu.memory_space<vmem>>) semaphore(%arg11 : memref<!tpu.dma_semaphore, #tpu.memory_space<semaphore_mem>>)
        %add3A_298 = arith.constant 1 : i32
        %add3A_299 = arith.addi %mul3A_264, %add3A_298 : i32
        %dma_wait3A_300 = arith.constant 0 : i32
        %dma_wait3A_301 = arith.constant 1 : i32
        %dma_wait3A_302 = arith.constant 0 : i32
        %dma_wait3A_303 = arith.constant 0 : i32
        %dma_wait3A_304 = tpu.memref_slice %arg9[%dma_wait3A_301, %dma_wait3A_302, %dma_wait3A_303] : memref<4x64x128xf32, #tpu.memory_space<vmem>> -> memref<1x64x128xf32, #tpu.memory_space<vmem>>
        %dma_wait3A_305 = tpu.memref_squeeze %dma_wait3A_304 : memref<1x64x128xf32, #tpu.memory_space<vmem>> -> memref<64x128xf32, #tpu.memory_space<vmem>>
        %dma_wait3A_306 = arith.constant 0 : i32
        %dma_wait3A_307 = tpu.memref_slice %arg7[%dma_wait3A_300, %dma_wait3A_306] : memref<32x64xi32, #tpu.memory_space<vmem>> -> memref<1x64xi32, #tpu.memory_space<vmem>>
        %dma_wait3A_308 = tpu.memref_squeeze %dma_wait3A_307 : memref<1x64xi32, #tpu.memory_space<vmem>> -> memref<64xi32, #tpu.memory_space<vmem>>
        %dma_wait3A_309 = arith.constant 0 : i32
        %dma_wait3A_310 = arith.constant 0 : i32
        %dma_wait3A_311 = tpu.memref_slice %arg4[%dma_wait3A_309, %dma_wait3A_310] : memref<10000x128xf32, #tpu.memory_space<hbm>> -> memref<10000x128xf32, #tpu.memory_space<hbm>>
        tpu.wait_indirect_dma semaphore(%arg12 : memref<!tpu.dma_semaphore, #tpu.memory_space<semaphore_mem>>) src(%dma_wait3A_311 : memref<10000x128xf32, #tpu.memory_space<hbm>>) dst(%dma_wait3A_305 : memref<64x128xf32, #tpu.memory_space<vmem>>)
        %run_scoped3A_312 = arith.constant 1 : i32
        "tpu.region"() ({
          %run_scoped3A_400 = tpu.sem_alloc : memref<!tpu.dma_semaphore, #tpu.memory_space<semaphore_mem>>
          %dma_start3A_401 = arith.constant 0 : i32
          %dma_start3A_402 = arith.constant 0 : i32
          %dma_start3A_403 = tpu.memref_slice %arg9[%run_scoped3A_312, %dma_start3A_401, %dma_start3A_402] : memref<4x64x128xf32, #tpu.memory_space<vmem>> -> memref<1x64x128xf32, #tpu.memory_space<vmem>>
          %dma_start3A_404 = tpu.memref_squeeze %dma_start3A_403 : memref<1x64x128xf32, #tpu.memory_space<vmem>> -> memref<64x128xf32, #tpu.memory_space<vmem>>
          %dma_start3A_405 = arith.constant 0 : i32
          %dma_start3A_406 = tpu.memref_slice %arg8[%add3A_299, %dma_start3A_405] : memref<32x64xi32, #tpu.memory_space<vmem>> -> memref<1x64xi32, #tpu.memory_space<vmem>>
          %dma_start3A_407 = tpu.memref_squeeze %dma_start3A_406 : memref<1x64xi32, #tpu.memory_space<vmem>> -> memref<64xi32, #tpu.memory_space<vmem>>
          %dma_start3A_408 = arith.constant 0 : i32
          %dma_start3A_409 = arith.constant 0 : i32
          %dma_start3A_410 = tpu.memref_slice %arg10[%dma_start3A_408, %dma_start3A_409] : memref<10240x128xf32, #tpu.memory_space<vmem_shared>> -> memref<10240x128xf32, #tpu.memory_space<vmem_shared>>
          tpu.enqueue_indirect_dma source(%dma_start3A_404 : memref<64x128xf32, #tpu.memory_space<vmem>>) target(%dma_start3A_410 : memref<10240x128xf32, #tpu.memory_space<vmem_shared>>) offsets(%dma_start3A_407 : memref<64xi32, #tpu.memory_space<vmem>>) semaphore(%run_scoped3A_400 : memref<!tpu.dma_semaphore, #tpu.memory_space<semaphore_mem>>) {add = true}
          %dma_wait3A_411 = arith.constant 0 : i32
          %dma_wait3A_412 = arith.constant 0 : i32
          %dma_wait3A_413 = tpu.memref_slice %arg9[%run_scoped3A_312, %dma_wait3A_411, %dma_wait3A_412] : memref<4x64x128xf32, #tpu.memory_space<vmem>> -> memref<1x64x128xf32, #tpu.memory_space<vmem>>
          %dma_wait3A_414 = tpu.memref_squeeze %dma_wait3A_413 : memref<1x64x128xf32, #tpu.memory_space<vmem>> -> memref<64x128xf32, #tpu.memory_space<vmem>>
          %dma_wait3A_415 = arith.constant 0 : i32
          %dma_wait3A_416 = tpu.memref_slice %arg8[%add3A_299, %dma_wait3A_415] : memref<32x64xi32, #tpu.memory_space<vmem>> -> memref<1x64xi32, #tpu.memory_space<vmem>>
          %dma_wait3A_417 = tpu.memref_squeeze %dma_wait3A_416 : memref<1x64xi32, #tpu.memory_space<vmem>> -> memref<64xi32, #tpu.memory_space<vmem>>
          %dma_wait3A_418 = arith.constant 0 : i32
          %dma_wait3A_419 = arith.constant 0 : i32
          %dma_wait3A_420 = tpu.memref_slice %arg10[%dma_wait3A_418, %dma_wait3A_419] : memref<10240x128xf32, #tpu.memory_space<vmem_shared>> -> memref<10240x128xf32, #tpu.memory_space<vmem_shared>>
          tpu.wait_indirect_dma semaphore(%run_scoped3A_400 : memref<!tpu.dma_semaphore, #tpu.memory_space<semaphore_mem>>) src(%dma_wait3A_414 : memref<64x128xf32, #tpu.memory_space<vmem>>) dst(%dma_wait3A_420 : memref<10240x128xf32, #tpu.memory_space<vmem_shared>>)
          tpu.yield
        }) : () -> ()
        %add3A_313 = arith.constant 4 : i32
        %add3A_314 = arith.addi %add3A_299, %add3A_313 : i32
        %lt3A_315 = arith.constant 32 : i32
        %lt3A_316 = arith.cmpi slt, %add3A_314, %lt3A_315 : i32
        %add3A_317 = arith.constant 4 : i32
        %add3A_318 = arith.addi %add3A_299, %add3A_317 : i32
        %jit3A_319 = arith.constant 0 : i32
        %select_n3A_320 = arith.select %lt3A_316, %add3A_318, %jit3A_319 : i32
        %dma_start3A_321 = arith.constant 1 : i32
        %dma_start3A_322 = arith.constant 0 : i32
        %dma_start3A_323 = arith.constant 0 : i32
        %dma_start3A_324 = tpu.memref_slice %arg9[%dma_start3A_321, %dma_start3A_322, %dma_start3A_323] : memref<4x64x128xf32, #tpu.memory_space<vmem>> -> memref<1x64x128xf32, #tpu.memory_space<vmem>>
        %dma_start3A_325 = tpu.memref_squeeze %dma_start3A_324 : memref<1x64x128xf32, #tpu.memory_space<vmem>> -> memref<64x128xf32, #tpu.memory_space<vmem>>
        %dma_start3A_326 = arith.constant 0 : i32
        %dma_start3A_327 = tpu.memref_slice %arg7[%select_n3A_320, %dma_start3A_326] : memref<32x64xi32, #tpu.memory_space<vmem>> -> memref<1x64xi32, #tpu.memory_space<vmem>>
        %dma_start3A_328 = tpu.memref_squeeze %dma_start3A_327 : memref<1x64xi32, #tpu.memory_space<vmem>> -> memref<64xi32, #tpu.memory_space<vmem>>
        %dma_start3A_329 = arith.constant 0 : i32
        %dma_start3A_330 = arith.constant 0 : i32
        %dma_start3A_331 = tpu.memref_slice %arg4[%dma_start3A_329, %dma_start3A_330] : memref<10000x128xf32, #tpu.memory_space<hbm>> -> memref<10000x128xf32, #tpu.memory_space<hbm>>
        tpu.enqueue_indirect_dma source(%dma_start3A_331 : memref<10000x128xf32, #tpu.memory_space<hbm>>) target(%dma_start3A_325 : memref<64x128xf32, #tpu.memory_space<vmem>>) offsets(%dma_start3A_328 : memref<64xi32, #tpu.memory_space<vmem>>) semaphore(%arg12 : memref<!tpu.dma_semaphore, #tpu.memory_space<semaphore_mem>>)
        %add3A_332 = arith.constant 2 : i32
        %add3A_333 = arith.addi %mul3A_264, %add3A_332 : i32
        %dma_wait3A_334 = arith.constant 0 : i32
        %dma_wait3A_335 = arith.constant 2 : i32
        %dma_wait3A_336 = arith.constant 0 : i32
        %dma_wait3A_337 = arith.constant 0 : i32
        %dma_wait3A_338 = tpu.memref_slice %arg9[%dma_wait3A_335, %dma_wait3A_336, %dma_wait3A_337] : memref<4x64x128xf32, #tpu.memory_space<vmem>> -> memref<1x64x128xf32, #tpu.memory_space<vmem>>
        %dma_wait3A_339 = tpu.memref_squeeze %dma_wait3A_338 : memref<1x64x128xf32, #tpu.memory_space<vmem>> -> memref<64x128xf32, #tpu.memory_space<vmem>>
        %dma_wait3A_340 = arith.constant 0 : i32
        %dma_wait3A_341 = tpu.memref_slice %arg7[%dma_wait3A_334, %dma_wait3A_340] : memref<32x64xi32, #tpu.memory_space<vmem>> -> memref<1x64xi32, #tpu.memory_space<vmem>>
        %dma_wait3A_342 = tpu.memref_squeeze %dma_wait3A_341 : memref<1x64xi32, #tpu.memory_space<vmem>> -> memref<64xi32, #tpu.memory_space<vmem>>
        %dma_wait3A_343 = arith.constant 0 : i32
        %dma_wait3A_344 = arith.constant 0 : i32
        %dma_wait3A_345 = tpu.memref_slice %arg4[%dma_wait3A_343, %dma_wait3A_344] : memref<10000x128xf32, #tpu.memory_space<hbm>> -> memref<10000x128xf32, #tpu.memory_space<hbm>>
        tpu.wait_indirect_dma semaphore(%arg13 : memref<!tpu.dma_semaphore, #tpu.memory_space<semaphore_mem>>) src(%dma_wait3A_345 : memref<10000x128xf32, #tpu.memory_space<hbm>>) dst(%dma_wait3A_339 : memref<64x128xf32, #tpu.memory_space<vmem>>)
        %run_scoped3A_346 = arith.constant 2 : i32
        "tpu.region"() ({
          %run_scoped3A_400 = tpu.sem_alloc : memref<!tpu.dma_semaphore, #tpu.memory_space<semaphore_mem>>
          %dma_start3A_401 = arith.constant 0 : i32
          %dma_start3A_402 = arith.constant 0 : i32
          %dma_start3A_403 = tpu.memref_slice %arg9[%run_scoped3A_346, %dma_start3A_401, %dma_start3A_402] : memref<4x64x128xf32, #tpu.memory_space<vmem>> -> memref<1x64x128xf32, #tpu.memory_space<vmem>>
          %dma_start3A_404 = tpu.memref_squeeze %dma_start3A_403 : memref<1x64x128xf32, #tpu.memory_space<vmem>> -> memref<64x128xf32, #tpu.memory_space<vmem>>
          %dma_start3A_405 = arith.constant 0 : i32
          %dma_start3A_406 = tpu.memref_slice %arg8[%add3A_333, %dma_start3A_405] : memref<32x64xi32, #tpu.memory_space<vmem>> -> memref<1x64xi32, #tpu.memory_space<vmem>>
          %dma_start3A_407 = tpu.memref_squeeze %dma_start3A_406 : memref<1x64xi32, #tpu.memory_space<vmem>> -> memref<64xi32, #tpu.memory_space<vmem>>
          %dma_start3A_408 = arith.constant 0 : i32
          %dma_start3A_409 = arith.constant 0 : i32
          %dma_start3A_410 = tpu.memref_slice %arg10[%dma_start3A_408, %dma_start3A_409] : memref<10240x128xf32, #tpu.memory_space<vmem_shared>> -> memref<10240x128xf32, #tpu.memory_space<vmem_shared>>
          tpu.enqueue_indirect_dma source(%dma_start3A_404 : memref<64x128xf32, #tpu.memory_space<vmem>>) target(%dma_start3A_410 : memref<10240x128xf32, #tpu.memory_space<vmem_shared>>) offsets(%dma_start3A_407 : memref<64xi32, #tpu.memory_space<vmem>>) semaphore(%run_scoped3A_400 : memref<!tpu.dma_semaphore, #tpu.memory_space<semaphore_mem>>) {add = true}
          %dma_wait3A_411 = arith.constant 0 : i32
          %dma_wait3A_412 = arith.constant 0 : i32
          %dma_wait3A_413 = tpu.memref_slice %arg9[%run_scoped3A_346, %dma_wait3A_411, %dma_wait3A_412] : memref<4x64x128xf32, #tpu.memory_space<vmem>> -> memref<1x64x128xf32, #tpu.memory_space<vmem>>
          %dma_wait3A_414 = tpu.memref_squeeze %dma_wait3A_413 : memref<1x64x128xf32, #tpu.memory_space<vmem>> -> memref<64x128xf32, #tpu.memory_space<vmem>>
          %dma_wait3A_415 = arith.constant 0 : i32
          %dma_wait3A_416 = tpu.memref_slice %arg8[%add3A_333, %dma_wait3A_415] : memref<32x64xi32, #tpu.memory_space<vmem>> -> memref<1x64xi32, #tpu.memory_space<vmem>>
          %dma_wait3A_417 = tpu.memref_squeeze %dma_wait3A_416 : memref<1x64xi32, #tpu.memory_space<vmem>> -> memref<64xi32, #tpu.memory_space<vmem>>
          %dma_wait3A_418 = arith.constant 0 : i32
          %dma_wait3A_419 = arith.constant 0 : i32
          %dma_wait3A_420 = tpu.memref_slice %arg10[%dma_wait3A_418, %dma_wait3A_419] : memref<10240x128xf32, #tpu.memory_space<vmem_shared>> -> memref<10240x128xf32, #tpu.memory_space<vmem_shared>>
          tpu.wait_indirect_dma semaphore(%run_scoped3A_400 : memref<!tpu.dma_semaphore, #tpu.memory_space<semaphore_mem>>) src(%dma_wait3A_414 : memref<64x128xf32, #tpu.memory_space<vmem>>) dst(%dma_wait3A_420 : memref<10240x128xf32, #tpu.memory_space<vmem_shared>>)
          tpu.yield
        }) : () -> ()
        %add3A_347 = arith.constant 4 : i32
        %add3A_348 = arith.addi %add3A_333, %add3A_347 : i32
        %lt3A_349 = arith.constant 32 : i32
        %lt3A_350 = arith.cmpi slt, %add3A_348, %lt3A_349 : i32
        %add3A_351 = arith.constant 4 : i32
        %add3A_352 = arith.addi %add3A_333, %add3A_351 : i32
        %jit3A_353 = arith.constant 0 : i32
        %select_n3A_354 = arith.select %lt3A_350, %add3A_352, %jit3A_353 : i32
        %dma_start3A_355 = arith.constant 2 : i32
        %dma_start3A_356 = arith.constant 0 : i32
        %dma_start3A_357 = arith.constant 0 : i32
        %dma_start3A_358 = tpu.memref_slice %arg9[%dma_start3A_355, %dma_start3A_356, %dma_start3A_357] : memref<4x64x128xf32, #tpu.memory_space<vmem>> -> memref<1x64x128xf32, #tpu.memory_space<vmem>>
        %dma_start3A_359 = tpu.memref_squeeze %dma_start3A_358 : memref<1x64x128xf32, #tpu.memory_space<vmem>> -> memref<64x128xf32, #tpu.memory_space<vmem>>
        %dma_start3A_360 = arith.constant 0 : i32
        %dma_start3A_361 = tpu.memref_slice %arg7[%select_n3A_354, %dma_start3A_360] : memref<32x64xi32, #tpu.memory_space<vmem>> -> memref<1x64xi32, #tpu.memory_space<vmem>>
        %dma_start3A_362 = tpu.memref_squeeze %dma_start3A_361 : memref<1x64xi32, #tpu.memory_space<vmem>> -> memref<64xi32, #tpu.memory_space<vmem>>
        %dma_start3A_363 = arith.constant 0 : i32
        %dma_start3A_364 = arith.constant 0 : i32
        %dma_start3A_365 = tpu.memref_slice %arg4[%dma_start3A_363, %dma_start3A_364] : memref<10000x128xf32, #tpu.memory_space<hbm>> -> memref<10000x128xf32, #tpu.memory_space<hbm>>
        tpu.enqueue_indirect_dma source(%dma_start3A_365 : memref<10000x128xf32, #tpu.memory_space<hbm>>) target(%dma_start3A_359 : memref<64x128xf32, #tpu.memory_space<vmem>>) offsets(%dma_start3A_362 : memref<64xi32, #tpu.memory_space<vmem>>) semaphore(%arg13 : memref<!tpu.dma_semaphore, #tpu.memory_space<semaphore_mem>>)
        %add3A_366 = arith.constant 3 : i32
        %add3A_367 = arith.addi %mul3A_264, %add3A_366 : i32
        %dma_wait3A_368 = arith.constant 0 : i32
        %dma_wait3A_369 = arith.constant 3 : i32
        %dma_wait3A_370 = arith.constant 0 : i32
        %dma_wait3A_371 = arith.constant 0 : i32
        %dma_wait3A_372 = tpu.memref_slice %arg9[%dma_wait3A_369, %dma_wait3A_370, %dma_wait3A_371] : memref<4x64x128xf32, #tpu.memory_space<vmem>> -> memref<1x64x128xf32, #tpu.memory_space<vmem>>
        %dma_wait3A_373 = tpu.memref_squeeze %dma_wait3A_372 : memref<1x64x128xf32, #tpu.memory_space<vmem>> -> memref<64x128xf32, #tpu.memory_space<vmem>>
        %dma_wait3A_374 = arith.constant 0 : i32
        %dma_wait3A_375 = tpu.memref_slice %arg7[%dma_wait3A_368, %dma_wait3A_374] : memref<32x64xi32, #tpu.memory_space<vmem>> -> memref<1x64xi32, #tpu.memory_space<vmem>>
        %dma_wait3A_376 = tpu.memref_squeeze %dma_wait3A_375 : memref<1x64xi32, #tpu.memory_space<vmem>> -> memref<64xi32, #tpu.memory_space<vmem>>
        %dma_wait3A_377 = arith.constant 0 : i32
        %dma_wait3A_378 = arith.constant 0 : i32
        %dma_wait3A_379 = tpu.memref_slice %arg4[%dma_wait3A_377, %dma_wait3A_378] : memref<10000x128xf32, #tpu.memory_space<hbm>> -> memref<10000x128xf32, #tpu.memory_space<hbm>>
        tpu.wait_indirect_dma semaphore(%arg14 : memref<!tpu.dma_semaphore, #tpu.memory_space<semaphore_mem>>) src(%dma_wait3A_379 : memref<10000x128xf32, #tpu.memory_space<hbm>>) dst(%dma_wait3A_373 : memref<64x128xf32, #tpu.memory_space<vmem>>)
        %run_scoped3A_380 = arith.constant 3 : i32
        "tpu.region"() ({
          %run_scoped3A_400 = tpu.sem_alloc : memref<!tpu.dma_semaphore, #tpu.memory_space<semaphore_mem>>
          %dma_start3A_401 = arith.constant 0 : i32
          %dma_start3A_402 = arith.constant 0 : i32
          %dma_start3A_403 = tpu.memref_slice %arg9[%run_scoped3A_380, %dma_start3A_401, %dma_start3A_402] : memref<4x64x128xf32, #tpu.memory_space<vmem>> -> memref<1x64x128xf32, #tpu.memory_space<vmem>>
          %dma_start3A_404 = tpu.memref_squeeze %dma_start3A_403 : memref<1x64x128xf32, #tpu.memory_space<vmem>> -> memref<64x128xf32, #tpu.memory_space<vmem>>
          %dma_start3A_405 = arith.constant 0 : i32
          %dma_start3A_406 = tpu.memref_slice %arg8[%add3A_367, %dma_start3A_405] : memref<32x64xi32, #tpu.memory_space<vmem>> -> memref<1x64xi32, #tpu.memory_space<vmem>>
          %dma_start3A_407 = tpu.memref_squeeze %dma_start3A_406 : memref<1x64xi32, #tpu.memory_space<vmem>> -> memref<64xi32, #tpu.memory_space<vmem>>
          %dma_start3A_408 = arith.constant 0 : i32
          %dma_start3A_409 = arith.constant 0 : i32
          %dma_start3A_410 = tpu.memref_slice %arg10[%dma_start3A_408, %dma_start3A_409] : memref<10240x128xf32, #tpu.memory_space<vmem_shared>> -> memref<10240x128xf32, #tpu.memory_space<vmem_shared>>
          tpu.enqueue_indirect_dma source(%dma_start3A_404 : memref<64x128xf32, #tpu.memory_space<vmem>>) target(%dma_start3A_410 : memref<10240x128xf32, #tpu.memory_space<vmem_shared>>) offsets(%dma_start3A_407 : memref<64xi32, #tpu.memory_space<vmem>>) semaphore(%run_scoped3A_400 : memref<!tpu.dma_semaphore, #tpu.memory_space<semaphore_mem>>) {add = true}
          %dma_wait3A_411 = arith.constant 0 : i32
          %dma_wait3A_412 = arith.constant 0 : i32
          %dma_wait3A_413 = tpu.memref_slice %arg9[%run_scoped3A_380, %dma_wait3A_411, %dma_wait3A_412] : memref<4x64x128xf32, #tpu.memory_space<vmem>> -> memref<1x64x128xf32, #tpu.memory_space<vmem>>
          %dma_wait3A_414 = tpu.memref_squeeze %dma_wait3A_413 : memref<1x64x128xf32, #tpu.memory_space<vmem>> -> memref<64x128xf32, #tpu.memory_space<vmem>>
          %dma_wait3A_415 = arith.constant 0 : i32
          %dma_wait3A_416 = tpu.memref_slice %arg8[%add3A_367, %dma_wait3A_415] : memref<32x64xi32, #tpu.memory_space<vmem>> -> memref<1x64xi32, #tpu.memory_space<vmem>>
          %dma_wait3A_417 = tpu.memref_squeeze %dma_wait3A_416 : memref<1x64xi32, #tpu.memory_space<vmem>> -> memref<64xi32, #tpu.memory_space<vmem>>
          %dma_wait3A_418 = arith.constant 0 : i32
          %dma_wait3A_419 = arith.constant 0 : i32
          %dma_wait3A_420 = tpu.memref_slice %arg10[%dma_wait3A_418, %dma_wait3A_419] : memref<10240x128xf32, #tpu.memory_space<vmem_shared>> -> memref<10240x128xf32, #tpu.memory_space<vmem_shared>>
          tpu.wait_indirect_dma semaphore(%run_scoped3A_400 : memref<!tpu.dma_semaphore, #tpu.memory_space<semaphore_mem>>) src(%dma_wait3A_414 : memref<64x128xf32, #tpu.memory_space<vmem>>) dst(%dma_wait3A_420 : memref<10240x128xf32, #tpu.memory_space<vmem_shared>>)
          tpu.yield
        }) : () -> ()
        %add3A_381 = arith.constant 4 : i32
        %add3A_382 = arith.addi %add3A_367, %add3A_381 : i32
        %lt3A_383 = arith.constant 32 : i32
        %lt3A_384 = arith.cmpi slt, %add3A_382, %lt3A_383 : i32
        %add3A_385 = arith.constant 4 : i32
        %add3A_386 = arith.addi %add3A_367, %add3A_385 : i32
        %jit3A_387 = arith.constant 0 : i32
        %select_n3A_388 = arith.select %lt3A_384, %add3A_386, %jit3A_387 : i32
        %dma_start3A_389 = arith.constant 3 : i32
        %dma_start3A_390 = arith.constant 0 : i32
        %dma_start3A_391 = arith.constant 0 : i32
        %dma_start3A_392 = tpu.memref_slice %arg9[%dma_start3A_389, %dma_start3A_390, %dma_start3A_391] : memref<4x64x128xf32, #tpu.memory_space<vmem>> -> memref<1x64x128xf32, #tpu.memory_space<vmem>>
        %dma_start3A_393 = tpu.memref_squeeze %dma_start3A_392 : memref<1x64x128xf32, #tpu.memory_space<vmem>> -> memref<64x128xf32, #tpu.memory_space<vmem>>
        %dma_start3A_394 = arith.constant 0 : i32
        %dma_start3A_395 = tpu.memref_slice %arg7[%select_n3A_388, %dma_start3A_394] : memref<32x64xi32, #tpu.memory_space<vmem>> -> memref<1x64xi32, #tpu.memory_space<vmem>>
        %dma_start3A_396 = tpu.memref_squeeze %dma_start3A_395 : memref<1x64xi32, #tpu.memory_space<vmem>> -> memref<64xi32, #tpu.memory_space<vmem>>
        %dma_start3A_397 = arith.constant 0 : i32
        %dma_start3A_398 = arith.constant 0 : i32
        %dma_start3A_399 = tpu.memref_slice %arg4[%dma_start3A_397, %dma_start3A_398] : memref<10000x128xf32, #tpu.memory_space<hbm>> -> memref<10000x128xf32, #tpu.memory_space<hbm>>
        tpu.enqueue_indirect_dma source(%dma_start3A_399 : memref<10000x128xf32, #tpu.memory_space<hbm>>) target(%dma_start3A_393 : memref<64x128xf32, #tpu.memory_space<vmem>>) offsets(%dma_start3A_396 : memref<64xi32, #tpu.memory_space<vmem>>) semaphore(%arg14 : memref<!tpu.dma_semaphore, #tpu.memory_space<semaphore_mem>>)
      }
      %scan3A_214 = arith.constant 8 : i32
      %dma_wait3A = arith.constant 0 : i32
      %dma_wait3A_215 = arith.constant 0 : i32
      %dma_wait3A_216 = arith.constant 0 : i32
      %dma_wait3A_217 = arith.constant 0 : i32
      %dma_wait3A_218 = tpu.memref_slice %arg9[%dma_wait3A_215, %dma_wait3A_216, %dma_wait3A_217] : memref<4x64x128xf32, #tpu.memory_space<vmem>> -> memref<1x64x128xf32, #tpu.memory_space<vmem>>
      %dma_wait3A_219 = tpu.memref_squeeze %dma_wait3A_218 : memref<1x64x128xf32, #tpu.memory_space<vmem>> -> memref<64x128xf32, #tpu.memory_space<vmem>>
      %dma_wait3A_220 = arith.constant 0 : i32
      %dma_wait3A_221 = tpu.memref_slice %arg7[%dma_wait3A, %dma_wait3A_220] : memref<32x64xi32, #tpu.memory_space<vmem>> -> memref<1x64xi32, #tpu.memory_space<vmem>>
      %dma_wait3A_222 = tpu.memref_squeeze %dma_wait3A_221 : memref<1x64xi32, #tpu.memory_space<vmem>> -> memref<64xi32, #tpu.memory_space<vmem>>
      %dma_wait3A_223 = arith.constant 0 : i32
      %dma_wait3A_224 = arith.constant 0 : i32
      %dma_wait3A_225 = tpu.memref_slice %arg4[%dma_wait3A_223, %dma_wait3A_224] : memref<10000x128xf32, #tpu.memory_space<hbm>> -> memref<10000x128xf32, #tpu.memory_space<hbm>>
      tpu.wait_indirect_dma semaphore(%arg11 : memref<!tpu.dma_semaphore, #tpu.memory_space<semaphore_mem>>) src(%dma_wait3A_225 : memref<10000x128xf32, #tpu.memory_space<hbm>>) dst(%dma_wait3A_219 : memref<64x128xf32, #tpu.memory_space<vmem>>)
      %dma_wait3A_226 = arith.constant 0 : i32
      %dma_wait3A_227 = arith.constant 1 : i32
      %dma_wait3A_228 = arith.constant 0 : i32
      %dma_wait3A_229 = arith.constant 0 : i32
      %dma_wait3A_230 = tpu.memref_slice %arg9[%dma_wait3A_227, %dma_wait3A_228, %dma_wait3A_229] : memref<4x64x128xf32, #tpu.memory_space<vmem>> -> memref<1x64x128xf32, #tpu.memory_space<vmem>>
      %dma_wait3A_231 = tpu.memref_squeeze %dma_wait3A_230 : memref<1x64x128xf32, #tpu.memory_space<vmem>> -> memref<64x128xf32, #tpu.memory_space<vmem>>
      %dma_wait3A_232 = arith.constant 0 : i32
      %dma_wait3A_233 = tpu.memref_slice %arg7[%dma_wait3A_226, %dma_wait3A_232] : memref<32x64xi32, #tpu.memory_space<vmem>> -> memref<1x64xi32, #tpu.memory_space<vmem>>
      %dma_wait3A_234 = tpu.memref_squeeze %dma_wait3A_233 : memref<1x64xi32, #tpu.memory_space<vmem>> -> memref<64xi32, #tpu.memory_space<vmem>>
      %dma_wait3A_235 = arith.constant 0 : i32
      %dma_wait3A_236 = arith.constant 0 : i32
      %dma_wait3A_237 = tpu.memref_slice %arg4[%dma_wait3A_235, %dma_wait3A_236] : memref<10000x128xf32, #tpu.memory_space<hbm>> -> memref<10000x128xf32, #tpu.memory_space<hbm>>
      tpu.wait_indirect_dma semaphore(%arg12 : memref<!tpu.dma_semaphore, #tpu.memory_space<semaphore_mem>>) src(%dma_wait3A_237 : memref<10000x128xf32, #tpu.memory_space<hbm>>) dst(%dma_wait3A_231 : memref<64x128xf32, #tpu.memory_space<vmem>>)
      %dma_wait3A_238 = arith.constant 0 : i32
      %dma_wait3A_239 = arith.constant 2 : i32
      %dma_wait3A_240 = arith.constant 0 : i32
      %dma_wait3A_241 = arith.constant 0 : i32
      %dma_wait3A_242 = tpu.memref_slice %arg9[%dma_wait3A_239, %dma_wait3A_240, %dma_wait3A_241] : memref<4x64x128xf32, #tpu.memory_space<vmem>> -> memref<1x64x128xf32, #tpu.memory_space<vmem>>
      %dma_wait3A_243 = tpu.memref_squeeze %dma_wait3A_242 : memref<1x64x128xf32, #tpu.memory_space<vmem>> -> memref<64x128xf32, #tpu.memory_space<vmem>>
      %dma_wait3A_244 = arith.constant 0 : i32
      %dma_wait3A_245 = tpu.memref_slice %arg7[%dma_wait3A_238, %dma_wait3A_244] : memref<32x64xi32, #tpu.memory_space<vmem>> -> memref<1x64xi32, #tpu.memory_space<vmem>>
      %dma_wait3A_246 = tpu.memref_squeeze %dma_wait3A_245 : memref<1x64xi32, #tpu.memory_space<vmem>> -> memref<64xi32, #tpu.memory_space<vmem>>
      %dma_wait3A_247 = arith.constant 0 : i32
      %dma_wait3A_248 = arith.constant 0 : i32
      %dma_wait3A_249 = tpu.memref_slice %arg4[%dma_wait3A_247, %dma_wait3A_248] : memref<10000x128xf32, #tpu.memory_space<hbm>> -> memref<10000x128xf32, #tpu.memory_space<hbm>>
      tpu.wait_indirect_dma semaphore(%arg13 : memref<!tpu.dma_semaphore, #tpu.memory_space<semaphore_mem>>) src(%dma_wait3A_249 : memref<10000x128xf32, #tpu.memory_space<hbm>>) dst(%dma_wait3A_243 : memref<64x128xf32, #tpu.memory_space<vmem>>)
      %dma_wait3A_250 = arith.constant 0 : i32
      %dma_wait3A_251 = arith.constant 3 : i32
      %dma_wait3A_252 = arith.constant 0 : i32
      %dma_wait3A_253 = arith.constant 0 : i32
      %dma_wait3A_254 = tpu.memref_slice %arg9[%dma_wait3A_251, %dma_wait3A_252, %dma_wait3A_253] : memref<4x64x128xf32, #tpu.memory_space<vmem>> -> memref<1x64x128xf32, #tpu.memory_space<vmem>>
      %dma_wait3A_255 = tpu.memref_squeeze %dma_wait3A_254 : memref<1x64x128xf32, #tpu.memory_space<vmem>> -> memref<64x128xf32, #tpu.memory_space<vmem>>
      %dma_wait3A_256 = arith.constant 0 : i32
      %dma_wait3A_257 = tpu.memref_slice %arg7[%dma_wait3A_250, %dma_wait3A_256] : memref<32x64xi32, #tpu.memory_space<vmem>> -> memref<1x64xi32, #tpu.memory_space<vmem>>
      %dma_wait3A_258 = tpu.memref_squeeze %dma_wait3A_257 : memref<1x64xi32, #tpu.memory_space<vmem>> -> memref<64xi32, #tpu.memory_space<vmem>>
      %dma_wait3A_259 = arith.constant 0 : i32
      %dma_wait3A_260 = arith.constant 0 : i32
      %dma_wait3A_261 = tpu.memref_slice %arg4[%dma_wait3A_259, %dma_wait3A_260] : memref<10000x128xf32, #tpu.memory_space<hbm>> -> memref<10000x128xf32, #tpu.memory_space<hbm>>
      tpu.wait_indirect_dma semaphore(%arg14 : memref<!tpu.dma_semaphore, #tpu.memory_space<semaphore_mem>>) src(%dma_wait3A_261 : memref<10000x128xf32, #tpu.memory_space<hbm>>) dst(%dma_wait3A_255 : memref<64x128xf32, #tpu.memory_space<vmem>>)
    }
    %while3A_67 = arith.constant 1 : i32
    scf.for %while3A_159 = %while3A_65 to %while3A_61 step %while3A_67  : i32 {
      %mul3A_160 = arith.constant 32 : i32
      %mul3A_161 = arith.muli %while3A_159, %mul3A_160 : i32
      %add3A_162 = arith.addi %select_n3A, %mul3A_161 : i32
      "tpu.region"() ({
        %run_scoped3A_262 = tpu.sem_alloc : memref<!tpu.dma_semaphore, #tpu.memory_space<semaphore_mem>>
        %dma_start3A_263 = arith.constant 0 : i32
        %dma_start3A_264 = tpu.memref_slice %arg2[%add3A_162, %dma_start3A_263] : memref<5120x64xi32, #tpu.memory_space<hbm>> -> memref<32x64xi32, #tpu.memory_space<hbm>>
        %dma_start3A_265 = arith.constant 0 : i32
        %dma_start3A_266 = tpu.memref_slice %arg2[%add3A_162, %dma_start3A_265] : memref<5120x64xi32, #tpu.memory_space<hbm>> -> memref<32x64xi32, #tpu.memory_space<hbm>>
        tpu.enqueue_dma source(%dma_start3A_266 : memref<32x64xi32, #tpu.memory_space<hbm>>) target(%arg7 : memref<32x64xi32, #tpu.memory_space<vmem>>) target_semaphore(%run_scoped3A_262 : memref<!tpu.dma_semaphore, #tpu.memory_space<semaphore_mem>>)
        %dma_wait3A_267 = arith.constant 0 : i32
        %dma_wait3A_268 = tpu.memref_slice %arg2[%add3A_162, %dma_wait3A_267] : memref<5120x64xi32, #tpu.memory_space<hbm>> -> memref<32x64xi32, #tpu.memory_space<hbm>>
        %dma_wait3A_269 = arith.constant 0 : i32
        %dma_wait3A_270 = tpu.memref_slice %arg2[%add3A_162, %dma_wait3A_269] : memref<5120x64xi32, #tpu.memory_space<hbm>> -> memref<32x64xi32, #tpu.memory_space<hbm>>
        tpu.wait_dma2 semaphore(%run_scoped3A_262 : memref<!tpu.dma_semaphore, #tpu.memory_space<semaphore_mem>>) src(%dma_wait3A_270 : memref<32x64xi32, #tpu.memory_space<hbm>>) dst(%arg7 : memref<32x64xi32, #tpu.memory_space<vmem>>)
        tpu.yield
      }) : () -> ()
      "tpu.region"() ({
        %run_scoped3A_262 = tpu.sem_alloc : memref<!tpu.dma_semaphore, #tpu.memory_space<semaphore_mem>>
        %dma_start3A_263 = arith.constant 0 : i32
        %dma_start3A_264 = tpu.memref_slice %arg3[%add3A_162, %dma_start3A_263] : memref<5120x64xi32, #tpu.memory_space<hbm>> -> memref<32x64xi32, #tpu.memory_space<hbm>>
        %dma_start3A_265 = arith.constant 0 : i32
        %dma_start3A_266 = tpu.memref_slice %arg3[%add3A_162, %dma_start3A_265] : memref<5120x64xi32, #tpu.memory_space<hbm>> -> memref<32x64xi32, #tpu.memory_space<hbm>>
        tpu.enqueue_dma source(%dma_start3A_266 : memref<32x64xi32, #tpu.memory_space<hbm>>) target(%arg8 : memref<32x64xi32, #tpu.memory_space<vmem>>) target_semaphore(%run_scoped3A_262 : memref<!tpu.dma_semaphore, #tpu.memory_space<semaphore_mem>>)
        %dma_wait3A_267 = arith.constant 0 : i32
        %dma_wait3A_268 = tpu.memref_slice %arg3[%add3A_162, %dma_wait3A_267] : memref<5120x64xi32, #tpu.memory_space<hbm>> -> memref<32x64xi32, #tpu.memory_space<hbm>>
        %dma_wait3A_269 = arith.constant 0 : i32
        %dma_wait3A_270 = tpu.memref_slice %arg3[%add3A_162, %dma_wait3A_269] : memref<5120x64xi32, #tpu.memory_space<hbm>> -> memref<32x64xi32, #tpu.memory_space<hbm>>
        tpu.wait_dma2 semaphore(%run_scoped3A_262 : memref<!tpu.dma_semaphore, #tpu.memory_space<semaphore_mem>>) src(%dma_wait3A_270 : memref<32x64xi32, #tpu.memory_space<hbm>>) dst(%arg8 : memref<32x64xi32, #tpu.memory_space<vmem>>)
        tpu.yield
      }) : () -> ()
      %dma_start3A = arith.constant 0 : i32
      %dma_start3A_163 = arith.constant 0 : i32
      %dma_start3A_164 = arith.constant 0 : i32
      %dma_start3A_165 = arith.constant 0 : i32
      %dma_start3A_166 = tpu.memref_slice %arg9[%dma_start3A_163, %dma_start3A_164, %dma_start3A_165] : memref<4x64x128xf32, #tpu.memory_space<vmem>> -> memref<1x64x128xf32, #tpu.memory_space<vmem>>
      %dma_start3A_167 = tpu.memref_squeeze %dma_start3A_166 : memref<1x64x128xf32, #tpu.memory_space<vmem>> -> memref<64x128xf32, #tpu.memory_space<vmem>>
      %dma_start3A_168 = arith.constant 0 : i32
      %dma_start3A_169 = tpu.memref_slice %arg7[%dma_start3A, %dma_start3A_168] : memref<32x64xi32, #tpu.memory_space<vmem>> -> memref<1x64xi32, #tpu.memory_space<vmem>>
      %dma_start3A_170 = tpu.memref_squeeze %dma_start3A_169 : memref<1x64xi32, #tpu.memory_space<vmem>> -> memref<64xi32, #tpu.memory_space<vmem>>
      %dma_start3A_171 = arith.constant 0 : i32
      %dma_start3A_172 = arith.constant 0 : i32
      %dma_start3A_173 = tpu.memref_slice %arg4[%dma_start3A_171, %dma_start3A_172] : memref<10000x128xf32, #tpu.memory_space<hbm>> -> memref<10000x128xf32, #tpu.memory_space<hbm>>
      tpu.enqueue_indirect_dma source(%dma_start3A_173 : memref<10000x128xf32, #tpu.memory_space<hbm>>) target(%dma_start3A_167 : memref<64x128xf32, #tpu.memory_space<vmem>>) offsets(%dma_start3A_170 : memref<64xi32, #tpu.memory_space<vmem>>) semaphore(%arg11 : memref<!tpu.dma_semaphore, #tpu.memory_space<semaphore_mem>>)
      %dma_start3A_174 = arith.constant 1 : i32
      %dma_start3A_175 = arith.constant 1 : i32
      %dma_start3A_176 = arith.constant 0 : i32
      %dma_start3A_177 = arith.constant 0 : i32
      %dma_start3A_178 = tpu.memref_slice %arg9[%dma_start3A_175, %dma_start3A_176, %dma_start3A_177] : memref<4x64x128xf32, #tpu.memory_space<vmem>> -> memref<1x64x128xf32, #tpu.memory_space<vmem>>
      %dma_start3A_179 = tpu.memref_squeeze %dma_start3A_178 : memref<1x64x128xf32, #tpu.memory_space<vmem>> -> memref<64x128xf32, #tpu.memory_space<vmem>>
      %dma_start3A_180 = arith.constant 0 : i32
      %dma_start3A_181 = tpu.memref_slice %arg7[%dma_start3A_174, %dma_start3A_180] : memref<32x64xi32, #tpu.memory_space<vmem>> -> memref<1x64xi32, #tpu.memory_space<vmem>>
      %dma_start3A_182 = tpu.memref_squeeze %dma_start3A_181 : memref<1x64xi32, #tpu.memory_space<vmem>> -> memref<64xi32, #tpu.memory_space<vmem>>
      %dma_start3A_183 = arith.constant 0 : i32
      %dma_start3A_184 = arith.constant 0 : i32
      %dma_start3A_185 = tpu.memref_slice %arg4[%dma_start3A_183, %dma_start3A_184] : memref<10000x128xf32, #tpu.memory_space<hbm>> -> memref<10000x128xf32, #tpu.memory_space<hbm>>
      tpu.enqueue_indirect_dma source(%dma_start3A_185 : memref<10000x128xf32, #tpu.memory_space<hbm>>) target(%dma_start3A_179 : memref<64x128xf32, #tpu.memory_space<vmem>>) offsets(%dma_start3A_182 : memref<64xi32, #tpu.memory_space<vmem>>) semaphore(%arg12 : memref<!tpu.dma_semaphore, #tpu.memory_space<semaphore_mem>>)
      %dma_start3A_186 = arith.constant 2 : i32
      %dma_start3A_187 = arith.constant 2 : i32
      %dma_start3A_188 = arith.constant 0 : i32
      %dma_start3A_189 = arith.constant 0 : i32
      %dma_start3A_190 = tpu.memref_slice %arg9[%dma_start3A_187, %dma_start3A_188, %dma_start3A_189] : memref<4x64x128xf32, #tpu.memory_space<vmem>> -> memref<1x64x128xf32, #tpu.memory_space<vmem>>
      %dma_start3A_191 = tpu.memref_squeeze %dma_start3A_190 : memref<1x64x128xf32, #tpu.memory_space<vmem>> -> memref<64x128xf32, #tpu.memory_space<vmem>>
      %dma_start3A_192 = arith.constant 0 : i32
      %dma_start3A_193 = tpu.memref_slice %arg7[%dma_start3A_186, %dma_start3A_192] : memref<32x64xi32, #tpu.memory_space<vmem>> -> memref<1x64xi32, #tpu.memory_space<vmem>>
      %dma_start3A_194 = tpu.memref_squeeze %dma_start3A_193 : memref<1x64xi32, #tpu.memory_space<vmem>> -> memref<64xi32, #tpu.memory_space<vmem>>
      %dma_start3A_195 = arith.constant 0 : i32
      %dma_start3A_196 = arith.constant 0 : i32
      %dma_start3A_197 = tpu.memref_slice %arg4[%dma_start3A_195, %dma_start3A_196] : memref<10000x128xf32, #tpu.memory_space<hbm>> -> memref<10000x128xf32, #tpu.memory_space<hbm>>
      tpu.enqueue_indirect_dma source(%dma_start3A_197 : memref<10000x128xf32, #tpu.memory_space<hbm>>) target(%dma_start3A_191 : memref<64x128xf32, #tpu.memory_space<vmem>>) offsets(%dma_start3A_194 : memref<64xi32, #tpu.memory_space<vmem>>) semaphore(%arg13 : memref<!tpu.dma_semaphore, #tpu.memory_space<semaphore_mem>>)
      %dma_start3A_198 = arith.constant 3 : i32
      %dma_start3A_199 = arith.constant 3 : i32
      %dma_start3A_200 = arith.constant 0 : i32
      %dma_start3A_201 = arith.constant 0 : i32
      %dma_start3A_202 = tpu.memref_slice %arg9[%dma_start3A_199, %dma_start3A_200, %dma_start3A_201] : memref<4x64x128xf32, #tpu.memory_space<vmem>> -> memref<1x64x128xf32, #tpu.memory_space<vmem>>
      %dma_start3A_203 = tpu.memref_squeeze %dma_start3A_202 : memref<1x64x128xf32, #tpu.memory_space<vmem>> -> memref<64x128xf32, #tpu.memory_space<vmem>>
      %dma_start3A_204 = arith.constant 0 : i32
      %dma_start3A_205 = tpu.memref_slice %arg7[%dma_start3A_198, %dma_start3A_204] : memref<32x64xi32, #tpu.memory_space<vmem>> -> memref<1x64xi32, #tpu.memory_space<vmem>>
      %dma_start3A_206 = tpu.memref_squeeze %dma_start3A_205 : memref<1x64xi32, #tpu.memory_space<vmem>> -> memref<64xi32, #tpu.memory_space<vmem>>
      %dma_start3A_207 = arith.constant 0 : i32
      %dma_start3A_208 = arith.constant 0 : i32
      %dma_start3A_209 = tpu.memref_slice %arg4[%dma_start3A_207, %dma_start3A_208] : memref<10000x128xf32, #tpu.memory_space<hbm>> -> memref<10000x128xf32, #tpu.memory_space<hbm>>
      tpu.enqueue_indirect_dma source(%dma_start3A_209 : memref<10000x128xf32, #tpu.memory_space<hbm>>) target(%dma_start3A_203 : memref<64x128xf32, #tpu.memory_space<vmem>>) offsets(%dma_start3A_206 : memref<64xi32, #tpu.memory_space<vmem>>) semaphore(%arg14 : memref<!tpu.dma_semaphore, #tpu.memory_space<semaphore_mem>>)
      %scan3A = arith.constant 0 : i32
      %scan3A_210 = arith.constant 0 : i32
      %scan3A_211 = arith.constant 8 : i32
      %scan3A_212 = arith.addi %scan3A_210, %scan3A_211 : i32
      %scan3A_213 = arith.constant 1 : i32
      scf.for %scan3A_262 = %scan3A_210 to %scan3A_212 step %scan3A_213  : i32 {
        %mul3A_263 = arith.constant 4 : i32
        %mul3A_264 = arith.muli %mul3A_263, %scan3A_262 : i32
        %add3A_265 = arith.constant 0 : i32
        %add3A_266 = arith.addi %mul3A_264, %add3A_265 : i32
        %dma_wait3A_267 = arith.constant 0 : i32
        %dma_wait3A_268 = arith.constant 0 : i32
        %dma_wait3A_269 = arith.constant 0 : i32
        %dma_wait3A_270 = arith.constant 0 : i32
        %dma_wait3A_271 = tpu.memref_slice %arg9[%dma_wait3A_268, %dma_wait3A_269, %dma_wait3A_270] : memref<4x64x128xf32, #tpu.memory_space<vmem>> -> memref<1x64x128xf32, #tpu.memory_space<vmem>>
        %dma_wait3A_272 = tpu.memref_squeeze %dma_wait3A_271 : memref<1x64x128xf32, #tpu.memory_space<vmem>> -> memref<64x128xf32, #tpu.memory_space<vmem>>
        %dma_wait3A_273 = arith.constant 0 : i32
        %dma_wait3A_274 = tpu.memref_slice %arg7[%dma_wait3A_267, %dma_wait3A_273] : memref<32x64xi32, #tpu.memory_space<vmem>> -> memref<1x64xi32, #tpu.memory_space<vmem>>
        %dma_wait3A_275 = tpu.memref_squeeze %dma_wait3A_274 : memref<1x64xi32, #tpu.memory_space<vmem>> -> memref<64xi32, #tpu.memory_space<vmem>>
        %dma_wait3A_276 = arith.constant 0 : i32
        %dma_wait3A_277 = arith.constant 0 : i32
        %dma_wait3A_278 = tpu.memref_slice %arg4[%dma_wait3A_276, %dma_wait3A_277] : memref<10000x128xf32, #tpu.memory_space<hbm>> -> memref<10000x128xf32, #tpu.memory_space<hbm>>
        tpu.wait_indirect_dma semaphore(%arg11 : memref<!tpu.dma_semaphore, #tpu.memory_space<semaphore_mem>>) src(%dma_wait3A_278 : memref<10000x128xf32, #tpu.memory_space<hbm>>) dst(%dma_wait3A_272 : memref<64x128xf32, #tpu.memory_space<vmem>>)
        %run_scoped3A_279 = arith.constant 0 : i32
        "tpu.region"() ({
          %run_scoped3A_400 = tpu.sem_alloc : memref<!tpu.dma_semaphore, #tpu.memory_space<semaphore_mem>>
          %dma_start3A_401 = arith.constant 0 : i32
          %dma_start3A_402 = arith.constant 0 : i32
          %dma_start3A_403 = tpu.memref_slice %arg9[%run_scoped3A_279, %dma_start3A_401, %dma_start3A_402] : memref<4x64x128xf32, #tpu.memory_space<vmem>> -> memref<1x64x128xf32, #tpu.memory_space<vmem>>
          %dma_start3A_404 = tpu.memref_squeeze %dma_start3A_403 : memref<1x64x128xf32, #tpu.memory_space<vmem>> -> memref<64x128xf32, #tpu.memory_space<vmem>>
          %dma_start3A_405 = arith.constant 0 : i32
          %dma_start3A_406 = tpu.memref_slice %arg8[%add3A_266, %dma_start3A_405] : memref<32x64xi32, #tpu.memory_space<vmem>> -> memref<1x64xi32, #tpu.memory_space<vmem>>
          %dma_start3A_407 = tpu.memref_squeeze %dma_start3A_406 : memref<1x64xi32, #tpu.memory_space<vmem>> -> memref<64xi32, #tpu.memory_space<vmem>>
          %dma_start3A_408 = arith.constant 0 : i32
          %dma_start3A_409 = arith.constant 0 : i32
          %dma_start3A_410 = tpu.memref_slice %arg10[%dma_start3A_408, %dma_start3A_409] : memref<10240x128xf32, #tpu.memory_space<vmem_shared>> -> memref<10240x128xf32, #tpu.memory_space<vmem_shared>>
          tpu.enqueue_indirect_dma source(%dma_start3A_404 : memref<64x128xf32, #tpu.memory_space<vmem>>) target(%dma_start3A_410 : memref<10240x128xf32, #tpu.memory_space<vmem_shared>>) offsets(%dma_start3A_407 : memref<64xi32, #tpu.memory_space<vmem>>) semaphore(%run_scoped3A_400 : memref<!tpu.dma_semaphore, #tpu.memory_space<semaphore_mem>>) {add = true}
          %dma_wait3A_411 = arith.constant 0 : i32
          %dma_wait3A_412 = arith.constant 0 : i32
          %dma_wait3A_413 = tpu.memref_slice %arg9[%run_scoped3A_279, %dma_wait3A_411, %dma_wait3A_412] : memref<4x64x128xf32, #tpu.memory_space<vmem>> -> memref<1x64x128xf32, #tpu.memory_space<vmem>>
          %dma_wait3A_414 = tpu.memref_squeeze %dma_wait3A_413 : memref<1x64x128xf32, #tpu.memory_space<vmem>> -> memref<64x128xf32, #tpu.memory_space<vmem>>
          %dma_wait3A_415 = arith.constant 0 : i32
          %dma_wait3A_416 = tpu.memref_slice %arg8[%add3A_266, %dma_wait3A_415] : memref<32x64xi32, #tpu.memory_space<vmem>> -> memref<1x64xi32, #tpu.memory_space<vmem>>
          %dma_wait3A_417 = tpu.memref_squeeze %dma_wait3A_416 : memref<1x64xi32, #tpu.memory_space<vmem>> -> memref<64xi32, #tpu.memory_space<vmem>>
          %dma_wait3A_418 = arith.constant 0 : i32
          %dma_wait3A_419 = arith.constant 0 : i32
          %dma_wait3A_420 = tpu.memref_slice %arg10[%dma_wait3A_418, %dma_wait3A_419] : memref<10240x128xf32, #tpu.memory_space<vmem_shared>> -> memref<10240x128xf32, #tpu.memory_space<vmem_shared>>
          tpu.wait_indirect_dma semaphore(%run_scoped3A_400 : memref<!tpu.dma_semaphore, #tpu.memory_space<semaphore_mem>>) src(%dma_wait3A_414 : memref<64x128xf32, #tpu.memory_space<vmem>>) dst(%dma_wait3A_420 : memref<10240x128xf32, #tpu.memory_space<vmem_shared>>)
          tpu.yield
        }) : () -> ()
        %add3A_280 = arith.constant 4 : i32
        %add3A_281 = arith.addi %add3A_266, %add3A_280 : i32
        %lt3A = arith.constant 32 : i32
        %lt3A_282 = arith.cmpi slt, %add3A_281, %lt3A : i32
        %add3A_283 = arith.constant 4 : i32
        %add3A_284 = arith.addi %add3A_266, %add3A_283 : i32
        %jit3A_285 = arith.constant 0 : i32
        %select_n3A_286 = arith.select %lt3A_282, %add3A_284, %jit3A_285 : i32
        %dma_start3A_287 = arith.constant 0 : i32
        %dma_start3A_288 = arith.constant 0 : i32
        %dma_start3A_289 = arith.constant 0 : i32
        %dma_start3A_290 = tpu.memref_slice %arg9[%dma_start3A_287, %dma_start3A_288, %dma_start3A_289] : memref<4x64x128xf32, #tpu.memory_space<vmem>> -> memref<1x64x128xf32, #tpu.memory_space<vmem>>
        %dma_start3A_291 = tpu.memref_squeeze %dma_start3A_290 : memref<1x64x128xf32, #tpu.memory_space<vmem>> -> memref<64x128xf32, #tpu.memory_space<vmem>>
        %dma_start3A_292 = arith.constant 0 : i32
        %dma_start3A_293 = tpu.memref_slice %arg7[%select_n3A_286, %dma_start3A_292] : memref<32x64xi32, #tpu.memory_space<vmem>> -> memref<1x64xi32, #tpu.memory_space<vmem>>
        %dma_start3A_294 = tpu.memref_squeeze %dma_start3A_293 : memref<1x64xi32, #tpu.memory_space<vmem>> -> memref<64xi32, #tpu.memory_space<vmem>>
        %dma_start3A_295 = arith.constant 0 : i32
        %dma_start3A_296 = arith.constant 0 : i32
        %dma_start3A_297 = tpu.memref_slice %arg4[%dma_start3A_295, %dma_start3A_296] : memref<10000x128xf32, #tpu.memory_space<hbm>> -> memref<10000x128xf32, #tpu.memory_space<hbm>>
        tpu.enqueue_indirect_dma source(%dma_start3A_297 : memref<10000x128xf32, #tpu.memory_space<hbm>>) target(%dma_start3A_291 : memref<64x128xf32, #tpu.memory_space<vmem>>) offsets(%dma_start3A_294 : memref<64xi32, #tpu.memory_space<vmem>>) semaphore(%arg11 : memref<!tpu.dma_semaphore, #tpu.memory_space<semaphore_mem>>)
        %add3A_298 = arith.constant 1 : i32
        %add3A_299 = arith.addi %mul3A_264, %add3A_298 : i32
        %dma_wait3A_300 = arith.constant 0 : i32
        %dma_wait3A_301 = arith.constant 1 : i32
        %dma_wait3A_302 = arith.constant 0 : i32
        %dma_wait3A_303 = arith.constant 0 : i32
        %dma_wait3A_304 = tpu.memref_slice %arg9[%dma_wait3A_301, %dma_wait3A_302, %dma_wait3A_303] : memref<4x64x128xf32, #tpu.memory_space<vmem>> -> memref<1x64x128xf32, #tpu.memory_space<vmem>>
        %dma_wait3A_305 = tpu.memref_squeeze %dma_wait3A_304 : memref<1x64x128xf32, #tpu.memory_space<vmem>> -> memref<64x128xf32, #tpu.memory_space<vmem>>
        %dma_wait3A_306 = arith.constant 0 : i32
        %dma_wait3A_307 = tpu.memref_slice %arg7[%dma_wait3A_300, %dma_wait3A_306] : memref<32x64xi32, #tpu.memory_space<vmem>> -> memref<1x64xi32, #tpu.memory_space<vmem>>
        %dma_wait3A_308 = tpu.memref_squeeze %dma_wait3A_307 : memref<1x64xi32, #tpu.memory_space<vmem>> -> memref<64xi32, #tpu.memory_space<vmem>>
        %dma_wait3A_309 = arith.constant 0 : i32
        %dma_wait3A_310 = arith.constant 0 : i32
        %dma_wait3A_311 = tpu.memref_slice %arg4[%dma_wait3A_309, %dma_wait3A_310] : memref<10000x128xf32, #tpu.memory_space<hbm>> -> memref<10000x128xf32, #tpu.memory_space<hbm>>
        tpu.wait_indirect_dma semaphore(%arg12 : memref<!tpu.dma_semaphore, #tpu.memory_space<semaphore_mem>>) src(%dma_wait3A_311 : memref<10000x128xf32, #tpu.memory_space<hbm>>) dst(%dma_wait3A_305 : memref<64x128xf32, #tpu.memory_space<vmem>>)
        %run_scoped3A_312 = arith.constant 1 : i32
        "tpu.region"() ({
          %run_scoped3A_400 = tpu.sem_alloc : memref<!tpu.dma_semaphore, #tpu.memory_space<semaphore_mem>>
          %dma_start3A_401 = arith.constant 0 : i32
          %dma_start3A_402 = arith.constant 0 : i32
          %dma_start3A_403 = tpu.memref_slice %arg9[%run_scoped3A_312, %dma_start3A_401, %dma_start3A_402] : memref<4x64x128xf32, #tpu.memory_space<vmem>> -> memref<1x64x128xf32, #tpu.memory_space<vmem>>
          %dma_start3A_404 = tpu.memref_squeeze %dma_start3A_403 : memref<1x64x128xf32, #tpu.memory_space<vmem>> -> memref<64x128xf32, #tpu.memory_space<vmem>>
          %dma_start3A_405 = arith.constant 0 : i32
          %dma_start3A_406 = tpu.memref_slice %arg8[%add3A_299, %dma_start3A_405] : memref<32x64xi32, #tpu.memory_space<vmem>> -> memref<1x64xi32, #tpu.memory_space<vmem>>
          %dma_start3A_407 = tpu.memref_squeeze %dma_start3A_406 : memref<1x64xi32, #tpu.memory_space<vmem>> -> memref<64xi32, #tpu.memory_space<vmem>>
          %dma_start3A_408 = arith.constant 0 : i32
          %dma_start3A_409 = arith.constant 0 : i32
          %dma_start3A_410 = tpu.memref_slice %arg10[%dma_start3A_408, %dma_start3A_409] : memref<10240x128xf32, #tpu.memory_space<vmem_shared>> -> memref<10240x128xf32, #tpu.memory_space<vmem_shared>>
          tpu.enqueue_indirect_dma source(%dma_start3A_404 : memref<64x128xf32, #tpu.memory_space<vmem>>) target(%dma_start3A_410 : memref<10240x128xf32, #tpu.memory_space<vmem_shared>>) offsets(%dma_start3A_407 : memref<64xi32, #tpu.memory_space<vmem>>) semaphore(%run_scoped3A_400 : memref<!tpu.dma_semaphore, #tpu.memory_space<semaphore_mem>>) {add = true}
          %dma_wait3A_411 = arith.constant 0 : i32
          %dma_wait3A_412 = arith.constant 0 : i32
          %dma_wait3A_413 = tpu.memref_slice %arg9[%run_scoped3A_312, %dma_wait3A_411, %dma_wait3A_412] : memref<4x64x128xf32, #tpu.memory_space<vmem>> -> memref<1x64x128xf32, #tpu.memory_space<vmem>>
          %dma_wait3A_414 = tpu.memref_squeeze %dma_wait3A_413 : memref<1x64x128xf32, #tpu.memory_space<vmem>> -> memref<64x128xf32, #tpu.memory_space<vmem>>
          %dma_wait3A_415 = arith.constant 0 : i32
          %dma_wait3A_416 = tpu.memref_slice %arg8[%add3A_299, %dma_wait3A_415] : memref<32x64xi32, #tpu.memory_space<vmem>> -> memref<1x64xi32, #tpu.memory_space<vmem>>
          %dma_wait3A_417 = tpu.memref_squeeze %dma_wait3A_416 : memref<1x64xi32, #tpu.memory_space<vmem>> -> memref<64xi32, #tpu.memory_space<vmem>>
          %dma_wait3A_418 = arith.constant 0 : i32
          %dma_wait3A_419 = arith.constant 0 : i32
          %dma_wait3A_420 = tpu.memref_slice %arg10[%dma_wait3A_418, %dma_wait3A_419] : memref<10240x128xf32, #tpu.memory_space<vmem_shared>> -> memref<10240x128xf32, #tpu.memory_space<vmem_shared>>
          tpu.wait_indirect_dma semaphore(%run_scoped3A_400 : memref<!tpu.dma_semaphore, #tpu.memory_space<semaphore_mem>>) src(%dma_wait3A_414 : memref<64x128xf32, #tpu.memory_space<vmem>>) dst(%dma_wait3A_420 : memref<10240x128xf32, #tpu.memory_space<vmem_shared>>)
          tpu.yield
        }) : () -> ()
        %add3A_313 = arith.constant 4 : i32
        %add3A_314 = arith.addi %add3A_299, %add3A_313 : i32
        %lt3A_315 = arith.constant 32 : i32
        %lt3A_316 = arith.cmpi slt, %add3A_314, %lt3A_315 : i32
        %add3A_317 = arith.constant 4 : i32
        %add3A_318 = arith.addi %add3A_299, %add3A_317 : i32
        %jit3A_319 = arith.constant 0 : i32
        %select_n3A_320 = arith.select %lt3A_316, %add3A_318, %jit3A_319 : i32
        %dma_start3A_321 = arith.constant 1 : i32
        %dma_start3A_322 = arith.constant 0 : i32
        %dma_start3A_323 = arith.constant 0 : i32
        %dma_start3A_324 = tpu.memref_slice %arg9[%dma_start3A_321, %dma_start3A_322, %dma_start3A_323] : memref<4x64x128xf32, #tpu.memory_space<vmem>> -> memref<1x64x128xf32, #tpu.memory_space<vmem>>
        %dma_start3A_325 = tpu.memref_squeeze %dma_start3A_324 : memref<1x64x128xf32, #tpu.memory_space<vmem>> -> memref<64x128xf32, #tpu.memory_space<vmem>>
        %dma_start3A_326 = arith.constant 0 : i32
        %dma_start3A_327 = tpu.memref_slice %arg7[%select_n3A_320, %dma_start3A_326] : memref<32x64xi32, #tpu.memory_space<vmem>> -> memref<1x64xi32, #tpu.memory_space<vmem>>
        %dma_start3A_328 = tpu.memref_squeeze %dma_start3A_327 : memref<1x64xi32, #tpu.memory_space<vmem>> -> memref<64xi32, #tpu.memory_space<vmem>>
        %dma_start3A_329 = arith.constant 0 : i32
        %dma_start3A_330 = arith.constant 0 : i32
        %dma_start3A_331 = tpu.memref_slice %arg4[%dma_start3A_329, %dma_start3A_330] : memref<10000x128xf32, #tpu.memory_space<hbm>> -> memref<10000x128xf32, #tpu.memory_space<hbm>>
        tpu.enqueue_indirect_dma source(%dma_start3A_331 : memref<10000x128xf32, #tpu.memory_space<hbm>>) target(%dma_start3A_325 : memref<64x128xf32, #tpu.memory_space<vmem>>) offsets(%dma_start3A_328 : memref<64xi32, #tpu.memory_space<vmem>>) semaphore(%arg12 : memref<!tpu.dma_semaphore, #tpu.memory_space<semaphore_mem>>)
        %add3A_332 = arith.constant 2 : i32
        %add3A_333 = arith.addi %mul3A_264, %add3A_332 : i32
        %dma_wait3A_334 = arith.constant 0 : i32
        %dma_wait3A_335 = arith.constant 2 : i32
        %dma_wait3A_336 = arith.constant 0 : i32
        %dma_wait3A_337 = arith.constant 0 : i32
        %dma_wait3A_338 = tpu.memref_slice %arg9[%dma_wait3A_335, %dma_wait3A_336, %dma_wait3A_337] : memref<4x64x128xf32, #tpu.memory_space<vmem>> -> memref<1x64x128xf32, #tpu.memory_space<vmem>>
        %dma_wait3A_339 = tpu.memref_squeeze %dma_wait3A_338 : memref<1x64x128xf32, #tpu.memory_space<vmem>> -> memref<64x128xf32, #tpu.memory_space<vmem>>
        %dma_wait3A_340 = arith.constant 0 : i32
        %dma_wait3A_341 = tpu.memref_slice %arg7[%dma_wait3A_334, %dma_wait3A_340] : memref<32x64xi32, #tpu.memory_space<vmem>> -> memref<1x64xi32, #tpu.memory_space<vmem>>
        %dma_wait3A_342 = tpu.memref_squeeze %dma_wait3A_341 : memref<1x64xi32, #tpu.memory_space<vmem>> -> memref<64xi32, #tpu.memory_space<vmem>>
        %dma_wait3A_343 = arith.constant 0 : i32
        %dma_wait3A_344 = arith.constant 0 : i32
        %dma_wait3A_345 = tpu.memref_slice %arg4[%dma_wait3A_343, %dma_wait3A_344] : memref<10000x128xf32, #tpu.memory_space<hbm>> -> memref<10000x128xf32, #tpu.memory_space<hbm>>
        tpu.wait_indirect_dma semaphore(%arg13 : memref<!tpu.dma_semaphore, #tpu.memory_space<semaphore_mem>>) src(%dma_wait3A_345 : memref<10000x128xf32, #tpu.memory_space<hbm>>) dst(%dma_wait3A_339 : memref<64x128xf32, #tpu.memory_space<vmem>>)
        %run_scoped3A_346 = arith.constant 2 : i32
        "tpu.region"() ({
          %run_scoped3A_400 = tpu.sem_alloc : memref<!tpu.dma_semaphore, #tpu.memory_space<semaphore_mem>>
          %dma_start3A_401 = arith.constant 0 : i32
          %dma_start3A_402 = arith.constant 0 : i32
          %dma_start3A_403 = tpu.memref_slice %arg9[%run_scoped3A_346, %dma_start3A_401, %dma_start3A_402] : memref<4x64x128xf32, #tpu.memory_space<vmem>> -> memref<1x64x128xf32, #tpu.memory_space<vmem>>
          %dma_start3A_404 = tpu.memref_squeeze %dma_start3A_403 : memref<1x64x128xf32, #tpu.memory_space<vmem>> -> memref<64x128xf32, #tpu.memory_space<vmem>>
          %dma_start3A_405 = arith.constant 0 : i32
          %dma_start3A_406 = tpu.memref_slice %arg8[%add3A_333, %dma_start3A_405] : memref<32x64xi32, #tpu.memory_space<vmem>> -> memref<1x64xi32, #tpu.memory_space<vmem>>
          %dma_start3A_407 = tpu.memref_squeeze %dma_start3A_406 : memref<1x64xi32, #tpu.memory_space<vmem>> -> memref<64xi32, #tpu.memory_space<vmem>>
          %dma_start3A_408 = arith.constant 0 : i32
          %dma_start3A_409 = arith.constant 0 : i32
          %dma_start3A_410 = tpu.memref_slice %arg10[%dma_start3A_408, %dma_start3A_409] : memref<10240x128xf32, #tpu.memory_space<vmem_shared>> -> memref<10240x128xf32, #tpu.memory_space<vmem_shared>>
          tpu.enqueue_indirect_dma source(%dma_start3A_404 : memref<64x128xf32, #tpu.memory_space<vmem>>) target(%dma_start3A_410 : memref<10240x128xf32, #tpu.memory_space<vmem_shared>>) offsets(%dma_start3A_407 : memref<64xi32, #tpu.memory_space<vmem>>) semaphore(%run_scoped3A_400 : memref<!tpu.dma_semaphore, #tpu.memory_space<semaphore_mem>>) {add = true}
          %dma_wait3A_411 = arith.constant 0 : i32
          %dma_wait3A_412 = arith.constant 0 : i32
          %dma_wait3A_413 = tpu.memref_slice %arg9[%run_scoped3A_346, %dma_wait3A_411, %dma_wait3A_412] : memref<4x64x128xf32, #tpu.memory_space<vmem>> -> memref<1x64x128xf32, #tpu.memory_space<vmem>>
          %dma_wait3A_414 = tpu.memref_squeeze %dma_wait3A_413 : memref<1x64x128xf32, #tpu.memory_space<vmem>> -> memref<64x128xf32, #tpu.memory_space<vmem>>
          %dma_wait3A_415 = arith.constant 0 : i32
          %dma_wait3A_416 = tpu.memref_slice %arg8[%add3A_333, %dma_wait3A_415] : memref<32x64xi32, #tpu.memory_space<vmem>> -> memref<1x64xi32, #tpu.memory_space<vmem>>
          %dma_wait3A_417 = tpu.memref_squeeze %dma_wait3A_416 : memref<1x64xi32, #tpu.memory_space<vmem>> -> memref<64xi32, #tpu.memory_space<vmem>>
          %dma_wait3A_418 = arith.constant 0 : i32
          %dma_wait3A_419 = arith.constant 0 : i32
          %dma_wait3A_420 = tpu.memref_slice %arg10[%dma_wait3A_418, %dma_wait3A_419] : memref<10240x128xf32, #tpu.memory_space<vmem_shared>> -> memref<10240x128xf32, #tpu.memory_space<vmem_shared>>
          tpu.wait_indirect_dma semaphore(%run_scoped3A_400 : memref<!tpu.dma_semaphore, #tpu.memory_space<semaphore_mem>>) src(%dma_wait3A_414 : memref<64x128xf32, #tpu.memory_space<vmem>>) dst(%dma_wait3A_420 : memref<10240x128xf32, #tpu.memory_space<vmem_shared>>)
          tpu.yield
        }) : () -> ()
        %add3A_347 = arith.constant 4 : i32
        %add3A_348 = arith.addi %add3A_333, %add3A_347 : i32
        %lt3A_349 = arith.constant 32 : i32
        %lt3A_350 = arith.cmpi slt, %add3A_348, %lt3A_349 : i32
        %add3A_351 = arith.constant 4 : i32
        %add3A_352 = arith.addi %add3A_333, %add3A_351 : i32
        %jit3A_353 = arith.constant 0 : i32
        %select_n3A_354 = arith.select %lt3A_350, %add3A_352, %jit3A_353 : i32
        %dma_start3A_355 = arith.constant 2 : i32
        %dma_start3A_356 = arith.constant 0 : i32
        %dma_start3A_357 = arith.constant 0 : i32
        %dma_start3A_358 = tpu.memref_slice %arg9[%dma_start3A_355, %dma_start3A_356, %dma_start3A_357] : memref<4x64x128xf32, #tpu.memory_space<vmem>> -> memref<1x64x128xf32, #tpu.memory_space<vmem>>
        %dma_start3A_359 = tpu.memref_squeeze %dma_start3A_358 : memref<1x64x128xf32, #tpu.memory_space<vmem>> -> memref<64x128xf32, #tpu.memory_space<vmem>>
        %dma_start3A_360 = arith.constant 0 : i32
        %dma_start3A_361 = tpu.memref_slice %arg7[%select_n3A_354, %dma_start3A_360] : memref<32x64xi32, #tpu.memory_space<vmem>> -> memref<1x64xi32, #tpu.memory_space<vmem>>
        %dma_start3A_362 = tpu.memref_squeeze %dma_start3A_361 : memref<1x64xi32, #tpu.memory_space<vmem>> -> memref<64xi32, #tpu.memory_space<vmem>>
        %dma_start3A_363 = arith.constant 0 : i32
        %dma_start3A_364 = arith.constant 0 : i32
        %dma_start3A_365 = tpu.memref_slice %arg4[%dma_start3A_363, %dma_start3A_364] : memref<10000x128xf32, #tpu.memory_space<hbm>> -> memref<10000x128xf32, #tpu.memory_space<hbm>>
        tpu.enqueue_indirect_dma source(%dma_start3A_365 : memref<10000x128xf32, #tpu.memory_space<hbm>>) target(%dma_start3A_359 : memref<64x128xf32, #tpu.memory_space<vmem>>) offsets(%dma_start3A_362 : memref<64xi32, #tpu.memory_space<vmem>>) semaphore(%arg13 : memref<!tpu.dma_semaphore, #tpu.memory_space<semaphore_mem>>)
        %add3A_366 = arith.constant 3 : i32
        %add3A_367 = arith.addi %mul3A_264, %add3A_366 : i32
        %dma_wait3A_368 = arith.constant 0 : i32
        %dma_wait3A_369 = arith.constant 3 : i32
        %dma_wait3A_370 = arith.constant 0 : i32
        %dma_wait3A_371 = arith.constant 0 : i32
        %dma_wait3A_372 = tpu.memref_slice %arg9[%dma_wait3A_369, %dma_wait3A_370, %dma_wait3A_371] : memref<4x64x128xf32, #tpu.memory_space<vmem>> -> memref<1x64x128xf32, #tpu.memory_space<vmem>>
        %dma_wait3A_373 = tpu.memref_squeeze %dma_wait3A_372 : memref<1x64x128xf32, #tpu.memory_space<vmem>> -> memref<64x128xf32, #tpu.memory_space<vmem>>
        %dma_wait3A_374 = arith.constant 0 : i32
        %dma_wait3A_375 = tpu.memref_slice %arg7[%dma_wait3A_368, %dma_wait3A_374] : memref<32x64xi32, #tpu.memory_space<vmem>> -> memref<1x64xi32, #tpu.memory_space<vmem>>
        %dma_wait3A_376 = tpu.memref_squeeze %dma_wait3A_375 : memref<1x64xi32, #tpu.memory_space<vmem>> -> memref<64xi32, #tpu.memory_space<vmem>>
        %dma_wait3A_377 = arith.constant 0 : i32
        %dma_wait3A_378 = arith.constant 0 : i32
        %dma_wait3A_379 = tpu.memref_slice %arg4[%dma_wait3A_377, %dma_wait3A_378] : memref<10000x128xf32, #tpu.memory_space<hbm>> -> memref<10000x128xf32, #tpu.memory_space<hbm>>
        tpu.wait_indirect_dma semaphore(%arg14 : memref<!tpu.dma_semaphore, #tpu.memory_space<semaphore_mem>>) src(%dma_wait3A_379 : memref<10000x128xf32, #tpu.memory_space<hbm>>) dst(%dma_wait3A_373 : memref<64x128xf32, #tpu.memory_space<vmem>>)
        %run_scoped3A_380 = arith.constant 3 : i32
        "tpu.region"() ({
          %run_scoped3A_400 = tpu.sem_alloc : memref<!tpu.dma_semaphore, #tpu.memory_space<semaphore_mem>>
          %dma_start3A_401 = arith.constant 0 : i32
          %dma_start3A_402 = arith.constant 0 : i32
          %dma_start3A_403 = tpu.memref_slice %arg9[%run_scoped3A_380, %dma_start3A_401, %dma_start3A_402] : memref<4x64x128xf32, #tpu.memory_space<vmem>> -> memref<1x64x128xf32, #tpu.memory_space<vmem>>
          %dma_start3A_404 = tpu.memref_squeeze %dma_start3A_403 : memref<1x64x128xf32, #tpu.memory_space<vmem>> -> memref<64x128xf32, #tpu.memory_space<vmem>>
          %dma_start3A_405 = arith.constant 0 : i32
          %dma_start3A_406 = tpu.memref_slice %arg8[%add3A_367, %dma_start3A_405] : memref<32x64xi32, #tpu.memory_space<vmem>> -> memref<1x64xi32, #tpu.memory_space<vmem>>
          %dma_start3A_407 = tpu.memref_squeeze %dma_start3A_406 : memref<1x64xi32, #tpu.memory_space<vmem>> -> memref<64xi32, #tpu.memory_space<vmem>>
          %dma_start3A_408 = arith.constant 0 : i32
          %dma_start3A_409 = arith.constant 0 : i32
          %dma_start3A_410 = tpu.memref_slice %arg10[%dma_start3A_408, %dma_start3A_409] : memref<10240x128xf32, #tpu.memory_space<vmem_shared>> -> memref<10240x128xf32, #tpu.memory_space<vmem_shared>>
          tpu.enqueue_indirect_dma source(%dma_start3A_404 : memref<64x128xf32, #tpu.memory_space<vmem>>) target(%dma_start3A_410 : memref<10240x128xf32, #tpu.memory_space<vmem_shared>>) offsets(%dma_start3A_407 : memref<64xi32, #tpu.memory_space<vmem>>) semaphore(%run_scoped3A_400 : memref<!tpu.dma_semaphore, #tpu.memory_space<semaphore_mem>>) {add = true}
          %dma_wait3A_411 = arith.constant 0 : i32
          %dma_wait3A_412 = arith.constant 0 : i32
          %dma_wait3A_413 = tpu.memref_slice %arg9[%run_scoped3A_380, %dma_wait3A_411, %dma_wait3A_412] : memref<4x64x128xf32, #tpu.memory_space<vmem>> -> memref<1x64x128xf32, #tpu.memory_space<vmem>>
          %dma_wait3A_414 = tpu.memref_squeeze %dma_wait3A_413 : memref<1x64x128xf32, #tpu.memory_space<vmem>> -> memref<64x128xf32, #tpu.memory_space<vmem>>
          %dma_wait3A_415 = arith.constant 0 : i32
          %dma_wait3A_416 = tpu.memref_slice %arg8[%add3A_367, %dma_wait3A_415] : memref<32x64xi32, #tpu.memory_space<vmem>> -> memref<1x64xi32, #tpu.memory_space<vmem>>
          %dma_wait3A_417 = tpu.memref_squeeze %dma_wait3A_416 : memref<1x64xi32, #tpu.memory_space<vmem>> -> memref<64xi32, #tpu.memory_space<vmem>>
          %dma_wait3A_418 = arith.constant 0 : i32
          %dma_wait3A_419 = arith.constant 0 : i32
          %dma_wait3A_420 = tpu.memref_slice %arg10[%dma_wait3A_418, %dma_wait3A_419] : memref<10240x128xf32, #tpu.memory_space<vmem_shared>> -> memref<10240x128xf32, #tpu.memory_space<vmem_shared>>
          tpu.wait_indirect_dma semaphore(%run_scoped3A_400 : memref<!tpu.dma_semaphore, #tpu.memory_space<semaphore_mem>>) src(%dma_wait3A_414 : memref<64x128xf32, #tpu.memory_space<vmem>>) dst(%dma_wait3A_420 : memref<10240x128xf32, #tpu.memory_space<vmem_shared>>)
          tpu.yield
        }) : () -> ()
        %add3A_381 = arith.constant 4 : i32
        %add3A_382 = arith.addi %add3A_367, %add3A_381 : i32
        %lt3A_383 = arith.constant 32 : i32
        %lt3A_384 = arith.cmpi slt, %add3A_382, %lt3A_383 : i32
        %add3A_385 = arith.constant 4 : i32
        %add3A_386 = arith.addi %add3A_367, %add3A_385 : i32
        %jit3A_387 = arith.constant 0 : i32
        %select_n3A_388 = arith.select %lt3A_384, %add3A_386, %jit3A_387 : i32
        %dma_start3A_389 = arith.constant 3 : i32
        %dma_start3A_390 = arith.constant 0 : i32
        %dma_start3A_391 = arith.constant 0 : i32
        %dma_start3A_392 = tpu.memref_slice %arg9[%dma_start3A_389, %dma_start3A_390, %dma_start3A_391] : memref<4x64x128xf32, #tpu.memory_space<vmem>> -> memref<1x64x128xf32, #tpu.memory_space<vmem>>
        %dma_start3A_393 = tpu.memref_squeeze %dma_start3A_392 : memref<1x64x128xf32, #tpu.memory_space<vmem>> -> memref<64x128xf32, #tpu.memory_space<vmem>>
        %dma_start3A_394 = arith.constant 0 : i32
        %dma_start3A_395 = tpu.memref_slice %arg7[%select_n3A_388, %dma_start3A_394] : memref<32x64xi32, #tpu.memory_space<vmem>> -> memref<1x64xi32, #tpu.memory_space<vmem>>
        %dma_start3A_396 = tpu.memref_squeeze %dma_start3A_395 : memref<1x64xi32, #tpu.memory_space<vmem>> -> memref<64xi32, #tpu.memory_space<vmem>>
        %dma_start3A_397 = arith.constant 0 : i32
        %dma_start3A_398 = arith.constant 0 : i32
        %dma_start3A_399 = tpu.memref_slice %arg4[%dma_start3A_397, %dma_start3A_398] : memref<10000x128xf32, #tpu.memory_space<hbm>> -> memref<10000x128xf32, #tpu.memory_space<hbm>>
        tpu.enqueue_indirect_dma source(%dma_start3A_399 : memref<10000x128xf32, #tpu.memory_space<hbm>>) target(%dma_start3A_393 : memref<64x128xf32, #tpu.memory_space<vmem>>) offsets(%dma_start3A_396 : memref<64xi32, #tpu.memory_space<vmem>>) semaphore(%arg14 : memref<!tpu.dma_semaphore, #tpu.memory_space<semaphore_mem>>)
      }
      %scan3A_214 = arith.constant 8 : i32
      %dma_wait3A = arith.constant 0 : i32
      %dma_wait3A_215 = arith.constant 0 : i32
      %dma_wait3A_216 = arith.constant 0 : i32
      %dma_wait3A_217 = arith.constant 0 : i32
      %dma_wait3A_218 = tpu.memref_slice %arg9[%dma_wait3A_215, %dma_wait3A_216, %dma_wait3A_217] : memref<4x64x128xf32, #tpu.memory_space<vmem>> -> memref<1x64x128xf32, #tpu.memory_space<vmem>>
      %dma_wait3A_219 = tpu.memref_squeeze %dma_wait3A_218 : memref<1x64x128xf32, #tpu.memory_space<vmem>> -> memref<64x128xf32, #tpu.memory_space<vmem>>
      %dma_wait3A_220 = arith.constant 0 : i32
      %dma_wait3A_221 = tpu.memref_slice %arg7[%dma_wait3A, %dma_wait3A_220] : memref<32x64xi32, #tpu.memory_space<vmem>> -> memref<1x64xi32, #tpu.memory_space<vmem>>
      %dma_wait3A_222 = tpu.memref_squeeze %dma_wait3A_221 : memref<1x64xi32, #tpu.memory_space<vmem>> -> memref<64xi32, #tpu.memory_space<vmem>>
      %dma_wait3A_223 = arith.constant 0 : i32
      %dma_wait3A_224 = arith.constant 0 : i32
      %dma_wait3A_225 = tpu.memref_slice %arg4[%dma_wait3A_223, %dma_wait3A_224] : memref<10000x128xf32, #tpu.memory_space<hbm>> -> memref<10000x128xf32, #tpu.memory_space<hbm>>
      tpu.wait_indirect_dma semaphore(%arg11 : memref<!tpu.dma_semaphore, #tpu.memory_space<semaphore_mem>>) src(%dma_wait3A_225 : memref<10000x128xf32, #tpu.memory_space<hbm>>) dst(%dma_wait3A_219 : memref<64x128xf32, #tpu.memory_space<vmem>>)
      %dma_wait3A_226 = arith.constant 0 : i32
      %dma_wait3A_227 = arith.constant 1 : i32
      %dma_wait3A_228 = arith.constant 0 : i32
      %dma_wait3A_229 = arith.constant 0 : i32
      %dma_wait3A_230 = tpu.memref_slice %arg9[%dma_wait3A_227, %dma_wait3A_228, %dma_wait3A_229] : memref<4x64x128xf32, #tpu.memory_space<vmem>> -> memref<1x64x128xf32, #tpu.memory_space<vmem>>
      %dma_wait3A_231 = tpu.memref_squeeze %dma_wait3A_230 : memref<1x64x128xf32, #tpu.memory_space<vmem>> -> memref<64x128xf32, #tpu.memory_space<vmem>>
      %dma_wait3A_232 = arith.constant 0 : i32
      %dma_wait3A_233 = tpu.memref_slice %arg7[%dma_wait3A_226, %dma_wait3A_232] : memref<32x64xi32, #tpu.memory_space<vmem>> -> memref<1x64xi32, #tpu.memory_space<vmem>>
      %dma_wait3A_234 = tpu.memref_squeeze %dma_wait3A_233 : memref<1x64xi32, #tpu.memory_space<vmem>> -> memref<64xi32, #tpu.memory_space<vmem>>
      %dma_wait3A_235 = arith.constant 0 : i32
      %dma_wait3A_236 = arith.constant 0 : i32
      %dma_wait3A_237 = tpu.memref_slice %arg4[%dma_wait3A_235, %dma_wait3A_236] : memref<10000x128xf32, #tpu.memory_space<hbm>> -> memref<10000x128xf32, #tpu.memory_space<hbm>>
      tpu.wait_indirect_dma semaphore(%arg12 : memref<!tpu.dma_semaphore, #tpu.memory_space<semaphore_mem>>) src(%dma_wait3A_237 : memref<10000x128xf32, #tpu.memory_space<hbm>>) dst(%dma_wait3A_231 : memref<64x128xf32, #tpu.memory_space<vmem>>)
      %dma_wait3A_238 = arith.constant 0 : i32
      %dma_wait3A_239 = arith.constant 2 : i32
      %dma_wait3A_240 = arith.constant 0 : i32
      %dma_wait3A_241 = arith.constant 0 : i32
      %dma_wait3A_242 = tpu.memref_slice %arg9[%dma_wait3A_239, %dma_wait3A_240, %dma_wait3A_241] : memref<4x64x128xf32, #tpu.memory_space<vmem>> -> memref<1x64x128xf32, #tpu.memory_space<vmem>>
      %dma_wait3A_243 = tpu.memref_squeeze %dma_wait3A_242 : memref<1x64x128xf32, #tpu.memory_space<vmem>> -> memref<64x128xf32, #tpu.memory_space<vmem>>
      %dma_wait3A_244 = arith.constant 0 : i32
      %dma_wait3A_245 = tpu.memref_slice %arg7[%dma_wait3A_238, %dma_wait3A_244] : memref<32x64xi32, #tpu.memory_space<vmem>> -> memref<1x64xi32, #tpu.memory_space<vmem>>
      %dma_wait3A_246 = tpu.memref_squeeze %dma_wait3A_245 : memref<1x64xi32, #tpu.memory_space<vmem>> -> memref<64xi32, #tpu.memory_space<vmem>>
      %dma_wait3A_247 = arith.constant 0 : i32
      %dma_wait3A_248 = arith.constant 0 : i32
      %dma_wait3A_249 = tpu.memref_slice %arg4[%dma_wait3A_247, %dma_wait3A_248] : memref<10000x128xf32, #tpu.memory_space<hbm>> -> memref<10000x128xf32, #tpu.memory_space<hbm>>
      tpu.wait_indirect_dma semaphore(%arg13 : memref<!tpu.dma_semaphore, #tpu.memory_space<semaphore_mem>>) src(%dma_wait3A_249 : memref<10000x128xf32, #tpu.memory_space<hbm>>) dst(%dma_wait3A_243 : memref<64x128xf32, #tpu.memory_space<vmem>>)
      %dma_wait3A_250 = arith.constant 0 : i32
      %dma_wait3A_251 = arith.constant 3 : i32
      %dma_wait3A_252 = arith.constant 0 : i32
      %dma_wait3A_253 = arith.constant 0 : i32
      %dma_wait3A_254 = tpu.memref_slice %arg9[%dma_wait3A_251, %dma_wait3A_252, %dma_wait3A_253] : memref<4x64x128xf32, #tpu.memory_space<vmem>> -> memref<1x64x128xf32, #tpu.memory_space<vmem>>
      %dma_wait3A_255 = tpu.memref_squeeze %dma_wait3A_254 : memref<1x64x128xf32, #tpu.memory_space<vmem>> -> memref<64x128xf32, #tpu.memory_space<vmem>>
      %dma_wait3A_256 = arith.constant 0 : i32
      %dma_wait3A_257 = tpu.memref_slice %arg7[%dma_wait3A_250, %dma_wait3A_256] : memref<32x64xi32, #tpu.memory_space<vmem>> -> memref<1x64xi32, #tpu.memory_space<vmem>>
      %dma_wait3A_258 = tpu.memref_squeeze %dma_wait3A_257 : memref<1x64xi32, #tpu.memory_space<vmem>> -> memref<64xi32, #tpu.memory_space<vmem>>
      %dma_wait3A_259 = arith.constant 0 : i32
      %dma_wait3A_260 = arith.constant 0 : i32
      %dma_wait3A_261 = tpu.memref_slice %arg4[%dma_wait3A_259, %dma_wait3A_260] : memref<10000x128xf32, #tpu.memory_space<hbm>> -> memref<10000x128xf32, #tpu.memory_space<hbm>>
      tpu.wait_indirect_dma semaphore(%arg14 : memref<!tpu.dma_semaphore, #tpu.memory_space<semaphore_mem>>) src(%dma_wait3A_261 : memref<10000x128xf32, #tpu.memory_space<hbm>>) dst(%dma_wait3A_255 : memref<64x128xf32, #tpu.memory_space<vmem>>)
    }
    %barrier3A_68 = arith.constant 0 : index
    tpu.barrier barrier_id(%barrier3A_68)
    %mul3A_69 = arith.constant 640 : i32
    %mul3A_70 = arith.muli %arg1, %mul3A_69 : i32
    %add3A_71 = arith.constant 0 : i32
    %add3A_72 = arith.addi %mul3A_70, %add3A_71 : i32
    %run_scoped3A_73 = arith.constant 0 : i32
    "tpu.region"() ({
      %run_scoped3A_159 = tpu.sem_alloc : memref<!tpu.dma_semaphore, #tpu.memory_space<semaphore_mem>>
      %dma_start3A = arith.constant 0 : i32
      %dma_start3A_160 = arith.constant 0 : i32
      %dma_start3A_161 = tpu.memref_slice %arg9[%run_scoped3A_73, %dma_start3A, %dma_start3A_160] : memref<4x64x128xf32, #tpu.memory_space<vmem>> -> memref<1x64x128xf32, #tpu.memory_space<vmem>>
      %dma_start3A_162 = tpu.memref_squeeze %dma_start3A_161 : memref<1x64x128xf32, #tpu.memory_space<vmem>> -> memref<64x128xf32, #tpu.memory_space<vmem>>
      %dma_start3A_163 = arith.constant 0 : i32
      %dma_start3A_164 = tpu.memref_slice %arg10[%add3A_72, %dma_start3A_163] : memref<10240x128xf32, #tpu.memory_space<vmem_shared>> -> memref<64x128xf32, #tpu.memory_space<vmem_shared>>
      %dma_start3A_165 = arith.constant 0 : i32
      %dma_start3A_166 = arith.constant 0 : i32
      %dma_start3A_167 = tpu.memref_slice %arg9[%run_scoped3A_73, %dma_start3A_165, %dma_start3A_166] : memref<4x64x128xf32, #tpu.memory_space<vmem>> -> memref<1x64x128xf32, #tpu.memory_space<vmem>>
      %dma_start3A_168 = tpu.memref_squeeze %dma_start3A_167 : memref<1x64x128xf32, #tpu.memory_space<vmem>> -> memref<64x128xf32, #tpu.memory_space<vmem>>
      %dma_start3A_169 = arith.constant 0 : i32
      %dma_start3A_170 = tpu.memref_slice %arg10[%add3A_72, %dma_start3A_169] : memref<10240x128xf32, #tpu.memory_space<vmem_shared>> -> memref<64x128xf32, #tpu.memory_space<vmem_shared>>
      tpu.enqueue_dma source(%dma_start3A_170 : memref<64x128xf32, #tpu.memory_space<vmem_shared>>) target(%dma_start3A_168 : memref<64x128xf32, #tpu.memory_space<vmem>>) target_semaphore(%run_scoped3A_159 : memref<!tpu.dma_semaphore, #tpu.memory_space<semaphore_mem>>)
      %dma_wait3A = arith.constant 0 : i32
      %dma_wait3A_171 = arith.constant 0 : i32
      %dma_wait3A_172 = tpu.memref_slice %arg9[%run_scoped3A_73, %dma_wait3A, %dma_wait3A_171] : memref<4x64x128xf32, #tpu.memory_space<vmem>> -> memref<1x64x128xf32, #tpu.memory_space<vmem>>
      %dma_wait3A_173 = tpu.memref_squeeze %dma_wait3A_172 : memref<1x64x128xf32, #tpu.memory_space<vmem>> -> memref<64x128xf32, #tpu.memory_space<vmem>>
      %dma_wait3A_174 = arith.constant 0 : i32
      %dma_wait3A_175 = tpu.memref_slice %arg10[%add3A_72, %dma_wait3A_174] : memref<10240x128xf32, #tpu.memory_space<vmem_shared>> -> memref<64x128xf32, #tpu.memory_space<vmem_shared>>
      %dma_wait3A_176 = arith.constant 0 : i32
      %dma_wait3A_177 = arith.constant 0 : i32
      %dma_wait3A_178 = tpu.memref_slice %arg9[%run_scoped3A_73, %dma_wait3A_176, %dma_wait3A_177] : memref<4x64x128xf32, #tpu.memory_space<vmem>> -> memref<1x64x128xf32, #tpu.memory_space<vmem>>
      %dma_wait3A_179 = tpu.memref_squeeze %dma_wait3A_178 : memref<1x64x128xf32, #tpu.memory_space<vmem>> -> memref<64x128xf32, #tpu.memory_space<vmem>>
      %dma_wait3A_180 = arith.constant 0 : i32
      %dma_wait3A_181 = tpu.memref_slice %arg10[%add3A_72, %dma_wait3A_180] : memref<10240x128xf32, #tpu.memory_space<vmem_shared>> -> memref<64x128xf32, #tpu.memory_space<vmem_shared>>
      tpu.wait_dma2 semaphore(%run_scoped3A_159 : memref<!tpu.dma_semaphore, #tpu.memory_space<semaphore_mem>>) src(%dma_wait3A_181 : memref<64x128xf32, #tpu.memory_space<vmem_shared>>) dst(%dma_wait3A_179 : memref<64x128xf32, #tpu.memory_space<vmem>>)
      tpu.yield
    }) : () -> ()
    %mul3A_74 = arith.constant 10240 : i32
    %mul3A_75 = arith.muli %arg0, %mul3A_74 : i32
    %add3A_76 = arith.addi %mul3A_75, %add3A_72 : i32
    %run_scoped3A_77 = arith.constant 0 : i32
    "tpu.region"() ({
      %run_scoped3A_159 = tpu.sem_alloc : memref<!tpu.dma_semaphore, #tpu.memory_space<semaphore_mem>>
      %dma_start3A = arith.constant 0 : i32
      %dma_start3A_160 = arith.constant 0 : i32
      %dma_start3A_161 = tpu.memref_slice %arg9[%run_scoped3A_77, %dma_start3A, %dma_start3A_160] : memref<4x64x128xf32, #tpu.memory_space<vmem>> -> memref<1x64x128xf32, #tpu.memory_space<vmem>>
      %dma_start3A_162 = tpu.memref_squeeze %dma_start3A_161 : memref<1x64x128xf32, #tpu.memory_space<vmem>> -> memref<64x128xf32, #tpu.memory_space<vmem>>
      %dma_start3A_163 = arith.constant 0 : i32
      %dma_start3A_164 = tpu.memref_slice %arg6[%add3A_76, %dma_start3A_163] : memref<20480x128xf32, #tpu.memory_space<hbm>> -> memref<64x128xf32, #tpu.memory_space<hbm>>
      %dma_start3A_165 = arith.constant 0 : i32
      %dma_start3A_166 = tpu.memref_slice %arg6[%add3A_76, %dma_start3A_165] : memref<20480x128xf32, #tpu.memory_space<hbm>> -> memref<64x128xf32, #tpu.memory_space<hbm>>
      %dma_start3A_167 = arith.constant 0 : i32
      %dma_start3A_168 = arith.constant 0 : i32
      %dma_start3A_169 = tpu.memref_slice %arg9[%run_scoped3A_77, %dma_start3A_167, %dma_start3A_168] : memref<4x64x128xf32, #tpu.memory_space<vmem>> -> memref<1x64x128xf32, #tpu.memory_space<vmem>>
      %dma_start3A_170 = tpu.memref_squeeze %dma_start3A_169 : memref<1x64x128xf32, #tpu.memory_space<vmem>> -> memref<64x128xf32, #tpu.memory_space<vmem>>
      tpu.enqueue_dma source(%dma_start3A_170 : memref<64x128xf32, #tpu.memory_space<vmem>>) target(%dma_start3A_166 : memref<64x128xf32, #tpu.memory_space<hbm>>) target_semaphore(%run_scoped3A_159 : memref<!tpu.dma_semaphore, #tpu.memory_space<semaphore_mem>>)
      %dma_wait3A = arith.constant 0 : i32
      %dma_wait3A_171 = arith.constant 0 : i32
      %dma_wait3A_172 = tpu.memref_slice %arg9[%run_scoped3A_77, %dma_wait3A, %dma_wait3A_171] : memref<4x64x128xf32, #tpu.memory_space<vmem>> -> memref<1x64x128xf32, #tpu.memory_space<vmem>>
      %dma_wait3A_173 = tpu.memref_squeeze %dma_wait3A_172 : memref<1x64x128xf32, #tpu.memory_space<vmem>> -> memref<64x128xf32, #tpu.memory_space<vmem>>
      %dma_wait3A_174 = arith.constant 0 : i32
      %dma_wait3A_175 = tpu.memref_slice %arg6[%add3A_76, %dma_wait3A_174] : memref<20480x128xf32, #tpu.memory_space<hbm>> -> memref<64x128xf32, #tpu.memory_space<hbm>>
      %dma_wait3A_176 = arith.constant 0 : i32
      %dma_wait3A_177 = tpu.memref_slice %arg6[%add3A_76, %dma_wait3A_176] : memref<20480x128xf32, #tpu.memory_space<hbm>> -> memref<64x128xf32, #tpu.memory_space<hbm>>
      %dma_wait3A_178 = arith.constant 0 : i32
      %dma_wait3A_179 = arith.constant 0 : i32
      %dma_wait3A_180 = tpu.memref_slice %arg9[%run_scoped3A_77, %dma_wait3A_178, %dma_wait3A_179] : memref<4x64x128xf32, #tpu.memory_space<vmem>> -> memref<1x64x128xf32, #tpu.memory_space<vmem>>
      %dma_wait3A_181 = tpu.memref_squeeze %dma_wait3A_180 : memref<1x64x128xf32, #tpu.memory_space<vmem>> -> memref<64x128xf32, #tpu.memory_space<vmem>>
      tpu.wait_dma2 semaphore(%run_scoped3A_159 : memref<!tpu.dma_semaphore, #tpu.memory_space<semaphore_mem>>) src(%dma_wait3A_181 : memref<64x128xf32, #tpu.memory_space<vmem>>) dst(%dma_wait3A_177 : memref<64x128xf32, #tpu.memory_space<hbm>>)
      tpu.yield
    }) : () -> ()
    %mul3A_78 = arith.constant 640 : i32
    %mul3A_79 = arith.muli %arg1, %mul3A_78 : i32
    %add3A_80 = arith.constant 64 : i32
    %add3A_81 = arith.addi %mul3A_79, %add3A_80 : i32
    %run_scoped3A_82 = arith.constant 0 : i32
    "tpu.region"() ({
      %run_scoped3A_159 = tpu.sem_alloc : memref<!tpu.dma_semaphore, #tpu.memory_space<semaphore_mem>>
      %dma_start3A = arith.constant 0 : i32
      %dma_start3A_160 = arith.constant 0 : i32
      %dma_start3A_161 = tpu.memref_slice %arg9[%run_scoped3A_82, %dma_start3A, %dma_start3A_160] : memref<4x64x128xf32, #tpu.memory_space<vmem>> -> memref<1x64x128xf32, #tpu.memory_space<vmem>>
      %dma_start3A_162 = tpu.memref_squeeze %dma_start3A_161 : memref<1x64x128xf32, #tpu.memory_space<vmem>> -> memref<64x128xf32, #tpu.memory_space<vmem>>
      %dma_start3A_163 = arith.constant 0 : i32
      %dma_start3A_164 = tpu.memref_slice %arg10[%add3A_81, %dma_start3A_163] : memref<10240x128xf32, #tpu.memory_space<vmem_shared>> -> memref<64x128xf32, #tpu.memory_space<vmem_shared>>
      %dma_start3A_165 = arith.constant 0 : i32
      %dma_start3A_166 = arith.constant 0 : i32
      %dma_start3A_167 = tpu.memref_slice %arg9[%run_scoped3A_82, %dma_start3A_165, %dma_start3A_166] : memref<4x64x128xf32, #tpu.memory_space<vmem>> -> memref<1x64x128xf32, #tpu.memory_space<vmem>>
      %dma_start3A_168 = tpu.memref_squeeze %dma_start3A_167 : memref<1x64x128xf32, #tpu.memory_space<vmem>> -> memref<64x128xf32, #tpu.memory_space<vmem>>
      %dma_start3A_169 = arith.constant 0 : i32
      %dma_start3A_170 = tpu.memref_slice %arg10[%add3A_81, %dma_start3A_169] : memref<10240x128xf32, #tpu.memory_space<vmem_shared>> -> memref<64x128xf32, #tpu.memory_space<vmem_shared>>
      tpu.enqueue_dma source(%dma_start3A_170 : memref<64x128xf32, #tpu.memory_space<vmem_shared>>) target(%dma_start3A_168 : memref<64x128xf32, #tpu.memory_space<vmem>>) target_semaphore(%run_scoped3A_159 : memref<!tpu.dma_semaphore, #tpu.memory_space<semaphore_mem>>)
      %dma_wait3A = arith.constant 0 : i32
      %dma_wait3A_171 = arith.constant 0 : i32
      %dma_wait3A_172 = tpu.memref_slice %arg9[%run_scoped3A_82, %dma_wait3A, %dma_wait3A_171] : memref<4x64x128xf32, #tpu.memory_space<vmem>> -> memref<1x64x128xf32, #tpu.memory_space<vmem>>
      %dma_wait3A_173 = tpu.memref_squeeze %dma_wait3A_172 : memref<1x64x128xf32, #tpu.memory_space<vmem>> -> memref<64x128xf32, #tpu.memory_space<vmem>>
      %dma_wait3A_174 = arith.constant 0 : i32
      %dma_wait3A_175 = tpu.memref_slice %arg10[%add3A_81, %dma_wait3A_174] : memref<10240x128xf32, #tpu.memory_space<vmem_shared>> -> memref<64x128xf32, #tpu.memory_space<vmem_shared>>
      %dma_wait3A_176 = arith.constant 0 : i32
      %dma_wait3A_177 = arith.constant 0 : i32
      %dma_wait3A_178 = tpu.memref_slice %arg9[%run_scoped3A_82, %dma_wait3A_176, %dma_wait3A_177] : memref<4x64x128xf32, #tpu.memory_space<vmem>> -> memref<1x64x128xf32, #tpu.memory_space<vmem>>
      %dma_wait3A_179 = tpu.memref_squeeze %dma_wait3A_178 : memref<1x64x128xf32, #tpu.memory_space<vmem>> -> memref<64x128xf32, #tpu.memory_space<vmem>>
      %dma_wait3A_180 = arith.constant 0 : i32
      %dma_wait3A_181 = tpu.memref_slice %arg10[%add3A_81, %dma_wait3A_180] : memref<10240x128xf32, #tpu.memory_space<vmem_shared>> -> memref<64x128xf32, #tpu.memory_space<vmem_shared>>
      tpu.wait_dma2 semaphore(%run_scoped3A_159 : memref<!tpu.dma_semaphore, #tpu.memory_space<semaphore_mem>>) src(%dma_wait3A_181 : memref<64x128xf32, #tpu.memory_space<vmem_shared>>) dst(%dma_wait3A_179 : memref<64x128xf32, #tpu.memory_space<vmem>>)
      tpu.yield
    }) : () -> ()
    %mul3A_83 = arith.constant 10240 : i32
    %mul3A_84 = arith.muli %arg0, %mul3A_83 : i32
    %add3A_85 = arith.addi %mul3A_84, %add3A_81 : i32
    %run_scoped3A_86 = arith.constant 0 : i32
    "tpu.region"() ({
      %run_scoped3A_159 = tpu.sem_alloc : memref<!tpu.dma_semaphore, #tpu.memory_space<semaphore_mem>>
      %dma_start3A = arith.constant 0 : i32
      %dma_start3A_160 = arith.constant 0 : i32
      %dma_start3A_161 = tpu.memref_slice %arg9[%run_scoped3A_86, %dma_start3A, %dma_start3A_160] : memref<4x64x128xf32, #tpu.memory_space<vmem>> -> memref<1x64x128xf32, #tpu.memory_space<vmem>>
      %dma_start3A_162 = tpu.memref_squeeze %dma_start3A_161 : memref<1x64x128xf32, #tpu.memory_space<vmem>> -> memref<64x128xf32, #tpu.memory_space<vmem>>
      %dma_start3A_163 = arith.constant 0 : i32
      %dma_start3A_164 = tpu.memref_slice %arg6[%add3A_85, %dma_start3A_163] : memref<20480x128xf32, #tpu.memory_space<hbm>> -> memref<64x128xf32, #tpu.memory_space<hbm>>
      %dma_start3A_165 = arith.constant 0 : i32
      %dma_start3A_166 = tpu.memref_slice %arg6[%add3A_85, %dma_start3A_165] : memref<20480x128xf32, #tpu.memory_space<hbm>> -> memref<64x128xf32, #tpu.memory_space<hbm>>
      %dma_start3A_167 = arith.constant 0 : i32
      %dma_start3A_168 = arith.constant 0 : i32
      %dma_start3A_169 = tpu.memref_slice %arg9[%run_scoped3A_86, %dma_start3A_167, %dma_start3A_168] : memref<4x64x128xf32, #tpu.memory_space<vmem>> -> memref<1x64x128xf32, #tpu.memory_space<vmem>>
      %dma_start3A_170 = tpu.memref_squeeze %dma_start3A_169 : memref<1x64x128xf32, #tpu.memory_space<vmem>> -> memref<64x128xf32, #tpu.memory_space<vmem>>
      tpu.enqueue_dma source(%dma_start3A_170 : memref<64x128xf32, #tpu.memory_space<vmem>>) target(%dma_start3A_166 : memref<64x128xf32, #tpu.memory_space<hbm>>) target_semaphore(%run_scoped3A_159 : memref<!tpu.dma_semaphore, #tpu.memory_space<semaphore_mem>>)
      %dma_wait3A = arith.constant 0 : i32
      %dma_wait3A_171 = arith.constant 0 : i32
      %dma_wait3A_172 = tpu.memref_slice %arg9[%run_scoped3A_86, %dma_wait3A, %dma_wait3A_171] : memref<4x64x128xf32, #tpu.memory_space<vmem>> -> memref<1x64x128xf32, #tpu.memory_space<vmem>>
      %dma_wait3A_173 = tpu.memref_squeeze %dma_wait3A_172 : memref<1x64x128xf32, #tpu.memory_space<vmem>> -> memref<64x128xf32, #tpu.memory_space<vmem>>
      %dma_wait3A_174 = arith.constant 0 : i32
      %dma_wait3A_175 = tpu.memref_slice %arg6[%add3A_85, %dma_wait3A_174] : memref<20480x128xf32, #tpu.memory_space<hbm>> -> memref<64x128xf32, #tpu.memory_space<hbm>>
      %dma_wait3A_176 = arith.constant 0 : i32
      %dma_wait3A_177 = tpu.memref_slice %arg6[%add3A_85, %dma_wait3A_176] : memref<20480x128xf32, #tpu.memory_space<hbm>> -> memref<64x128xf32, #tpu.memory_space<hbm>>
      %dma_wait3A_178 = arith.constant 0 : i32
      %dma_wait3A_179 = arith.constant 0 : i32
      %dma_wait3A_180 = tpu.memref_slice %arg9[%run_scoped3A_86, %dma_wait3A_178, %dma_wait3A_179] : memref<4x64x128xf32, #tpu.memory_space<vmem>> -> memref<1x64x128xf32, #tpu.memory_space<vmem>>
      %dma_wait3A_181 = tpu.memref_squeeze %dma_wait3A_180 : memref<1x64x128xf32, #tpu.memory_space<vmem>> -> memref<64x128xf32, #tpu.memory_space<vmem>>
      tpu.wait_dma2 semaphore(%run_scoped3A_159 : memref<!tpu.dma_semaphore, #tpu.memory_space<semaphore_mem>>) src(%dma_wait3A_181 : memref<64x128xf32, #tpu.memory_space<vmem>>) dst(%dma_wait3A_177 : memref<64x128xf32, #tpu.memory_space<hbm>>)
      tpu.yield
    }) : () -> ()
    %mul3A_87 = arith.constant 640 : i32
    %mul3A_88 = arith.muli %arg1, %mul3A_87 : i32
    %add3A_89 = arith.constant 128 : i32
    %add3A_90 = arith.addi %mul3A_88, %add3A_89 : i32
    %run_scoped3A_91 = arith.constant 0 : i32
    "tpu.region"() ({
      %run_scoped3A_159 = tpu.sem_alloc : memref<!tpu.dma_semaphore, #tpu.memory_space<semaphore_mem>>
      %dma_start3A = arith.constant 0 : i32
      %dma_start3A_160 = arith.constant 0 : i32
      %dma_start3A_161 = tpu.memref_slice %arg9[%run_scoped3A_91, %dma_start3A, %dma_start3A_160] : memref<4x64x128xf32, #tpu.memory_space<vmem>> -> memref<1x64x128xf32, #tpu.memory_space<vmem>>
      %dma_start3A_162 = tpu.memref_squeeze %dma_start3A_161 : memref<1x64x128xf32, #tpu.memory_space<vmem>> -> memref<64x128xf32, #tpu.memory_space<vmem>>
      %dma_start3A_163 = arith.constant 0 : i32
      %dma_start3A_164 = tpu.memref_slice %arg10[%add3A_90, %dma_start3A_163] : memref<10240x128xf32, #tpu.memory_space<vmem_shared>> -> memref<64x128xf32, #tpu.memory_space<vmem_shared>>
      %dma_start3A_165 = arith.constant 0 : i32
      %dma_start3A_166 = arith.constant 0 : i32
      %dma_start3A_167 = tpu.memref_slice %arg9[%run_scoped3A_91, %dma_start3A_165, %dma_start3A_166] : memref<4x64x128xf32, #tpu.memory_space<vmem>> -> memref<1x64x128xf32, #tpu.memory_space<vmem>>
      %dma_start3A_168 = tpu.memref_squeeze %dma_start3A_167 : memref<1x64x128xf32, #tpu.memory_space<vmem>> -> memref<64x128xf32, #tpu.memory_space<vmem>>
      %dma_start3A_169 = arith.constant 0 : i32
      %dma_start3A_170 = tpu.memref_slice %arg10[%add3A_90, %dma_start3A_169] : memref<10240x128xf32, #tpu.memory_space<vmem_shared>> -> memref<64x128xf32, #tpu.memory_space<vmem_shared>>
      tpu.enqueue_dma source(%dma_start3A_170 : memref<64x128xf32, #tpu.memory_space<vmem_shared>>) target(%dma_start3A_168 : memref<64x128xf32, #tpu.memory_space<vmem>>) target_semaphore(%run_scoped3A_159 : memref<!tpu.dma_semaphore, #tpu.memory_space<semaphore_mem>>)
      %dma_wait3A = arith.constant 0 : i32
      %dma_wait3A_171 = arith.constant 0 : i32
      %dma_wait3A_172 = tpu.memref_slice %arg9[%run_scoped3A_91, %dma_wait3A, %dma_wait3A_171] : memref<4x64x128xf32, #tpu.memory_space<vmem>> -> memref<1x64x128xf32, #tpu.memory_space<vmem>>
      %dma_wait3A_173 = tpu.memref_squeeze %dma_wait3A_172 : memref<1x64x128xf32, #tpu.memory_space<vmem>> -> memref<64x128xf32, #tpu.memory_space<vmem>>
      %dma_wait3A_174 = arith.constant 0 : i32
      %dma_wait3A_175 = tpu.memref_slice %arg10[%add3A_90, %dma_wait3A_174] : memref<10240x128xf32, #tpu.memory_space<vmem_shared>> -> memref<64x128xf32, #tpu.memory_space<vmem_shared>>
      %dma_wait3A_176 = arith.constant 0 : i32
      %dma_wait3A_177 = arith.constant 0 : i32
      %dma_wait3A_178 = tpu.memref_slice %arg9[%run_scoped3A_91, %dma_wait3A_176, %dma_wait3A_177] : memref<4x64x128xf32, #tpu.memory_space<vmem>> -> memref<1x64x128xf32, #tpu.memory_space<vmem>>
      %dma_wait3A_179 = tpu.memref_squeeze %dma_wait3A_178 : memref<1x64x128xf32, #tpu.memory_space<vmem>> -> memref<64x128xf32, #tpu.memory_space<vmem>>
      %dma_wait3A_180 = arith.constant 0 : i32
      %dma_wait3A_181 = tpu.memref_slice %arg10[%add3A_90, %dma_wait3A_180] : memref<10240x128xf32, #tpu.memory_space<vmem_shared>> -> memref<64x128xf32, #tpu.memory_space<vmem_shared>>
      tpu.wait_dma2 semaphore(%run_scoped3A_159 : memref<!tpu.dma_semaphore, #tpu.memory_space<semaphore_mem>>) src(%dma_wait3A_181 : memref<64x128xf32, #tpu.memory_space<vmem_shared>>) dst(%dma_wait3A_179 : memref<64x128xf32, #tpu.memory_space<vmem>>)
      tpu.yield
    }) : () -> ()
    %mul3A_92 = arith.constant 10240 : i32
    %mul3A_93 = arith.muli %arg0, %mul3A_92 : i32
    %add3A_94 = arith.addi %mul3A_93, %add3A_90 : i32
    %run_scoped3A_95 = arith.constant 0 : i32
    "tpu.region"() ({
      %run_scoped3A_159 = tpu.sem_alloc : memref<!tpu.dma_semaphore, #tpu.memory_space<semaphore_mem>>
      %dma_start3A = arith.constant 0 : i32
      %dma_start3A_160 = arith.constant 0 : i32
      %dma_start3A_161 = tpu.memref_slice %arg9[%run_scoped3A_95, %dma_start3A, %dma_start3A_160] : memref<4x64x128xf32, #tpu.memory_space<vmem>> -> memref<1x64x128xf32, #tpu.memory_space<vmem>>
      %dma_start3A_162 = tpu.memref_squeeze %dma_start3A_161 : memref<1x64x128xf32, #tpu.memory_space<vmem>> -> memref<64x128xf32, #tpu.memory_space<vmem>>
      %dma_start3A_163 = arith.constant 0 : i32
      %dma_start3A_164 = tpu.memref_slice %arg6[%add3A_94, %dma_start3A_163] : memref<20480x128xf32, #tpu.memory_space<hbm>> -> memref<64x128xf32, #tpu.memory_space<hbm>>
      %dma_start3A_165 = arith.constant 0 : i32
      %dma_start3A_166 = tpu.memref_slice %arg6[%add3A_94, %dma_start3A_165] : memref<20480x128xf32, #tpu.memory_space<hbm>> -> memref<64x128xf32, #tpu.memory_space<hbm>>
      %dma_start3A_167 = arith.constant 0 : i32
      %dma_start3A_168 = arith.constant 0 : i32
      %dma_start3A_169 = tpu.memref_slice %arg9[%run_scoped3A_95, %dma_start3A_167, %dma_start3A_168] : memref<4x64x128xf32, #tpu.memory_space<vmem>> -> memref<1x64x128xf32, #tpu.memory_space<vmem>>
      %dma_start3A_170 = tpu.memref_squeeze %dma_start3A_169 : memref<1x64x128xf32, #tpu.memory_space<vmem>> -> memref<64x128xf32, #tpu.memory_space<vmem>>
      tpu.enqueue_dma source(%dma_start3A_170 : memref<64x128xf32, #tpu.memory_space<vmem>>) target(%dma_start3A_166 : memref<64x128xf32, #tpu.memory_space<hbm>>) target_semaphore(%run_scoped3A_159 : memref<!tpu.dma_semaphore, #tpu.memory_space<semaphore_mem>>)
      %dma_wait3A = arith.constant 0 : i32
      %dma_wait3A_171 = arith.constant 0 : i32
      %dma_wait3A_172 = tpu.memref_slice %arg9[%run_scoped3A_95, %dma_wait3A, %dma_wait3A_171] : memref<4x64x128xf32, #tpu.memory_space<vmem>> -> memref<1x64x128xf32, #tpu.memory_space<vmem>>
      %dma_wait3A_173 = tpu.memref_squeeze %dma_wait3A_172 : memref<1x64x128xf32, #tpu.memory_space<vmem>> -> memref<64x128xf32, #tpu.memory_space<vmem>>
      %dma_wait3A_174 = arith.constant 0 : i32
      %dma_wait3A_175 = tpu.memref_slice %arg6[%add3A_94, %dma_wait3A_174] : memref<20480x128xf32, #tpu.memory_space<hbm>> -> memref<64x128xf32, #tpu.memory_space<hbm>>
      %dma_wait3A_176 = arith.constant 0 : i32
      %dma_wait3A_177 = tpu.memref_slice %arg6[%add3A_94, %dma_wait3A_176] : memref<20480x128xf32, #tpu.memory_space<hbm>> -> memref<64x128xf32, #tpu.memory_space<hbm>>
      %dma_wait3A_178 = arith.constant 0 : i32
      %dma_wait3A_179 = arith.constant 0 : i32
      %dma_wait3A_180 = tpu.memref_slice %arg9[%run_scoped3A_95, %dma_wait3A_178, %dma_wait3A_179] : memref<4x64x128xf32, #tpu.memory_space<vmem>> -> memref<1x64x128xf32, #tpu.memory_space<vmem>>
      %dma_wait3A_181 = tpu.memref_squeeze %dma_wait3A_180 : memref<1x64x128xf32, #tpu.memory_space<vmem>> -> memref<64x128xf32, #tpu.memory_space<vmem>>
      tpu.wait_dma2 semaphore(%run_scoped3A_159 : memref<!tpu.dma_semaphore, #tpu.memory_space<semaphore_mem>>) src(%dma_wait3A_181 : memref<64x128xf32, #tpu.memory_space<vmem>>) dst(%dma_wait3A_177 : memref<64x128xf32, #tpu.memory_space<hbm>>)
      tpu.yield
    }) : () -> ()
    %mul3A_96 = arith.constant 640 : i32
    %mul3A_97 = arith.muli %arg1, %mul3A_96 : i32
    %add3A_98 = arith.constant 192 : i32
    %add3A_99 = arith.addi %mul3A_97, %add3A_98 : i32
    %run_scoped3A_100 = arith.constant 0 : i32
    "tpu.region"() ({
      %run_scoped3A_159 = tpu.sem_alloc : memref<!tpu.dma_semaphore, #tpu.memory_space<semaphore_mem>>
      %dma_start3A = arith.constant 0 : i32
      %dma_start3A_160 = arith.constant 0 : i32
      %dma_start3A_161 = tpu.memref_slice %arg9[%run_scoped3A_100, %dma_start3A, %dma_start3A_160] : memref<4x64x128xf32, #tpu.memory_space<vmem>> -> memref<1x64x128xf32, #tpu.memory_space<vmem>>
      %dma_start3A_162 = tpu.memref_squeeze %dma_start3A_161 : memref<1x64x128xf32, #tpu.memory_space<vmem>> -> memref<64x128xf32, #tpu.memory_space<vmem>>
      %dma_start3A_163 = arith.constant 0 : i32
      %dma_start3A_164 = tpu.memref_slice %arg10[%add3A_99, %dma_start3A_163] : memref<10240x128xf32, #tpu.memory_space<vmem_shared>> -> memref<64x128xf32, #tpu.memory_space<vmem_shared>>
      %dma_start3A_165 = arith.constant 0 : i32
      %dma_start3A_166 = arith.constant 0 : i32
      %dma_start3A_167 = tpu.memref_slice %arg9[%run_scoped3A_100, %dma_start3A_165, %dma_start3A_166] : memref<4x64x128xf32, #tpu.memory_space<vmem>> -> memref<1x64x128xf32, #tpu.memory_space<vmem>>
      %dma_start3A_168 = tpu.memref_squeeze %dma_start3A_167 : memref<1x64x128xf32, #tpu.memory_space<vmem>> -> memref<64x128xf32, #tpu.memory_space<vmem>>
      %dma_start3A_169 = arith.constant 0 : i32
      %dma_start3A_170 = tpu.memref_slice %arg10[%add3A_99, %dma_start3A_169] : memref<10240x128xf32, #tpu.memory_space<vmem_shared>> -> memref<64x128xf32, #tpu.memory_space<vmem_shared>>
      tpu.enqueue_dma source(%dma_start3A_170 : memref<64x128xf32, #tpu.memory_space<vmem_shared>>) target(%dma_start3A_168 : memref<64x128xf32, #tpu.memory_space<vmem>>) target_semaphore(%run_scoped3A_159 : memref<!tpu.dma_semaphore, #tpu.memory_space<semaphore_mem>>)
      %dma_wait3A = arith.constant 0 : i32
      %dma_wait3A_171 = arith.constant 0 : i32
      %dma_wait3A_172 = tpu.memref_slice %arg9[%run_scoped3A_100, %dma_wait3A, %dma_wait3A_171] : memref<4x64x128xf32, #tpu.memory_space<vmem>> -> memref<1x64x128xf32, #tpu.memory_space<vmem>>
      %dma_wait3A_173 = tpu.memref_squeeze %dma_wait3A_172 : memref<1x64x128xf32, #tpu.memory_space<vmem>> -> memref<64x128xf32, #tpu.memory_space<vmem>>
      %dma_wait3A_174 = arith.constant 0 : i32
      %dma_wait3A_175 = tpu.memref_slice %arg10[%add3A_99, %dma_wait3A_174] : memref<10240x128xf32, #tpu.memory_space<vmem_shared>> -> memref<64x128xf32, #tpu.memory_space<vmem_shared>>
      %dma_wait3A_176 = arith.constant 0 : i32
      %dma_wait3A_177 = arith.constant 0 : i32
      %dma_wait3A_178 = tpu.memref_slice %arg9[%run_scoped3A_100, %dma_wait3A_176, %dma_wait3A_177] : memref<4x64x128xf32, #tpu.memory_space<vmem>> -> memref<1x64x128xf32, #tpu.memory_space<vmem>>
      %dma_wait3A_179 = tpu.memref_squeeze %dma_wait3A_178 : memref<1x64x128xf32, #tpu.memory_space<vmem>> -> memref<64x128xf32, #tpu.memory_space<vmem>>
      %dma_wait3A_180 = arith.constant 0 : i32
      %dma_wait3A_181 = tpu.memref_slice %arg10[%add3A_99, %dma_wait3A_180] : memref<10240x128xf32, #tpu.memory_space<vmem_shared>> -> memref<64x128xf32, #tpu.memory_space<vmem_shared>>
      tpu.wait_dma2 semaphore(%run_scoped3A_159 : memref<!tpu.dma_semaphore, #tpu.memory_space<semaphore_mem>>) src(%dma_wait3A_181 : memref<64x128xf32, #tpu.memory_space<vmem_shared>>) dst(%dma_wait3A_179 : memref<64x128xf32, #tpu.memory_space<vmem>>)
      tpu.yield
    }) : () -> ()
    %mul3A_101 = arith.constant 10240 : i32
    %mul3A_102 = arith.muli %arg0, %mul3A_101 : i32
    %add3A_103 = arith.addi %mul3A_102, %add3A_99 : i32
    %run_scoped3A_104 = arith.constant 0 : i32
    "tpu.region"() ({
      %run_scoped3A_159 = tpu.sem_alloc : memref<!tpu.dma_semaphore, #tpu.memory_space<semaphore_mem>>
      %dma_start3A = arith.constant 0 : i32
      %dma_start3A_160 = arith.constant 0 : i32
      %dma_start3A_161 = tpu.memref_slice %arg9[%run_scoped3A_104, %dma_start3A, %dma_start3A_160] : memref<4x64x128xf32, #tpu.memory_space<vmem>> -> memref<1x64x128xf32, #tpu.memory_space<vmem>>
      %dma_start3A_162 = tpu.memref_squeeze %dma_start3A_161 : memref<1x64x128xf32, #tpu.memory_space<vmem>> -> memref<64x128xf32, #tpu.memory_space<vmem>>
      %dma_start3A_163 = arith.constant 0 : i32
      %dma_start3A_164 = tpu.memref_slice %arg6[%add3A_103, %dma_start3A_163] : memref<20480x128xf32, #tpu.memory_space<hbm>> -> memref<64x128xf32, #tpu.memory_space<hbm>>
      %dma_start3A_165 = arith.constant 0 : i32
      %dma_start3A_166 = tpu.memref_slice %arg6[%add3A_103, %dma_start3A_165] : memref<20480x128xf32, #tpu.memory_space<hbm>> -> memref<64x128xf32, #tpu.memory_space<hbm>>
      %dma_start3A_167 = arith.constant 0 : i32
      %dma_start3A_168 = arith.constant 0 : i32
      %dma_start3A_169 = tpu.memref_slice %arg9[%run_scoped3A_104, %dma_start3A_167, %dma_start3A_168] : memref<4x64x128xf32, #tpu.memory_space<vmem>> -> memref<1x64x128xf32, #tpu.memory_space<vmem>>
      %dma_start3A_170 = tpu.memref_squeeze %dma_start3A_169 : memref<1x64x128xf32, #tpu.memory_space<vmem>> -> memref<64x128xf32, #tpu.memory_space<vmem>>
      tpu.enqueue_dma source(%dma_start3A_170 : memref<64x128xf32, #tpu.memory_space<vmem>>) target(%dma_start3A_166 : memref<64x128xf32, #tpu.memory_space<hbm>>) target_semaphore(%run_scoped3A_159 : memref<!tpu.dma_semaphore, #tpu.memory_space<semaphore_mem>>)
      %dma_wait3A = arith.constant 0 : i32
      %dma_wait3A_171 = arith.constant 0 : i32
      %dma_wait3A_172 = tpu.memref_slice %arg9[%run_scoped3A_104, %dma_wait3A, %dma_wait3A_171] : memref<4x64x128xf32, #tpu.memory_space<vmem>> -> memref<1x64x128xf32, #tpu.memory_space<vmem>>
      %dma_wait3A_173 = tpu.memref_squeeze %dma_wait3A_172 : memref<1x64x128xf32, #tpu.memory_space<vmem>> -> memref<64x128xf32, #tpu.memory_space<vmem>>
      %dma_wait3A_174 = arith.constant 0 : i32
      %dma_wait3A_175 = tpu.memref_slice %arg6[%add3A_103, %dma_wait3A_174] : memref<20480x128xf32, #tpu.memory_space<hbm>> -> memref<64x128xf32, #tpu.memory_space<hbm>>
      %dma_wait3A_176 = arith.constant 0 : i32
      %dma_wait3A_177 = tpu.memref_slice %arg6[%add3A_103, %dma_wait3A_176] : memref<20480x128xf32, #tpu.memory_space<hbm>> -> memref<64x128xf32, #tpu.memory_space<hbm>>
      %dma_wait3A_178 = arith.constant 0 : i32
      %dma_wait3A_179 = arith.constant 0 : i32
      %dma_wait3A_180 = tpu.memref_slice %arg9[%run_scoped3A_104, %dma_wait3A_178, %dma_wait3A_179] : memref<4x64x128xf32, #tpu.memory_space<vmem>> -> memref<1x64x128xf32, #tpu.memory_space<vmem>>
      %dma_wait3A_181 = tpu.memref_squeeze %dma_wait3A_180 : memref<1x64x128xf32, #tpu.memory_space<vmem>> -> memref<64x128xf32, #tpu.memory_space<vmem>>
      tpu.wait_dma2 semaphore(%run_scoped3A_159 : memref<!tpu.dma_semaphore, #tpu.memory_space<semaphore_mem>>) src(%dma_wait3A_181 : memref<64x128xf32, #tpu.memory_space<vmem>>) dst(%dma_wait3A_177 : memref<64x128xf32, #tpu.memory_space<hbm>>)
      tpu.yield
    }) : () -> ()
    %mul3A_105 = arith.constant 640 : i32
    %mul3A_106 = arith.muli %arg1, %mul3A_105 : i32
    %add3A_107 = arith.constant 256 : i32
    %add3A_108 = arith.addi %mul3A_106, %add3A_107 : i32
    %run_scoped3A_109 = arith.constant 0 : i32
    "tpu.region"() ({
      %run_scoped3A_159 = tpu.sem_alloc : memref<!tpu.dma_semaphore, #tpu.memory_space<semaphore_mem>>
      %dma_start3A = arith.constant 0 : i32
      %dma_start3A_160 = arith.constant 0 : i32
      %dma_start3A_161 = tpu.memref_slice %arg9[%run_scoped3A_109, %dma_start3A, %dma_start3A_160] : memref<4x64x128xf32, #tpu.memory_space<vmem>> -> memref<1x64x128xf32, #tpu.memory_space<vmem>>
      %dma_start3A_162 = tpu.memref_squeeze %dma_start3A_161 : memref<1x64x128xf32, #tpu.memory_space<vmem>> -> memref<64x128xf32, #tpu.memory_space<vmem>>
      %dma_start3A_163 = arith.constant 0 : i32
      %dma_start3A_164 = tpu.memref_slice %arg10[%add3A_108, %dma_start3A_163] : memref<10240x128xf32, #tpu.memory_space<vmem_shared>> -> memref<64x128xf32, #tpu.memory_space<vmem_shared>>
      %dma_start3A_165 = arith.constant 0 : i32
      %dma_start3A_166 = arith.constant 0 : i32
      %dma_start3A_167 = tpu.memref_slice %arg9[%run_scoped3A_109, %dma_start3A_165, %dma_start3A_166] : memref<4x64x128xf32, #tpu.memory_space<vmem>> -> memref<1x64x128xf32, #tpu.memory_space<vmem>>
      %dma_start3A_168 = tpu.memref_squeeze %dma_start3A_167 : memref<1x64x128xf32, #tpu.memory_space<vmem>> -> memref<64x128xf32, #tpu.memory_space<vmem>>
      %dma_start3A_169 = arith.constant 0 : i32
      %dma_start3A_170 = tpu.memref_slice %arg10[%add3A_108, %dma_start3A_169] : memref<10240x128xf32, #tpu.memory_space<vmem_shared>> -> memref<64x128xf32, #tpu.memory_space<vmem_shared>>
      tpu.enqueue_dma source(%dma_start3A_170 : memref<64x128xf32, #tpu.memory_space<vmem_shared>>) target(%dma_start3A_168 : memref<64x128xf32, #tpu.memory_space<vmem>>) target_semaphore(%run_scoped3A_159 : memref<!tpu.dma_semaphore, #tpu.memory_space<semaphore_mem>>)
      %dma_wait3A = arith.constant 0 : i32
      %dma_wait3A_171 = arith.constant 0 : i32
      %dma_wait3A_172 = tpu.memref_slice %arg9[%run_scoped3A_109, %dma_wait3A, %dma_wait3A_171] : memref<4x64x128xf32, #tpu.memory_space<vmem>> -> memref<1x64x128xf32, #tpu.memory_space<vmem>>
      %dma_wait3A_173 = tpu.memref_squeeze %dma_wait3A_172 : memref<1x64x128xf32, #tpu.memory_space<vmem>> -> memref<64x128xf32, #tpu.memory_space<vmem>>
      %dma_wait3A_174 = arith.constant 0 : i32
      %dma_wait3A_175 = tpu.memref_slice %arg10[%add3A_108, %dma_wait3A_174] : memref<10240x128xf32, #tpu.memory_space<vmem_shared>> -> memref<64x128xf32, #tpu.memory_space<vmem_shared>>
      %dma_wait3A_176 = arith.constant 0 : i32
      %dma_wait3A_177 = arith.constant 0 : i32
      %dma_wait3A_178 = tpu.memref_slice %arg9[%run_scoped3A_109, %dma_wait3A_176, %dma_wait3A_177] : memref<4x64x128xf32, #tpu.memory_space<vmem>> -> memref<1x64x128xf32, #tpu.memory_space<vmem>>
      %dma_wait3A_179 = tpu.memref_squeeze %dma_wait3A_178 : memref<1x64x128xf32, #tpu.memory_space<vmem>> -> memref<64x128xf32, #tpu.memory_space<vmem>>
      %dma_wait3A_180 = arith.constant 0 : i32
      %dma_wait3A_181 = tpu.memref_slice %arg10[%add3A_108, %dma_wait3A_180] : memref<10240x128xf32, #tpu.memory_space<vmem_shared>> -> memref<64x128xf32, #tpu.memory_space<vmem_shared>>
      tpu.wait_dma2 semaphore(%run_scoped3A_159 : memref<!tpu.dma_semaphore, #tpu.memory_space<semaphore_mem>>) src(%dma_wait3A_181 : memref<64x128xf32, #tpu.memory_space<vmem_shared>>) dst(%dma_wait3A_179 : memref<64x128xf32, #tpu.memory_space<vmem>>)
      tpu.yield
    }) : () -> ()
    %mul3A_110 = arith.constant 10240 : i32
    %mul3A_111 = arith.muli %arg0, %mul3A_110 : i32
    %add3A_112 = arith.addi %mul3A_111, %add3A_108 : i32
    %run_scoped3A_113 = arith.constant 0 : i32
    "tpu.region"() ({
      %run_scoped3A_159 = tpu.sem_alloc : memref<!tpu.dma_semaphore, #tpu.memory_space<semaphore_mem>>
      %dma_start3A = arith.constant 0 : i32
      %dma_start3A_160 = arith.constant 0 : i32
      %dma_start3A_161 = tpu.memref_slice %arg9[%run_scoped3A_113, %dma_start3A, %dma_start3A_160] : memref<4x64x128xf32, #tpu.memory_space<vmem>> -> memref<1x64x128xf32, #tpu.memory_space<vmem>>
      %dma_start3A_162 = tpu.memref_squeeze %dma_start3A_161 : memref<1x64x128xf32, #tpu.memory_space<vmem>> -> memref<64x128xf32, #tpu.memory_space<vmem>>
      %dma_start3A_163 = arith.constant 0 : i32
      %dma_start3A_164 = tpu.memref_slice %arg6[%add3A_112, %dma_start3A_163] : memref<20480x128xf32, #tpu.memory_space<hbm>> -> memref<64x128xf32, #tpu.memory_space<hbm>>
      %dma_start3A_165 = arith.constant 0 : i32
      %dma_start3A_166 = tpu.memref_slice %arg6[%add3A_112, %dma_start3A_165] : memref<20480x128xf32, #tpu.memory_space<hbm>> -> memref<64x128xf32, #tpu.memory_space<hbm>>
      %dma_start3A_167 = arith.constant 0 : i32
      %dma_start3A_168 = arith.constant 0 : i32
      %dma_start3A_169 = tpu.memref_slice %arg9[%run_scoped3A_113, %dma_start3A_167, %dma_start3A_168] : memref<4x64x128xf32, #tpu.memory_space<vmem>> -> memref<1x64x128xf32, #tpu.memory_space<vmem>>
      %dma_start3A_170 = tpu.memref_squeeze %dma_start3A_169 : memref<1x64x128xf32, #tpu.memory_space<vmem>> -> memref<64x128xf32, #tpu.memory_space<vmem>>
      tpu.enqueue_dma source(%dma_start3A_170 : memref<64x128xf32, #tpu.memory_space<vmem>>) target(%dma_start3A_166 : memref<64x128xf32, #tpu.memory_space<hbm>>) target_semaphore(%run_scoped3A_159 : memref<!tpu.dma_semaphore, #tpu.memory_space<semaphore_mem>>)
      %dma_wait3A = arith.constant 0 : i32
      %dma_wait3A_171 = arith.constant 0 : i32
      %dma_wait3A_172 = tpu.memref_slice %arg9[%run_scoped3A_113, %dma_wait3A, %dma_wait3A_171] : memref<4x64x128xf32, #tpu.memory_space<vmem>> -> memref<1x64x128xf32, #tpu.memory_space<vmem>>
      %dma_wait3A_173 = tpu.memref_squeeze %dma_wait3A_172 : memref<1x64x128xf32, #tpu.memory_space<vmem>> -> memref<64x128xf32, #tpu.memory_space<vmem>>
      %dma_wait3A_174 = arith.constant 0 : i32
      %dma_wait3A_175 = tpu.memref_slice %arg6[%add3A_112, %dma_wait3A_174] : memref<20480x128xf32, #tpu.memory_space<hbm>> -> memref<64x128xf32, #tpu.memory_space<hbm>>
      %dma_wait3A_176 = arith.constant 0 : i32
      %dma_wait3A_177 = tpu.memref_slice %arg6[%add3A_112, %dma_wait3A_176] : memref<20480x128xf32, #tpu.memory_space<hbm>> -> memref<64x128xf32, #tpu.memory_space<hbm>>
      %dma_wait3A_178 = arith.constant 0 : i32
      %dma_wait3A_179 = arith.constant 0 : i32
      %dma_wait3A_180 = tpu.memref_slice %arg9[%run_scoped3A_113, %dma_wait3A_178, %dma_wait3A_179] : memref<4x64x128xf32, #tpu.memory_space<vmem>> -> memref<1x64x128xf32, #tpu.memory_space<vmem>>
      %dma_wait3A_181 = tpu.memref_squeeze %dma_wait3A_180 : memref<1x64x128xf32, #tpu.memory_space<vmem>> -> memref<64x128xf32, #tpu.memory_space<vmem>>
      tpu.wait_dma2 semaphore(%run_scoped3A_159 : memref<!tpu.dma_semaphore, #tpu.memory_space<semaphore_mem>>) src(%dma_wait3A_181 : memref<64x128xf32, #tpu.memory_space<vmem>>) dst(%dma_wait3A_177 : memref<64x128xf32, #tpu.memory_space<hbm>>)
      tpu.yield
    }) : () -> ()
    %mul3A_114 = arith.constant 640 : i32
    %mul3A_115 = arith.muli %arg1, %mul3A_114 : i32
    %add3A_116 = arith.constant 320 : i32
    %add3A_117 = arith.addi %mul3A_115, %add3A_116 : i32
    %run_scoped3A_118 = arith.constant 0 : i32
    "tpu.region"() ({
      %run_scoped3A_159 = tpu.sem_alloc : memref<!tpu.dma_semaphore, #tpu.memory_space<semaphore_mem>>
      %dma_start3A = arith.constant 0 : i32
      %dma_start3A_160 = arith.constant 0 : i32
      %dma_start3A_161 = tpu.memref_slice %arg9[%run_scoped3A_118, %dma_start3A, %dma_start3A_160] : memref<4x64x128xf32, #tpu.memory_space<vmem>> -> memref<1x64x128xf32, #tpu.memory_space<vmem>>
      %dma_start3A_162 = tpu.memref_squeeze %dma_start3A_161 : memref<1x64x128xf32, #tpu.memory_space<vmem>> -> memref<64x128xf32, #tpu.memory_space<vmem>>
      %dma_start3A_163 = arith.constant 0 : i32
      %dma_start3A_164 = tpu.memref_slice %arg10[%add3A_117, %dma_start3A_163] : memref<10240x128xf32, #tpu.memory_space<vmem_shared>> -> memref<64x128xf32, #tpu.memory_space<vmem_shared>>
      %dma_start3A_165 = arith.constant 0 : i32
      %dma_start3A_166 = arith.constant 0 : i32
      %dma_start3A_167 = tpu.memref_slice %arg9[%run_scoped3A_118, %dma_start3A_165, %dma_start3A_166] : memref<4x64x128xf32, #tpu.memory_space<vmem>> -> memref<1x64x128xf32, #tpu.memory_space<vmem>>
      %dma_start3A_168 = tpu.memref_squeeze %dma_start3A_167 : memref<1x64x128xf32, #tpu.memory_space<vmem>> -> memref<64x128xf32, #tpu.memory_space<vmem>>
      %dma_start3A_169 = arith.constant 0 : i32
      %dma_start3A_170 = tpu.memref_slice %arg10[%add3A_117, %dma_start3A_169] : memref<10240x128xf32, #tpu.memory_space<vmem_shared>> -> memref<64x128xf32, #tpu.memory_space<vmem_shared>>
      tpu.enqueue_dma source(%dma_start3A_170 : memref<64x128xf32, #tpu.memory_space<vmem_shared>>) target(%dma_start3A_168 : memref<64x128xf32, #tpu.memory_space<vmem>>) target_semaphore(%run_scoped3A_159 : memref<!tpu.dma_semaphore, #tpu.memory_space<semaphore_mem>>)
      %dma_wait3A = arith.constant 0 : i32
      %dma_wait3A_171 = arith.constant 0 : i32
      %dma_wait3A_172 = tpu.memref_slice %arg9[%run_scoped3A_118, %dma_wait3A, %dma_wait3A_171] : memref<4x64x128xf32, #tpu.memory_space<vmem>> -> memref<1x64x128xf32, #tpu.memory_space<vmem>>
      %dma_wait3A_173 = tpu.memref_squeeze %dma_wait3A_172 : memref<1x64x128xf32, #tpu.memory_space<vmem>> -> memref<64x128xf32, #tpu.memory_space<vmem>>
      %dma_wait3A_174 = arith.constant 0 : i32
      %dma_wait3A_175 = tpu.memref_slice %arg10[%add3A_117, %dma_wait3A_174] : memref<10240x128xf32, #tpu.memory_space<vmem_shared>> -> memref<64x128xf32, #tpu.memory_space<vmem_shared>>
      %dma_wait3A_176 = arith.constant 0 : i32
      %dma_wait3A_177 = arith.constant 0 : i32
      %dma_wait3A_178 = tpu.memref_slice %arg9[%run_scoped3A_118, %dma_wait3A_176, %dma_wait3A_177] : memref<4x64x128xf32, #tpu.memory_space<vmem>> -> memref<1x64x128xf32, #tpu.memory_space<vmem>>
      %dma_wait3A_179 = tpu.memref_squeeze %dma_wait3A_178 : memref<1x64x128xf32, #tpu.memory_space<vmem>> -> memref<64x128xf32, #tpu.memory_space<vmem>>
      %dma_wait3A_180 = arith.constant 0 : i32
      %dma_wait3A_181 = tpu.memref_slice %arg10[%add3A_117, %dma_wait3A_180] : memref<10240x128xf32, #tpu.memory_space<vmem_shared>> -> memref<64x128xf32, #tpu.memory_space<vmem_shared>>
      tpu.wait_dma2 semaphore(%run_scoped3A_159 : memref<!tpu.dma_semaphore, #tpu.memory_space<semaphore_mem>>) src(%dma_wait3A_181 : memref<64x128xf32, #tpu.memory_space<vmem_shared>>) dst(%dma_wait3A_179 : memref<64x128xf32, #tpu.memory_space<vmem>>)
      tpu.yield
    }) : () -> ()
    %mul3A_119 = arith.constant 10240 : i32
    %mul3A_120 = arith.muli %arg0, %mul3A_119 : i32
    %add3A_121 = arith.addi %mul3A_120, %add3A_117 : i32
    %run_scoped3A_122 = arith.constant 0 : i32
    "tpu.region"() ({
      %run_scoped3A_159 = tpu.sem_alloc : memref<!tpu.dma_semaphore, #tpu.memory_space<semaphore_mem>>
      %dma_start3A = arith.constant 0 : i32
      %dma_start3A_160 = arith.constant 0 : i32
      %dma_start3A_161 = tpu.memref_slice %arg9[%run_scoped3A_122, %dma_start3A, %dma_start3A_160] : memref<4x64x128xf32, #tpu.memory_space<vmem>> -> memref<1x64x128xf32, #tpu.memory_space<vmem>>
      %dma_start3A_162 = tpu.memref_squeeze %dma_start3A_161 : memref<1x64x128xf32, #tpu.memory_space<vmem>> -> memref<64x128xf32, #tpu.memory_space<vmem>>
      %dma_start3A_163 = arith.constant 0 : i32
      %dma_start3A_164 = tpu.memref_slice %arg6[%add3A_121, %dma_start3A_163] : memref<20480x128xf32, #tpu.memory_space<hbm>> -> memref<64x128xf32, #tpu.memory_space<hbm>>
      %dma_start3A_165 = arith.constant 0 : i32
      %dma_start3A_166 = tpu.memref_slice %arg6[%add3A_121, %dma_start3A_165] : memref<20480x128xf32, #tpu.memory_space<hbm>> -> memref<64x128xf32, #tpu.memory_space<hbm>>
      %dma_start3A_167 = arith.constant 0 : i32
      %dma_start3A_168 = arith.constant 0 : i32
      %dma_start3A_169 = tpu.memref_slice %arg9[%run_scoped3A_122, %dma_start3A_167, %dma_start3A_168] : memref<4x64x128xf32, #tpu.memory_space<vmem>> -> memref<1x64x128xf32, #tpu.memory_space<vmem>>
      %dma_start3A_170 = tpu.memref_squeeze %dma_start3A_169 : memref<1x64x128xf32, #tpu.memory_space<vmem>> -> memref<64x128xf32, #tpu.memory_space<vmem>>
      tpu.enqueue_dma source(%dma_start3A_170 : memref<64x128xf32, #tpu.memory_space<vmem>>) target(%dma_start3A_166 : memref<64x128xf32, #tpu.memory_space<hbm>>) target_semaphore(%run_scoped3A_159 : memref<!tpu.dma_semaphore, #tpu.memory_space<semaphore_mem>>)
      %dma_wait3A = arith.constant 0 : i32
      %dma_wait3A_171 = arith.constant 0 : i32
      %dma_wait3A_172 = tpu.memref_slice %arg9[%run_scoped3A_122, %dma_wait3A, %dma_wait3A_171] : memref<4x64x128xf32, #tpu.memory_space<vmem>> -> memref<1x64x128xf32, #tpu.memory_space<vmem>>
      %dma_wait3A_173 = tpu.memref_squeeze %dma_wait3A_172 : memref<1x64x128xf32, #tpu.memory_space<vmem>> -> memref<64x128xf32, #tpu.memory_space<vmem>>
      %dma_wait3A_174 = arith.constant 0 : i32
      %dma_wait3A_175 = tpu.memref_slice %arg6[%add3A_121, %dma_wait3A_174] : memref<20480x128xf32, #tpu.memory_space<hbm>> -> memref<64x128xf32, #tpu.memory_space<hbm>>
      %dma_wait3A_176 = arith.constant 0 : i32
      %dma_wait3A_177 = tpu.memref_slice %arg6[%add3A_121, %dma_wait3A_176] : memref<20480x128xf32, #tpu.memory_space<hbm>> -> memref<64x128xf32, #tpu.memory_space<hbm>>
      %dma_wait3A_178 = arith.constant 0 : i32
      %dma_wait3A_179 = arith.constant 0 : i32
      %dma_wait3A_180 = tpu.memref_slice %arg9[%run_scoped3A_122, %dma_wait3A_178, %dma_wait3A_179] : memref<4x64x128xf32, #tpu.memory_space<vmem>> -> memref<1x64x128xf32, #tpu.memory_space<vmem>>
      %dma_wait3A_181 = tpu.memref_squeeze %dma_wait3A_180 : memref<1x64x128xf32, #tpu.memory_space<vmem>> -> memref<64x128xf32, #tpu.memory_space<vmem>>
      tpu.wait_dma2 semaphore(%run_scoped3A_159 : memref<!tpu.dma_semaphore, #tpu.memory_space<semaphore_mem>>) src(%dma_wait3A_181 : memref<64x128xf32, #tpu.memory_space<vmem>>) dst(%dma_wait3A_177 : memref<64x128xf32, #tpu.memory_space<hbm>>)
      tpu.yield
    }) : () -> ()
    %mul3A_123 = arith.constant 640 : i32
    %mul3A_124 = arith.muli %arg1, %mul3A_123 : i32
    %add3A_125 = arith.constant 384 : i32
    %add3A_126 = arith.addi %mul3A_124, %add3A_125 : i32
    %run_scoped3A_127 = arith.constant 0 : i32
    "tpu.region"() ({
      %run_scoped3A_159 = tpu.sem_alloc : memref<!tpu.dma_semaphore, #tpu.memory_space<semaphore_mem>>
      %dma_start3A = arith.constant 0 : i32
      %dma_start3A_160 = arith.constant 0 : i32
      %dma_start3A_161 = tpu.memref_slice %arg9[%run_scoped3A_127, %dma_start3A, %dma_start3A_160] : memref<4x64x128xf32, #tpu.memory_space<vmem>> -> memref<1x64x128xf32, #tpu.memory_space<vmem>>
      %dma_start3A_162 = tpu.memref_squeeze %dma_start3A_161 : memref<1x64x128xf32, #tpu.memory_space<vmem>> -> memref<64x128xf32, #tpu.memory_space<vmem>>
      %dma_start3A_163 = arith.constant 0 : i32
      %dma_start3A_164 = tpu.memref_slice %arg10[%add3A_126, %dma_start3A_163] : memref<10240x128xf32, #tpu.memory_space<vmem_shared>> -> memref<64x128xf32, #tpu.memory_space<vmem_shared>>
      %dma_start3A_165 = arith.constant 0 : i32
      %dma_start3A_166 = arith.constant 0 : i32
      %dma_start3A_167 = tpu.memref_slice %arg9[%run_scoped3A_127, %dma_start3A_165, %dma_start3A_166] : memref<4x64x128xf32, #tpu.memory_space<vmem>> -> memref<1x64x128xf32, #tpu.memory_space<vmem>>
      %dma_start3A_168 = tpu.memref_squeeze %dma_start3A_167 : memref<1x64x128xf32, #tpu.memory_space<vmem>> -> memref<64x128xf32, #tpu.memory_space<vmem>>
      %dma_start3A_169 = arith.constant 0 : i32
      %dma_start3A_170 = tpu.memref_slice %arg10[%add3A_126, %dma_start3A_169] : memref<10240x128xf32, #tpu.memory_space<vmem_shared>> -> memref<64x128xf32, #tpu.memory_space<vmem_shared>>
      tpu.enqueue_dma source(%dma_start3A_170 : memref<64x128xf32, #tpu.memory_space<vmem_shared>>) target(%dma_start3A_168 : memref<64x128xf32, #tpu.memory_space<vmem>>) target_semaphore(%run_scoped3A_159 : memref<!tpu.dma_semaphore, #tpu.memory_space<semaphore_mem>>)
      %dma_wait3A = arith.constant 0 : i32
      %dma_wait3A_171 = arith.constant 0 : i32
      %dma_wait3A_172 = tpu.memref_slice %arg9[%run_scoped3A_127, %dma_wait3A, %dma_wait3A_171] : memref<4x64x128xf32, #tpu.memory_space<vmem>> -> memref<1x64x128xf32, #tpu.memory_space<vmem>>
      %dma_wait3A_173 = tpu.memref_squeeze %dma_wait3A_172 : memref<1x64x128xf32, #tpu.memory_space<vmem>> -> memref<64x128xf32, #tpu.memory_space<vmem>>
      %dma_wait3A_174 = arith.constant 0 : i32
      %dma_wait3A_175 = tpu.memref_slice %arg10[%add3A_126, %dma_wait3A_174] : memref<10240x128xf32, #tpu.memory_space<vmem_shared>> -> memref<64x128xf32, #tpu.memory_space<vmem_shared>>
      %dma_wait3A_176 = arith.constant 0 : i32
      %dma_wait3A_177 = arith.constant 0 : i32
      %dma_wait3A_178 = tpu.memref_slice %arg9[%run_scoped3A_127, %dma_wait3A_176, %dma_wait3A_177] : memref<4x64x128xf32, #tpu.memory_space<vmem>> -> memref<1x64x128xf32, #tpu.memory_space<vmem>>
      %dma_wait3A_179 = tpu.memref_squeeze %dma_wait3A_178 : memref<1x64x128xf32, #tpu.memory_space<vmem>> -> memref<64x128xf32, #tpu.memory_space<vmem>>
      %dma_wait3A_180 = arith.constant 0 : i32
      %dma_wait3A_181 = tpu.memref_slice %arg10[%add3A_126, %dma_wait3A_180] : memref<10240x128xf32, #tpu.memory_space<vmem_shared>> -> memref<64x128xf32, #tpu.memory_space<vmem_shared>>
      tpu.wait_dma2 semaphore(%run_scoped3A_159 : memref<!tpu.dma_semaphore, #tpu.memory_space<semaphore_mem>>) src(%dma_wait3A_181 : memref<64x128xf32, #tpu.memory_space<vmem_shared>>) dst(%dma_wait3A_179 : memref<64x128xf32, #tpu.memory_space<vmem>>)
      tpu.yield
    }) : () -> ()
    %mul3A_128 = arith.constant 10240 : i32
    %mul3A_129 = arith.muli %arg0, %mul3A_128 : i32
    %add3A_130 = arith.addi %mul3A_129, %add3A_126 : i32
    %run_scoped3A_131 = arith.constant 0 : i32
    "tpu.region"() ({
      %run_scoped3A_159 = tpu.sem_alloc : memref<!tpu.dma_semaphore, #tpu.memory_space<semaphore_mem>>
      %dma_start3A = arith.constant 0 : i32
      %dma_start3A_160 = arith.constant 0 : i32
      %dma_start3A_161 = tpu.memref_slice %arg9[%run_scoped3A_131, %dma_start3A, %dma_start3A_160] : memref<4x64x128xf32, #tpu.memory_space<vmem>> -> memref<1x64x128xf32, #tpu.memory_space<vmem>>
      %dma_start3A_162 = tpu.memref_squeeze %dma_start3A_161 : memref<1x64x128xf32, #tpu.memory_space<vmem>> -> memref<64x128xf32, #tpu.memory_space<vmem>>
      %dma_start3A_163 = arith.constant 0 : i32
      %dma_start3A_164 = tpu.memref_slice %arg6[%add3A_130, %dma_start3A_163] : memref<20480x128xf32, #tpu.memory_space<hbm>> -> memref<64x128xf32, #tpu.memory_space<hbm>>
      %dma_start3A_165 = arith.constant 0 : i32
      %dma_start3A_166 = tpu.memref_slice %arg6[%add3A_130, %dma_start3A_165] : memref<20480x128xf32, #tpu.memory_space<hbm>> -> memref<64x128xf32, #tpu.memory_space<hbm>>
      %dma_start3A_167 = arith.constant 0 : i32
      %dma_start3A_168 = arith.constant 0 : i32
      %dma_start3A_169 = tpu.memref_slice %arg9[%run_scoped3A_131, %dma_start3A_167, %dma_start3A_168] : memref<4x64x128xf32, #tpu.memory_space<vmem>> -> memref<1x64x128xf32, #tpu.memory_space<vmem>>
      %dma_start3A_170 = tpu.memref_squeeze %dma_start3A_169 : memref<1x64x128xf32, #tpu.memory_space<vmem>> -> memref<64x128xf32, #tpu.memory_space<vmem>>
      tpu.enqueue_dma source(%dma_start3A_170 : memref<64x128xf32, #tpu.memory_space<vmem>>) target(%dma_start3A_166 : memref<64x128xf32, #tpu.memory_space<hbm>>) target_semaphore(%run_scoped3A_159 : memref<!tpu.dma_semaphore, #tpu.memory_space<semaphore_mem>>)
      %dma_wait3A = arith.constant 0 : i32
      %dma_wait3A_171 = arith.constant 0 : i32
      %dma_wait3A_172 = tpu.memref_slice %arg9[%run_scoped3A_131, %dma_wait3A, %dma_wait3A_171] : memref<4x64x128xf32, #tpu.memory_space<vmem>> -> memref<1x64x128xf32, #tpu.memory_space<vmem>>
      %dma_wait3A_173 = tpu.memref_squeeze %dma_wait3A_172 : memref<1x64x128xf32, #tpu.memory_space<vmem>> -> memref<64x128xf32, #tpu.memory_space<vmem>>
      %dma_wait3A_174 = arith.constant 0 : i32
      %dma_wait3A_175 = tpu.memref_slice %arg6[%add3A_130, %dma_wait3A_174] : memref<20480x128xf32, #tpu.memory_space<hbm>> -> memref<64x128xf32, #tpu.memory_space<hbm>>
      %dma_wait3A_176 = arith.constant 0 : i32
      %dma_wait3A_177 = tpu.memref_slice %arg6[%add3A_130, %dma_wait3A_176] : memref<20480x128xf32, #tpu.memory_space<hbm>> -> memref<64x128xf32, #tpu.memory_space<hbm>>
      %dma_wait3A_178 = arith.constant 0 : i32
      %dma_wait3A_179 = arith.constant 0 : i32
      %dma_wait3A_180 = tpu.memref_slice %arg9[%run_scoped3A_131, %dma_wait3A_178, %dma_wait3A_179] : memref<4x64x128xf32, #tpu.memory_space<vmem>> -> memref<1x64x128xf32, #tpu.memory_space<vmem>>
      %dma_wait3A_181 = tpu.memref_squeeze %dma_wait3A_180 : memref<1x64x128xf32, #tpu.memory_space<vmem>> -> memref<64x128xf32, #tpu.memory_space<vmem>>
      tpu.wait_dma2 semaphore(%run_scoped3A_159 : memref<!tpu.dma_semaphore, #tpu.memory_space<semaphore_mem>>) src(%dma_wait3A_181 : memref<64x128xf32, #tpu.memory_space<vmem>>) dst(%dma_wait3A_177 : memref<64x128xf32, #tpu.memory_space<hbm>>)
      tpu.yield
    }) : () -> ()
    %mul3A_132 = arith.constant 640 : i32
    %mul3A_133 = arith.muli %arg1, %mul3A_132 : i32
    %add3A_134 = arith.constant 448 : i32
    %add3A_135 = arith.addi %mul3A_133, %add3A_134 : i32
    %run_scoped3A_136 = arith.constant 0 : i32
    "tpu.region"() ({
      %run_scoped3A_159 = tpu.sem_alloc : memref<!tpu.dma_semaphore, #tpu.memory_space<semaphore_mem>>
      %dma_start3A = arith.constant 0 : i32
      %dma_start3A_160 = arith.constant 0 : i32
      %dma_start3A_161 = tpu.memref_slice %arg9[%run_scoped3A_136, %dma_start3A, %dma_start3A_160] : memref<4x64x128xf32, #tpu.memory_space<vmem>> -> memref<1x64x128xf32, #tpu.memory_space<vmem>>
      %dma_start3A_162 = tpu.memref_squeeze %dma_start3A_161 : memref<1x64x128xf32, #tpu.memory_space<vmem>> -> memref<64x128xf32, #tpu.memory_space<vmem>>
      %dma_start3A_163 = arith.constant 0 : i32
      %dma_start3A_164 = tpu.memref_slice %arg10[%add3A_135, %dma_start3A_163] : memref<10240x128xf32, #tpu.memory_space<vmem_shared>> -> memref<64x128xf32, #tpu.memory_space<vmem_shared>>
      %dma_start3A_165 = arith.constant 0 : i32
      %dma_start3A_166 = arith.constant 0 : i32
      %dma_start3A_167 = tpu.memref_slice %arg9[%run_scoped3A_136, %dma_start3A_165, %dma_start3A_166] : memref<4x64x128xf32, #tpu.memory_space<vmem>> -> memref<1x64x128xf32, #tpu.memory_space<vmem>>
      %dma_start3A_168 = tpu.memref_squeeze %dma_start3A_167 : memref<1x64x128xf32, #tpu.memory_space<vmem>> -> memref<64x128xf32, #tpu.memory_space<vmem>>
      %dma_start3A_169 = arith.constant 0 : i32
      %dma_start3A_170 = tpu.memref_slice %arg10[%add3A_135, %dma_start3A_169] : memref<10240x128xf32, #tpu.memory_space<vmem_shared>> -> memref<64x128xf32, #tpu.memory_space<vmem_shared>>
      tpu.enqueue_dma source(%dma_start3A_170 : memref<64x128xf32, #tpu.memory_space<vmem_shared>>) target(%dma_start3A_168 : memref<64x128xf32, #tpu.memory_space<vmem>>) target_semaphore(%run_scoped3A_159 : memref<!tpu.dma_semaphore, #tpu.memory_space<semaphore_mem>>)
      %dma_wait3A = arith.constant 0 : i32
      %dma_wait3A_171 = arith.constant 0 : i32
      %dma_wait3A_172 = tpu.memref_slice %arg9[%run_scoped3A_136, %dma_wait3A, %dma_wait3A_171] : memref<4x64x128xf32, #tpu.memory_space<vmem>> -> memref<1x64x128xf32, #tpu.memory_space<vmem>>
      %dma_wait3A_173 = tpu.memref_squeeze %dma_wait3A_172 : memref<1x64x128xf32, #tpu.memory_space<vmem>> -> memref<64x128xf32, #tpu.memory_space<vmem>>
      %dma_wait3A_174 = arith.constant 0 : i32
      %dma_wait3A_175 = tpu.memref_slice %arg10[%add3A_135, %dma_wait3A_174] : memref<10240x128xf32, #tpu.memory_space<vmem_shared>> -> memref<64x128xf32, #tpu.memory_space<vmem_shared>>
      %dma_wait3A_176 = arith.constant 0 : i32
      %dma_wait3A_177 = arith.constant 0 : i32
      %dma_wait3A_178 = tpu.memref_slice %arg9[%run_scoped3A_136, %dma_wait3A_176, %dma_wait3A_177] : memref<4x64x128xf32, #tpu.memory_space<vmem>> -> memref<1x64x128xf32, #tpu.memory_space<vmem>>
      %dma_wait3A_179 = tpu.memref_squeeze %dma_wait3A_178 : memref<1x64x128xf32, #tpu.memory_space<vmem>> -> memref<64x128xf32, #tpu.memory_space<vmem>>
      %dma_wait3A_180 = arith.constant 0 : i32
      %dma_wait3A_181 = tpu.memref_slice %arg10[%add3A_135, %dma_wait3A_180] : memref<10240x128xf32, #tpu.memory_space<vmem_shared>> -> memref<64x128xf32, #tpu.memory_space<vmem_shared>>
      tpu.wait_dma2 semaphore(%run_scoped3A_159 : memref<!tpu.dma_semaphore, #tpu.memory_space<semaphore_mem>>) src(%dma_wait3A_181 : memref<64x128xf32, #tpu.memory_space<vmem_shared>>) dst(%dma_wait3A_179 : memref<64x128xf32, #tpu.memory_space<vmem>>)
      tpu.yield
    }) : () -> ()
    %mul3A_137 = arith.constant 10240 : i32
    %mul3A_138 = arith.muli %arg0, %mul3A_137 : i32
    %add3A_139 = arith.addi %mul3A_138, %add3A_135 : i32
    %run_scoped3A_140 = arith.constant 0 : i32
    "tpu.region"() ({
      %run_scoped3A_159 = tpu.sem_alloc : memref<!tpu.dma_semaphore, #tpu.memory_space<semaphore_mem>>
      %dma_start3A = arith.constant 0 : i32
      %dma_start3A_160 = arith.constant 0 : i32
      %dma_start3A_161 = tpu.memref_slice %arg9[%run_scoped3A_140, %dma_start3A, %dma_start3A_160] : memref<4x64x128xf32, #tpu.memory_space<vmem>> -> memref<1x64x128xf32, #tpu.memory_space<vmem>>
      %dma_start3A_162 = tpu.memref_squeeze %dma_start3A_161 : memref<1x64x128xf32, #tpu.memory_space<vmem>> -> memref<64x128xf32, #tpu.memory_space<vmem>>
      %dma_start3A_163 = arith.constant 0 : i32
      %dma_start3A_164 = tpu.memref_slice %arg6[%add3A_139, %dma_start3A_163] : memref<20480x128xf32, #tpu.memory_space<hbm>> -> memref<64x128xf32, #tpu.memory_space<hbm>>
      %dma_start3A_165 = arith.constant 0 : i32
      %dma_start3A_166 = tpu.memref_slice %arg6[%add3A_139, %dma_start3A_165] : memref<20480x128xf32, #tpu.memory_space<hbm>> -> memref<64x128xf32, #tpu.memory_space<hbm>>
      %dma_start3A_167 = arith.constant 0 : i32
      %dma_start3A_168 = arith.constant 0 : i32
      %dma_start3A_169 = tpu.memref_slice %arg9[%run_scoped3A_140, %dma_start3A_167, %dma_start3A_168] : memref<4x64x128xf32, #tpu.memory_space<vmem>> -> memref<1x64x128xf32, #tpu.memory_space<vmem>>
      %dma_start3A_170 = tpu.memref_squeeze %dma_start3A_169 : memref<1x64x128xf32, #tpu.memory_space<vmem>> -> memref<64x128xf32, #tpu.memory_space<vmem>>
      tpu.enqueue_dma source(%dma_start3A_170 : memref<64x128xf32, #tpu.memory_space<vmem>>) target(%dma_start3A_166 : memref<64x128xf32, #tpu.memory_space<hbm>>) target_semaphore(%run_scoped3A_159 : memref<!tpu.dma_semaphore, #tpu.memory_space<semaphore_mem>>)
      %dma_wait3A = arith.constant 0 : i32
      %dma_wait3A_171 = arith.constant 0 : i32
      %dma_wait3A_172 = tpu.memref_slice %arg9[%run_scoped3A_140, %dma_wait3A, %dma_wait3A_171] : memref<4x64x128xf32, #tpu.memory_space<vmem>> -> memref<1x64x128xf32, #tpu.memory_space<vmem>>
      %dma_wait3A_173 = tpu.memref_squeeze %dma_wait3A_172 : memref<1x64x128xf32, #tpu.memory_space<vmem>> -> memref<64x128xf32, #tpu.memory_space<vmem>>
      %dma_wait3A_174 = arith.constant 0 : i32
      %dma_wait3A_175 = tpu.memref_slice %arg6[%add3A_139, %dma_wait3A_174] : memref<20480x128xf32, #tpu.memory_space<hbm>> -> memref<64x128xf32, #tpu.memory_space<hbm>>
      %dma_wait3A_176 = arith.constant 0 : i32
      %dma_wait3A_177 = tpu.memref_slice %arg6[%add3A_139, %dma_wait3A_176] : memref<20480x128xf32, #tpu.memory_space<hbm>> -> memref<64x128xf32, #tpu.memory_space<hbm>>
      %dma_wait3A_178 = arith.constant 0 : i32
      %dma_wait3A_179 = arith.constant 0 : i32
      %dma_wait3A_180 = tpu.memref_slice %arg9[%run_scoped3A_140, %dma_wait3A_178, %dma_wait3A_179] : memref<4x64x128xf32, #tpu.memory_space<vmem>> -> memref<1x64x128xf32, #tpu.memory_space<vmem>>
      %dma_wait3A_181 = tpu.memref_squeeze %dma_wait3A_180 : memref<1x64x128xf32, #tpu.memory_space<vmem>> -> memref<64x128xf32, #tpu.memory_space<vmem>>
      tpu.wait_dma2 semaphore(%run_scoped3A_159 : memref<!tpu.dma_semaphore, #tpu.memory_space<semaphore_mem>>) src(%dma_wait3A_181 : memref<64x128xf32, #tpu.memory_space<vmem>>) dst(%dma_wait3A_177 : memref<64x128xf32, #tpu.memory_space<hbm>>)
      tpu.yield
    }) : () -> ()
    %mul3A_141 = arith.constant 640 : i32
    %mul3A_142 = arith.muli %arg1, %mul3A_141 : i32
    %add3A_143 = arith.constant 512 : i32
    %add3A_144 = arith.addi %mul3A_142, %add3A_143 : i32
    %run_scoped3A_145 = arith.constant 0 : i32
    "tpu.region"() ({
      %run_scoped3A_159 = tpu.sem_alloc : memref<!tpu.dma_semaphore, #tpu.memory_space<semaphore_mem>>
      %dma_start3A = arith.constant 0 : i32
      %dma_start3A_160 = arith.constant 0 : i32
      %dma_start3A_161 = tpu.memref_slice %arg9[%run_scoped3A_145, %dma_start3A, %dma_start3A_160] : memref<4x64x128xf32, #tpu.memory_space<vmem>> -> memref<1x64x128xf32, #tpu.memory_space<vmem>>
      %dma_start3A_162 = tpu.memref_squeeze %dma_start3A_161 : memref<1x64x128xf32, #tpu.memory_space<vmem>> -> memref<64x128xf32, #tpu.memory_space<vmem>>
      %dma_start3A_163 = arith.constant 0 : i32
      %dma_start3A_164 = tpu.memref_slice %arg10[%add3A_144, %dma_start3A_163] : memref<10240x128xf32, #tpu.memory_space<vmem_shared>> -> memref<64x128xf32, #tpu.memory_space<vmem_shared>>
      %dma_start3A_165 = arith.constant 0 : i32
      %dma_start3A_166 = arith.constant 0 : i32
      %dma_start3A_167 = tpu.memref_slice %arg9[%run_scoped3A_145, %dma_start3A_165, %dma_start3A_166] : memref<4x64x128xf32, #tpu.memory_space<vmem>> -> memref<1x64x128xf32, #tpu.memory_space<vmem>>
      %dma_start3A_168 = tpu.memref_squeeze %dma_start3A_167 : memref<1x64x128xf32, #tpu.memory_space<vmem>> -> memref<64x128xf32, #tpu.memory_space<vmem>>
      %dma_start3A_169 = arith.constant 0 : i32
      %dma_start3A_170 = tpu.memref_slice %arg10[%add3A_144, %dma_start3A_169] : memref<10240x128xf32, #tpu.memory_space<vmem_shared>> -> memref<64x128xf32, #tpu.memory_space<vmem_shared>>
      tpu.enqueue_dma source(%dma_start3A_170 : memref<64x128xf32, #tpu.memory_space<vmem_shared>>) target(%dma_start3A_168 : memref<64x128xf32, #tpu.memory_space<vmem>>) target_semaphore(%run_scoped3A_159 : memref<!tpu.dma_semaphore, #tpu.memory_space<semaphore_mem>>)
      %dma_wait3A = arith.constant 0 : i32
      %dma_wait3A_171 = arith.constant 0 : i32
      %dma_wait3A_172 = tpu.memref_slice %arg9[%run_scoped3A_145, %dma_wait3A, %dma_wait3A_171] : memref<4x64x128xf32, #tpu.memory_space<vmem>> -> memref<1x64x128xf32, #tpu.memory_space<vmem>>
      %dma_wait3A_173 = tpu.memref_squeeze %dma_wait3A_172 : memref<1x64x128xf32, #tpu.memory_space<vmem>> -> memref<64x128xf32, #tpu.memory_space<vmem>>
      %dma_wait3A_174 = arith.constant 0 : i32
      %dma_wait3A_175 = tpu.memref_slice %arg10[%add3A_144, %dma_wait3A_174] : memref<10240x128xf32, #tpu.memory_space<vmem_shared>> -> memref<64x128xf32, #tpu.memory_space<vmem_shared>>
      %dma_wait3A_176 = arith.constant 0 : i32
      %dma_wait3A_177 = arith.constant 0 : i32
      %dma_wait3A_178 = tpu.memref_slice %arg9[%run_scoped3A_145, %dma_wait3A_176, %dma_wait3A_177] : memref<4x64x128xf32, #tpu.memory_space<vmem>> -> memref<1x64x128xf32, #tpu.memory_space<vmem>>
      %dma_wait3A_179 = tpu.memref_squeeze %dma_wait3A_178 : memref<1x64x128xf32, #tpu.memory_space<vmem>> -> memref<64x128xf32, #tpu.memory_space<vmem>>
      %dma_wait3A_180 = arith.constant 0 : i32
      %dma_wait3A_181 = tpu.memref_slice %arg10[%add3A_144, %dma_wait3A_180] : memref<10240x128xf32, #tpu.memory_space<vmem_shared>> -> memref<64x128xf32, #tpu.memory_space<vmem_shared>>
      tpu.wait_dma2 semaphore(%run_scoped3A_159 : memref<!tpu.dma_semaphore, #tpu.memory_space<semaphore_mem>>) src(%dma_wait3A_181 : memref<64x128xf32, #tpu.memory_space<vmem_shared>>) dst(%dma_wait3A_179 : memref<64x128xf32, #tpu.memory_space<vmem>>)
      tpu.yield
    }) : () -> ()
    %mul3A_146 = arith.constant 10240 : i32
    %mul3A_147 = arith.muli %arg0, %mul3A_146 : i32
    %add3A_148 = arith.addi %mul3A_147, %add3A_144 : i32
    %run_scoped3A_149 = arith.constant 0 : i32
    "tpu.region"() ({
      %run_scoped3A_159 = tpu.sem_alloc : memref<!tpu.dma_semaphore, #tpu.memory_space<semaphore_mem>>
      %dma_start3A = arith.constant 0 : i32
      %dma_start3A_160 = arith.constant 0 : i32
      %dma_start3A_161 = tpu.memref_slice %arg9[%run_scoped3A_149, %dma_start3A, %dma_start3A_160] : memref<4x64x128xf32, #tpu.memory_space<vmem>> -> memref<1x64x128xf32, #tpu.memory_space<vmem>>
      %dma_start3A_162 = tpu.memref_squeeze %dma_start3A_161 : memref<1x64x128xf32, #tpu.memory_space<vmem>> -> memref<64x128xf32, #tpu.memory_space<vmem>>
      %dma_start3A_163 = arith.constant 0 : i32
      %dma_start3A_164 = tpu.memref_slice %arg6[%add3A_148, %dma_start3A_163] : memref<20480x128xf32, #tpu.memory_space<hbm>> -> memref<64x128xf32, #tpu.memory_space<hbm>>
      %dma_start3A_165 = arith.constant 0 : i32
      %dma_start3A_166 = tpu.memref_slice %arg6[%add3A_148, %dma_start3A_165] : memref<20480x128xf32, #tpu.memory_space<hbm>> -> memref<64x128xf32, #tpu.memory_space<hbm>>
      %dma_start3A_167 = arith.constant 0 : i32
      %dma_start3A_168 = arith.constant 0 : i32
      %dma_start3A_169 = tpu.memref_slice %arg9[%run_scoped3A_149, %dma_start3A_167, %dma_start3A_168] : memref<4x64x128xf32, #tpu.memory_space<vmem>> -> memref<1x64x128xf32, #tpu.memory_space<vmem>>
      %dma_start3A_170 = tpu.memref_squeeze %dma_start3A_169 : memref<1x64x128xf32, #tpu.memory_space<vmem>> -> memref<64x128xf32, #tpu.memory_space<vmem>>
      tpu.enqueue_dma source(%dma_start3A_170 : memref<64x128xf32, #tpu.memory_space<vmem>>) target(%dma_start3A_166 : memref<64x128xf32, #tpu.memory_space<hbm>>) target_semaphore(%run_scoped3A_159 : memref<!tpu.dma_semaphore, #tpu.memory_space<semaphore_mem>>)
      %dma_wait3A = arith.constant 0 : i32
      %dma_wait3A_171 = arith.constant 0 : i32
      %dma_wait3A_172 = tpu.memref_slice %arg9[%run_scoped3A_149, %dma_wait3A, %dma_wait3A_171] : memref<4x64x128xf32, #tpu.memory_space<vmem>> -> memref<1x64x128xf32, #tpu.memory_space<vmem>>
      %dma_wait3A_173 = tpu.memref_squeeze %dma_wait3A_172 : memref<1x64x128xf32, #tpu.memory_space<vmem>> -> memref<64x128xf32, #tpu.memory_space<vmem>>
      %dma_wait3A_174 = arith.constant 0 : i32
      %dma_wait3A_175 = tpu.memref_slice %arg6[%add3A_148, %dma_wait3A_174] : memref<20480x128xf32, #tpu.memory_space<hbm>> -> memref<64x128xf32, #tpu.memory_space<hbm>>
      %dma_wait3A_176 = arith.constant 0 : i32
      %dma_wait3A_177 = tpu.memref_slice %arg6[%add3A_148, %dma_wait3A_176] : memref<20480x128xf32, #tpu.memory_space<hbm>> -> memref<64x128xf32, #tpu.memory_space<hbm>>
      %dma_wait3A_178 = arith.constant 0 : i32
      %dma_wait3A_179 = arith.constant 0 : i32
      %dma_wait3A_180 = tpu.memref_slice %arg9[%run_scoped3A_149, %dma_wait3A_178, %dma_wait3A_179] : memref<4x64x128xf32, #tpu.memory_space<vmem>> -> memref<1x64x128xf32, #tpu.memory_space<vmem>>
      %dma_wait3A_181 = tpu.memref_squeeze %dma_wait3A_180 : memref<1x64x128xf32, #tpu.memory_space<vmem>> -> memref<64x128xf32, #tpu.memory_space<vmem>>
      tpu.wait_dma2 semaphore(%run_scoped3A_159 : memref<!tpu.dma_semaphore, #tpu.memory_space<semaphore_mem>>) src(%dma_wait3A_181 : memref<64x128xf32, #tpu.memory_space<vmem>>) dst(%dma_wait3A_177 : memref<64x128xf32, #tpu.memory_space<hbm>>)
      tpu.yield
    }) : () -> ()
    %mul3A_150 = arith.constant 640 : i32
    %mul3A_151 = arith.muli %arg1, %mul3A_150 : i32
    %add3A_152 = arith.constant 576 : i32
    %add3A_153 = arith.addi %mul3A_151, %add3A_152 : i32
    %run_scoped3A_154 = arith.constant 0 : i32
    "tpu.region"() ({
      %run_scoped3A_159 = tpu.sem_alloc : memref<!tpu.dma_semaphore, #tpu.memory_space<semaphore_mem>>
      %dma_start3A = arith.constant 0 : i32
      %dma_start3A_160 = arith.constant 0 : i32
      %dma_start3A_161 = tpu.memref_slice %arg9[%run_scoped3A_154, %dma_start3A, %dma_start3A_160] : memref<4x64x128xf32, #tpu.memory_space<vmem>> -> memref<1x64x128xf32, #tpu.memory_space<vmem>>
      %dma_start3A_162 = tpu.memref_squeeze %dma_start3A_161 : memref<1x64x128xf32, #tpu.memory_space<vmem>> -> memref<64x128xf32, #tpu.memory_space<vmem>>
      %dma_start3A_163 = arith.constant 0 : i32
      %dma_start3A_164 = tpu.memref_slice %arg10[%add3A_153, %dma_start3A_163] : memref<10240x128xf32, #tpu.memory_space<vmem_shared>> -> memref<64x128xf32, #tpu.memory_space<vmem_shared>>
      %dma_start3A_165 = arith.constant 0 : i32
      %dma_start3A_166 = arith.constant 0 : i32
      %dma_start3A_167 = tpu.memref_slice %arg9[%run_scoped3A_154, %dma_start3A_165, %dma_start3A_166] : memref<4x64x128xf32, #tpu.memory_space<vmem>> -> memref<1x64x128xf32, #tpu.memory_space<vmem>>
      %dma_start3A_168 = tpu.memref_squeeze %dma_start3A_167 : memref<1x64x128xf32, #tpu.memory_space<vmem>> -> memref<64x128xf32, #tpu.memory_space<vmem>>
      %dma_start3A_169 = arith.constant 0 : i32
      %dma_start3A_170 = tpu.memref_slice %arg10[%add3A_153, %dma_start3A_169] : memref<10240x128xf32, #tpu.memory_space<vmem_shared>> -> memref<64x128xf32, #tpu.memory_space<vmem_shared>>
      tpu.enqueue_dma source(%dma_start3A_170 : memref<64x128xf32, #tpu.memory_space<vmem_shared>>) target(%dma_start3A_168 : memref<64x128xf32, #tpu.memory_space<vmem>>) target_semaphore(%run_scoped3A_159 : memref<!tpu.dma_semaphore, #tpu.memory_space<semaphore_mem>>)
      %dma_wait3A = arith.constant 0 : i32
      %dma_wait3A_171 = arith.constant 0 : i32
      %dma_wait3A_172 = tpu.memref_slice %arg9[%run_scoped3A_154, %dma_wait3A, %dma_wait3A_171] : memref<4x64x128xf32, #tpu.memory_space<vmem>> -> memref<1x64x128xf32, #tpu.memory_space<vmem>>
      %dma_wait3A_173 = tpu.memref_squeeze %dma_wait3A_172 : memref<1x64x128xf32, #tpu.memory_space<vmem>> -> memref<64x128xf32, #tpu.memory_space<vmem>>
      %dma_wait3A_174 = arith.constant 0 : i32
      %dma_wait3A_175 = tpu.memref_slice %arg10[%add3A_153, %dma_wait3A_174] : memref<10240x128xf32, #tpu.memory_space<vmem_shared>> -> memref<64x128xf32, #tpu.memory_space<vmem_shared>>
      %dma_wait3A_176 = arith.constant 0 : i32
      %dma_wait3A_177 = arith.constant 0 : i32
      %dma_wait3A_178 = tpu.memref_slice %arg9[%run_scoped3A_154, %dma_wait3A_176, %dma_wait3A_177] : memref<4x64x128xf32, #tpu.memory_space<vmem>> -> memref<1x64x128xf32, #tpu.memory_space<vmem>>
      %dma_wait3A_179 = tpu.memref_squeeze %dma_wait3A_178 : memref<1x64x128xf32, #tpu.memory_space<vmem>> -> memref<64x128xf32, #tpu.memory_space<vmem>>
      %dma_wait3A_180 = arith.constant 0 : i32
      %dma_wait3A_181 = tpu.memref_slice %arg10[%add3A_153, %dma_wait3A_180] : memref<10240x128xf32, #tpu.memory_space<vmem_shared>> -> memref<64x128xf32, #tpu.memory_space<vmem_shared>>
      tpu.wait_dma2 semaphore(%run_scoped3A_159 : memref<!tpu.dma_semaphore, #tpu.memory_space<semaphore_mem>>) src(%dma_wait3A_181 : memref<64x128xf32, #tpu.memory_space<vmem_shared>>) dst(%dma_wait3A_179 : memref<64x128xf32, #tpu.memory_space<vmem>>)
      tpu.yield
    }) : () -> ()
    %mul3A_155 = arith.constant 10240 : i32
    %mul3A_156 = arith.muli %arg0, %mul3A_155 : i32
    %add3A_157 = arith.addi %mul3A_156, %add3A_153 : i32
    %run_scoped3A_158 = arith.constant 0 : i32
    "tpu.region"() ({
      %run_scoped3A_159 = tpu.sem_alloc : memref<!tpu.dma_semaphore, #tpu.memory_space<semaphore_mem>>
      %dma_start3A = arith.constant 0 : i32
      %dma_start3A_160 = arith.constant 0 : i32
      %dma_start3A_161 = tpu.memref_slice %arg9[%run_scoped3A_158, %dma_start3A, %dma_start3A_160] : memref<4x64x128xf32, #tpu.memory_space<vmem>> -> memref<1x64x128xf32, #tpu.memory_space<vmem>>
      %dma_start3A_162 = tpu.memref_squeeze %dma_start3A_161 : memref<1x64x128xf32, #tpu.memory_space<vmem>> -> memref<64x128xf32, #tpu.memory_space<vmem>>
      %dma_start3A_163 = arith.constant 0 : i32
      %dma_start3A_164 = tpu.memref_slice %arg6[%add3A_157, %dma_start3A_163] : memref<20480x128xf32, #tpu.memory_space<hbm>> -> memref<64x128xf32, #tpu.memory_space<hbm>>
      %dma_start3A_165 = arith.constant 0 : i32
      %dma_start3A_166 = tpu.memref_slice %arg6[%add3A_157, %dma_start3A_165] : memref<20480x128xf32, #tpu.memory_space<hbm>> -> memref<64x128xf32, #tpu.memory_space<hbm>>
      %dma_start3A_167 = arith.constant 0 : i32
      %dma_start3A_168 = arith.constant 0 : i32
      %dma_start3A_169 = tpu.memref_slice %arg9[%run_scoped3A_158, %dma_start3A_167, %dma_start3A_168] : memref<4x64x128xf32, #tpu.memory_space<vmem>> -> memref<1x64x128xf32, #tpu.memory_space<vmem>>
      %dma_start3A_170 = tpu.memref_squeeze %dma_start3A_169 : memref<1x64x128xf32, #tpu.memory_space<vmem>> -> memref<64x128xf32, #tpu.memory_space<vmem>>
      tpu.enqueue_dma source(%dma_start3A_170 : memref<64x128xf32, #tpu.memory_space<vmem>>) target(%dma_start3A_166 : memref<64x128xf32, #tpu.memory_space<hbm>>) target_semaphore(%run_scoped3A_159 : memref<!tpu.dma_semaphore, #tpu.memory_space<semaphore_mem>>)
      %dma_wait3A = arith.constant 0 : i32
      %dma_wait3A_171 = arith.constant 0 : i32
      %dma_wait3A_172 = tpu.memref_slice %arg9[%run_scoped3A_158, %dma_wait3A, %dma_wait3A_171] : memref<4x64x128xf32, #tpu.memory_space<vmem>> -> memref<1x64x128xf32, #tpu.memory_space<vmem>>
      %dma_wait3A_173 = tpu.memref_squeeze %dma_wait3A_172 : memref<1x64x128xf32, #tpu.memory_space<vmem>> -> memref<64x128xf32, #tpu.memory_space<vmem>>
      %dma_wait3A_174 = arith.constant 0 : i32
      %dma_wait3A_175 = tpu.memref_slice %arg6[%add3A_157, %dma_wait3A_174] : memref<20480x128xf32, #tpu.memory_space<hbm>> -> memref<64x128xf32, #tpu.memory_space<hbm>>
      %dma_wait3A_176 = arith.constant 0 : i32
      %dma_wait3A_177 = tpu.memref_slice %arg6[%add3A_157, %dma_wait3A_176] : memref<20480x128xf32, #tpu.memory_space<hbm>> -> memref<64x128xf32, #tpu.memory_space<hbm>>
      %dma_wait3A_178 = arith.constant 0 : i32
      %dma_wait3A_179 = arith.constant 0 : i32
      %dma_wait3A_180 = tpu.memref_slice %arg9[%run_scoped3A_158, %dma_wait3A_178, %dma_wait3A_179] : memref<4x64x128xf32, #tpu.memory_space<vmem>> -> memref<1x64x128xf32, #tpu.memory_space<vmem>>
      %dma_wait3A_181 = tpu.memref_squeeze %dma_wait3A_180 : memref<1x64x128xf32, #tpu.memory_space<vmem>> -> memref<64x128xf32, #tpu.memory_space<vmem>>
      tpu.wait_dma2 semaphore(%run_scoped3A_159 : memref<!tpu.dma_semaphore, #tpu.memory_space<semaphore_mem>>) src(%dma_wait3A_181 : memref<64x128xf32, #tpu.memory_space<vmem>>) dst(%dma_wait3A_177 : memref<64x128xf32, #tpu.memory_space<hbm>>)
      tpu.yield
    }) : () -> ()
    return
  }
}

#map = affine_map<(d0, d1) -> (0, 0)>
module attributes {stable_mosaic.version = 14 : i64} {
  func.func @_sc_scatter(%arg0: i32, %arg1: i32, %arg2: memref<5120x64xi32, #tpu.memory_space<hbm>>, %arg3: memref<5120x64xi32, #tpu.memory_space<hbm>>, %arg4: memref<10000x128xf32, #tpu.memory_space<hbm>>, %arg5: memref<64x128xf32, #tpu.memory_space<hbm>>, %arg6: memref<20480x128xf32, #tpu.memory_space<hbm>>, %arg7: memref<32x64xi32, #tpu.memory_space<vmem>>, %arg8: memref<32x64xi32, #tpu.memory_space<vmem>>, %arg9: memref<4x64x128xf32, #tpu.memory_space<vmem>>, %arg10: memref<10240x128xf32, #tpu.memory_space<vmem_shared>>, %arg11: memref<!tpu.dma_semaphore, #tpu.memory_space<semaphore_mem>>, %arg12: memref<!tpu.dma_semaphore, #tpu.memory_space<semaphore_mem>>, %arg13: memref<!tpu.dma_semaphore, #tpu.memory_space<semaphore_mem>>, %arg14: memref<!tpu.dma_semaphore, #tpu.memory_space<semaphore_mem>>) attributes {dimension_semantics = [#tpu.dimension_semantics<core_parallel>, #tpu.dimension_semantics<subcore_parallel>], iteration_bounds = array<i64: 2, 16>, scalar_prefetch = 0 : i64, scratch_operands = 8 : i64, tpu.core_type = #tpu.core_type<sc_vector_subcore>, window_params = [{transform_indices = #map}, {transform_indices = #map}, {transform_indices = #map}, {transform_indices = #map}, {transform_indices = #map}]} {
    %run_scoped3A = arith.constant 0 : i32
    "tpu.region"() ({
      %run_scoped3A_159 = tpu.sem_alloc : memref<!tpu.dma_semaphore, #tpu.memory_space<semaphore_mem>>
      %dma_start3A = arith.constant 0 : i32
      %dma_start3A_160 = arith.constant 0 : i32
      %dma_start3A_161 = tpu.memref_slice %arg9[%run_scoped3A, %dma_start3A, %dma_start3A_160] : memref<4x64x128xf32, #tpu.memory_space<vmem>> -> memref<1x64x128xf32, #tpu.memory_space<vmem>>
      %dma_start3A_162 = tpu.memref_squeeze %dma_start3A_161 : memref<1x64x128xf32, #tpu.memory_space<vmem>> -> memref<64x128xf32, #tpu.memory_space<vmem>>
      %dma_start3A_163 = arith.constant 0 : i32
      %dma_start3A_164 = arith.constant 0 : i32
      %dma_start3A_165 = tpu.memref_slice %arg9[%run_scoped3A, %dma_start3A_163, %dma_start3A_164] : memref<4x64x128xf32, #tpu.memory_space<vmem>> -> memref<1x64x128xf32, #tpu.memory_space<vmem>>
      %dma_start3A_166 = tpu.memref_squeeze %dma_start3A_165 : memref<1x64x128xf32, #tpu.memory_space<vmem>> -> memref<64x128xf32, #tpu.memory_space<vmem>>
      tpu.enqueue_dma source(%arg5 : memref<64x128xf32, #tpu.memory_space<hbm>>) target(%dma_start3A_166 : memref<64x128xf32, #tpu.memory_space<vmem>>) target_semaphore(%run_scoped3A_159 : memref<!tpu.dma_semaphore, #tpu.memory_space<semaphore_mem>>)
      %dma_wait3A = arith.constant 0 : i32
      %dma_wait3A_167 = arith.constant 0 : i32
      %dma_wait3A_168 = tpu.memref_slice %arg9[%run_scoped3A, %dma_wait3A, %dma_wait3A_167] : memref<4x64x128xf32, #tpu.memory_space<vmem>> -> memref<1x64x128xf32, #tpu.memory_space<vmem>>
      %dma_wait3A_169 = tpu.memref_squeeze %dma_wait3A_168 : memref<1x64x128xf32, #tpu.memory_space<vmem>> -> memref<64x128xf32, #tpu.memory_space<vmem>>
      %dma_wait3A_170 = arith.constant 0 : i32
      %dma_wait3A_171 = arith.constant 0 : i32
      %dma_wait3A_172 = tpu.memref_slice %arg9[%run_scoped3A, %dma_wait3A_170, %dma_wait3A_171] : memref<4x64x128xf32, #tpu.memory_space<vmem>> -> memref<1x64x128xf32, #tpu.memory_space<vmem>>
      %dma_wait3A_173 = tpu.memref_squeeze %dma_wait3A_172 : memref<1x64x128xf32, #tpu.memory_space<vmem>> -> memref<64x128xf32, #tpu.memory_space<vmem>>
      tpu.wait_dma2 semaphore(%run_scoped3A_159 : memref<!tpu.dma_semaphore, #tpu.memory_space<semaphore_mem>>) src(%arg5 : memref<64x128xf32, #tpu.memory_space<hbm>>) dst(%dma_wait3A_173 : memref<64x128xf32, #tpu.memory_space<vmem>>)
      tpu.yield
    }) : () -> ()
    %mul3A = arith.constant 640 : i32
    %mul3A_0 = arith.muli %arg1, %mul3A : i32
    %add3A = arith.constant 0 : i32
    %add3A_1 = arith.addi %mul3A_0, %add3A : i32
    %run_scoped3A_2 = arith.constant 0 : i32
    "tpu.region"() ({
      %run_scoped3A_159 = tpu.sem_alloc : memref<!tpu.dma_semaphore, #tpu.memory_space<semaphore_mem>>
      %dma_start3A = arith.constant 0 : i32
      %dma_start3A_160 = arith.constant 0 : i32
      %dma_start3A_161 = tpu.memref_slice %arg9[%run_scoped3A_2, %dma_start3A, %dma_start3A_160] : memref<4x64x128xf32, #tpu.memory_space<vmem>> -> memref<1x64x128xf32, #tpu.memory_space<vmem>>
      %dma_start3A_162 = tpu.memref_squeeze %dma_start3A_161 : memref<1x64x128xf32, #tpu.memory_space<vmem>> -> memref<64x128xf32, #tpu.memory_space<vmem>>
      %dma_start3A_163 = arith.constant 0 : i32
      %dma_start3A_164 = tpu.memref_slice %arg10[%add3A_1, %dma_start3A_163] : memref<10240x128xf32, #tpu.memory_space<vmem_shared>> -> memref<64x128xf32, #tpu.memory_space<vmem_shared>>
      %dma_start3A_165 = arith.constant 0 : i32
      %dma_start3A_166 = tpu.memref_slice %arg10[%add3A_1, %dma_start3A_165] : memref<10240x128xf32, #tpu.memory_space<vmem_shared>> -> memref<64x128xf32, #tpu.memory_space<vmem_shared>>
      %dma_start3A_167 = arith.constant 0 : i32
      %dma_start3A_168 = arith.constant 0 : i32
      %dma_start3A_169 = tpu.memref_slice %arg9[%run_scoped3A_2, %dma_start3A_167, %dma_start3A_168] : memref<4x64x128xf32, #tpu.memory_space<vmem>> -> memref<1x64x128xf32, #tpu.memory_space<vmem>>
      %dma_start3A_170 = tpu.memref_squeeze %dma_start3A_169 : memref<1x64x128xf32, #tpu.memory_space<vmem>> -> memref<64x128xf32, #tpu.memory_space<vmem>>
      tpu.enqueue_dma source(%dma_start3A_170 : memref<64x128xf32, #tpu.memory_space<vmem>>) target(%dma_start3A_166 : memref<64x128xf32, #tpu.memory_space<vmem_shared>>) target_semaphore(%run_scoped3A_159 : memref<!tpu.dma_semaphore, #tpu.memory_space<semaphore_mem>>)
      %dma_wait3A = arith.constant 0 : i32
      %dma_wait3A_171 = arith.constant 0 : i32
      %dma_wait3A_172 = tpu.memref_slice %arg9[%run_scoped3A_2, %dma_wait3A, %dma_wait3A_171] : memref<4x64x128xf32, #tpu.memory_space<vmem>> -> memref<1x64x128xf32, #tpu.memory_space<vmem>>
      %dma_wait3A_173 = tpu.memref_squeeze %dma_wait3A_172 : memref<1x64x128xf32, #tpu.memory_space<vmem>> -> memref<64x128xf32, #tpu.memory_space<vmem>>
      %dma_wait3A_174 = arith.constant 0 : i32
      %dma_wait3A_175 = tpu.memref_slice %arg10[%add3A_1, %dma_wait3A_174] : memref<10240x128xf32, #tpu.memory_space<vmem_shared>> -> memref<64x128xf32, #tpu.memory_space<vmem_shared>>
      %dma_wait3A_176 = arith.constant 0 : i32
      %dma_wait3A_177 = tpu.memref_slice %arg10[%add3A_1, %dma_wait3A_176] : memref<10240x128xf32, #tpu.memory_space<vmem_shared>> -> memref<64x128xf32, #tpu.memory_space<vmem_shared>>
      %dma_wait3A_178 = arith.constant 0 : i32
      %dma_wait3A_179 = arith.constant 0 : i32
      %dma_wait3A_180 = tpu.memref_slice %arg9[%run_scoped3A_2, %dma_wait3A_178, %dma_wait3A_179] : memref<4x64x128xf32, #tpu.memory_space<vmem>> -> memref<1x64x128xf32, #tpu.memory_space<vmem>>
      %dma_wait3A_181 = tpu.memref_squeeze %dma_wait3A_180 : memref<1x64x128xf32, #tpu.memory_space<vmem>> -> memref<64x128xf32, #tpu.memory_space<vmem>>
      tpu.wait_dma2 semaphore(%run_scoped3A_159 : memref<!tpu.dma_semaphore, #tpu.memory_space<semaphore_mem>>) src(%dma_wait3A_181 : memref<64x128xf32, #tpu.memory_space<vmem>>) dst(%dma_wait3A_177 : memref<64x128xf32, #tpu.memory_space<vmem_shared>>)
      tpu.yield
    }) : () -> ()
    %mul3A_3 = arith.constant 640 : i32
    %mul3A_4 = arith.muli %arg1, %mul3A_3 : i32
    %add3A_5 = arith.constant 64 : i32
    %add3A_6 = arith.addi %mul3A_4, %add3A_5 : i32
    %run_scoped3A_7 = arith.constant 0 : i32
    "tpu.region"() ({
      %run_scoped3A_159 = tpu.sem_alloc : memref<!tpu.dma_semaphore, #tpu.memory_space<semaphore_mem>>
      %dma_start3A = arith.constant 0 : i32
      %dma_start3A_160 = arith.constant 0 : i32
      %dma_start3A_161 = tpu.memref_slice %arg9[%run_scoped3A_7, %dma_start3A, %dma_start3A_160] : memref<4x64x128xf32, #tpu.memory_space<vmem>> -> memref<1x64x128xf32, #tpu.memory_space<vmem>>
      %dma_start3A_162 = tpu.memref_squeeze %dma_start3A_161 : memref<1x64x128xf32, #tpu.memory_space<vmem>> -> memref<64x128xf32, #tpu.memory_space<vmem>>
      %dma_start3A_163 = arith.constant 0 : i32
      %dma_start3A_164 = tpu.memref_slice %arg10[%add3A_6, %dma_start3A_163] : memref<10240x128xf32, #tpu.memory_space<vmem_shared>> -> memref<64x128xf32, #tpu.memory_space<vmem_shared>>
      %dma_start3A_165 = arith.constant 0 : i32
      %dma_start3A_166 = tpu.memref_slice %arg10[%add3A_6, %dma_start3A_165] : memref<10240x128xf32, #tpu.memory_space<vmem_shared>> -> memref<64x128xf32, #tpu.memory_space<vmem_shared>>
      %dma_start3A_167 = arith.constant 0 : i32
      %dma_start3A_168 = arith.constant 0 : i32
      %dma_start3A_169 = tpu.memref_slice %arg9[%run_scoped3A_7, %dma_start3A_167, %dma_start3A_168] : memref<4x64x128xf32, #tpu.memory_space<vmem>> -> memref<1x64x128xf32, #tpu.memory_space<vmem>>
      %dma_start3A_170 = tpu.memref_squeeze %dma_start3A_169 : memref<1x64x128xf32, #tpu.memory_space<vmem>> -> memref<64x128xf32, #tpu.memory_space<vmem>>
      tpu.enqueue_dma source(%dma_start3A_170 : memref<64x128xf32, #tpu.memory_space<vmem>>) target(%dma_start3A_166 : memref<64x128xf32, #tpu.memory_space<vmem_shared>>) target_semaphore(%run_scoped3A_159 : memref<!tpu.dma_semaphore, #tpu.memory_space<semaphore_mem>>)
      %dma_wait3A = arith.constant 0 : i32
      %dma_wait3A_171 = arith.constant 0 : i32
      %dma_wait3A_172 = tpu.memref_slice %arg9[%run_scoped3A_7, %dma_wait3A, %dma_wait3A_171] : memref<4x64x128xf32, #tpu.memory_space<vmem>> -> memref<1x64x128xf32, #tpu.memory_space<vmem>>
      %dma_wait3A_173 = tpu.memref_squeeze %dma_wait3A_172 : memref<1x64x128xf32, #tpu.memory_space<vmem>> -> memref<64x128xf32, #tpu.memory_space<vmem>>
      %dma_wait3A_174 = arith.constant 0 : i32
      %dma_wait3A_175 = tpu.memref_slice %arg10[%add3A_6, %dma_wait3A_174] : memref<10240x128xf32, #tpu.memory_space<vmem_shared>> -> memref<64x128xf32, #tpu.memory_space<vmem_shared>>
      %dma_wait3A_176 = arith.constant 0 : i32
      %dma_wait3A_177 = tpu.memref_slice %arg10[%add3A_6, %dma_wait3A_176] : memref<10240x128xf32, #tpu.memory_space<vmem_shared>> -> memref<64x128xf32, #tpu.memory_space<vmem_shared>>
      %dma_wait3A_178 = arith.constant 0 : i32
      %dma_wait3A_179 = arith.constant 0 : i32
      %dma_wait3A_180 = tpu.memref_slice %arg9[%run_scoped3A_7, %dma_wait3A_178, %dma_wait3A_179] : memref<4x64x128xf32, #tpu.memory_space<vmem>> -> memref<1x64x128xf32, #tpu.memory_space<vmem>>
      %dma_wait3A_181 = tpu.memref_squeeze %dma_wait3A_180 : memref<1x64x128xf32, #tpu.memory_space<vmem>> -> memref<64x128xf32, #tpu.memory_space<vmem>>
      tpu.wait_dma2 semaphore(%run_scoped3A_159 : memref<!tpu.dma_semaphore, #tpu.memory_space<semaphore_mem>>) src(%dma_wait3A_181 : memref<64x128xf32, #tpu.memory_space<vmem>>) dst(%dma_wait3A_177 : memref<64x128xf32, #tpu.memory_space<vmem_shared>>)
      tpu.yield
    }) : () -> ()
    %mul3A_8 = arith.constant 640 : i32
    %mul3A_9 = arith.muli %arg1, %mul3A_8 : i32
    %add3A_10 = arith.constant 128 : i32
    %add3A_11 = arith.addi %mul3A_9, %add3A_10 : i32
    %run_scoped3A_12 = arith.constant 0 : i32
    "tpu.region"() ({
      %run_scoped3A_159 = tpu.sem_alloc : memref<!tpu.dma_semaphore, #tpu.memory_space<semaphore_mem>>
      %dma_start3A = arith.constant 0 : i32
      %dma_start3A_160 = arith.constant 0 : i32
      %dma_start3A_161 = tpu.memref_slice %arg9[%run_scoped3A_12, %dma_start3A, %dma_start3A_160] : memref<4x64x128xf32, #tpu.memory_space<vmem>> -> memref<1x64x128xf32, #tpu.memory_space<vmem>>
      %dma_start3A_162 = tpu.memref_squeeze %dma_start3A_161 : memref<1x64x128xf32, #tpu.memory_space<vmem>> -> memref<64x128xf32, #tpu.memory_space<vmem>>
      %dma_start3A_163 = arith.constant 0 : i32
      %dma_start3A_164 = tpu.memref_slice %arg10[%add3A_11, %dma_start3A_163] : memref<10240x128xf32, #tpu.memory_space<vmem_shared>> -> memref<64x128xf32, #tpu.memory_space<vmem_shared>>
      %dma_start3A_165 = arith.constant 0 : i32
      %dma_start3A_166 = tpu.memref_slice %arg10[%add3A_11, %dma_start3A_165] : memref<10240x128xf32, #tpu.memory_space<vmem_shared>> -> memref<64x128xf32, #tpu.memory_space<vmem_shared>>
      %dma_start3A_167 = arith.constant 0 : i32
      %dma_start3A_168 = arith.constant 0 : i32
      %dma_start3A_169 = tpu.memref_slice %arg9[%run_scoped3A_12, %dma_start3A_167, %dma_start3A_168] : memref<4x64x128xf32, #tpu.memory_space<vmem>> -> memref<1x64x128xf32, #tpu.memory_space<vmem>>
      %dma_start3A_170 = tpu.memref_squeeze %dma_start3A_169 : memref<1x64x128xf32, #tpu.memory_space<vmem>> -> memref<64x128xf32, #tpu.memory_space<vmem>>
      tpu.enqueue_dma source(%dma_start3A_170 : memref<64x128xf32, #tpu.memory_space<vmem>>) target(%dma_start3A_166 : memref<64x128xf32, #tpu.memory_space<vmem_shared>>) target_semaphore(%run_scoped3A_159 : memref<!tpu.dma_semaphore, #tpu.memory_space<semaphore_mem>>)
      %dma_wait3A = arith.constant 0 : i32
      %dma_wait3A_171 = arith.constant 0 : i32
      %dma_wait3A_172 = tpu.memref_slice %arg9[%run_scoped3A_12, %dma_wait3A, %dma_wait3A_171] : memref<4x64x128xf32, #tpu.memory_space<vmem>> -> memref<1x64x128xf32, #tpu.memory_space<vmem>>
      %dma_wait3A_173 = tpu.memref_squeeze %dma_wait3A_172 : memref<1x64x128xf32, #tpu.memory_space<vmem>> -> memref<64x128xf32, #tpu.memory_space<vmem>>
      %dma_wait3A_174 = arith.constant 0 : i32
      %dma_wait3A_175 = tpu.memref_slice %arg10[%add3A_11, %dma_wait3A_174] : memref<10240x128xf32, #tpu.memory_space<vmem_shared>> -> memref<64x128xf32, #tpu.memory_space<vmem_shared>>
      %dma_wait3A_176 = arith.constant 0 : i32
      %dma_wait3A_177 = tpu.memref_slice %arg10[%add3A_11, %dma_wait3A_176] : memref<10240x128xf32, #tpu.memory_space<vmem_shared>> -> memref<64x128xf32, #tpu.memory_space<vmem_shared>>
      %dma_wait3A_178 = arith.constant 0 : i32
      %dma_wait3A_179 = arith.constant 0 : i32
      %dma_wait3A_180 = tpu.memref_slice %arg9[%run_scoped3A_12, %dma_wait3A_178, %dma_wait3A_179] : memref<4x64x128xf32, #tpu.memory_space<vmem>> -> memref<1x64x128xf32, #tpu.memory_space<vmem>>
      %dma_wait3A_181 = tpu.memref_squeeze %dma_wait3A_180 : memref<1x64x128xf32, #tpu.memory_space<vmem>> -> memref<64x128xf32, #tpu.memory_space<vmem>>
      tpu.wait_dma2 semaphore(%run_scoped3A_159 : memref<!tpu.dma_semaphore, #tpu.memory_space<semaphore_mem>>) src(%dma_wait3A_181 : memref<64x128xf32, #tpu.memory_space<vmem>>) dst(%dma_wait3A_177 : memref<64x128xf32, #tpu.memory_space<vmem_shared>>)
      tpu.yield
    }) : () -> ()
    %mul3A_13 = arith.constant 640 : i32
    %mul3A_14 = arith.muli %arg1, %mul3A_13 : i32
    %add3A_15 = arith.constant 192 : i32
    %add3A_16 = arith.addi %mul3A_14, %add3A_15 : i32
    %run_scoped3A_17 = arith.constant 0 : i32
    "tpu.region"() ({
      %run_scoped3A_159 = tpu.sem_alloc : memref<!tpu.dma_semaphore, #tpu.memory_space<semaphore_mem>>
      %dma_start3A = arith.constant 0 : i32
      %dma_start3A_160 = arith.constant 0 : i32
      %dma_start3A_161 = tpu.memref_slice %arg9[%run_scoped3A_17, %dma_start3A, %dma_start3A_160] : memref<4x64x128xf32, #tpu.memory_space<vmem>> -> memref<1x64x128xf32, #tpu.memory_space<vmem>>
      %dma_start3A_162 = tpu.memref_squeeze %dma_start3A_161 : memref<1x64x128xf32, #tpu.memory_space<vmem>> -> memref<64x128xf32, #tpu.memory_space<vmem>>
      %dma_start3A_163 = arith.constant 0 : i32
      %dma_start3A_164 = tpu.memref_slice %arg10[%add3A_16, %dma_start3A_163] : memref<10240x128xf32, #tpu.memory_space<vmem_shared>> -> memref<64x128xf32, #tpu.memory_space<vmem_shared>>
      %dma_start3A_165 = arith.constant 0 : i32
      %dma_start3A_166 = tpu.memref_slice %arg10[%add3A_16, %dma_start3A_165] : memref<10240x128xf32, #tpu.memory_space<vmem_shared>> -> memref<64x128xf32, #tpu.memory_space<vmem_shared>>
      %dma_start3A_167 = arith.constant 0 : i32
      %dma_start3A_168 = arith.constant 0 : i32
      %dma_start3A_169 = tpu.memref_slice %arg9[%run_scoped3A_17, %dma_start3A_167, %dma_start3A_168] : memref<4x64x128xf32, #tpu.memory_space<vmem>> -> memref<1x64x128xf32, #tpu.memory_space<vmem>>
      %dma_start3A_170 = tpu.memref_squeeze %dma_start3A_169 : memref<1x64x128xf32, #tpu.memory_space<vmem>> -> memref<64x128xf32, #tpu.memory_space<vmem>>
      tpu.enqueue_dma source(%dma_start3A_170 : memref<64x128xf32, #tpu.memory_space<vmem>>) target(%dma_start3A_166 : memref<64x128xf32, #tpu.memory_space<vmem_shared>>) target_semaphore(%run_scoped3A_159 : memref<!tpu.dma_semaphore, #tpu.memory_space<semaphore_mem>>)
      %dma_wait3A = arith.constant 0 : i32
      %dma_wait3A_171 = arith.constant 0 : i32
      %dma_wait3A_172 = tpu.memref_slice %arg9[%run_scoped3A_17, %dma_wait3A, %dma_wait3A_171] : memref<4x64x128xf32, #tpu.memory_space<vmem>> -> memref<1x64x128xf32, #tpu.memory_space<vmem>>
      %dma_wait3A_173 = tpu.memref_squeeze %dma_wait3A_172 : memref<1x64x128xf32, #tpu.memory_space<vmem>> -> memref<64x128xf32, #tpu.memory_space<vmem>>
      %dma_wait3A_174 = arith.constant 0 : i32
      %dma_wait3A_175 = tpu.memref_slice %arg10[%add3A_16, %dma_wait3A_174] : memref<10240x128xf32, #tpu.memory_space<vmem_shared>> -> memref<64x128xf32, #tpu.memory_space<vmem_shared>>
      %dma_wait3A_176 = arith.constant 0 : i32
      %dma_wait3A_177 = tpu.memref_slice %arg10[%add3A_16, %dma_wait3A_176] : memref<10240x128xf32, #tpu.memory_space<vmem_shared>> -> memref<64x128xf32, #tpu.memory_space<vmem_shared>>
      %dma_wait3A_178 = arith.constant 0 : i32
      %dma_wait3A_179 = arith.constant 0 : i32
      %dma_wait3A_180 = tpu.memref_slice %arg9[%run_scoped3A_17, %dma_wait3A_178, %dma_wait3A_179] : memref<4x64x128xf32, #tpu.memory_space<vmem>> -> memref<1x64x128xf32, #tpu.memory_space<vmem>>
      %dma_wait3A_181 = tpu.memref_squeeze %dma_wait3A_180 : memref<1x64x128xf32, #tpu.memory_space<vmem>> -> memref<64x128xf32, #tpu.memory_space<vmem>>
      tpu.wait_dma2 semaphore(%run_scoped3A_159 : memref<!tpu.dma_semaphore, #tpu.memory_space<semaphore_mem>>) src(%dma_wait3A_181 : memref<64x128xf32, #tpu.memory_space<vmem>>) dst(%dma_wait3A_177 : memref<64x128xf32, #tpu.memory_space<vmem_shared>>)
      tpu.yield
    }) : () -> ()
    %mul3A_18 = arith.constant 640 : i32
    %mul3A_19 = arith.muli %arg1, %mul3A_18 : i32
    %add3A_20 = arith.constant 256 : i32
    %add3A_21 = arith.addi %mul3A_19, %add3A_20 : i32
    %run_scoped3A_22 = arith.constant 0 : i32
    "tpu.region"() ({
      %run_scoped3A_159 = tpu.sem_alloc : memref<!tpu.dma_semaphore, #tpu.memory_space<semaphore_mem>>
      %dma_start3A = arith.constant 0 : i32
      %dma_start3A_160 = arith.constant 0 : i32
      %dma_start3A_161 = tpu.memref_slice %arg9[%run_scoped3A_22, %dma_start3A, %dma_start3A_160] : memref<4x64x128xf32, #tpu.memory_space<vmem>> -> memref<1x64x128xf32, #tpu.memory_space<vmem>>
      %dma_start3A_162 = tpu.memref_squeeze %dma_start3A_161 : memref<1x64x128xf32, #tpu.memory_space<vmem>> -> memref<64x128xf32, #tpu.memory_space<vmem>>
      %dma_start3A_163 = arith.constant 0 : i32
      %dma_start3A_164 = tpu.memref_slice %arg10[%add3A_21, %dma_start3A_163] : memref<10240x128xf32, #tpu.memory_space<vmem_shared>> -> memref<64x128xf32, #tpu.memory_space<vmem_shared>>
      %dma_start3A_165 = arith.constant 0 : i32
      %dma_start3A_166 = tpu.memref_slice %arg10[%add3A_21, %dma_start3A_165] : memref<10240x128xf32, #tpu.memory_space<vmem_shared>> -> memref<64x128xf32, #tpu.memory_space<vmem_shared>>
      %dma_start3A_167 = arith.constant 0 : i32
      %dma_start3A_168 = arith.constant 0 : i32
      %dma_start3A_169 = tpu.memref_slice %arg9[%run_scoped3A_22, %dma_start3A_167, %dma_start3A_168] : memref<4x64x128xf32, #tpu.memory_space<vmem>> -> memref<1x64x128xf32, #tpu.memory_space<vmem>>
      %dma_start3A_170 = tpu.memref_squeeze %dma_start3A_169 : memref<1x64x128xf32, #tpu.memory_space<vmem>> -> memref<64x128xf32, #tpu.memory_space<vmem>>
      tpu.enqueue_dma source(%dma_start3A_170 : memref<64x128xf32, #tpu.memory_space<vmem>>) target(%dma_start3A_166 : memref<64x128xf32, #tpu.memory_space<vmem_shared>>) target_semaphore(%run_scoped3A_159 : memref<!tpu.dma_semaphore, #tpu.memory_space<semaphore_mem>>)
      %dma_wait3A = arith.constant 0 : i32
      %dma_wait3A_171 = arith.constant 0 : i32
      %dma_wait3A_172 = tpu.memref_slice %arg9[%run_scoped3A_22, %dma_wait3A, %dma_wait3A_171] : memref<4x64x128xf32, #tpu.memory_space<vmem>> -> memref<1x64x128xf32, #tpu.memory_space<vmem>>
      %dma_wait3A_173 = tpu.memref_squeeze %dma_wait3A_172 : memref<1x64x128xf32, #tpu.memory_space<vmem>> -> memref<64x128xf32, #tpu.memory_space<vmem>>
      %dma_wait3A_174 = arith.constant 0 : i32
      %dma_wait3A_175 = tpu.memref_slice %arg10[%add3A_21, %dma_wait3A_174] : memref<10240x128xf32, #tpu.memory_space<vmem_shared>> -> memref<64x128xf32, #tpu.memory_space<vmem_shared>>
      %dma_wait3A_176 = arith.constant 0 : i32
      %dma_wait3A_177 = tpu.memref_slice %arg10[%add3A_21, %dma_wait3A_176] : memref<10240x128xf32, #tpu.memory_space<vmem_shared>> -> memref<64x128xf32, #tpu.memory_space<vmem_shared>>
      %dma_wait3A_178 = arith.constant 0 : i32
      %dma_wait3A_179 = arith.constant 0 : i32
      %dma_wait3A_180 = tpu.memref_slice %arg9[%run_scoped3A_22, %dma_wait3A_178, %dma_wait3A_179] : memref<4x64x128xf32, #tpu.memory_space<vmem>> -> memref<1x64x128xf32, #tpu.memory_space<vmem>>
      %dma_wait3A_181 = tpu.memref_squeeze %dma_wait3A_180 : memref<1x64x128xf32, #tpu.memory_space<vmem>> -> memref<64x128xf32, #tpu.memory_space<vmem>>
      tpu.wait_dma2 semaphore(%run_scoped3A_159 : memref<!tpu.dma_semaphore, #tpu.memory_space<semaphore_mem>>) src(%dma_wait3A_181 : memref<64x128xf32, #tpu.memory_space<vmem>>) dst(%dma_wait3A_177 : memref<64x128xf32, #tpu.memory_space<vmem_shared>>)
      tpu.yield
    }) : () -> ()
    %mul3A_23 = arith.constant 640 : i32
    %mul3A_24 = arith.muli %arg1, %mul3A_23 : i32
    %add3A_25 = arith.constant 320 : i32
    %add3A_26 = arith.addi %mul3A_24, %add3A_25 : i32
    %run_scoped3A_27 = arith.constant 0 : i32
    "tpu.region"() ({
      %run_scoped3A_159 = tpu.sem_alloc : memref<!tpu.dma_semaphore, #tpu.memory_space<semaphore_mem>>
      %dma_start3A = arith.constant 0 : i32
      %dma_start3A_160 = arith.constant 0 : i32
      %dma_start3A_161 = tpu.memref_slice %arg9[%run_scoped3A_27, %dma_start3A, %dma_start3A_160] : memref<4x64x128xf32, #tpu.memory_space<vmem>> -> memref<1x64x128xf32, #tpu.memory_space<vmem>>
      %dma_start3A_162 = tpu.memref_squeeze %dma_start3A_161 : memref<1x64x128xf32, #tpu.memory_space<vmem>> -> memref<64x128xf32, #tpu.memory_space<vmem>>
      %dma_start3A_163 = arith.constant 0 : i32
      %dma_start3A_164 = tpu.memref_slice %arg10[%add3A_26, %dma_start3A_163] : memref<10240x128xf32, #tpu.memory_space<vmem_shared>> -> memref<64x128xf32, #tpu.memory_space<vmem_shared>>
      %dma_start3A_165 = arith.constant 0 : i32
      %dma_start3A_166 = tpu.memref_slice %arg10[%add3A_26, %dma_start3A_165] : memref<10240x128xf32, #tpu.memory_space<vmem_shared>> -> memref<64x128xf32, #tpu.memory_space<vmem_shared>>
      %dma_start3A_167 = arith.constant 0 : i32
      %dma_start3A_168 = arith.constant 0 : i32
      %dma_start3A_169 = tpu.memref_slice %arg9[%run_scoped3A_27, %dma_start3A_167, %dma_start3A_168] : memref<4x64x128xf32, #tpu.memory_space<vmem>> -> memref<1x64x128xf32, #tpu.memory_space<vmem>>
      %dma_start3A_170 = tpu.memref_squeeze %dma_start3A_169 : memref<1x64x128xf32, #tpu.memory_space<vmem>> -> memref<64x128xf32, #tpu.memory_space<vmem>>
      tpu.enqueue_dma source(%dma_start3A_170 : memref<64x128xf32, #tpu.memory_space<vmem>>) target(%dma_start3A_166 : memref<64x128xf32, #tpu.memory_space<vmem_shared>>) target_semaphore(%run_scoped3A_159 : memref<!tpu.dma_semaphore, #tpu.memory_space<semaphore_mem>>)
      %dma_wait3A = arith.constant 0 : i32
      %dma_wait3A_171 = arith.constant 0 : i32
      %dma_wait3A_172 = tpu.memref_slice %arg9[%run_scoped3A_27, %dma_wait3A, %dma_wait3A_171] : memref<4x64x128xf32, #tpu.memory_space<vmem>> -> memref<1x64x128xf32, #tpu.memory_space<vmem>>
      %dma_wait3A_173 = tpu.memref_squeeze %dma_wait3A_172 : memref<1x64x128xf32, #tpu.memory_space<vmem>> -> memref<64x128xf32, #tpu.memory_space<vmem>>
      %dma_wait3A_174 = arith.constant 0 : i32
      %dma_wait3A_175 = tpu.memref_slice %arg10[%add3A_26, %dma_wait3A_174] : memref<10240x128xf32, #tpu.memory_space<vmem_shared>> -> memref<64x128xf32, #tpu.memory_space<vmem_shared>>
      %dma_wait3A_176 = arith.constant 0 : i32
      %dma_wait3A_177 = tpu.memref_slice %arg10[%add3A_26, %dma_wait3A_176] : memref<10240x128xf32, #tpu.memory_space<vmem_shared>> -> memref<64x128xf32, #tpu.memory_space<vmem_shared>>
      %dma_wait3A_178 = arith.constant 0 : i32
      %dma_wait3A_179 = arith.constant 0 : i32
      %dma_wait3A_180 = tpu.memref_slice %arg9[%run_scoped3A_27, %dma_wait3A_178, %dma_wait3A_179] : memref<4x64x128xf32, #tpu.memory_space<vmem>> -> memref<1x64x128xf32, #tpu.memory_space<vmem>>
      %dma_wait3A_181 = tpu.memref_squeeze %dma_wait3A_180 : memref<1x64x128xf32, #tpu.memory_space<vmem>> -> memref<64x128xf32, #tpu.memory_space<vmem>>
      tpu.wait_dma2 semaphore(%run_scoped3A_159 : memref<!tpu.dma_semaphore, #tpu.memory_space<semaphore_mem>>) src(%dma_wait3A_181 : memref<64x128xf32, #tpu.memory_space<vmem>>) dst(%dma_wait3A_177 : memref<64x128xf32, #tpu.memory_space<vmem_shared>>)
      tpu.yield
    }) : () -> ()
    %mul3A_28 = arith.constant 640 : i32
    %mul3A_29 = arith.muli %arg1, %mul3A_28 : i32
    %add3A_30 = arith.constant 384 : i32
    %add3A_31 = arith.addi %mul3A_29, %add3A_30 : i32
    %run_scoped3A_32 = arith.constant 0 : i32
    "tpu.region"() ({
      %run_scoped3A_159 = tpu.sem_alloc : memref<!tpu.dma_semaphore, #tpu.memory_space<semaphore_mem>>
      %dma_start3A = arith.constant 0 : i32
      %dma_start3A_160 = arith.constant 0 : i32
      %dma_start3A_161 = tpu.memref_slice %arg9[%run_scoped3A_32, %dma_start3A, %dma_start3A_160] : memref<4x64x128xf32, #tpu.memory_space<vmem>> -> memref<1x64x128xf32, #tpu.memory_space<vmem>>
      %dma_start3A_162 = tpu.memref_squeeze %dma_start3A_161 : memref<1x64x128xf32, #tpu.memory_space<vmem>> -> memref<64x128xf32, #tpu.memory_space<vmem>>
      %dma_start3A_163 = arith.constant 0 : i32
      %dma_start3A_164 = tpu.memref_slice %arg10[%add3A_31, %dma_start3A_163] : memref<10240x128xf32, #tpu.memory_space<vmem_shared>> -> memref<64x128xf32, #tpu.memory_space<vmem_shared>>
      %dma_start3A_165 = arith.constant 0 : i32
      %dma_start3A_166 = tpu.memref_slice %arg10[%add3A_31, %dma_start3A_165] : memref<10240x128xf32, #tpu.memory_space<vmem_shared>> -> memref<64x128xf32, #tpu.memory_space<vmem_shared>>
      %dma_start3A_167 = arith.constant 0 : i32
      %dma_start3A_168 = arith.constant 0 : i32
      %dma_start3A_169 = tpu.memref_slice %arg9[%run_scoped3A_32, %dma_start3A_167, %dma_start3A_168] : memref<4x64x128xf32, #tpu.memory_space<vmem>> -> memref<1x64x128xf32, #tpu.memory_space<vmem>>
      %dma_start3A_170 = tpu.memref_squeeze %dma_start3A_169 : memref<1x64x128xf32, #tpu.memory_space<vmem>> -> memref<64x128xf32, #tpu.memory_space<vmem>>
      tpu.enqueue_dma source(%dma_start3A_170 : memref<64x128xf32, #tpu.memory_space<vmem>>) target(%dma_start3A_166 : memref<64x128xf32, #tpu.memory_space<vmem_shared>>) target_semaphore(%run_scoped3A_159 : memref<!tpu.dma_semaphore, #tpu.memory_space<semaphore_mem>>)
      %dma_wait3A = arith.constant 0 : i32
      %dma_wait3A_171 = arith.constant 0 : i32
      %dma_wait3A_172 = tpu.memref_slice %arg9[%run_scoped3A_32, %dma_wait3A, %dma_wait3A_171] : memref<4x64x128xf32, #tpu.memory_space<vmem>> -> memref<1x64x128xf32, #tpu.memory_space<vmem>>
      %dma_wait3A_173 = tpu.memref_squeeze %dma_wait3A_172 : memref<1x64x128xf32, #tpu.memory_space<vmem>> -> memref<64x128xf32, #tpu.memory_space<vmem>>
      %dma_wait3A_174 = arith.constant 0 : i32
      %dma_wait3A_175 = tpu.memref_slice %arg10[%add3A_31, %dma_wait3A_174] : memref<10240x128xf32, #tpu.memory_space<vmem_shared>> -> memref<64x128xf32, #tpu.memory_space<vmem_shared>>
      %dma_wait3A_176 = arith.constant 0 : i32
      %dma_wait3A_177 = tpu.memref_slice %arg10[%add3A_31, %dma_wait3A_176] : memref<10240x128xf32, #tpu.memory_space<vmem_shared>> -> memref<64x128xf32, #tpu.memory_space<vmem_shared>>
      %dma_wait3A_178 = arith.constant 0 : i32
      %dma_wait3A_179 = arith.constant 0 : i32
      %dma_wait3A_180 = tpu.memref_slice %arg9[%run_scoped3A_32, %dma_wait3A_178, %dma_wait3A_179] : memref<4x64x128xf32, #tpu.memory_space<vmem>> -> memref<1x64x128xf32, #tpu.memory_space<vmem>>
      %dma_wait3A_181 = tpu.memref_squeeze %dma_wait3A_180 : memref<1x64x128xf32, #tpu.memory_space<vmem>> -> memref<64x128xf32, #tpu.memory_space<vmem>>
      tpu.wait_dma2 semaphore(%run_scoped3A_159 : memref<!tpu.dma_semaphore, #tpu.memory_space<semaphore_mem>>) src(%dma_wait3A_181 : memref<64x128xf32, #tpu.memory_space<vmem>>) dst(%dma_wait3A_177 : memref<64x128xf32, #tpu.memory_space<vmem_shared>>)
      tpu.yield
    }) : () -> ()
    %mul3A_33 = arith.constant 640 : i32
    %mul3A_34 = arith.muli %arg1, %mul3A_33 : i32
    %add3A_35 = arith.constant 448 : i32
    %add3A_36 = arith.addi %mul3A_34, %add3A_35 : i32
    %run_scoped3A_37 = arith.constant 0 : i32
    "tpu.region"() ({
      %run_scoped3A_159 = tpu.sem_alloc : memref<!tpu.dma_semaphore, #tpu.memory_space<semaphore_mem>>
      %dma_start3A = arith.constant 0 : i32
      %dma_start3A_160 = arith.constant 0 : i32
      %dma_start3A_161 = tpu.memref_slice %arg9[%run_scoped3A_37, %dma_start3A, %dma_start3A_160] : memref<4x64x128xf32, #tpu.memory_space<vmem>> -> memref<1x64x128xf32, #tpu.memory_space<vmem>>
      %dma_start3A_162 = tpu.memref_squeeze %dma_start3A_161 : memref<1x64x128xf32, #tpu.memory_space<vmem>> -> memref<64x128xf32, #tpu.memory_space<vmem>>
      %dma_start3A_163 = arith.constant 0 : i32
      %dma_start3A_164 = tpu.memref_slice %arg10[%add3A_36, %dma_start3A_163] : memref<10240x128xf32, #tpu.memory_space<vmem_shared>> -> memref<64x128xf32, #tpu.memory_space<vmem_shared>>
      %dma_start3A_165 = arith.constant 0 : i32
      %dma_start3A_166 = tpu.memref_slice %arg10[%add3A_36, %dma_start3A_165] : memref<10240x128xf32, #tpu.memory_space<vmem_shared>> -> memref<64x128xf32, #tpu.memory_space<vmem_shared>>
      %dma_start3A_167 = arith.constant 0 : i32
      %dma_start3A_168 = arith.constant 0 : i32
      %dma_start3A_169 = tpu.memref_slice %arg9[%run_scoped3A_37, %dma_start3A_167, %dma_start3A_168] : memref<4x64x128xf32, #tpu.memory_space<vmem>> -> memref<1x64x128xf32, #tpu.memory_space<vmem>>
      %dma_start3A_170 = tpu.memref_squeeze %dma_start3A_169 : memref<1x64x128xf32, #tpu.memory_space<vmem>> -> memref<64x128xf32, #tpu.memory_space<vmem>>
      tpu.enqueue_dma source(%dma_start3A_170 : memref<64x128xf32, #tpu.memory_space<vmem>>) target(%dma_start3A_166 : memref<64x128xf32, #tpu.memory_space<vmem_shared>>) target_semaphore(%run_scoped3A_159 : memref<!tpu.dma_semaphore, #tpu.memory_space<semaphore_mem>>)
      %dma_wait3A = arith.constant 0 : i32
      %dma_wait3A_171 = arith.constant 0 : i32
      %dma_wait3A_172 = tpu.memref_slice %arg9[%run_scoped3A_37, %dma_wait3A, %dma_wait3A_171] : memref<4x64x128xf32, #tpu.memory_space<vmem>> -> memref<1x64x128xf32, #tpu.memory_space<vmem>>
      %dma_wait3A_173 = tpu.memref_squeeze %dma_wait3A_172 : memref<1x64x128xf32, #tpu.memory_space<vmem>> -> memref<64x128xf32, #tpu.memory_space<vmem>>
      %dma_wait3A_174 = arith.constant 0 : i32
      %dma_wait3A_175 = tpu.memref_slice %arg10[%add3A_36, %dma_wait3A_174] : memref<10240x128xf32, #tpu.memory_space<vmem_shared>> -> memref<64x128xf32, #tpu.memory_space<vmem_shared>>
      %dma_wait3A_176 = arith.constant 0 : i32
      %dma_wait3A_177 = tpu.memref_slice %arg10[%add3A_36, %dma_wait3A_176] : memref<10240x128xf32, #tpu.memory_space<vmem_shared>> -> memref<64x128xf32, #tpu.memory_space<vmem_shared>>
      %dma_wait3A_178 = arith.constant 0 : i32
      %dma_wait3A_179 = arith.constant 0 : i32
      %dma_wait3A_180 = tpu.memref_slice %arg9[%run_scoped3A_37, %dma_wait3A_178, %dma_wait3A_179] : memref<4x64x128xf32, #tpu.memory_space<vmem>> -> memref<1x64x128xf32, #tpu.memory_space<vmem>>
      %dma_wait3A_181 = tpu.memref_squeeze %dma_wait3A_180 : memref<1x64x128xf32, #tpu.memory_space<vmem>> -> memref<64x128xf32, #tpu.memory_space<vmem>>
      tpu.wait_dma2 semaphore(%run_scoped3A_159 : memref<!tpu.dma_semaphore, #tpu.memory_space<semaphore_mem>>) src(%dma_wait3A_181 : memref<64x128xf32, #tpu.memory_space<vmem>>) dst(%dma_wait3A_177 : memref<64x128xf32, #tpu.memory_space<vmem_shared>>)
      tpu.yield
    }) : () -> ()
    %mul3A_38 = arith.constant 640 : i32
    %mul3A_39 = arith.muli %arg1, %mul3A_38 : i32
    %add3A_40 = arith.constant 512 : i32
    %add3A_41 = arith.addi %mul3A_39, %add3A_40 : i32
    %run_scoped3A_42 = arith.constant 0 : i32
    "tpu.region"() ({
      %run_scoped3A_159 = tpu.sem_alloc : memref<!tpu.dma_semaphore, #tpu.memory_space<semaphore_mem>>
      %dma_start3A = arith.constant 0 : i32
      %dma_start3A_160 = arith.constant 0 : i32
      %dma_start3A_161 = tpu.memref_slice %arg9[%run_scoped3A_42, %dma_start3A, %dma_start3A_160] : memref<4x64x128xf32, #tpu.memory_space<vmem>> -> memref<1x64x128xf32, #tpu.memory_space<vmem>>
      %dma_start3A_162 = tpu.memref_squeeze %dma_start3A_161 : memref<1x64x128xf32, #tpu.memory_space<vmem>> -> memref<64x128xf32, #tpu.memory_space<vmem>>
      %dma_start3A_163 = arith.constant 0 : i32
      %dma_start3A_164 = tpu.memref_slice %arg10[%add3A_41, %dma_start3A_163] : memref<10240x128xf32, #tpu.memory_space<vmem_shared>> -> memref<64x128xf32, #tpu.memory_space<vmem_shared>>
      %dma_start3A_165 = arith.constant 0 : i32
      %dma_start3A_166 = tpu.memref_slice %arg10[%add3A_41, %dma_start3A_165] : memref<10240x128xf32, #tpu.memory_space<vmem_shared>> -> memref<64x128xf32, #tpu.memory_space<vmem_shared>>
      %dma_start3A_167 = arith.constant 0 : i32
      %dma_start3A_168 = arith.constant 0 : i32
      %dma_start3A_169 = tpu.memref_slice %arg9[%run_scoped3A_42, %dma_start3A_167, %dma_start3A_168] : memref<4x64x128xf32, #tpu.memory_space<vmem>> -> memref<1x64x128xf32, #tpu.memory_space<vmem>>
      %dma_start3A_170 = tpu.memref_squeeze %dma_start3A_169 : memref<1x64x128xf32, #tpu.memory_space<vmem>> -> memref<64x128xf32, #tpu.memory_space<vmem>>
      tpu.enqueue_dma source(%dma_start3A_170 : memref<64x128xf32, #tpu.memory_space<vmem>>) target(%dma_start3A_166 : memref<64x128xf32, #tpu.memory_space<vmem_shared>>) target_semaphore(%run_scoped3A_159 : memref<!tpu.dma_semaphore, #tpu.memory_space<semaphore_mem>>)
      %dma_wait3A = arith.constant 0 : i32
      %dma_wait3A_171 = arith.constant 0 : i32
      %dma_wait3A_172 = tpu.memref_slice %arg9[%run_scoped3A_42, %dma_wait3A, %dma_wait3A_171] : memref<4x64x128xf32, #tpu.memory_space<vmem>> -> memref<1x64x128xf32, #tpu.memory_space<vmem>>
      %dma_wait3A_173 = tpu.memref_squeeze %dma_wait3A_172 : memref<1x64x128xf32, #tpu.memory_space<vmem>> -> memref<64x128xf32, #tpu.memory_space<vmem>>
      %dma_wait3A_174 = arith.constant 0 : i32
      %dma_wait3A_175 = tpu.memref_slice %arg10[%add3A_41, %dma_wait3A_174] : memref<10240x128xf32, #tpu.memory_space<vmem_shared>> -> memref<64x128xf32, #tpu.memory_space<vmem_shared>>
      %dma_wait3A_176 = arith.constant 0 : i32
      %dma_wait3A_177 = tpu.memref_slice %arg10[%add3A_41, %dma_wait3A_176] : memref<10240x128xf32, #tpu.memory_space<vmem_shared>> -> memref<64x128xf32, #tpu.memory_space<vmem_shared>>
      %dma_wait3A_178 = arith.constant 0 : i32
      %dma_wait3A_179 = arith.constant 0 : i32
      %dma_wait3A_180 = tpu.memref_slice %arg9[%run_scoped3A_42, %dma_wait3A_178, %dma_wait3A_179] : memref<4x64x128xf32, #tpu.memory_space<vmem>> -> memref<1x64x128xf32, #tpu.memory_space<vmem>>
      %dma_wait3A_181 = tpu.memref_squeeze %dma_wait3A_180 : memref<1x64x128xf32, #tpu.memory_space<vmem>> -> memref<64x128xf32, #tpu.memory_space<vmem>>
      tpu.wait_dma2 semaphore(%run_scoped3A_159 : memref<!tpu.dma_semaphore, #tpu.memory_space<semaphore_mem>>) src(%dma_wait3A_181 : memref<64x128xf32, #tpu.memory_space<vmem>>) dst(%dma_wait3A_177 : memref<64x128xf32, #tpu.memory_space<vmem_shared>>)
      tpu.yield
    }) : () -> ()
    %mul3A_43 = arith.constant 640 : i32
    %mul3A_44 = arith.muli %arg1, %mul3A_43 : i32
    %add3A_45 = arith.constant 576 : i32
    %add3A_46 = arith.addi %mul3A_44, %add3A_45 : i32
    %run_scoped3A_47 = arith.constant 0 : i32
    "tpu.region"() ({
      %run_scoped3A_159 = tpu.sem_alloc : memref<!tpu.dma_semaphore, #tpu.memory_space<semaphore_mem>>
      %dma_start3A = arith.constant 0 : i32
      %dma_start3A_160 = arith.constant 0 : i32
      %dma_start3A_161 = tpu.memref_slice %arg9[%run_scoped3A_47, %dma_start3A, %dma_start3A_160] : memref<4x64x128xf32, #tpu.memory_space<vmem>> -> memref<1x64x128xf32, #tpu.memory_space<vmem>>
      %dma_start3A_162 = tpu.memref_squeeze %dma_start3A_161 : memref<1x64x128xf32, #tpu.memory_space<vmem>> -> memref<64x128xf32, #tpu.memory_space<vmem>>
      %dma_start3A_163 = arith.constant 0 : i32
      %dma_start3A_164 = tpu.memref_slice %arg10[%add3A_46, %dma_start3A_163] : memref<10240x128xf32, #tpu.memory_space<vmem_shared>> -> memref<64x128xf32, #tpu.memory_space<vmem_shared>>
      %dma_start3A_165 = arith.constant 0 : i32
      %dma_start3A_166 = tpu.memref_slice %arg10[%add3A_46, %dma_start3A_165] : memref<10240x128xf32, #tpu.memory_space<vmem_shared>> -> memref<64x128xf32, #tpu.memory_space<vmem_shared>>
      %dma_start3A_167 = arith.constant 0 : i32
      %dma_start3A_168 = arith.constant 0 : i32
      %dma_start3A_169 = tpu.memref_slice %arg9[%run_scoped3A_47, %dma_start3A_167, %dma_start3A_168] : memref<4x64x128xf32, #tpu.memory_space<vmem>> -> memref<1x64x128xf32, #tpu.memory_space<vmem>>
      %dma_start3A_170 = tpu.memref_squeeze %dma_start3A_169 : memref<1x64x128xf32, #tpu.memory_space<vmem>> -> memref<64x128xf32, #tpu.memory_space<vmem>>
      tpu.enqueue_dma source(%dma_start3A_170 : memref<64x128xf32, #tpu.memory_space<vmem>>) target(%dma_start3A_166 : memref<64x128xf32, #tpu.memory_space<vmem_shared>>) target_semaphore(%run_scoped3A_159 : memref<!tpu.dma_semaphore, #tpu.memory_space<semaphore_mem>>)
      %dma_wait3A = arith.constant 0 : i32
      %dma_wait3A_171 = arith.constant 0 : i32
      %dma_wait3A_172 = tpu.memref_slice %arg9[%run_scoped3A_47, %dma_wait3A, %dma_wait3A_171] : memref<4x64x128xf32, #tpu.memory_space<vmem>> -> memref<1x64x128xf32, #tpu.memory_space<vmem>>
      %dma_wait3A_173 = tpu.memref_squeeze %dma_wait3A_172 : memref<1x64x128xf32, #tpu.memory_space<vmem>> -> memref<64x128xf32, #tpu.memory_space<vmem>>
      %dma_wait3A_174 = arith.constant 0 : i32
      %dma_wait3A_175 = tpu.memref_slice %arg10[%add3A_46, %dma_wait3A_174] : memref<10240x128xf32, #tpu.memory_space<vmem_shared>> -> memref<64x128xf32, #tpu.memory_space<vmem_shared>>
      %dma_wait3A_176 = arith.constant 0 : i32
      %dma_wait3A_177 = tpu.memref_slice %arg10[%add3A_46, %dma_wait3A_176] : memref<10240x128xf32, #tpu.memory_space<vmem_shared>> -> memref<64x128xf32, #tpu.memory_space<vmem_shared>>
      %dma_wait3A_178 = arith.constant 0 : i32
      %dma_wait3A_179 = arith.constant 0 : i32
      %dma_wait3A_180 = tpu.memref_slice %arg9[%run_scoped3A_47, %dma_wait3A_178, %dma_wait3A_179] : memref<4x64x128xf32, #tpu.memory_space<vmem>> -> memref<1x64x128xf32, #tpu.memory_space<vmem>>
      %dma_wait3A_181 = tpu.memref_squeeze %dma_wait3A_180 : memref<1x64x128xf32, #tpu.memory_space<vmem>> -> memref<64x128xf32, #tpu.memory_space<vmem>>
      tpu.wait_dma2 semaphore(%run_scoped3A_159 : memref<!tpu.dma_semaphore, #tpu.memory_space<semaphore_mem>>) src(%dma_wait3A_181 : memref<64x128xf32, #tpu.memory_space<vmem>>) dst(%dma_wait3A_177 : memref<64x128xf32, #tpu.memory_space<vmem_shared>>)
      tpu.yield
    }) : () -> ()
    %barrier3A = arith.constant 0 : index
    tpu.barrier barrier_id(%barrier3A)
    %eq3A = arith.constant 0 : i32
    %eq3A_48 = arith.cmpi eq, %arg0, %eq3A : i32
    %mul3A_49 = arith.constant 256 : i32
    %mul3A_50 = arith.muli %arg1, %mul3A_49 : i32
    %mul3A_51 = arith.constant 64 : i32
    %mul3A_52 = arith.muli %arg1, %mul3A_51 : i32
    %add3A_53 = arith.constant 4096 : i32
    %add3A_54 = arith.addi %add3A_53, %mul3A_52 : i32
    %select_n3A = arith.select %eq3A_48, %mul3A_50, %add3A_54 : i32
    %eq3A_55 = arith.constant 0 : i32
    %eq3A_56 = arith.cmpi eq, %arg0, %eq3A_55 : i32
    %jit3A = arith.constant 8 : i32
    %jit3A_57 = arith.constant 2 : i32
    %select_n3A_58 = arith.select %eq3A_56, %jit3A, %jit3A_57 : i32
    %while3A = arith.constant 0 : i32
    %while3A_59 = arith.constant 0 : i32
    %while3A_60 = arith.subi %select_n3A_58, %while3A_59 : i32
    %while3A_61 = arith.addi %while3A_59, %while3A_60 : i32
    %while3A_62 = arith.constant 1 : i32
    %while3A_63 = arith.divsi %while3A_60, %while3A_62 : i32
    %while3A_64 = arith.muli %while3A_63, %while3A_62 : i32
    %while3A_65 = arith.addi %while3A_59, %while3A_64 : i32
    %while3A_66 = arith.constant 1 : i32
    scf.for %while3A_159 = %while3A_59 to %while3A_65 step %while3A_66  : i32 {
      %mul3A_160 = arith.constant 32 : i32
      %mul3A_161 = arith.muli %while3A_159, %mul3A_160 : i32
      %add3A_162 = arith.addi %select_n3A, %mul3A_161 : i32
      "tpu.region"() ({
        %run_scoped3A_262 = tpu.sem_alloc : memref<!tpu.dma_semaphore, #tpu.memory_space<semaphore_mem>>
        %dma_start3A_263 = arith.constant 0 : i32
        %dma_start3A_264 = tpu.memref_slice %arg2[%add3A_162, %dma_start3A_263] : memref<5120x64xi32, #tpu.memory_space<hbm>> -> memref<32x64xi32, #tpu.memory_space<hbm>>
        %dma_start3A_265 = arith.constant 0 : i32
        %dma_start3A_266 = tpu.memref_slice %arg2[%add3A_162, %dma_start3A_265] : memref<5120x64xi32, #tpu.memory_space<hbm>> -> memref<32x64xi32, #tpu.memory_space<hbm>>
        tpu.enqueue_dma source(%dma_start3A_266 : memref<32x64xi32, #tpu.memory_space<hbm>>) target(%arg7 : memref<32x64xi32, #tpu.memory_space<vmem>>) target_semaphore(%run_scoped3A_262 : memref<!tpu.dma_semaphore, #tpu.memory_space<semaphore_mem>>)
        %dma_wait3A_267 = arith.constant 0 : i32
        %dma_wait3A_268 = tpu.memref_slice %arg2[%add3A_162, %dma_wait3A_267] : memref<5120x64xi32, #tpu.memory_space<hbm>> -> memref<32x64xi32, #tpu.memory_space<hbm>>
        %dma_wait3A_269 = arith.constant 0 : i32
        %dma_wait3A_270 = tpu.memref_slice %arg2[%add3A_162, %dma_wait3A_269] : memref<5120x64xi32, #tpu.memory_space<hbm>> -> memref<32x64xi32, #tpu.memory_space<hbm>>
        tpu.wait_dma2 semaphore(%run_scoped3A_262 : memref<!tpu.dma_semaphore, #tpu.memory_space<semaphore_mem>>) src(%dma_wait3A_270 : memref<32x64xi32, #tpu.memory_space<hbm>>) dst(%arg7 : memref<32x64xi32, #tpu.memory_space<vmem>>)
        tpu.yield
      }) : () -> ()
      "tpu.region"() ({
        %run_scoped3A_262 = tpu.sem_alloc : memref<!tpu.dma_semaphore, #tpu.memory_space<semaphore_mem>>
        %dma_start3A_263 = arith.constant 0 : i32
        %dma_start3A_264 = tpu.memref_slice %arg3[%add3A_162, %dma_start3A_263] : memref<5120x64xi32, #tpu.memory_space<hbm>> -> memref<32x64xi32, #tpu.memory_space<hbm>>
        %dma_start3A_265 = arith.constant 0 : i32
        %dma_start3A_266 = tpu.memref_slice %arg3[%add3A_162, %dma_start3A_265] : memref<5120x64xi32, #tpu.memory_space<hbm>> -> memref<32x64xi32, #tpu.memory_space<hbm>>
        tpu.enqueue_dma source(%dma_start3A_266 : memref<32x64xi32, #tpu.memory_space<hbm>>) target(%arg8 : memref<32x64xi32, #tpu.memory_space<vmem>>) target_semaphore(%run_scoped3A_262 : memref<!tpu.dma_semaphore, #tpu.memory_space<semaphore_mem>>)
        %dma_wait3A_267 = arith.constant 0 : i32
        %dma_wait3A_268 = tpu.memref_slice %arg3[%add3A_162, %dma_wait3A_267] : memref<5120x64xi32, #tpu.memory_space<hbm>> -> memref<32x64xi32, #tpu.memory_space<hbm>>
        %dma_wait3A_269 = arith.constant 0 : i32
        %dma_wait3A_270 = tpu.memref_slice %arg3[%add3A_162, %dma_wait3A_269] : memref<5120x64xi32, #tpu.memory_space<hbm>> -> memref<32x64xi32, #tpu.memory_space<hbm>>
        tpu.wait_dma2 semaphore(%run_scoped3A_262 : memref<!tpu.dma_semaphore, #tpu.memory_space<semaphore_mem>>) src(%dma_wait3A_270 : memref<32x64xi32, #tpu.memory_space<hbm>>) dst(%arg8 : memref<32x64xi32, #tpu.memory_space<vmem>>)
        tpu.yield
      }) : () -> ()
      %dma_start3A = arith.constant 0 : i32
      %dma_start3A_163 = arith.constant 0 : i32
      %dma_start3A_164 = arith.constant 0 : i32
      %dma_start3A_165 = arith.constant 0 : i32
      %dma_start3A_166 = tpu.memref_slice %arg9[%dma_start3A_163, %dma_start3A_164, %dma_start3A_165] : memref<4x64x128xf32, #tpu.memory_space<vmem>> -> memref<1x64x128xf32, #tpu.memory_space<vmem>>
      %dma_start3A_167 = tpu.memref_squeeze %dma_start3A_166 : memref<1x64x128xf32, #tpu.memory_space<vmem>> -> memref<64x128xf32, #tpu.memory_space<vmem>>
      %dma_start3A_168 = arith.constant 0 : i32
      %dma_start3A_169 = tpu.memref_slice %arg7[%dma_start3A, %dma_start3A_168] : memref<32x64xi32, #tpu.memory_space<vmem>> -> memref<1x64xi32, #tpu.memory_space<vmem>>
      %dma_start3A_170 = tpu.memref_squeeze %dma_start3A_169 : memref<1x64xi32, #tpu.memory_space<vmem>> -> memref<64xi32, #tpu.memory_space<vmem>>
      %dma_start3A_171 = arith.constant 0 : i32
      %dma_start3A_172 = arith.constant 0 : i32
      %dma_start3A_173 = tpu.memref_slice %arg4[%dma_start3A_171, %dma_start3A_172] : memref<10000x128xf32, #tpu.memory_space<hbm>> -> memref<10000x128xf32, #tpu.memory_space<hbm>>
      tpu.enqueue_indirect_dma source(%dma_start3A_173 : memref<10000x128xf32, #tpu.memory_space<hbm>>) target(%dma_start3A_167 : memref<64x128xf32, #tpu.memory_space<vmem>>) offsets(%dma_start3A_170 : memref<64xi32, #tpu.memory_space<vmem>>) semaphore(%arg11 : memref<!tpu.dma_semaphore, #tpu.memory_space<semaphore_mem>>)
      %dma_start3A_174 = arith.constant 1 : i32
      %dma_start3A_175 = arith.constant 1 : i32
      %dma_start3A_176 = arith.constant 0 : i32
      %dma_start3A_177 = arith.constant 0 : i32
      %dma_start3A_178 = tpu.memref_slice %arg9[%dma_start3A_175, %dma_start3A_176, %dma_start3A_177] : memref<4x64x128xf32, #tpu.memory_space<vmem>> -> memref<1x64x128xf32, #tpu.memory_space<vmem>>
      %dma_start3A_179 = tpu.memref_squeeze %dma_start3A_178 : memref<1x64x128xf32, #tpu.memory_space<vmem>> -> memref<64x128xf32, #tpu.memory_space<vmem>>
      %dma_start3A_180 = arith.constant 0 : i32
      %dma_start3A_181 = tpu.memref_slice %arg7[%dma_start3A_174, %dma_start3A_180] : memref<32x64xi32, #tpu.memory_space<vmem>> -> memref<1x64xi32, #tpu.memory_space<vmem>>
      %dma_start3A_182 = tpu.memref_squeeze %dma_start3A_181 : memref<1x64xi32, #tpu.memory_space<vmem>> -> memref<64xi32, #tpu.memory_space<vmem>>
      %dma_start3A_183 = arith.constant 0 : i32
      %dma_start3A_184 = arith.constant 0 : i32
      %dma_start3A_185 = tpu.memref_slice %arg4[%dma_start3A_183, %dma_start3A_184] : memref<10000x128xf32, #tpu.memory_space<hbm>> -> memref<10000x128xf32, #tpu.memory_space<hbm>>
      tpu.enqueue_indirect_dma source(%dma_start3A_185 : memref<10000x128xf32, #tpu.memory_space<hbm>>) target(%dma_start3A_179 : memref<64x128xf32, #tpu.memory_space<vmem>>) offsets(%dma_start3A_182 : memref<64xi32, #tpu.memory_space<vmem>>) semaphore(%arg12 : memref<!tpu.dma_semaphore, #tpu.memory_space<semaphore_mem>>)
      %dma_start3A_186 = arith.constant 2 : i32
      %dma_start3A_187 = arith.constant 2 : i32
      %dma_start3A_188 = arith.constant 0 : i32
      %dma_start3A_189 = arith.constant 0 : i32
      %dma_start3A_190 = tpu.memref_slice %arg9[%dma_start3A_187, %dma_start3A_188, %dma_start3A_189] : memref<4x64x128xf32, #tpu.memory_space<vmem>> -> memref<1x64x128xf32, #tpu.memory_space<vmem>>
      %dma_start3A_191 = tpu.memref_squeeze %dma_start3A_190 : memref<1x64x128xf32, #tpu.memory_space<vmem>> -> memref<64x128xf32, #tpu.memory_space<vmem>>
      %dma_start3A_192 = arith.constant 0 : i32
      %dma_start3A_193 = tpu.memref_slice %arg7[%dma_start3A_186, %dma_start3A_192] : memref<32x64xi32, #tpu.memory_space<vmem>> -> memref<1x64xi32, #tpu.memory_space<vmem>>
      %dma_start3A_194 = tpu.memref_squeeze %dma_start3A_193 : memref<1x64xi32, #tpu.memory_space<vmem>> -> memref<64xi32, #tpu.memory_space<vmem>>
      %dma_start3A_195 = arith.constant 0 : i32
      %dma_start3A_196 = arith.constant 0 : i32
      %dma_start3A_197 = tpu.memref_slice %arg4[%dma_start3A_195, %dma_start3A_196] : memref<10000x128xf32, #tpu.memory_space<hbm>> -> memref<10000x128xf32, #tpu.memory_space<hbm>>
      tpu.enqueue_indirect_dma source(%dma_start3A_197 : memref<10000x128xf32, #tpu.memory_space<hbm>>) target(%dma_start3A_191 : memref<64x128xf32, #tpu.memory_space<vmem>>) offsets(%dma_start3A_194 : memref<64xi32, #tpu.memory_space<vmem>>) semaphore(%arg13 : memref<!tpu.dma_semaphore, #tpu.memory_space<semaphore_mem>>)
      %dma_start3A_198 = arith.constant 3 : i32
      %dma_start3A_199 = arith.constant 3 : i32
      %dma_start3A_200 = arith.constant 0 : i32
      %dma_start3A_201 = arith.constant 0 : i32
      %dma_start3A_202 = tpu.memref_slice %arg9[%dma_start3A_199, %dma_start3A_200, %dma_start3A_201] : memref<4x64x128xf32, #tpu.memory_space<vmem>> -> memref<1x64x128xf32, #tpu.memory_space<vmem>>
      %dma_start3A_203 = tpu.memref_squeeze %dma_start3A_202 : memref<1x64x128xf32, #tpu.memory_space<vmem>> -> memref<64x128xf32, #tpu.memory_space<vmem>>
      %dma_start3A_204 = arith.constant 0 : i32
      %dma_start3A_205 = tpu.memref_slice %arg7[%dma_start3A_198, %dma_start3A_204] : memref<32x64xi32, #tpu.memory_space<vmem>> -> memref<1x64xi32, #tpu.memory_space<vmem>>
      %dma_start3A_206 = tpu.memref_squeeze %dma_start3A_205 : memref<1x64xi32, #tpu.memory_space<vmem>> -> memref<64xi32, #tpu.memory_space<vmem>>
      %dma_start3A_207 = arith.constant 0 : i32
      %dma_start3A_208 = arith.constant 0 : i32
      %dma_start3A_209 = tpu.memref_slice %arg4[%dma_start3A_207, %dma_start3A_208] : memref<10000x128xf32, #tpu.memory_space<hbm>> -> memref<10000x128xf32, #tpu.memory_space<hbm>>
      tpu.enqueue_indirect_dma source(%dma_start3A_209 : memref<10000x128xf32, #tpu.memory_space<hbm>>) target(%dma_start3A_203 : memref<64x128xf32, #tpu.memory_space<vmem>>) offsets(%dma_start3A_206 : memref<64xi32, #tpu.memory_space<vmem>>) semaphore(%arg14 : memref<!tpu.dma_semaphore, #tpu.memory_space<semaphore_mem>>)
      %scan3A = arith.constant 0 : i32
      %scan3A_210 = arith.constant 0 : i32
      %scan3A_211 = arith.constant 8 : i32
      %scan3A_212 = arith.addi %scan3A_210, %scan3A_211 : i32
      %scan3A_213 = arith.constant 1 : i32
      scf.for %scan3A_262 = %scan3A_210 to %scan3A_212 step %scan3A_213  : i32 {
        %mul3A_263 = arith.constant 4 : i32
        %mul3A_264 = arith.muli %mul3A_263, %scan3A_262 : i32
        %add3A_265 = arith.constant 0 : i32
        %add3A_266 = arith.addi %mul3A_264, %add3A_265 : i32
        %dma_wait3A_267 = arith.constant 0 : i32
        %dma_wait3A_268 = arith.constant 0 : i32
        %dma_wait3A_269 = arith.constant 0 : i32
        %dma_wait3A_270 = arith.constant 0 : i32
        %dma_wait3A_271 = tpu.memref_slice %arg9[%dma_wait3A_268, %dma_wait3A_269, %dma_wait3A_270] : memref<4x64x128xf32, #tpu.memory_space<vmem>> -> memref<1x64x128xf32, #tpu.memory_space<vmem>>
        %dma_wait3A_272 = tpu.memref_squeeze %dma_wait3A_271 : memref<1x64x128xf32, #tpu.memory_space<vmem>> -> memref<64x128xf32, #tpu.memory_space<vmem>>
        %dma_wait3A_273 = arith.constant 0 : i32
        %dma_wait3A_274 = tpu.memref_slice %arg7[%dma_wait3A_267, %dma_wait3A_273] : memref<32x64xi32, #tpu.memory_space<vmem>> -> memref<1x64xi32, #tpu.memory_space<vmem>>
        %dma_wait3A_275 = tpu.memref_squeeze %dma_wait3A_274 : memref<1x64xi32, #tpu.memory_space<vmem>> -> memref<64xi32, #tpu.memory_space<vmem>>
        %dma_wait3A_276 = arith.constant 0 : i32
        %dma_wait3A_277 = arith.constant 0 : i32
        %dma_wait3A_278 = tpu.memref_slice %arg4[%dma_wait3A_276, %dma_wait3A_277] : memref<10000x128xf32, #tpu.memory_space<hbm>> -> memref<10000x128xf32, #tpu.memory_space<hbm>>
        tpu.wait_indirect_dma semaphore(%arg11 : memref<!tpu.dma_semaphore, #tpu.memory_space<semaphore_mem>>) src(%dma_wait3A_278 : memref<10000x128xf32, #tpu.memory_space<hbm>>) dst(%dma_wait3A_272 : memref<64x128xf32, #tpu.memory_space<vmem>>)
        %run_scoped3A_279 = arith.constant 0 : i32
        "tpu.region"() ({
          %run_scoped3A_400 = tpu.sem_alloc : memref<!tpu.dma_semaphore, #tpu.memory_space<semaphore_mem>>
          %dma_start3A_401 = arith.constant 0 : i32
          %dma_start3A_402 = arith.constant 0 : i32
          %dma_start3A_403 = tpu.memref_slice %arg9[%run_scoped3A_279, %dma_start3A_401, %dma_start3A_402] : memref<4x64x128xf32, #tpu.memory_space<vmem>> -> memref<1x64x128xf32, #tpu.memory_space<vmem>>
          %dma_start3A_404 = tpu.memref_squeeze %dma_start3A_403 : memref<1x64x128xf32, #tpu.memory_space<vmem>> -> memref<64x128xf32, #tpu.memory_space<vmem>>
          %dma_start3A_405 = arith.constant 0 : i32
          %dma_start3A_406 = tpu.memref_slice %arg8[%add3A_266, %dma_start3A_405] : memref<32x64xi32, #tpu.memory_space<vmem>> -> memref<1x64xi32, #tpu.memory_space<vmem>>
          %dma_start3A_407 = tpu.memref_squeeze %dma_start3A_406 : memref<1x64xi32, #tpu.memory_space<vmem>> -> memref<64xi32, #tpu.memory_space<vmem>>
          %dma_start3A_408 = arith.constant 0 : i32
          %dma_start3A_409 = arith.constant 0 : i32
          %dma_start3A_410 = tpu.memref_slice %arg10[%dma_start3A_408, %dma_start3A_409] : memref<10240x128xf32, #tpu.memory_space<vmem_shared>> -> memref<10240x128xf32, #tpu.memory_space<vmem_shared>>
          tpu.enqueue_indirect_dma source(%dma_start3A_404 : memref<64x128xf32, #tpu.memory_space<vmem>>) target(%dma_start3A_410 : memref<10240x128xf32, #tpu.memory_space<vmem_shared>>) offsets(%dma_start3A_407 : memref<64xi32, #tpu.memory_space<vmem>>) semaphore(%run_scoped3A_400 : memref<!tpu.dma_semaphore, #tpu.memory_space<semaphore_mem>>) {add = true}
          %dma_wait3A_411 = arith.constant 0 : i32
          %dma_wait3A_412 = arith.constant 0 : i32
          %dma_wait3A_413 = tpu.memref_slice %arg9[%run_scoped3A_279, %dma_wait3A_411, %dma_wait3A_412] : memref<4x64x128xf32, #tpu.memory_space<vmem>> -> memref<1x64x128xf32, #tpu.memory_space<vmem>>
          %dma_wait3A_414 = tpu.memref_squeeze %dma_wait3A_413 : memref<1x64x128xf32, #tpu.memory_space<vmem>> -> memref<64x128xf32, #tpu.memory_space<vmem>>
          %dma_wait3A_415 = arith.constant 0 : i32
          %dma_wait3A_416 = tpu.memref_slice %arg8[%add3A_266, %dma_wait3A_415] : memref<32x64xi32, #tpu.memory_space<vmem>> -> memref<1x64xi32, #tpu.memory_space<vmem>>
          %dma_wait3A_417 = tpu.memref_squeeze %dma_wait3A_416 : memref<1x64xi32, #tpu.memory_space<vmem>> -> memref<64xi32, #tpu.memory_space<vmem>>
          %dma_wait3A_418 = arith.constant 0 : i32
          %dma_wait3A_419 = arith.constant 0 : i32
          %dma_wait3A_420 = tpu.memref_slice %arg10[%dma_wait3A_418, %dma_wait3A_419] : memref<10240x128xf32, #tpu.memory_space<vmem_shared>> -> memref<10240x128xf32, #tpu.memory_space<vmem_shared>>
          tpu.wait_indirect_dma semaphore(%run_scoped3A_400 : memref<!tpu.dma_semaphore, #tpu.memory_space<semaphore_mem>>) src(%dma_wait3A_414 : memref<64x128xf32, #tpu.memory_space<vmem>>) dst(%dma_wait3A_420 : memref<10240x128xf32, #tpu.memory_space<vmem_shared>>)
          tpu.yield
        }) : () -> ()
        %add3A_280 = arith.constant 4 : i32
        %add3A_281 = arith.addi %add3A_266, %add3A_280 : i32
        %lt3A = arith.constant 32 : i32
        %lt3A_282 = arith.cmpi slt, %add3A_281, %lt3A : i32
        %add3A_283 = arith.constant 4 : i32
        %add3A_284 = arith.addi %add3A_266, %add3A_283 : i32
        %jit3A_285 = arith.constant 0 : i32
        %select_n3A_286 = arith.select %lt3A_282, %add3A_284, %jit3A_285 : i32
        %dma_start3A_287 = arith.constant 0 : i32
        %dma_start3A_288 = arith.constant 0 : i32
        %dma_start3A_289 = arith.constant 0 : i32
        %dma_start3A_290 = tpu.memref_slice %arg9[%dma_start3A_287, %dma_start3A_288, %dma_start3A_289] : memref<4x64x128xf32, #tpu.memory_space<vmem>> -> memref<1x64x128xf32, #tpu.memory_space<vmem>>
        %dma_start3A_291 = tpu.memref_squeeze %dma_start3A_290 : memref<1x64x128xf32, #tpu.memory_space<vmem>> -> memref<64x128xf32, #tpu.memory_space<vmem>>
        %dma_start3A_292 = arith.constant 0 : i32
        %dma_start3A_293 = tpu.memref_slice %arg7[%select_n3A_286, %dma_start3A_292] : memref<32x64xi32, #tpu.memory_space<vmem>> -> memref<1x64xi32, #tpu.memory_space<vmem>>
        %dma_start3A_294 = tpu.memref_squeeze %dma_start3A_293 : memref<1x64xi32, #tpu.memory_space<vmem>> -> memref<64xi32, #tpu.memory_space<vmem>>
        %dma_start3A_295 = arith.constant 0 : i32
        %dma_start3A_296 = arith.constant 0 : i32
        %dma_start3A_297 = tpu.memref_slice %arg4[%dma_start3A_295, %dma_start3A_296] : memref<10000x128xf32, #tpu.memory_space<hbm>> -> memref<10000x128xf32, #tpu.memory_space<hbm>>
        tpu.enqueue_indirect_dma source(%dma_start3A_297 : memref<10000x128xf32, #tpu.memory_space<hbm>>) target(%dma_start3A_291 : memref<64x128xf32, #tpu.memory_space<vmem>>) offsets(%dma_start3A_294 : memref<64xi32, #tpu.memory_space<vmem>>) semaphore(%arg11 : memref<!tpu.dma_semaphore, #tpu.memory_space<semaphore_mem>>)
        %add3A_298 = arith.constant 1 : i32
        %add3A_299 = arith.addi %mul3A_264, %add3A_298 : i32
        %dma_wait3A_300 = arith.constant 0 : i32
        %dma_wait3A_301 = arith.constant 1 : i32
        %dma_wait3A_302 = arith.constant 0 : i32
        %dma_wait3A_303 = arith.constant 0 : i32
        %dma_wait3A_304 = tpu.memref_slice %arg9[%dma_wait3A_301, %dma_wait3A_302, %dma_wait3A_303] : memref<4x64x128xf32, #tpu.memory_space<vmem>> -> memref<1x64x128xf32, #tpu.memory_space<vmem>>
        %dma_wait3A_305 = tpu.memref_squeeze %dma_wait3A_304 : memref<1x64x128xf32, #tpu.memory_space<vmem>> -> memref<64x128xf32, #tpu.memory_space<vmem>>
        %dma_wait3A_306 = arith.constant 0 : i32
        %dma_wait3A_307 = tpu.memref_slice %arg7[%dma_wait3A_300, %dma_wait3A_306] : memref<32x64xi32, #tpu.memory_space<vmem>> -> memref<1x64xi32, #tpu.memory_space<vmem>>
        %dma_wait3A_308 = tpu.memref_squeeze %dma_wait3A_307 : memref<1x64xi32, #tpu.memory_space<vmem>> -> memref<64xi32, #tpu.memory_space<vmem>>
        %dma_wait3A_309 = arith.constant 0 : i32
        %dma_wait3A_310 = arith.constant 0 : i32
        %dma_wait3A_311 = tpu.memref_slice %arg4[%dma_wait3A_309, %dma_wait3A_310] : memref<10000x128xf32, #tpu.memory_space<hbm>> -> memref<10000x128xf32, #tpu.memory_space<hbm>>
        tpu.wait_indirect_dma semaphore(%arg12 : memref<!tpu.dma_semaphore, #tpu.memory_space<semaphore_mem>>) src(%dma_wait3A_311 : memref<10000x128xf32, #tpu.memory_space<hbm>>) dst(%dma_wait3A_305 : memref<64x128xf32, #tpu.memory_space<vmem>>)
        %run_scoped3A_312 = arith.constant 1 : i32
        "tpu.region"() ({
          %run_scoped3A_400 = tpu.sem_alloc : memref<!tpu.dma_semaphore, #tpu.memory_space<semaphore_mem>>
          %dma_start3A_401 = arith.constant 0 : i32
          %dma_start3A_402 = arith.constant 0 : i32
          %dma_start3A_403 = tpu.memref_slice %arg9[%run_scoped3A_312, %dma_start3A_401, %dma_start3A_402] : memref<4x64x128xf32, #tpu.memory_space<vmem>> -> memref<1x64x128xf32, #tpu.memory_space<vmem>>
          %dma_start3A_404 = tpu.memref_squeeze %dma_start3A_403 : memref<1x64x128xf32, #tpu.memory_space<vmem>> -> memref<64x128xf32, #tpu.memory_space<vmem>>
          %dma_start3A_405 = arith.constant 0 : i32
          %dma_start3A_406 = tpu.memref_slice %arg8[%add3A_299, %dma_start3A_405] : memref<32x64xi32, #tpu.memory_space<vmem>> -> memref<1x64xi32, #tpu.memory_space<vmem>>
          %dma_start3A_407 = tpu.memref_squeeze %dma_start3A_406 : memref<1x64xi32, #tpu.memory_space<vmem>> -> memref<64xi32, #tpu.memory_space<vmem>>
          %dma_start3A_408 = arith.constant 0 : i32
          %dma_start3A_409 = arith.constant 0 : i32
          %dma_start3A_410 = tpu.memref_slice %arg10[%dma_start3A_408, %dma_start3A_409] : memref<10240x128xf32, #tpu.memory_space<vmem_shared>> -> memref<10240x128xf32, #tpu.memory_space<vmem_shared>>
          tpu.enqueue_indirect_dma source(%dma_start3A_404 : memref<64x128xf32, #tpu.memory_space<vmem>>) target(%dma_start3A_410 : memref<10240x128xf32, #tpu.memory_space<vmem_shared>>) offsets(%dma_start3A_407 : memref<64xi32, #tpu.memory_space<vmem>>) semaphore(%run_scoped3A_400 : memref<!tpu.dma_semaphore, #tpu.memory_space<semaphore_mem>>) {add = true}
          %dma_wait3A_411 = arith.constant 0 : i32
          %dma_wait3A_412 = arith.constant 0 : i32
          %dma_wait3A_413 = tpu.memref_slice %arg9[%run_scoped3A_312, %dma_wait3A_411, %dma_wait3A_412] : memref<4x64x128xf32, #tpu.memory_space<vmem>> -> memref<1x64x128xf32, #tpu.memory_space<vmem>>
          %dma_wait3A_414 = tpu.memref_squeeze %dma_wait3A_413 : memref<1x64x128xf32, #tpu.memory_space<vmem>> -> memref<64x128xf32, #tpu.memory_space<vmem>>
          %dma_wait3A_415 = arith.constant 0 : i32
          %dma_wait3A_416 = tpu.memref_slice %arg8[%add3A_299, %dma_wait3A_415] : memref<32x64xi32, #tpu.memory_space<vmem>> -> memref<1x64xi32, #tpu.memory_space<vmem>>
          %dma_wait3A_417 = tpu.memref_squeeze %dma_wait3A_416 : memref<1x64xi32, #tpu.memory_space<vmem>> -> memref<64xi32, #tpu.memory_space<vmem>>
          %dma_wait3A_418 = arith.constant 0 : i32
          %dma_wait3A_419 = arith.constant 0 : i32
          %dma_wait3A_420 = tpu.memref_slice %arg10[%dma_wait3A_418, %dma_wait3A_419] : memref<10240x128xf32, #tpu.memory_space<vmem_shared>> -> memref<10240x128xf32, #tpu.memory_space<vmem_shared>>
          tpu.wait_indirect_dma semaphore(%run_scoped3A_400 : memref<!tpu.dma_semaphore, #tpu.memory_space<semaphore_mem>>) src(%dma_wait3A_414 : memref<64x128xf32, #tpu.memory_space<vmem>>) dst(%dma_wait3A_420 : memref<10240x128xf32, #tpu.memory_space<vmem_shared>>)
          tpu.yield
        }) : () -> ()
        %add3A_313 = arith.constant 4 : i32
        %add3A_314 = arith.addi %add3A_299, %add3A_313 : i32
        %lt3A_315 = arith.constant 32 : i32
        %lt3A_316 = arith.cmpi slt, %add3A_314, %lt3A_315 : i32
        %add3A_317 = arith.constant 4 : i32
        %add3A_318 = arith.addi %add3A_299, %add3A_317 : i32
        %jit3A_319 = arith.constant 0 : i32
        %select_n3A_320 = arith.select %lt3A_316, %add3A_318, %jit3A_319 : i32
        %dma_start3A_321 = arith.constant 1 : i32
        %dma_start3A_322 = arith.constant 0 : i32
        %dma_start3A_323 = arith.constant 0 : i32
        %dma_start3A_324 = tpu.memref_slice %arg9[%dma_start3A_321, %dma_start3A_322, %dma_start3A_323] : memref<4x64x128xf32, #tpu.memory_space<vmem>> -> memref<1x64x128xf32, #tpu.memory_space<vmem>>
        %dma_start3A_325 = tpu.memref_squeeze %dma_start3A_324 : memref<1x64x128xf32, #tpu.memory_space<vmem>> -> memref<64x128xf32, #tpu.memory_space<vmem>>
        %dma_start3A_326 = arith.constant 0 : i32
        %dma_start3A_327 = tpu.memref_slice %arg7[%select_n3A_320, %dma_start3A_326] : memref<32x64xi32, #tpu.memory_space<vmem>> -> memref<1x64xi32, #tpu.memory_space<vmem>>
        %dma_start3A_328 = tpu.memref_squeeze %dma_start3A_327 : memref<1x64xi32, #tpu.memory_space<vmem>> -> memref<64xi32, #tpu.memory_space<vmem>>
        %dma_start3A_329 = arith.constant 0 : i32
        %dma_start3A_330 = arith.constant 0 : i32
        %dma_start3A_331 = tpu.memref_slice %arg4[%dma_start3A_329, %dma_start3A_330] : memref<10000x128xf32, #tpu.memory_space<hbm>> -> memref<10000x128xf32, #tpu.memory_space<hbm>>
        tpu.enqueue_indirect_dma source(%dma_start3A_331 : memref<10000x128xf32, #tpu.memory_space<hbm>>) target(%dma_start3A_325 : memref<64x128xf32, #tpu.memory_space<vmem>>) offsets(%dma_start3A_328 : memref<64xi32, #tpu.memory_space<vmem>>) semaphore(%arg12 : memref<!tpu.dma_semaphore, #tpu.memory_space<semaphore_mem>>)
        %add3A_332 = arith.constant 2 : i32
        %add3A_333 = arith.addi %mul3A_264, %add3A_332 : i32
        %dma_wait3A_334 = arith.constant 0 : i32
        %dma_wait3A_335 = arith.constant 2 : i32
        %dma_wait3A_336 = arith.constant 0 : i32
        %dma_wait3A_337 = arith.constant 0 : i32
        %dma_wait3A_338 = tpu.memref_slice %arg9[%dma_wait3A_335, %dma_wait3A_336, %dma_wait3A_337] : memref<4x64x128xf32, #tpu.memory_space<vmem>> -> memref<1x64x128xf32, #tpu.memory_space<vmem>>
        %dma_wait3A_339 = tpu.memref_squeeze %dma_wait3A_338 : memref<1x64x128xf32, #tpu.memory_space<vmem>> -> memref<64x128xf32, #tpu.memory_space<vmem>>
        %dma_wait3A_340 = arith.constant 0 : i32
        %dma_wait3A_341 = tpu.memref_slice %arg7[%dma_wait3A_334, %dma_wait3A_340] : memref<32x64xi32, #tpu.memory_space<vmem>> -> memref<1x64xi32, #tpu.memory_space<vmem>>
        %dma_wait3A_342 = tpu.memref_squeeze %dma_wait3A_341 : memref<1x64xi32, #tpu.memory_space<vmem>> -> memref<64xi32, #tpu.memory_space<vmem>>
        %dma_wait3A_343 = arith.constant 0 : i32
        %dma_wait3A_344 = arith.constant 0 : i32
        %dma_wait3A_345 = tpu.memref_slice %arg4[%dma_wait3A_343, %dma_wait3A_344] : memref<10000x128xf32, #tpu.memory_space<hbm>> -> memref<10000x128xf32, #tpu.memory_space<hbm>>
        tpu.wait_indirect_dma semaphore(%arg13 : memref<!tpu.dma_semaphore, #tpu.memory_space<semaphore_mem>>) src(%dma_wait3A_345 : memref<10000x128xf32, #tpu.memory_space<hbm>>) dst(%dma_wait3A_339 : memref<64x128xf32, #tpu.memory_space<vmem>>)
        %run_scoped3A_346 = arith.constant 2 : i32
        "tpu.region"() ({
          %run_scoped3A_400 = tpu.sem_alloc : memref<!tpu.dma_semaphore, #tpu.memory_space<semaphore_mem>>
          %dma_start3A_401 = arith.constant 0 : i32
          %dma_start3A_402 = arith.constant 0 : i32
          %dma_start3A_403 = tpu.memref_slice %arg9[%run_scoped3A_346, %dma_start3A_401, %dma_start3A_402] : memref<4x64x128xf32, #tpu.memory_space<vmem>> -> memref<1x64x128xf32, #tpu.memory_space<vmem>>
          %dma_start3A_404 = tpu.memref_squeeze %dma_start3A_403 : memref<1x64x128xf32, #tpu.memory_space<vmem>> -> memref<64x128xf32, #tpu.memory_space<vmem>>
          %dma_start3A_405 = arith.constant 0 : i32
          %dma_start3A_406 = tpu.memref_slice %arg8[%add3A_333, %dma_start3A_405] : memref<32x64xi32, #tpu.memory_space<vmem>> -> memref<1x64xi32, #tpu.memory_space<vmem>>
          %dma_start3A_407 = tpu.memref_squeeze %dma_start3A_406 : memref<1x64xi32, #tpu.memory_space<vmem>> -> memref<64xi32, #tpu.memory_space<vmem>>
          %dma_start3A_408 = arith.constant 0 : i32
          %dma_start3A_409 = arith.constant 0 : i32
          %dma_start3A_410 = tpu.memref_slice %arg10[%dma_start3A_408, %dma_start3A_409] : memref<10240x128xf32, #tpu.memory_space<vmem_shared>> -> memref<10240x128xf32, #tpu.memory_space<vmem_shared>>
          tpu.enqueue_indirect_dma source(%dma_start3A_404 : memref<64x128xf32, #tpu.memory_space<vmem>>) target(%dma_start3A_410 : memref<10240x128xf32, #tpu.memory_space<vmem_shared>>) offsets(%dma_start3A_407 : memref<64xi32, #tpu.memory_space<vmem>>) semaphore(%run_scoped3A_400 : memref<!tpu.dma_semaphore, #tpu.memory_space<semaphore_mem>>) {add = true}
          %dma_wait3A_411 = arith.constant 0 : i32
          %dma_wait3A_412 = arith.constant 0 : i32
          %dma_wait3A_413 = tpu.memref_slice %arg9[%run_scoped3A_346, %dma_wait3A_411, %dma_wait3A_412] : memref<4x64x128xf32, #tpu.memory_space<vmem>> -> memref<1x64x128xf32, #tpu.memory_space<vmem>>
          %dma_wait3A_414 = tpu.memref_squeeze %dma_wait3A_413 : memref<1x64x128xf32, #tpu.memory_space<vmem>> -> memref<64x128xf32, #tpu.memory_space<vmem>>
          %dma_wait3A_415 = arith.constant 0 : i32
          %dma_wait3A_416 = tpu.memref_slice %arg8[%add3A_333, %dma_wait3A_415] : memref<32x64xi32, #tpu.memory_space<vmem>> -> memref<1x64xi32, #tpu.memory_space<vmem>>
          %dma_wait3A_417 = tpu.memref_squeeze %dma_wait3A_416 : memref<1x64xi32, #tpu.memory_space<vmem>> -> memref<64xi32, #tpu.memory_space<vmem>>
          %dma_wait3A_418 = arith.constant 0 : i32
          %dma_wait3A_419 = arith.constant 0 : i32
          %dma_wait3A_420 = tpu.memref_slice %arg10[%dma_wait3A_418, %dma_wait3A_419] : memref<10240x128xf32, #tpu.memory_space<vmem_shared>> -> memref<10240x128xf32, #tpu.memory_space<vmem_shared>>
          tpu.wait_indirect_dma semaphore(%run_scoped3A_400 : memref<!tpu.dma_semaphore, #tpu.memory_space<semaphore_mem>>) src(%dma_wait3A_414 : memref<64x128xf32, #tpu.memory_space<vmem>>) dst(%dma_wait3A_420 : memref<10240x128xf32, #tpu.memory_space<vmem_shared>>)
          tpu.yield
        }) : () -> ()
        %add3A_347 = arith.constant 4 : i32
        %add3A_348 = arith.addi %add3A_333, %add3A_347 : i32
        %lt3A_349 = arith.constant 32 : i32
        %lt3A_350 = arith.cmpi slt, %add3A_348, %lt3A_349 : i32
        %add3A_351 = arith.constant 4 : i32
        %add3A_352 = arith.addi %add3A_333, %add3A_351 : i32
        %jit3A_353 = arith.constant 0 : i32
        %select_n3A_354 = arith.select %lt3A_350, %add3A_352, %jit3A_353 : i32
        %dma_start3A_355 = arith.constant 2 : i32
        %dma_start3A_356 = arith.constant 0 : i32
        %dma_start3A_357 = arith.constant 0 : i32
        %dma_start3A_358 = tpu.memref_slice %arg9[%dma_start3A_355, %dma_start3A_356, %dma_start3A_357] : memref<4x64x128xf32, #tpu.memory_space<vmem>> -> memref<1x64x128xf32, #tpu.memory_space<vmem>>
        %dma_start3A_359 = tpu.memref_squeeze %dma_start3A_358 : memref<1x64x128xf32, #tpu.memory_space<vmem>> -> memref<64x128xf32, #tpu.memory_space<vmem>>
        %dma_start3A_360 = arith.constant 0 : i32
        %dma_start3A_361 = tpu.memref_slice %arg7[%select_n3A_354, %dma_start3A_360] : memref<32x64xi32, #tpu.memory_space<vmem>> -> memref<1x64xi32, #tpu.memory_space<vmem>>
        %dma_start3A_362 = tpu.memref_squeeze %dma_start3A_361 : memref<1x64xi32, #tpu.memory_space<vmem>> -> memref<64xi32, #tpu.memory_space<vmem>>
        %dma_start3A_363 = arith.constant 0 : i32
        %dma_start3A_364 = arith.constant 0 : i32
        %dma_start3A_365 = tpu.memref_slice %arg4[%dma_start3A_363, %dma_start3A_364] : memref<10000x128xf32, #tpu.memory_space<hbm>> -> memref<10000x128xf32, #tpu.memory_space<hbm>>
        tpu.enqueue_indirect_dma source(%dma_start3A_365 : memref<10000x128xf32, #tpu.memory_space<hbm>>) target(%dma_start3A_359 : memref<64x128xf32, #tpu.memory_space<vmem>>) offsets(%dma_start3A_362 : memref<64xi32, #tpu.memory_space<vmem>>) semaphore(%arg13 : memref<!tpu.dma_semaphore, #tpu.memory_space<semaphore_mem>>)
        %add3A_366 = arith.constant 3 : i32
        %add3A_367 = arith.addi %mul3A_264, %add3A_366 : i32
        %dma_wait3A_368 = arith.constant 0 : i32
        %dma_wait3A_369 = arith.constant 3 : i32
        %dma_wait3A_370 = arith.constant 0 : i32
        %dma_wait3A_371 = arith.constant 0 : i32
        %dma_wait3A_372 = tpu.memref_slice %arg9[%dma_wait3A_369, %dma_wait3A_370, %dma_wait3A_371] : memref<4x64x128xf32, #tpu.memory_space<vmem>> -> memref<1x64x128xf32, #tpu.memory_space<vmem>>
        %dma_wait3A_373 = tpu.memref_squeeze %dma_wait3A_372 : memref<1x64x128xf32, #tpu.memory_space<vmem>> -> memref<64x128xf32, #tpu.memory_space<vmem>>
        %dma_wait3A_374 = arith.constant 0 : i32
        %dma_wait3A_375 = tpu.memref_slice %arg7[%dma_wait3A_368, %dma_wait3A_374] : memref<32x64xi32, #tpu.memory_space<vmem>> -> memref<1x64xi32, #tpu.memory_space<vmem>>
        %dma_wait3A_376 = tpu.memref_squeeze %dma_wait3A_375 : memref<1x64xi32, #tpu.memory_space<vmem>> -> memref<64xi32, #tpu.memory_space<vmem>>
        %dma_wait3A_377 = arith.constant 0 : i32
        %dma_wait3A_378 = arith.constant 0 : i32
        %dma_wait3A_379 = tpu.memref_slice %arg4[%dma_wait3A_377, %dma_wait3A_378] : memref<10000x128xf32, #tpu.memory_space<hbm>> -> memref<10000x128xf32, #tpu.memory_space<hbm>>
        tpu.wait_indirect_dma semaphore(%arg14 : memref<!tpu.dma_semaphore, #tpu.memory_space<semaphore_mem>>) src(%dma_wait3A_379 : memref<10000x128xf32, #tpu.memory_space<hbm>>) dst(%dma_wait3A_373 : memref<64x128xf32, #tpu.memory_space<vmem>>)
        %run_scoped3A_380 = arith.constant 3 : i32
        "tpu.region"() ({
          %run_scoped3A_400 = tpu.sem_alloc : memref<!tpu.dma_semaphore, #tpu.memory_space<semaphore_mem>>
          %dma_start3A_401 = arith.constant 0 : i32
          %dma_start3A_402 = arith.constant 0 : i32
          %dma_start3A_403 = tpu.memref_slice %arg9[%run_scoped3A_380, %dma_start3A_401, %dma_start3A_402] : memref<4x64x128xf32, #tpu.memory_space<vmem>> -> memref<1x64x128xf32, #tpu.memory_space<vmem>>
          %dma_start3A_404 = tpu.memref_squeeze %dma_start3A_403 : memref<1x64x128xf32, #tpu.memory_space<vmem>> -> memref<64x128xf32, #tpu.memory_space<vmem>>
          %dma_start3A_405 = arith.constant 0 : i32
          %dma_start3A_406 = tpu.memref_slice %arg8[%add3A_367, %dma_start3A_405] : memref<32x64xi32, #tpu.memory_space<vmem>> -> memref<1x64xi32, #tpu.memory_space<vmem>>
          %dma_start3A_407 = tpu.memref_squeeze %dma_start3A_406 : memref<1x64xi32, #tpu.memory_space<vmem>> -> memref<64xi32, #tpu.memory_space<vmem>>
          %dma_start3A_408 = arith.constant 0 : i32
          %dma_start3A_409 = arith.constant 0 : i32
          %dma_start3A_410 = tpu.memref_slice %arg10[%dma_start3A_408, %dma_start3A_409] : memref<10240x128xf32, #tpu.memory_space<vmem_shared>> -> memref<10240x128xf32, #tpu.memory_space<vmem_shared>>
          tpu.enqueue_indirect_dma source(%dma_start3A_404 : memref<64x128xf32, #tpu.memory_space<vmem>>) target(%dma_start3A_410 : memref<10240x128xf32, #tpu.memory_space<vmem_shared>>) offsets(%dma_start3A_407 : memref<64xi32, #tpu.memory_space<vmem>>) semaphore(%run_scoped3A_400 : memref<!tpu.dma_semaphore, #tpu.memory_space<semaphore_mem>>) {add = true}
          %dma_wait3A_411 = arith.constant 0 : i32
          %dma_wait3A_412 = arith.constant 0 : i32
          %dma_wait3A_413 = tpu.memref_slice %arg9[%run_scoped3A_380, %dma_wait3A_411, %dma_wait3A_412] : memref<4x64x128xf32, #tpu.memory_space<vmem>> -> memref<1x64x128xf32, #tpu.memory_space<vmem>>
          %dma_wait3A_414 = tpu.memref_squeeze %dma_wait3A_413 : memref<1x64x128xf32, #tpu.memory_space<vmem>> -> memref<64x128xf32, #tpu.memory_space<vmem>>
          %dma_wait3A_415 = arith.constant 0 : i32
          %dma_wait3A_416 = tpu.memref_slice %arg8[%add3A_367, %dma_wait3A_415] : memref<32x64xi32, #tpu.memory_space<vmem>> -> memref<1x64xi32, #tpu.memory_space<vmem>>
          %dma_wait3A_417 = tpu.memref_squeeze %dma_wait3A_416 : memref<1x64xi32, #tpu.memory_space<vmem>> -> memref<64xi32, #tpu.memory_space<vmem>>
          %dma_wait3A_418 = arith.constant 0 : i32
          %dma_wait3A_419 = arith.constant 0 : i32
          %dma_wait3A_420 = tpu.memref_slice %arg10[%dma_wait3A_418, %dma_wait3A_419] : memref<10240x128xf32, #tpu.memory_space<vmem_shared>> -> memref<10240x128xf32, #tpu.memory_space<vmem_shared>>
          tpu.wait_indirect_dma semaphore(%run_scoped3A_400 : memref<!tpu.dma_semaphore, #tpu.memory_space<semaphore_mem>>) src(%dma_wait3A_414 : memref<64x128xf32, #tpu.memory_space<vmem>>) dst(%dma_wait3A_420 : memref<10240x128xf32, #tpu.memory_space<vmem_shared>>)
          tpu.yield
        }) : () -> ()
        %add3A_381 = arith.constant 4 : i32
        %add3A_382 = arith.addi %add3A_367, %add3A_381 : i32
        %lt3A_383 = arith.constant 32 : i32
        %lt3A_384 = arith.cmpi slt, %add3A_382, %lt3A_383 : i32
        %add3A_385 = arith.constant 4 : i32
        %add3A_386 = arith.addi %add3A_367, %add3A_385 : i32
        %jit3A_387 = arith.constant 0 : i32
        %select_n3A_388 = arith.select %lt3A_384, %add3A_386, %jit3A_387 : i32
        %dma_start3A_389 = arith.constant 3 : i32
        %dma_start3A_390 = arith.constant 0 : i32
        %dma_start3A_391 = arith.constant 0 : i32
        %dma_start3A_392 = tpu.memref_slice %arg9[%dma_start3A_389, %dma_start3A_390, %dma_start3A_391] : memref<4x64x128xf32, #tpu.memory_space<vmem>> -> memref<1x64x128xf32, #tpu.memory_space<vmem>>
        %dma_start3A_393 = tpu.memref_squeeze %dma_start3A_392 : memref<1x64x128xf32, #tpu.memory_space<vmem>> -> memref<64x128xf32, #tpu.memory_space<vmem>>
        %dma_start3A_394 = arith.constant 0 : i32
        %dma_start3A_395 = tpu.memref_slice %arg7[%select_n3A_388, %dma_start3A_394] : memref<32x64xi32, #tpu.memory_space<vmem>> -> memref<1x64xi32, #tpu.memory_space<vmem>>
        %dma_start3A_396 = tpu.memref_squeeze %dma_start3A_395 : memref<1x64xi32, #tpu.memory_space<vmem>> -> memref<64xi32, #tpu.memory_space<vmem>>
        %dma_start3A_397 = arith.constant 0 : i32
        %dma_start3A_398 = arith.constant 0 : i32
        %dma_start3A_399 = tpu.memref_slice %arg4[%dma_start3A_397, %dma_start3A_398] : memref<10000x128xf32, #tpu.memory_space<hbm>> -> memref<10000x128xf32, #tpu.memory_space<hbm>>
        tpu.enqueue_indirect_dma source(%dma_start3A_399 : memref<10000x128xf32, #tpu.memory_space<hbm>>) target(%dma_start3A_393 : memref<64x128xf32, #tpu.memory_space<vmem>>) offsets(%dma_start3A_396 : memref<64xi32, #tpu.memory_space<vmem>>) semaphore(%arg14 : memref<!tpu.dma_semaphore, #tpu.memory_space<semaphore_mem>>)
      }
      %scan3A_214 = arith.constant 8 : i32
      %dma_wait3A = arith.constant 0 : i32
      %dma_wait3A_215 = arith.constant 0 : i32
      %dma_wait3A_216 = arith.constant 0 : i32
      %dma_wait3A_217 = arith.constant 0 : i32
      %dma_wait3A_218 = tpu.memref_slice %arg9[%dma_wait3A_215, %dma_wait3A_216, %dma_wait3A_217] : memref<4x64x128xf32, #tpu.memory_space<vmem>> -> memref<1x64x128xf32, #tpu.memory_space<vmem>>
      %dma_wait3A_219 = tpu.memref_squeeze %dma_wait3A_218 : memref<1x64x128xf32, #tpu.memory_space<vmem>> -> memref<64x128xf32, #tpu.memory_space<vmem>>
      %dma_wait3A_220 = arith.constant 0 : i32
      %dma_wait3A_221 = tpu.memref_slice %arg7[%dma_wait3A, %dma_wait3A_220] : memref<32x64xi32, #tpu.memory_space<vmem>> -> memref<1x64xi32, #tpu.memory_space<vmem>>
      %dma_wait3A_222 = tpu.memref_squeeze %dma_wait3A_221 : memref<1x64xi32, #tpu.memory_space<vmem>> -> memref<64xi32, #tpu.memory_space<vmem>>
      %dma_wait3A_223 = arith.constant 0 : i32
      %dma_wait3A_224 = arith.constant 0 : i32
      %dma_wait3A_225 = tpu.memref_slice %arg4[%dma_wait3A_223, %dma_wait3A_224] : memref<10000x128xf32, #tpu.memory_space<hbm>> -> memref<10000x128xf32, #tpu.memory_space<hbm>>
      tpu.wait_indirect_dma semaphore(%arg11 : memref<!tpu.dma_semaphore, #tpu.memory_space<semaphore_mem>>) src(%dma_wait3A_225 : memref<10000x128xf32, #tpu.memory_space<hbm>>) dst(%dma_wait3A_219 : memref<64x128xf32, #tpu.memory_space<vmem>>)
      %dma_wait3A_226 = arith.constant 0 : i32
      %dma_wait3A_227 = arith.constant 1 : i32
      %dma_wait3A_228 = arith.constant 0 : i32
      %dma_wait3A_229 = arith.constant 0 : i32
      %dma_wait3A_230 = tpu.memref_slice %arg9[%dma_wait3A_227, %dma_wait3A_228, %dma_wait3A_229] : memref<4x64x128xf32, #tpu.memory_space<vmem>> -> memref<1x64x128xf32, #tpu.memory_space<vmem>>
      %dma_wait3A_231 = tpu.memref_squeeze %dma_wait3A_230 : memref<1x64x128xf32, #tpu.memory_space<vmem>> -> memref<64x128xf32, #tpu.memory_space<vmem>>
      %dma_wait3A_232 = arith.constant 0 : i32
      %dma_wait3A_233 = tpu.memref_slice %arg7[%dma_wait3A_226, %dma_wait3A_232] : memref<32x64xi32, #tpu.memory_space<vmem>> -> memref<1x64xi32, #tpu.memory_space<vmem>>
      %dma_wait3A_234 = tpu.memref_squeeze %dma_wait3A_233 : memref<1x64xi32, #tpu.memory_space<vmem>> -> memref<64xi32, #tpu.memory_space<vmem>>
      %dma_wait3A_235 = arith.constant 0 : i32
      %dma_wait3A_236 = arith.constant 0 : i32
      %dma_wait3A_237 = tpu.memref_slice %arg4[%dma_wait3A_235, %dma_wait3A_236] : memref<10000x128xf32, #tpu.memory_space<hbm>> -> memref<10000x128xf32, #tpu.memory_space<hbm>>
      tpu.wait_indirect_dma semaphore(%arg12 : memref<!tpu.dma_semaphore, #tpu.memory_space<semaphore_mem>>) src(%dma_wait3A_237 : memref<10000x128xf32, #tpu.memory_space<hbm>>) dst(%dma_wait3A_231 : memref<64x128xf32, #tpu.memory_space<vmem>>)
      %dma_wait3A_238 = arith.constant 0 : i32
      %dma_wait3A_239 = arith.constant 2 : i32
      %dma_wait3A_240 = arith.constant 0 : i32
      %dma_wait3A_241 = arith.constant 0 : i32
      %dma_wait3A_242 = tpu.memref_slice %arg9[%dma_wait3A_239, %dma_wait3A_240, %dma_wait3A_241] : memref<4x64x128xf32, #tpu.memory_space<vmem>> -> memref<1x64x128xf32, #tpu.memory_space<vmem>>
      %dma_wait3A_243 = tpu.memref_squeeze %dma_wait3A_242 : memref<1x64x128xf32, #tpu.memory_space<vmem>> -> memref<64x128xf32, #tpu.memory_space<vmem>>
      %dma_wait3A_244 = arith.constant 0 : i32
      %dma_wait3A_245 = tpu.memref_slice %arg7[%dma_wait3A_238, %dma_wait3A_244] : memref<32x64xi32, #tpu.memory_space<vmem>> -> memref<1x64xi32, #tpu.memory_space<vmem>>
      %dma_wait3A_246 = tpu.memref_squeeze %dma_wait3A_245 : memref<1x64xi32, #tpu.memory_space<vmem>> -> memref<64xi32, #tpu.memory_space<vmem>>
      %dma_wait3A_247 = arith.constant 0 : i32
      %dma_wait3A_248 = arith.constant 0 : i32
      %dma_wait3A_249 = tpu.memref_slice %arg4[%dma_wait3A_247, %dma_wait3A_248] : memref<10000x128xf32, #tpu.memory_space<hbm>> -> memref<10000x128xf32, #tpu.memory_space<hbm>>
      tpu.wait_indirect_dma semaphore(%arg13 : memref<!tpu.dma_semaphore, #tpu.memory_space<semaphore_mem>>) src(%dma_wait3A_249 : memref<10000x128xf32, #tpu.memory_space<hbm>>) dst(%dma_wait3A_243 : memref<64x128xf32, #tpu.memory_space<vmem>>)
      %dma_wait3A_250 = arith.constant 0 : i32
      %dma_wait3A_251 = arith.constant 3 : i32
      %dma_wait3A_252 = arith.constant 0 : i32
      %dma_wait3A_253 = arith.constant 0 : i32
      %dma_wait3A_254 = tpu.memref_slice %arg9[%dma_wait3A_251, %dma_wait3A_252, %dma_wait3A_253] : memref<4x64x128xf32, #tpu.memory_space<vmem>> -> memref<1x64x128xf32, #tpu.memory_space<vmem>>
      %dma_wait3A_255 = tpu.memref_squeeze %dma_wait3A_254 : memref<1x64x128xf32, #tpu.memory_space<vmem>> -> memref<64x128xf32, #tpu.memory_space<vmem>>
      %dma_wait3A_256 = arith.constant 0 : i32
      %dma_wait3A_257 = tpu.memref_slice %arg7[%dma_wait3A_250, %dma_wait3A_256] : memref<32x64xi32, #tpu.memory_space<vmem>> -> memref<1x64xi32, #tpu.memory_space<vmem>>
      %dma_wait3A_258 = tpu.memref_squeeze %dma_wait3A_257 : memref<1x64xi32, #tpu.memory_space<vmem>> -> memref<64xi32, #tpu.memory_space<vmem>>
      %dma_wait3A_259 = arith.constant 0 : i32
      %dma_wait3A_260 = arith.constant 0 : i32
      %dma_wait3A_261 = tpu.memref_slice %arg4[%dma_wait3A_259, %dma_wait3A_260] : memref<10000x128xf32, #tpu.memory_space<hbm>> -> memref<10000x128xf32, #tpu.memory_space<hbm>>
      tpu.wait_indirect_dma semaphore(%arg14 : memref<!tpu.dma_semaphore, #tpu.memory_space<semaphore_mem>>) src(%dma_wait3A_261 : memref<10000x128xf32, #tpu.memory_space<hbm>>) dst(%dma_wait3A_255 : memref<64x128xf32, #tpu.memory_space<vmem>>)
    }
    %while3A_67 = arith.constant 1 : i32
    scf.for %while3A_159 = %while3A_65 to %while3A_61 step %while3A_67  : i32 {
      %mul3A_160 = arith.constant 32 : i32
      %mul3A_161 = arith.muli %while3A_159, %mul3A_160 : i32
      %add3A_162 = arith.addi %select_n3A, %mul3A_161 : i32
      "tpu.region"() ({
        %run_scoped3A_262 = tpu.sem_alloc : memref<!tpu.dma_semaphore, #tpu.memory_space<semaphore_mem>>
        %dma_start3A_263 = arith.constant 0 : i32
        %dma_start3A_264 = tpu.memref_slice %arg2[%add3A_162, %dma_start3A_263] : memref<5120x64xi32, #tpu.memory_space<hbm>> -> memref<32x64xi32, #tpu.memory_space<hbm>>
        %dma_start3A_265 = arith.constant 0 : i32
        %dma_start3A_266 = tpu.memref_slice %arg2[%add3A_162, %dma_start3A_265] : memref<5120x64xi32, #tpu.memory_space<hbm>> -> memref<32x64xi32, #tpu.memory_space<hbm>>
        tpu.enqueue_dma source(%dma_start3A_266 : memref<32x64xi32, #tpu.memory_space<hbm>>) target(%arg7 : memref<32x64xi32, #tpu.memory_space<vmem>>) target_semaphore(%run_scoped3A_262 : memref<!tpu.dma_semaphore, #tpu.memory_space<semaphore_mem>>)
        %dma_wait3A_267 = arith.constant 0 : i32
        %dma_wait3A_268 = tpu.memref_slice %arg2[%add3A_162, %dma_wait3A_267] : memref<5120x64xi32, #tpu.memory_space<hbm>> -> memref<32x64xi32, #tpu.memory_space<hbm>>
        %dma_wait3A_269 = arith.constant 0 : i32
        %dma_wait3A_270 = tpu.memref_slice %arg2[%add3A_162, %dma_wait3A_269] : memref<5120x64xi32, #tpu.memory_space<hbm>> -> memref<32x64xi32, #tpu.memory_space<hbm>>
        tpu.wait_dma2 semaphore(%run_scoped3A_262 : memref<!tpu.dma_semaphore, #tpu.memory_space<semaphore_mem>>) src(%dma_wait3A_270 : memref<32x64xi32, #tpu.memory_space<hbm>>) dst(%arg7 : memref<32x64xi32, #tpu.memory_space<vmem>>)
        tpu.yield
      }) : () -> ()
      "tpu.region"() ({
        %run_scoped3A_262 = tpu.sem_alloc : memref<!tpu.dma_semaphore, #tpu.memory_space<semaphore_mem>>
        %dma_start3A_263 = arith.constant 0 : i32
        %dma_start3A_264 = tpu.memref_slice %arg3[%add3A_162, %dma_start3A_263] : memref<5120x64xi32, #tpu.memory_space<hbm>> -> memref<32x64xi32, #tpu.memory_space<hbm>>
        %dma_start3A_265 = arith.constant 0 : i32
        %dma_start3A_266 = tpu.memref_slice %arg3[%add3A_162, %dma_start3A_265] : memref<5120x64xi32, #tpu.memory_space<hbm>> -> memref<32x64xi32, #tpu.memory_space<hbm>>
        tpu.enqueue_dma source(%dma_start3A_266 : memref<32x64xi32, #tpu.memory_space<hbm>>) target(%arg8 : memref<32x64xi32, #tpu.memory_space<vmem>>) target_semaphore(%run_scoped3A_262 : memref<!tpu.dma_semaphore, #tpu.memory_space<semaphore_mem>>)
        %dma_wait3A_267 = arith.constant 0 : i32
        %dma_wait3A_268 = tpu.memref_slice %arg3[%add3A_162, %dma_wait3A_267] : memref<5120x64xi32, #tpu.memory_space<hbm>> -> memref<32x64xi32, #tpu.memory_space<hbm>>
        %dma_wait3A_269 = arith.constant 0 : i32
        %dma_wait3A_270 = tpu.memref_slice %arg3[%add3A_162, %dma_wait3A_269] : memref<5120x64xi32, #tpu.memory_space<hbm>> -> memref<32x64xi32, #tpu.memory_space<hbm>>
        tpu.wait_dma2 semaphore(%run_scoped3A_262 : memref<!tpu.dma_semaphore, #tpu.memory_space<semaphore_mem>>) src(%dma_wait3A_270 : memref<32x64xi32, #tpu.memory_space<hbm>>) dst(%arg8 : memref<32x64xi32, #tpu.memory_space<vmem>>)
        tpu.yield
      }) : () -> ()
      %dma_start3A = arith.constant 0 : i32
      %dma_start3A_163 = arith.constant 0 : i32
      %dma_start3A_164 = arith.constant 0 : i32
      %dma_start3A_165 = arith.constant 0 : i32
      %dma_start3A_166 = tpu.memref_slice %arg9[%dma_start3A_163, %dma_start3A_164, %dma_start3A_165] : memref<4x64x128xf32, #tpu.memory_space<vmem>> -> memref<1x64x128xf32, #tpu.memory_space<vmem>>
      %dma_start3A_167 = tpu.memref_squeeze %dma_start3A_166 : memref<1x64x128xf32, #tpu.memory_space<vmem>> -> memref<64x128xf32, #tpu.memory_space<vmem>>
      %dma_start3A_168 = arith.constant 0 : i32
      %dma_start3A_169 = tpu.memref_slice %arg7[%dma_start3A, %dma_start3A_168] : memref<32x64xi32, #tpu.memory_space<vmem>> -> memref<1x64xi32, #tpu.memory_space<vmem>>
      %dma_start3A_170 = tpu.memref_squeeze %dma_start3A_169 : memref<1x64xi32, #tpu.memory_space<vmem>> -> memref<64xi32, #tpu.memory_space<vmem>>
      %dma_start3A_171 = arith.constant 0 : i32
      %dma_start3A_172 = arith.constant 0 : i32
      %dma_start3A_173 = tpu.memref_slice %arg4[%dma_start3A_171, %dma_start3A_172] : memref<10000x128xf32, #tpu.memory_space<hbm>> -> memref<10000x128xf32, #tpu.memory_space<hbm>>
      tpu.enqueue_indirect_dma source(%dma_start3A_173 : memref<10000x128xf32, #tpu.memory_space<hbm>>) target(%dma_start3A_167 : memref<64x128xf32, #tpu.memory_space<vmem>>) offsets(%dma_start3A_170 : memref<64xi32, #tpu.memory_space<vmem>>) semaphore(%arg11 : memref<!tpu.dma_semaphore, #tpu.memory_space<semaphore_mem>>)
      %dma_start3A_174 = arith.constant 1 : i32
      %dma_start3A_175 = arith.constant 1 : i32
      %dma_start3A_176 = arith.constant 0 : i32
      %dma_start3A_177 = arith.constant 0 : i32
      %dma_start3A_178 = tpu.memref_slice %arg9[%dma_start3A_175, %dma_start3A_176, %dma_start3A_177] : memref<4x64x128xf32, #tpu.memory_space<vmem>> -> memref<1x64x128xf32, #tpu.memory_space<vmem>>
      %dma_start3A_179 = tpu.memref_squeeze %dma_start3A_178 : memref<1x64x128xf32, #tpu.memory_space<vmem>> -> memref<64x128xf32, #tpu.memory_space<vmem>>
      %dma_start3A_180 = arith.constant 0 : i32
      %dma_start3A_181 = tpu.memref_slice %arg7[%dma_start3A_174, %dma_start3A_180] : memref<32x64xi32, #tpu.memory_space<vmem>> -> memref<1x64xi32, #tpu.memory_space<vmem>>
      %dma_start3A_182 = tpu.memref_squeeze %dma_start3A_181 : memref<1x64xi32, #tpu.memory_space<vmem>> -> memref<64xi32, #tpu.memory_space<vmem>>
      %dma_start3A_183 = arith.constant 0 : i32
      %dma_start3A_184 = arith.constant 0 : i32
      %dma_start3A_185 = tpu.memref_slice %arg4[%dma_start3A_183, %dma_start3A_184] : memref<10000x128xf32, #tpu.memory_space<hbm>> -> memref<10000x128xf32, #tpu.memory_space<hbm>>
      tpu.enqueue_indirect_dma source(%dma_start3A_185 : memref<10000x128xf32, #tpu.memory_space<hbm>>) target(%dma_start3A_179 : memref<64x128xf32, #tpu.memory_space<vmem>>) offsets(%dma_start3A_182 : memref<64xi32, #tpu.memory_space<vmem>>) semaphore(%arg12 : memref<!tpu.dma_semaphore, #tpu.memory_space<semaphore_mem>>)
      %dma_start3A_186 = arith.constant 2 : i32
      %dma_start3A_187 = arith.constant 2 : i32
      %dma_start3A_188 = arith.constant 0 : i32
      %dma_start3A_189 = arith.constant 0 : i32
      %dma_start3A_190 = tpu.memref_slice %arg9[%dma_start3A_187, %dma_start3A_188, %dma_start3A_189] : memref<4x64x128xf32, #tpu.memory_space<vmem>> -> memref<1x64x128xf32, #tpu.memory_space<vmem>>
      %dma_start3A_191 = tpu.memref_squeeze %dma_start3A_190 : memref<1x64x128xf32, #tpu.memory_space<vmem>> -> memref<64x128xf32, #tpu.memory_space<vmem>>
      %dma_start3A_192 = arith.constant 0 : i32
      %dma_start3A_193 = tpu.memref_slice %arg7[%dma_start3A_186, %dma_start3A_192] : memref<32x64xi32, #tpu.memory_space<vmem>> -> memref<1x64xi32, #tpu.memory_space<vmem>>
      %dma_start3A_194 = tpu.memref_squeeze %dma_start3A_193 : memref<1x64xi32, #tpu.memory_space<vmem>> -> memref<64xi32, #tpu.memory_space<vmem>>
      %dma_start3A_195 = arith.constant 0 : i32
      %dma_start3A_196 = arith.constant 0 : i32
      %dma_start3A_197 = tpu.memref_slice %arg4[%dma_start3A_195, %dma_start3A_196] : memref<10000x128xf32, #tpu.memory_space<hbm>> -> memref<10000x128xf32, #tpu.memory_space<hbm>>
      tpu.enqueue_indirect_dma source(%dma_start3A_197 : memref<10000x128xf32, #tpu.memory_space<hbm>>) target(%dma_start3A_191 : memref<64x128xf32, #tpu.memory_space<vmem>>) offsets(%dma_start3A_194 : memref<64xi32, #tpu.memory_space<vmem>>) semaphore(%arg13 : memref<!tpu.dma_semaphore, #tpu.memory_space<semaphore_mem>>)
      %dma_start3A_198 = arith.constant 3 : i32
      %dma_start3A_199 = arith.constant 3 : i32
      %dma_start3A_200 = arith.constant 0 : i32
      %dma_start3A_201 = arith.constant 0 : i32
      %dma_start3A_202 = tpu.memref_slice %arg9[%dma_start3A_199, %dma_start3A_200, %dma_start3A_201] : memref<4x64x128xf32, #tpu.memory_space<vmem>> -> memref<1x64x128xf32, #tpu.memory_space<vmem>>
      %dma_start3A_203 = tpu.memref_squeeze %dma_start3A_202 : memref<1x64x128xf32, #tpu.memory_space<vmem>> -> memref<64x128xf32, #tpu.memory_space<vmem>>
      %dma_start3A_204 = arith.constant 0 : i32
      %dma_start3A_205 = tpu.memref_slice %arg7[%dma_start3A_198, %dma_start3A_204] : memref<32x64xi32, #tpu.memory_space<vmem>> -> memref<1x64xi32, #tpu.memory_space<vmem>>
      %dma_start3A_206 = tpu.memref_squeeze %dma_start3A_205 : memref<1x64xi32, #tpu.memory_space<vmem>> -> memref<64xi32, #tpu.memory_space<vmem>>
      %dma_start3A_207 = arith.constant 0 : i32
      %dma_start3A_208 = arith.constant 0 : i32
      %dma_start3A_209 = tpu.memref_slice %arg4[%dma_start3A_207, %dma_start3A_208] : memref<10000x128xf32, #tpu.memory_space<hbm>> -> memref<10000x128xf32, #tpu.memory_space<hbm>>
      tpu.enqueue_indirect_dma source(%dma_start3A_209 : memref<10000x128xf32, #tpu.memory_space<hbm>>) target(%dma_start3A_203 : memref<64x128xf32, #tpu.memory_space<vmem>>) offsets(%dma_start3A_206 : memref<64xi32, #tpu.memory_space<vmem>>) semaphore(%arg14 : memref<!tpu.dma_semaphore, #tpu.memory_space<semaphore_mem>>)
      %scan3A = arith.constant 0 : i32
      %scan3A_210 = arith.constant 0 : i32
      %scan3A_211 = arith.constant 8 : i32
      %scan3A_212 = arith.addi %scan3A_210, %scan3A_211 : i32
      %scan3A_213 = arith.constant 1 : i32
      scf.for %scan3A_262 = %scan3A_210 to %scan3A_212 step %scan3A_213  : i32 {
        %mul3A_263 = arith.constant 4 : i32
        %mul3A_264 = arith.muli %mul3A_263, %scan3A_262 : i32
        %add3A_265 = arith.constant 0 : i32
        %add3A_266 = arith.addi %mul3A_264, %add3A_265 : i32
        %dma_wait3A_267 = arith.constant 0 : i32
        %dma_wait3A_268 = arith.constant 0 : i32
        %dma_wait3A_269 = arith.constant 0 : i32
        %dma_wait3A_270 = arith.constant 0 : i32
        %dma_wait3A_271 = tpu.memref_slice %arg9[%dma_wait3A_268, %dma_wait3A_269, %dma_wait3A_270] : memref<4x64x128xf32, #tpu.memory_space<vmem>> -> memref<1x64x128xf32, #tpu.memory_space<vmem>>
        %dma_wait3A_272 = tpu.memref_squeeze %dma_wait3A_271 : memref<1x64x128xf32, #tpu.memory_space<vmem>> -> memref<64x128xf32, #tpu.memory_space<vmem>>
        %dma_wait3A_273 = arith.constant 0 : i32
        %dma_wait3A_274 = tpu.memref_slice %arg7[%dma_wait3A_267, %dma_wait3A_273] : memref<32x64xi32, #tpu.memory_space<vmem>> -> memref<1x64xi32, #tpu.memory_space<vmem>>
        %dma_wait3A_275 = tpu.memref_squeeze %dma_wait3A_274 : memref<1x64xi32, #tpu.memory_space<vmem>> -> memref<64xi32, #tpu.memory_space<vmem>>
        %dma_wait3A_276 = arith.constant 0 : i32
        %dma_wait3A_277 = arith.constant 0 : i32
        %dma_wait3A_278 = tpu.memref_slice %arg4[%dma_wait3A_276, %dma_wait3A_277] : memref<10000x128xf32, #tpu.memory_space<hbm>> -> memref<10000x128xf32, #tpu.memory_space<hbm>>
        tpu.wait_indirect_dma semaphore(%arg11 : memref<!tpu.dma_semaphore, #tpu.memory_space<semaphore_mem>>) src(%dma_wait3A_278 : memref<10000x128xf32, #tpu.memory_space<hbm>>) dst(%dma_wait3A_272 : memref<64x128xf32, #tpu.memory_space<vmem>>)
        %run_scoped3A_279 = arith.constant 0 : i32
        "tpu.region"() ({
          %run_scoped3A_400 = tpu.sem_alloc : memref<!tpu.dma_semaphore, #tpu.memory_space<semaphore_mem>>
          %dma_start3A_401 = arith.constant 0 : i32
          %dma_start3A_402 = arith.constant 0 : i32
          %dma_start3A_403 = tpu.memref_slice %arg9[%run_scoped3A_279, %dma_start3A_401, %dma_start3A_402] : memref<4x64x128xf32, #tpu.memory_space<vmem>> -> memref<1x64x128xf32, #tpu.memory_space<vmem>>
          %dma_start3A_404 = tpu.memref_squeeze %dma_start3A_403 : memref<1x64x128xf32, #tpu.memory_space<vmem>> -> memref<64x128xf32, #tpu.memory_space<vmem>>
          %dma_start3A_405 = arith.constant 0 : i32
          %dma_start3A_406 = tpu.memref_slice %arg8[%add3A_266, %dma_start3A_405] : memref<32x64xi32, #tpu.memory_space<vmem>> -> memref<1x64xi32, #tpu.memory_space<vmem>>
          %dma_start3A_407 = tpu.memref_squeeze %dma_start3A_406 : memref<1x64xi32, #tpu.memory_space<vmem>> -> memref<64xi32, #tpu.memory_space<vmem>>
          %dma_start3A_408 = arith.constant 0 : i32
          %dma_start3A_409 = arith.constant 0 : i32
          %dma_start3A_410 = tpu.memref_slice %arg10[%dma_start3A_408, %dma_start3A_409] : memref<10240x128xf32, #tpu.memory_space<vmem_shared>> -> memref<10240x128xf32, #tpu.memory_space<vmem_shared>>
          tpu.enqueue_indirect_dma source(%dma_start3A_404 : memref<64x128xf32, #tpu.memory_space<vmem>>) target(%dma_start3A_410 : memref<10240x128xf32, #tpu.memory_space<vmem_shared>>) offsets(%dma_start3A_407 : memref<64xi32, #tpu.memory_space<vmem>>) semaphore(%run_scoped3A_400 : memref<!tpu.dma_semaphore, #tpu.memory_space<semaphore_mem>>) {add = true}
          %dma_wait3A_411 = arith.constant 0 : i32
          %dma_wait3A_412 = arith.constant 0 : i32
          %dma_wait3A_413 = tpu.memref_slice %arg9[%run_scoped3A_279, %dma_wait3A_411, %dma_wait3A_412] : memref<4x64x128xf32, #tpu.memory_space<vmem>> -> memref<1x64x128xf32, #tpu.memory_space<vmem>>
          %dma_wait3A_414 = tpu.memref_squeeze %dma_wait3A_413 : memref<1x64x128xf32, #tpu.memory_space<vmem>> -> memref<64x128xf32, #tpu.memory_space<vmem>>
          %dma_wait3A_415 = arith.constant 0 : i32
          %dma_wait3A_416 = tpu.memref_slice %arg8[%add3A_266, %dma_wait3A_415] : memref<32x64xi32, #tpu.memory_space<vmem>> -> memref<1x64xi32, #tpu.memory_space<vmem>>
          %dma_wait3A_417 = tpu.memref_squeeze %dma_wait3A_416 : memref<1x64xi32, #tpu.memory_space<vmem>> -> memref<64xi32, #tpu.memory_space<vmem>>
          %dma_wait3A_418 = arith.constant 0 : i32
          %dma_wait3A_419 = arith.constant 0 : i32
          %dma_wait3A_420 = tpu.memref_slice %arg10[%dma_wait3A_418, %dma_wait3A_419] : memref<10240x128xf32, #tpu.memory_space<vmem_shared>> -> memref<10240x128xf32, #tpu.memory_space<vmem_shared>>
          tpu.wait_indirect_dma semaphore(%run_scoped3A_400 : memref<!tpu.dma_semaphore, #tpu.memory_space<semaphore_mem>>) src(%dma_wait3A_414 : memref<64x128xf32, #tpu.memory_space<vmem>>) dst(%dma_wait3A_420 : memref<10240x128xf32, #tpu.memory_space<vmem_shared>>)
          tpu.yield
        }) : () -> ()
        %add3A_280 = arith.constant 4 : i32
        %add3A_281 = arith.addi %add3A_266, %add3A_280 : i32
        %lt3A = arith.constant 32 : i32
        %lt3A_282 = arith.cmpi slt, %add3A_281, %lt3A : i32
        %add3A_283 = arith.constant 4 : i32
        %add3A_284 = arith.addi %add3A_266, %add3A_283 : i32
        %jit3A_285 = arith.constant 0 : i32
        %select_n3A_286 = arith.select %lt3A_282, %add3A_284, %jit3A_285 : i32
        %dma_start3A_287 = arith.constant 0 : i32
        %dma_start3A_288 = arith.constant 0 : i32
        %dma_start3A_289 = arith.constant 0 : i32
        %dma_start3A_290 = tpu.memref_slice %arg9[%dma_start3A_287, %dma_start3A_288, %dma_start3A_289] : memref<4x64x128xf32, #tpu.memory_space<vmem>> -> memref<1x64x128xf32, #tpu.memory_space<vmem>>
        %dma_start3A_291 = tpu.memref_squeeze %dma_start3A_290 : memref<1x64x128xf32, #tpu.memory_space<vmem>> -> memref<64x128xf32, #tpu.memory_space<vmem>>
        %dma_start3A_292 = arith.constant 0 : i32
        %dma_start3A_293 = tpu.memref_slice %arg7[%select_n3A_286, %dma_start3A_292] : memref<32x64xi32, #tpu.memory_space<vmem>> -> memref<1x64xi32, #tpu.memory_space<vmem>>
        %dma_start3A_294 = tpu.memref_squeeze %dma_start3A_293 : memref<1x64xi32, #tpu.memory_space<vmem>> -> memref<64xi32, #tpu.memory_space<vmem>>
        %dma_start3A_295 = arith.constant 0 : i32
        %dma_start3A_296 = arith.constant 0 : i32
        %dma_start3A_297 = tpu.memref_slice %arg4[%dma_start3A_295, %dma_start3A_296] : memref<10000x128xf32, #tpu.memory_space<hbm>> -> memref<10000x128xf32, #tpu.memory_space<hbm>>
        tpu.enqueue_indirect_dma source(%dma_start3A_297 : memref<10000x128xf32, #tpu.memory_space<hbm>>) target(%dma_start3A_291 : memref<64x128xf32, #tpu.memory_space<vmem>>) offsets(%dma_start3A_294 : memref<64xi32, #tpu.memory_space<vmem>>) semaphore(%arg11 : memref<!tpu.dma_semaphore, #tpu.memory_space<semaphore_mem>>)
        %add3A_298 = arith.constant 1 : i32
        %add3A_299 = arith.addi %mul3A_264, %add3A_298 : i32
        %dma_wait3A_300 = arith.constant 0 : i32
        %dma_wait3A_301 = arith.constant 1 : i32
        %dma_wait3A_302 = arith.constant 0 : i32
        %dma_wait3A_303 = arith.constant 0 : i32
        %dma_wait3A_304 = tpu.memref_slice %arg9[%dma_wait3A_301, %dma_wait3A_302, %dma_wait3A_303] : memref<4x64x128xf32, #tpu.memory_space<vmem>> -> memref<1x64x128xf32, #tpu.memory_space<vmem>>
        %dma_wait3A_305 = tpu.memref_squeeze %dma_wait3A_304 : memref<1x64x128xf32, #tpu.memory_space<vmem>> -> memref<64x128xf32, #tpu.memory_space<vmem>>
        %dma_wait3A_306 = arith.constant 0 : i32
        %dma_wait3A_307 = tpu.memref_slice %arg7[%dma_wait3A_300, %dma_wait3A_306] : memref<32x64xi32, #tpu.memory_space<vmem>> -> memref<1x64xi32, #tpu.memory_space<vmem>>
        %dma_wait3A_308 = tpu.memref_squeeze %dma_wait3A_307 : memref<1x64xi32, #tpu.memory_space<vmem>> -> memref<64xi32, #tpu.memory_space<vmem>>
        %dma_wait3A_309 = arith.constant 0 : i32
        %dma_wait3A_310 = arith.constant 0 : i32
        %dma_wait3A_311 = tpu.memref_slice %arg4[%dma_wait3A_309, %dma_wait3A_310] : memref<10000x128xf32, #tpu.memory_space<hbm>> -> memref<10000x128xf32, #tpu.memory_space<hbm>>
        tpu.wait_indirect_dma semaphore(%arg12 : memref<!tpu.dma_semaphore, #tpu.memory_space<semaphore_mem>>) src(%dma_wait3A_311 : memref<10000x128xf32, #tpu.memory_space<hbm>>) dst(%dma_wait3A_305 : memref<64x128xf32, #tpu.memory_space<vmem>>)
        %run_scoped3A_312 = arith.constant 1 : i32
        "tpu.region"() ({
          %run_scoped3A_400 = tpu.sem_alloc : memref<!tpu.dma_semaphore, #tpu.memory_space<semaphore_mem>>
          %dma_start3A_401 = arith.constant 0 : i32
          %dma_start3A_402 = arith.constant 0 : i32
          %dma_start3A_403 = tpu.memref_slice %arg9[%run_scoped3A_312, %dma_start3A_401, %dma_start3A_402] : memref<4x64x128xf32, #tpu.memory_space<vmem>> -> memref<1x64x128xf32, #tpu.memory_space<vmem>>
          %dma_start3A_404 = tpu.memref_squeeze %dma_start3A_403 : memref<1x64x128xf32, #tpu.memory_space<vmem>> -> memref<64x128xf32, #tpu.memory_space<vmem>>
          %dma_start3A_405 = arith.constant 0 : i32
          %dma_start3A_406 = tpu.memref_slice %arg8[%add3A_299, %dma_start3A_405] : memref<32x64xi32, #tpu.memory_space<vmem>> -> memref<1x64xi32, #tpu.memory_space<vmem>>
          %dma_start3A_407 = tpu.memref_squeeze %dma_start3A_406 : memref<1x64xi32, #tpu.memory_space<vmem>> -> memref<64xi32, #tpu.memory_space<vmem>>
          %dma_start3A_408 = arith.constant 0 : i32
          %dma_start3A_409 = arith.constant 0 : i32
          %dma_start3A_410 = tpu.memref_slice %arg10[%dma_start3A_408, %dma_start3A_409] : memref<10240x128xf32, #tpu.memory_space<vmem_shared>> -> memref<10240x128xf32, #tpu.memory_space<vmem_shared>>
          tpu.enqueue_indirect_dma source(%dma_start3A_404 : memref<64x128xf32, #tpu.memory_space<vmem>>) target(%dma_start3A_410 : memref<10240x128xf32, #tpu.memory_space<vmem_shared>>) offsets(%dma_start3A_407 : memref<64xi32, #tpu.memory_space<vmem>>) semaphore(%run_scoped3A_400 : memref<!tpu.dma_semaphore, #tpu.memory_space<semaphore_mem>>) {add = true}
          %dma_wait3A_411 = arith.constant 0 : i32
          %dma_wait3A_412 = arith.constant 0 : i32
          %dma_wait3A_413 = tpu.memref_slice %arg9[%run_scoped3A_312, %dma_wait3A_411, %dma_wait3A_412] : memref<4x64x128xf32, #tpu.memory_space<vmem>> -> memref<1x64x128xf32, #tpu.memory_space<vmem>>
          %dma_wait3A_414 = tpu.memref_squeeze %dma_wait3A_413 : memref<1x64x128xf32, #tpu.memory_space<vmem>> -> memref<64x128xf32, #tpu.memory_space<vmem>>
          %dma_wait3A_415 = arith.constant 0 : i32
          %dma_wait3A_416 = tpu.memref_slice %arg8[%add3A_299, %dma_wait3A_415] : memref<32x64xi32, #tpu.memory_space<vmem>> -> memref<1x64xi32, #tpu.memory_space<vmem>>
          %dma_wait3A_417 = tpu.memref_squeeze %dma_wait3A_416 : memref<1x64xi32, #tpu.memory_space<vmem>> -> memref<64xi32, #tpu.memory_space<vmem>>
          %dma_wait3A_418 = arith.constant 0 : i32
          %dma_wait3A_419 = arith.constant 0 : i32
          %dma_wait3A_420 = tpu.memref_slice %arg10[%dma_wait3A_418, %dma_wait3A_419] : memref<10240x128xf32, #tpu.memory_space<vmem_shared>> -> memref<10240x128xf32, #tpu.memory_space<vmem_shared>>
          tpu.wait_indirect_dma semaphore(%run_scoped3A_400 : memref<!tpu.dma_semaphore, #tpu.memory_space<semaphore_mem>>) src(%dma_wait3A_414 : memref<64x128xf32, #tpu.memory_space<vmem>>) dst(%dma_wait3A_420 : memref<10240x128xf32, #tpu.memory_space<vmem_shared>>)
          tpu.yield
        }) : () -> ()
        %add3A_313 = arith.constant 4 : i32
        %add3A_314 = arith.addi %add3A_299, %add3A_313 : i32
        %lt3A_315 = arith.constant 32 : i32
        %lt3A_316 = arith.cmpi slt, %add3A_314, %lt3A_315 : i32
        %add3A_317 = arith.constant 4 : i32
        %add3A_318 = arith.addi %add3A_299, %add3A_317 : i32
        %jit3A_319 = arith.constant 0 : i32
        %select_n3A_320 = arith.select %lt3A_316, %add3A_318, %jit3A_319 : i32
        %dma_start3A_321 = arith.constant 1 : i32
        %dma_start3A_322 = arith.constant 0 : i32
        %dma_start3A_323 = arith.constant 0 : i32
        %dma_start3A_324 = tpu.memref_slice %arg9[%dma_start3A_321, %dma_start3A_322, %dma_start3A_323] : memref<4x64x128xf32, #tpu.memory_space<vmem>> -> memref<1x64x128xf32, #tpu.memory_space<vmem>>
        %dma_start3A_325 = tpu.memref_squeeze %dma_start3A_324 : memref<1x64x128xf32, #tpu.memory_space<vmem>> -> memref<64x128xf32, #tpu.memory_space<vmem>>
        %dma_start3A_326 = arith.constant 0 : i32
        %dma_start3A_327 = tpu.memref_slice %arg7[%select_n3A_320, %dma_start3A_326] : memref<32x64xi32, #tpu.memory_space<vmem>> -> memref<1x64xi32, #tpu.memory_space<vmem>>
        %dma_start3A_328 = tpu.memref_squeeze %dma_start3A_327 : memref<1x64xi32, #tpu.memory_space<vmem>> -> memref<64xi32, #tpu.memory_space<vmem>>
        %dma_start3A_329 = arith.constant 0 : i32
        %dma_start3A_330 = arith.constant 0 : i32
        %dma_start3A_331 = tpu.memref_slice %arg4[%dma_start3A_329, %dma_start3A_330] : memref<10000x128xf32, #tpu.memory_space<hbm>> -> memref<10000x128xf32, #tpu.memory_space<hbm>>
        tpu.enqueue_indirect_dma source(%dma_start3A_331 : memref<10000x128xf32, #tpu.memory_space<hbm>>) target(%dma_start3A_325 : memref<64x128xf32, #tpu.memory_space<vmem>>) offsets(%dma_start3A_328 : memref<64xi32, #tpu.memory_space<vmem>>) semaphore(%arg12 : memref<!tpu.dma_semaphore, #tpu.memory_space<semaphore_mem>>)
        %add3A_332 = arith.constant 2 : i32
        %add3A_333 = arith.addi %mul3A_264, %add3A_332 : i32
        %dma_wait3A_334 = arith.constant 0 : i32
        %dma_wait3A_335 = arith.constant 2 : i32
        %dma_wait3A_336 = arith.constant 0 : i32
        %dma_wait3A_337 = arith.constant 0 : i32
        %dma_wait3A_338 = tpu.memref_slice %arg9[%dma_wait3A_335, %dma_wait3A_336, %dma_wait3A_337] : memref<4x64x128xf32, #tpu.memory_space<vmem>> -> memref<1x64x128xf32, #tpu.memory_space<vmem>>
        %dma_wait3A_339 = tpu.memref_squeeze %dma_wait3A_338 : memref<1x64x128xf32, #tpu.memory_space<vmem>> -> memref<64x128xf32, #tpu.memory_space<vmem>>
        %dma_wait3A_340 = arith.constant 0 : i32
        %dma_wait3A_341 = tpu.memref_slice %arg7[%dma_wait3A_334, %dma_wait3A_340] : memref<32x64xi32, #tpu.memory_space<vmem>> -> memref<1x64xi32, #tpu.memory_space<vmem>>
        %dma_wait3A_342 = tpu.memref_squeeze %dma_wait3A_341 : memref<1x64xi32, #tpu.memory_space<vmem>> -> memref<64xi32, #tpu.memory_space<vmem>>
        %dma_wait3A_343 = arith.constant 0 : i32
        %dma_wait3A_344 = arith.constant 0 : i32
        %dma_wait3A_345 = tpu.memref_slice %arg4[%dma_wait3A_343, %dma_wait3A_344] : memref<10000x128xf32, #tpu.memory_space<hbm>> -> memref<10000x128xf32, #tpu.memory_space<hbm>>
        tpu.wait_indirect_dma semaphore(%arg13 : memref<!tpu.dma_semaphore, #tpu.memory_space<semaphore_mem>>) src(%dma_wait3A_345 : memref<10000x128xf32, #tpu.memory_space<hbm>>) dst(%dma_wait3A_339 : memref<64x128xf32, #tpu.memory_space<vmem>>)
        %run_scoped3A_346 = arith.constant 2 : i32
        "tpu.region"() ({
          %run_scoped3A_400 = tpu.sem_alloc : memref<!tpu.dma_semaphore, #tpu.memory_space<semaphore_mem>>
          %dma_start3A_401 = arith.constant 0 : i32
          %dma_start3A_402 = arith.constant 0 : i32
          %dma_start3A_403 = tpu.memref_slice %arg9[%run_scoped3A_346, %dma_start3A_401, %dma_start3A_402] : memref<4x64x128xf32, #tpu.memory_space<vmem>> -> memref<1x64x128xf32, #tpu.memory_space<vmem>>
          %dma_start3A_404 = tpu.memref_squeeze %dma_start3A_403 : memref<1x64x128xf32, #tpu.memory_space<vmem>> -> memref<64x128xf32, #tpu.memory_space<vmem>>
          %dma_start3A_405 = arith.constant 0 : i32
          %dma_start3A_406 = tpu.memref_slice %arg8[%add3A_333, %dma_start3A_405] : memref<32x64xi32, #tpu.memory_space<vmem>> -> memref<1x64xi32, #tpu.memory_space<vmem>>
          %dma_start3A_407 = tpu.memref_squeeze %dma_start3A_406 : memref<1x64xi32, #tpu.memory_space<vmem>> -> memref<64xi32, #tpu.memory_space<vmem>>
          %dma_start3A_408 = arith.constant 0 : i32
          %dma_start3A_409 = arith.constant 0 : i32
          %dma_start3A_410 = tpu.memref_slice %arg10[%dma_start3A_408, %dma_start3A_409] : memref<10240x128xf32, #tpu.memory_space<vmem_shared>> -> memref<10240x128xf32, #tpu.memory_space<vmem_shared>>
          tpu.enqueue_indirect_dma source(%dma_start3A_404 : memref<64x128xf32, #tpu.memory_space<vmem>>) target(%dma_start3A_410 : memref<10240x128xf32, #tpu.memory_space<vmem_shared>>) offsets(%dma_start3A_407 : memref<64xi32, #tpu.memory_space<vmem>>) semaphore(%run_scoped3A_400 : memref<!tpu.dma_semaphore, #tpu.memory_space<semaphore_mem>>) {add = true}
          %dma_wait3A_411 = arith.constant 0 : i32
          %dma_wait3A_412 = arith.constant 0 : i32
          %dma_wait3A_413 = tpu.memref_slice %arg9[%run_scoped3A_346, %dma_wait3A_411, %dma_wait3A_412] : memref<4x64x128xf32, #tpu.memory_space<vmem>> -> memref<1x64x128xf32, #tpu.memory_space<vmem>>
          %dma_wait3A_414 = tpu.memref_squeeze %dma_wait3A_413 : memref<1x64x128xf32, #tpu.memory_space<vmem>> -> memref<64x128xf32, #tpu.memory_space<vmem>>
          %dma_wait3A_415 = arith.constant 0 : i32
          %dma_wait3A_416 = tpu.memref_slice %arg8[%add3A_333, %dma_wait3A_415] : memref<32x64xi32, #tpu.memory_space<vmem>> -> memref<1x64xi32, #tpu.memory_space<vmem>>
          %dma_wait3A_417 = tpu.memref_squeeze %dma_wait3A_416 : memref<1x64xi32, #tpu.memory_space<vmem>> -> memref<64xi32, #tpu.memory_space<vmem>>
          %dma_wait3A_418 = arith.constant 0 : i32
          %dma_wait3A_419 = arith.constant 0 : i32
          %dma_wait3A_420 = tpu.memref_slice %arg10[%dma_wait3A_418, %dma_wait3A_419] : memref<10240x128xf32, #tpu.memory_space<vmem_shared>> -> memref<10240x128xf32, #tpu.memory_space<vmem_shared>>
          tpu.wait_indirect_dma semaphore(%run_scoped3A_400 : memref<!tpu.dma_semaphore, #tpu.memory_space<semaphore_mem>>) src(%dma_wait3A_414 : memref<64x128xf32, #tpu.memory_space<vmem>>) dst(%dma_wait3A_420 : memref<10240x128xf32, #tpu.memory_space<vmem_shared>>)
          tpu.yield
        }) : () -> ()
        %add3A_347 = arith.constant 4 : i32
        %add3A_348 = arith.addi %add3A_333, %add3A_347 : i32
        %lt3A_349 = arith.constant 32 : i32
        %lt3A_350 = arith.cmpi slt, %add3A_348, %lt3A_349 : i32
        %add3A_351 = arith.constant 4 : i32
        %add3A_352 = arith.addi %add3A_333, %add3A_351 : i32
        %jit3A_353 = arith.constant 0 : i32
        %select_n3A_354 = arith.select %lt3A_350, %add3A_352, %jit3A_353 : i32
        %dma_start3A_355 = arith.constant 2 : i32
        %dma_start3A_356 = arith.constant 0 : i32
        %dma_start3A_357 = arith.constant 0 : i32
        %dma_start3A_358 = tpu.memref_slice %arg9[%dma_start3A_355, %dma_start3A_356, %dma_start3A_357] : memref<4x64x128xf32, #tpu.memory_space<vmem>> -> memref<1x64x128xf32, #tpu.memory_space<vmem>>
        %dma_start3A_359 = tpu.memref_squeeze %dma_start3A_358 : memref<1x64x128xf32, #tpu.memory_space<vmem>> -> memref<64x128xf32, #tpu.memory_space<vmem>>
        %dma_start3A_360 = arith.constant 0 : i32
        %dma_start3A_361 = tpu.memref_slice %arg7[%select_n3A_354, %dma_start3A_360] : memref<32x64xi32, #tpu.memory_space<vmem>> -> memref<1x64xi32, #tpu.memory_space<vmem>>
        %dma_start3A_362 = tpu.memref_squeeze %dma_start3A_361 : memref<1x64xi32, #tpu.memory_space<vmem>> -> memref<64xi32, #tpu.memory_space<vmem>>
        %dma_start3A_363 = arith.constant 0 : i32
        %dma_start3A_364 = arith.constant 0 : i32
        %dma_start3A_365 = tpu.memref_slice %arg4[%dma_start3A_363, %dma_start3A_364] : memref<10000x128xf32, #tpu.memory_space<hbm>> -> memref<10000x128xf32, #tpu.memory_space<hbm>>
        tpu.enqueue_indirect_dma source(%dma_start3A_365 : memref<10000x128xf32, #tpu.memory_space<hbm>>) target(%dma_start3A_359 : memref<64x128xf32, #tpu.memory_space<vmem>>) offsets(%dma_start3A_362 : memref<64xi32, #tpu.memory_space<vmem>>) semaphore(%arg13 : memref<!tpu.dma_semaphore, #tpu.memory_space<semaphore_mem>>)
        %add3A_366 = arith.constant 3 : i32
        %add3A_367 = arith.addi %mul3A_264, %add3A_366 : i32
        %dma_wait3A_368 = arith.constant 0 : i32
        %dma_wait3A_369 = arith.constant 3 : i32
        %dma_wait3A_370 = arith.constant 0 : i32
        %dma_wait3A_371 = arith.constant 0 : i32
        %dma_wait3A_372 = tpu.memref_slice %arg9[%dma_wait3A_369, %dma_wait3A_370, %dma_wait3A_371] : memref<4x64x128xf32, #tpu.memory_space<vmem>> -> memref<1x64x128xf32, #tpu.memory_space<vmem>>
        %dma_wait3A_373 = tpu.memref_squeeze %dma_wait3A_372 : memref<1x64x128xf32, #tpu.memory_space<vmem>> -> memref<64x128xf32, #tpu.memory_space<vmem>>
        %dma_wait3A_374 = arith.constant 0 : i32
        %dma_wait3A_375 = tpu.memref_slice %arg7[%dma_wait3A_368, %dma_wait3A_374] : memref<32x64xi32, #tpu.memory_space<vmem>> -> memref<1x64xi32, #tpu.memory_space<vmem>>
        %dma_wait3A_376 = tpu.memref_squeeze %dma_wait3A_375 : memref<1x64xi32, #tpu.memory_space<vmem>> -> memref<64xi32, #tpu.memory_space<vmem>>
        %dma_wait3A_377 = arith.constant 0 : i32
        %dma_wait3A_378 = arith.constant 0 : i32
        %dma_wait3A_379 = tpu.memref_slice %arg4[%dma_wait3A_377, %dma_wait3A_378] : memref<10000x128xf32, #tpu.memory_space<hbm>> -> memref<10000x128xf32, #tpu.memory_space<hbm>>
        tpu.wait_indirect_dma semaphore(%arg14 : memref<!tpu.dma_semaphore, #tpu.memory_space<semaphore_mem>>) src(%dma_wait3A_379 : memref<10000x128xf32, #tpu.memory_space<hbm>>) dst(%dma_wait3A_373 : memref<64x128xf32, #tpu.memory_space<vmem>>)
        %run_scoped3A_380 = arith.constant 3 : i32
        "tpu.region"() ({
          %run_scoped3A_400 = tpu.sem_alloc : memref<!tpu.dma_semaphore, #tpu.memory_space<semaphore_mem>>
          %dma_start3A_401 = arith.constant 0 : i32
          %dma_start3A_402 = arith.constant 0 : i32
          %dma_start3A_403 = tpu.memref_slice %arg9[%run_scoped3A_380, %dma_start3A_401, %dma_start3A_402] : memref<4x64x128xf32, #tpu.memory_space<vmem>> -> memref<1x64x128xf32, #tpu.memory_space<vmem>>
          %dma_start3A_404 = tpu.memref_squeeze %dma_start3A_403 : memref<1x64x128xf32, #tpu.memory_space<vmem>> -> memref<64x128xf32, #tpu.memory_space<vmem>>
          %dma_start3A_405 = arith.constant 0 : i32
          %dma_start3A_406 = tpu.memref_slice %arg8[%add3A_367, %dma_start3A_405] : memref<32x64xi32, #tpu.memory_space<vmem>> -> memref<1x64xi32, #tpu.memory_space<vmem>>
          %dma_start3A_407 = tpu.memref_squeeze %dma_start3A_406 : memref<1x64xi32, #tpu.memory_space<vmem>> -> memref<64xi32, #tpu.memory_space<vmem>>
          %dma_start3A_408 = arith.constant 0 : i32
          %dma_start3A_409 = arith.constant 0 : i32
          %dma_start3A_410 = tpu.memref_slice %arg10[%dma_start3A_408, %dma_start3A_409] : memref<10240x128xf32, #tpu.memory_space<vmem_shared>> -> memref<10240x128xf32, #tpu.memory_space<vmem_shared>>
          tpu.enqueue_indirect_dma source(%dma_start3A_404 : memref<64x128xf32, #tpu.memory_space<vmem>>) target(%dma_start3A_410 : memref<10240x128xf32, #tpu.memory_space<vmem_shared>>) offsets(%dma_start3A_407 : memref<64xi32, #tpu.memory_space<vmem>>) semaphore(%run_scoped3A_400 : memref<!tpu.dma_semaphore, #tpu.memory_space<semaphore_mem>>) {add = true}
          %dma_wait3A_411 = arith.constant 0 : i32
          %dma_wait3A_412 = arith.constant 0 : i32
          %dma_wait3A_413 = tpu.memref_slice %arg9[%run_scoped3A_380, %dma_wait3A_411, %dma_wait3A_412] : memref<4x64x128xf32, #tpu.memory_space<vmem>> -> memref<1x64x128xf32, #tpu.memory_space<vmem>>
          %dma_wait3A_414 = tpu.memref_squeeze %dma_wait3A_413 : memref<1x64x128xf32, #tpu.memory_space<vmem>> -> memref<64x128xf32, #tpu.memory_space<vmem>>
          %dma_wait3A_415 = arith.constant 0 : i32
          %dma_wait3A_416 = tpu.memref_slice %arg8[%add3A_367, %dma_wait3A_415] : memref<32x64xi32, #tpu.memory_space<vmem>> -> memref<1x64xi32, #tpu.memory_space<vmem>>
          %dma_wait3A_417 = tpu.memref_squeeze %dma_wait3A_416 : memref<1x64xi32, #tpu.memory_space<vmem>> -> memref<64xi32, #tpu.memory_space<vmem>>
          %dma_wait3A_418 = arith.constant 0 : i32
          %dma_wait3A_419 = arith.constant 0 : i32
          %dma_wait3A_420 = tpu.memref_slice %arg10[%dma_wait3A_418, %dma_wait3A_419] : memref<10240x128xf32, #tpu.memory_space<vmem_shared>> -> memref<10240x128xf32, #tpu.memory_space<vmem_shared>>
          tpu.wait_indirect_dma semaphore(%run_scoped3A_400 : memref<!tpu.dma_semaphore, #tpu.memory_space<semaphore_mem>>) src(%dma_wait3A_414 : memref<64x128xf32, #tpu.memory_space<vmem>>) dst(%dma_wait3A_420 : memref<10240x128xf32, #tpu.memory_space<vmem_shared>>)
          tpu.yield
        }) : () -> ()
        %add3A_381 = arith.constant 4 : i32
        %add3A_382 = arith.addi %add3A_367, %add3A_381 : i32
        %lt3A_383 = arith.constant 32 : i32
        %lt3A_384 = arith.cmpi slt, %add3A_382, %lt3A_383 : i32
        %add3A_385 = arith.constant 4 : i32
        %add3A_386 = arith.addi %add3A_367, %add3A_385 : i32
        %jit3A_387 = arith.constant 0 : i32
        %select_n3A_388 = arith.select %lt3A_384, %add3A_386, %jit3A_387 : i32
        %dma_start3A_389 = arith.constant 3 : i32
        %dma_start3A_390 = arith.constant 0 : i32
        %dma_start3A_391 = arith.constant 0 : i32
        %dma_start3A_392 = tpu.memref_slice %arg9[%dma_start3A_389, %dma_start3A_390, %dma_start3A_391] : memref<4x64x128xf32, #tpu.memory_space<vmem>> -> memref<1x64x128xf32, #tpu.memory_space<vmem>>
        %dma_start3A_393 = tpu.memref_squeeze %dma_start3A_392 : memref<1x64x128xf32, #tpu.memory_space<vmem>> -> memref<64x128xf32, #tpu.memory_space<vmem>>
        %dma_start3A_394 = arith.constant 0 : i32
        %dma_start3A_395 = tpu.memref_slice %arg7[%select_n3A_388, %dma_start3A_394] : memref<32x64xi32, #tpu.memory_space<vmem>> -> memref<1x64xi32, #tpu.memory_space<vmem>>
        %dma_start3A_396 = tpu.memref_squeeze %dma_start3A_395 : memref<1x64xi32, #tpu.memory_space<vmem>> -> memref<64xi32, #tpu.memory_space<vmem>>
        %dma_start3A_397 = arith.constant 0 : i32
        %dma_start3A_398 = arith.constant 0 : i32
        %dma_start3A_399 = tpu.memref_slice %arg4[%dma_start3A_397, %dma_start3A_398] : memref<10000x128xf32, #tpu.memory_space<hbm>> -> memref<10000x128xf32, #tpu.memory_space<hbm>>
        tpu.enqueue_indirect_dma source(%dma_start3A_399 : memref<10000x128xf32, #tpu.memory_space<hbm>>) target(%dma_start3A_393 : memref<64x128xf32, #tpu.memory_space<vmem>>) offsets(%dma_start3A_396 : memref<64xi32, #tpu.memory_space<vmem>>) semaphore(%arg14 : memref<!tpu.dma_semaphore, #tpu.memory_space<semaphore_mem>>)
      }
      %scan3A_214 = arith.constant 8 : i32
      %dma_wait3A = arith.constant 0 : i32
      %dma_wait3A_215 = arith.constant 0 : i32
      %dma_wait3A_216 = arith.constant 0 : i32
      %dma_wait3A_217 = arith.constant 0 : i32
      %dma_wait3A_218 = tpu.memref_slice %arg9[%dma_wait3A_215, %dma_wait3A_216, %dma_wait3A_217] : memref<4x64x128xf32, #tpu.memory_space<vmem>> -> memref<1x64x128xf32, #tpu.memory_space<vmem>>
      %dma_wait3A_219 = tpu.memref_squeeze %dma_wait3A_218 : memref<1x64x128xf32, #tpu.memory_space<vmem>> -> memref<64x128xf32, #tpu.memory_space<vmem>>
      %dma_wait3A_220 = arith.constant 0 : i32
      %dma_wait3A_221 = tpu.memref_slice %arg7[%dma_wait3A, %dma_wait3A_220] : memref<32x64xi32, #tpu.memory_space<vmem>> -> memref<1x64xi32, #tpu.memory_space<vmem>>
      %dma_wait3A_222 = tpu.memref_squeeze %dma_wait3A_221 : memref<1x64xi32, #tpu.memory_space<vmem>> -> memref<64xi32, #tpu.memory_space<vmem>>
      %dma_wait3A_223 = arith.constant 0 : i32
      %dma_wait3A_224 = arith.constant 0 : i32
      %dma_wait3A_225 = tpu.memref_slice %arg4[%dma_wait3A_223, %dma_wait3A_224] : memref<10000x128xf32, #tpu.memory_space<hbm>> -> memref<10000x128xf32, #tpu.memory_space<hbm>>
      tpu.wait_indirect_dma semaphore(%arg11 : memref<!tpu.dma_semaphore, #tpu.memory_space<semaphore_mem>>) src(%dma_wait3A_225 : memref<10000x128xf32, #tpu.memory_space<hbm>>) dst(%dma_wait3A_219 : memref<64x128xf32, #tpu.memory_space<vmem>>)
      %dma_wait3A_226 = arith.constant 0 : i32
      %dma_wait3A_227 = arith.constant 1 : i32
      %dma_wait3A_228 = arith.constant 0 : i32
      %dma_wait3A_229 = arith.constant 0 : i32
      %dma_wait3A_230 = tpu.memref_slice %arg9[%dma_wait3A_227, %dma_wait3A_228, %dma_wait3A_229] : memref<4x64x128xf32, #tpu.memory_space<vmem>> -> memref<1x64x128xf32, #tpu.memory_space<vmem>>
      %dma_wait3A_231 = tpu.memref_squeeze %dma_wait3A_230 : memref<1x64x128xf32, #tpu.memory_space<vmem>> -> memref<64x128xf32, #tpu.memory_space<vmem>>
      %dma_wait3A_232 = arith.constant 0 : i32
      %dma_wait3A_233 = tpu.memref_slice %arg7[%dma_wait3A_226, %dma_wait3A_232] : memref<32x64xi32, #tpu.memory_space<vmem>> -> memref<1x64xi32, #tpu.memory_space<vmem>>
      %dma_wait3A_234 = tpu.memref_squeeze %dma_wait3A_233 : memref<1x64xi32, #tpu.memory_space<vmem>> -> memref<64xi32, #tpu.memory_space<vmem>>
      %dma_wait3A_235 = arith.constant 0 : i32
      %dma_wait3A_236 = arith.constant 0 : i32
      %dma_wait3A_237 = tpu.memref_slice %arg4[%dma_wait3A_235, %dma_wait3A_236] : memref<10000x128xf32, #tpu.memory_space<hbm>> -> memref<10000x128xf32, #tpu.memory_space<hbm>>
      tpu.wait_indirect_dma semaphore(%arg12 : memref<!tpu.dma_semaphore, #tpu.memory_space<semaphore_mem>>) src(%dma_wait3A_237 : memref<10000x128xf32, #tpu.memory_space<hbm>>) dst(%dma_wait3A_231 : memref<64x128xf32, #tpu.memory_space<vmem>>)
      %dma_wait3A_238 = arith.constant 0 : i32
      %dma_wait3A_239 = arith.constant 2 : i32
      %dma_wait3A_240 = arith.constant 0 : i32
      %dma_wait3A_241 = arith.constant 0 : i32
      %dma_wait3A_242 = tpu.memref_slice %arg9[%dma_wait3A_239, %dma_wait3A_240, %dma_wait3A_241] : memref<4x64x128xf32, #tpu.memory_space<vmem>> -> memref<1x64x128xf32, #tpu.memory_space<vmem>>
      %dma_wait3A_243 = tpu.memref_squeeze %dma_wait3A_242 : memref<1x64x128xf32, #tpu.memory_space<vmem>> -> memref<64x128xf32, #tpu.memory_space<vmem>>
      %dma_wait3A_244 = arith.constant 0 : i32
      %dma_wait3A_245 = tpu.memref_slice %arg7[%dma_wait3A_238, %dma_wait3A_244] : memref<32x64xi32, #tpu.memory_space<vmem>> -> memref<1x64xi32, #tpu.memory_space<vmem>>
      %dma_wait3A_246 = tpu.memref_squeeze %dma_wait3A_245 : memref<1x64xi32, #tpu.memory_space<vmem>> -> memref<64xi32, #tpu.memory_space<vmem>>
      %dma_wait3A_247 = arith.constant 0 : i32
      %dma_wait3A_248 = arith.constant 0 : i32
      %dma_wait3A_249 = tpu.memref_slice %arg4[%dma_wait3A_247, %dma_wait3A_248] : memref<10000x128xf32, #tpu.memory_space<hbm>> -> memref<10000x128xf32, #tpu.memory_space<hbm>>
      tpu.wait_indirect_dma semaphore(%arg13 : memref<!tpu.dma_semaphore, #tpu.memory_space<semaphore_mem>>) src(%dma_wait3A_249 : memref<10000x128xf32, #tpu.memory_space<hbm>>) dst(%dma_wait3A_243 : memref<64x128xf32, #tpu.memory_space<vmem>>)
      %dma_wait3A_250 = arith.constant 0 : i32
      %dma_wait3A_251 = arith.constant 3 : i32
      %dma_wait3A_252 = arith.constant 0 : i32
      %dma_wait3A_253 = arith.constant 0 : i32
      %dma_wait3A_254 = tpu.memref_slice %arg9[%dma_wait3A_251, %dma_wait3A_252, %dma_wait3A_253] : memref<4x64x128xf32, #tpu.memory_space<vmem>> -> memref<1x64x128xf32, #tpu.memory_space<vmem>>
      %dma_wait3A_255 = tpu.memref_squeeze %dma_wait3A_254 : memref<1x64x128xf32, #tpu.memory_space<vmem>> -> memref<64x128xf32, #tpu.memory_space<vmem>>
      %dma_wait3A_256 = arith.constant 0 : i32
      %dma_wait3A_257 = tpu.memref_slice %arg7[%dma_wait3A_250, %dma_wait3A_256] : memref<32x64xi32, #tpu.memory_space<vmem>> -> memref<1x64xi32, #tpu.memory_space<vmem>>
      %dma_wait3A_258 = tpu.memref_squeeze %dma_wait3A_257 : memref<1x64xi32, #tpu.memory_space<vmem>> -> memref<64xi32, #tpu.memory_space<vmem>>
      %dma_wait3A_259 = arith.constant 0 : i32
      %dma_wait3A_260 = arith.constant 0 : i32
      %dma_wait3A_261 = tpu.memref_slice %arg4[%dma_wait3A_259, %dma_wait3A_260] : memref<10000x128xf32, #tpu.memory_space<hbm>> -> memref<10000x128xf32, #tpu.memory_space<hbm>>
      tpu.wait_indirect_dma semaphore(%arg14 : memref<!tpu.dma_semaphore, #tpu.memory_space<semaphore_mem>>) src(%dma_wait3A_261 : memref<10000x128xf32, #tpu.memory_space<hbm>>) dst(%dma_wait3A_255 : memref<64x128xf32, #tpu.memory_space<vmem>>)
    }
    %barrier3A_68 = arith.constant 0 : index
    tpu.barrier barrier_id(%barrier3A_68)
    %mul3A_69 = arith.constant 640 : i32
    %mul3A_70 = arith.muli %arg1, %mul3A_69 : i32
    %add3A_71 = arith.constant 0 : i32
    %add3A_72 = arith.addi %mul3A_70, %add3A_71 : i32
    %run_scoped3A_73 = arith.constant 0 : i32
    "tpu.region"() ({
      %run_scoped3A_159 = tpu.sem_alloc : memref<!tpu.dma_semaphore, #tpu.memory_space<semaphore_mem>>
      %dma_start3A = arith.constant 0 : i32
      %dma_start3A_160 = arith.constant 0 : i32
      %dma_start3A_161 = tpu.memref_slice %arg9[%run_scoped3A_73, %dma_start3A, %dma_start3A_160] : memref<4x64x128xf32, #tpu.memory_space<vmem>> -> memref<1x64x128xf32, #tpu.memory_space<vmem>>
      %dma_start3A_162 = tpu.memref_squeeze %dma_start3A_161 : memref<1x64x128xf32, #tpu.memory_space<vmem>> -> memref<64x128xf32, #tpu.memory_space<vmem>>
      %dma_start3A_163 = arith.constant 0 : i32
      %dma_start3A_164 = tpu.memref_slice %arg10[%add3A_72, %dma_start3A_163] : memref<10240x128xf32, #tpu.memory_space<vmem_shared>> -> memref<64x128xf32, #tpu.memory_space<vmem_shared>>
      %dma_start3A_165 = arith.constant 0 : i32
      %dma_start3A_166 = arith.constant 0 : i32
      %dma_start3A_167 = tpu.memref_slice %arg9[%run_scoped3A_73, %dma_start3A_165, %dma_start3A_166] : memref<4x64x128xf32, #tpu.memory_space<vmem>> -> memref<1x64x128xf32, #tpu.memory_space<vmem>>
      %dma_start3A_168 = tpu.memref_squeeze %dma_start3A_167 : memref<1x64x128xf32, #tpu.memory_space<vmem>> -> memref<64x128xf32, #tpu.memory_space<vmem>>
      %dma_start3A_169 = arith.constant 0 : i32
      %dma_start3A_170 = tpu.memref_slice %arg10[%add3A_72, %dma_start3A_169] : memref<10240x128xf32, #tpu.memory_space<vmem_shared>> -> memref<64x128xf32, #tpu.memory_space<vmem_shared>>
      tpu.enqueue_dma source(%dma_start3A_170 : memref<64x128xf32, #tpu.memory_space<vmem_shared>>) target(%dma_start3A_168 : memref<64x128xf32, #tpu.memory_space<vmem>>) target_semaphore(%run_scoped3A_159 : memref<!tpu.dma_semaphore, #tpu.memory_space<semaphore_mem>>)
      %dma_wait3A = arith.constant 0 : i32
      %dma_wait3A_171 = arith.constant 0 : i32
      %dma_wait3A_172 = tpu.memref_slice %arg9[%run_scoped3A_73, %dma_wait3A, %dma_wait3A_171] : memref<4x64x128xf32, #tpu.memory_space<vmem>> -> memref<1x64x128xf32, #tpu.memory_space<vmem>>
      %dma_wait3A_173 = tpu.memref_squeeze %dma_wait3A_172 : memref<1x64x128xf32, #tpu.memory_space<vmem>> -> memref<64x128xf32, #tpu.memory_space<vmem>>
      %dma_wait3A_174 = arith.constant 0 : i32
      %dma_wait3A_175 = tpu.memref_slice %arg10[%add3A_72, %dma_wait3A_174] : memref<10240x128xf32, #tpu.memory_space<vmem_shared>> -> memref<64x128xf32, #tpu.memory_space<vmem_shared>>
      %dma_wait3A_176 = arith.constant 0 : i32
      %dma_wait3A_177 = arith.constant 0 : i32
      %dma_wait3A_178 = tpu.memref_slice %arg9[%run_scoped3A_73, %dma_wait3A_176, %dma_wait3A_177] : memref<4x64x128xf32, #tpu.memory_space<vmem>> -> memref<1x64x128xf32, #tpu.memory_space<vmem>>
      %dma_wait3A_179 = tpu.memref_squeeze %dma_wait3A_178 : memref<1x64x128xf32, #tpu.memory_space<vmem>> -> memref<64x128xf32, #tpu.memory_space<vmem>>
      %dma_wait3A_180 = arith.constant 0 : i32
      %dma_wait3A_181 = tpu.memref_slice %arg10[%add3A_72, %dma_wait3A_180] : memref<10240x128xf32, #tpu.memory_space<vmem_shared>> -> memref<64x128xf32, #tpu.memory_space<vmem_shared>>
      tpu.wait_dma2 semaphore(%run_scoped3A_159 : memref<!tpu.dma_semaphore, #tpu.memory_space<semaphore_mem>>) src(%dma_wait3A_181 : memref<64x128xf32, #tpu.memory_space<vmem_shared>>) dst(%dma_wait3A_179 : memref<64x128xf32, #tpu.memory_space<vmem>>)
      tpu.yield
    }) : () -> ()
    %mul3A_74 = arith.constant 10240 : i32
    %mul3A_75 = arith.muli %arg0, %mul3A_74 : i32
    %add3A_76 = arith.addi %mul3A_75, %add3A_72 : i32
    %run_scoped3A_77 = arith.constant 0 : i32
    "tpu.region"() ({
      %run_scoped3A_159 = tpu.sem_alloc : memref<!tpu.dma_semaphore, #tpu.memory_space<semaphore_mem>>
      %dma_start3A = arith.constant 0 : i32
      %dma_start3A_160 = arith.constant 0 : i32
      %dma_start3A_161 = tpu.memref_slice %arg9[%run_scoped3A_77, %dma_start3A, %dma_start3A_160] : memref<4x64x128xf32, #tpu.memory_space<vmem>> -> memref<1x64x128xf32, #tpu.memory_space<vmem>>
      %dma_start3A_162 = tpu.memref_squeeze %dma_start3A_161 : memref<1x64x128xf32, #tpu.memory_space<vmem>> -> memref<64x128xf32, #tpu.memory_space<vmem>>
      %dma_start3A_163 = arith.constant 0 : i32
      %dma_start3A_164 = tpu.memref_slice %arg6[%add3A_76, %dma_start3A_163] : memref<20480x128xf32, #tpu.memory_space<hbm>> -> memref<64x128xf32, #tpu.memory_space<hbm>>
      %dma_start3A_165 = arith.constant 0 : i32
      %dma_start3A_166 = tpu.memref_slice %arg6[%add3A_76, %dma_start3A_165] : memref<20480x128xf32, #tpu.memory_space<hbm>> -> memref<64x128xf32, #tpu.memory_space<hbm>>
      %dma_start3A_167 = arith.constant 0 : i32
      %dma_start3A_168 = arith.constant 0 : i32
      %dma_start3A_169 = tpu.memref_slice %arg9[%run_scoped3A_77, %dma_start3A_167, %dma_start3A_168] : memref<4x64x128xf32, #tpu.memory_space<vmem>> -> memref<1x64x128xf32, #tpu.memory_space<vmem>>
      %dma_start3A_170 = tpu.memref_squeeze %dma_start3A_169 : memref<1x64x128xf32, #tpu.memory_space<vmem>> -> memref<64x128xf32, #tpu.memory_space<vmem>>
      tpu.enqueue_dma source(%dma_start3A_170 : memref<64x128xf32, #tpu.memory_space<vmem>>) target(%dma_start3A_166 : memref<64x128xf32, #tpu.memory_space<hbm>>) target_semaphore(%run_scoped3A_159 : memref<!tpu.dma_semaphore, #tpu.memory_space<semaphore_mem>>)
      %dma_wait3A = arith.constant 0 : i32
      %dma_wait3A_171 = arith.constant 0 : i32
      %dma_wait3A_172 = tpu.memref_slice %arg9[%run_scoped3A_77, %dma_wait3A, %dma_wait3A_171] : memref<4x64x128xf32, #tpu.memory_space<vmem>> -> memref<1x64x128xf32, #tpu.memory_space<vmem>>
      %dma_wait3A_173 = tpu.memref_squeeze %dma_wait3A_172 : memref<1x64x128xf32, #tpu.memory_space<vmem>> -> memref<64x128xf32, #tpu.memory_space<vmem>>
      %dma_wait3A_174 = arith.constant 0 : i32
      %dma_wait3A_175 = tpu.memref_slice %arg6[%add3A_76, %dma_wait3A_174] : memref<20480x128xf32, #tpu.memory_space<hbm>> -> memref<64x128xf32, #tpu.memory_space<hbm>>
      %dma_wait3A_176 = arith.constant 0 : i32
      %dma_wait3A_177 = tpu.memref_slice %arg6[%add3A_76, %dma_wait3A_176] : memref<20480x128xf32, #tpu.memory_space<hbm>> -> memref<64x128xf32, #tpu.memory_space<hbm>>
      %dma_wait3A_178 = arith.constant 0 : i32
      %dma_wait3A_179 = arith.constant 0 : i32
      %dma_wait3A_180 = tpu.memref_slice %arg9[%run_scoped3A_77, %dma_wait3A_178, %dma_wait3A_179] : memref<4x64x128xf32, #tpu.memory_space<vmem>> -> memref<1x64x128xf32, #tpu.memory_space<vmem>>
      %dma_wait3A_181 = tpu.memref_squeeze %dma_wait3A_180 : memref<1x64x128xf32, #tpu.memory_space<vmem>> -> memref<64x128xf32, #tpu.memory_space<vmem>>
      tpu.wait_dma2 semaphore(%run_scoped3A_159 : memref<!tpu.dma_semaphore, #tpu.memory_space<semaphore_mem>>) src(%dma_wait3A_181 : memref<64x128xf32, #tpu.memory_space<vmem>>) dst(%dma_wait3A_177 : memref<64x128xf32, #tpu.memory_space<hbm>>)
      tpu.yield
    }) : () -> ()
    %mul3A_78 = arith.constant 640 : i32
    %mul3A_79 = arith.muli %arg1, %mul3A_78 : i32
    %add3A_80 = arith.constant 64 : i32
    %add3A_81 = arith.addi %mul3A_79, %add3A_80 : i32
    %run_scoped3A_82 = arith.constant 0 : i32
    "tpu.region"() ({
      %run_scoped3A_159 = tpu.sem_alloc : memref<!tpu.dma_semaphore, #tpu.memory_space<semaphore_mem>>
      %dma_start3A = arith.constant 0 : i32
      %dma_start3A_160 = arith.constant 0 : i32
      %dma_start3A_161 = tpu.memref_slice %arg9[%run_scoped3A_82, %dma_start3A, %dma_start3A_160] : memref<4x64x128xf32, #tpu.memory_space<vmem>> -> memref<1x64x128xf32, #tpu.memory_space<vmem>>
      %dma_start3A_162 = tpu.memref_squeeze %dma_start3A_161 : memref<1x64x128xf32, #tpu.memory_space<vmem>> -> memref<64x128xf32, #tpu.memory_space<vmem>>
      %dma_start3A_163 = arith.constant 0 : i32
      %dma_start3A_164 = tpu.memref_slice %arg10[%add3A_81, %dma_start3A_163] : memref<10240x128xf32, #tpu.memory_space<vmem_shared>> -> memref<64x128xf32, #tpu.memory_space<vmem_shared>>
      %dma_start3A_165 = arith.constant 0 : i32
      %dma_start3A_166 = arith.constant 0 : i32
      %dma_start3A_167 = tpu.memref_slice %arg9[%run_scoped3A_82, %dma_start3A_165, %dma_start3A_166] : memref<4x64x128xf32, #tpu.memory_space<vmem>> -> memref<1x64x128xf32, #tpu.memory_space<vmem>>
      %dma_start3A_168 = tpu.memref_squeeze %dma_start3A_167 : memref<1x64x128xf32, #tpu.memory_space<vmem>> -> memref<64x128xf32, #tpu.memory_space<vmem>>
      %dma_start3A_169 = arith.constant 0 : i32
      %dma_start3A_170 = tpu.memref_slice %arg10[%add3A_81, %dma_start3A_169] : memref<10240x128xf32, #tpu.memory_space<vmem_shared>> -> memref<64x128xf32, #tpu.memory_space<vmem_shared>>
      tpu.enqueue_dma source(%dma_start3A_170 : memref<64x128xf32, #tpu.memory_space<vmem_shared>>) target(%dma_start3A_168 : memref<64x128xf32, #tpu.memory_space<vmem>>) target_semaphore(%run_scoped3A_159 : memref<!tpu.dma_semaphore, #tpu.memory_space<semaphore_mem>>)
      %dma_wait3A = arith.constant 0 : i32
      %dma_wait3A_171 = arith.constant 0 : i32
      %dma_wait3A_172 = tpu.memref_slice %arg9[%run_scoped3A_82, %dma_wait3A, %dma_wait3A_171] : memref<4x64x128xf32, #tpu.memory_space<vmem>> -> memref<1x64x128xf32, #tpu.memory_space<vmem>>
      %dma_wait3A_173 = tpu.memref_squeeze %dma_wait3A_172 : memref<1x64x128xf32, #tpu.memory_space<vmem>> -> memref<64x128xf32, #tpu.memory_space<vmem>>
      %dma_wait3A_174 = arith.constant 0 : i32
      %dma_wait3A_175 = tpu.memref_slice %arg10[%add3A_81, %dma_wait3A_174] : memref<10240x128xf32, #tpu.memory_space<vmem_shared>> -> memref<64x128xf32, #tpu.memory_space<vmem_shared>>
      %dma_wait3A_176 = arith.constant 0 : i32
      %dma_wait3A_177 = arith.constant 0 : i32
      %dma_wait3A_178 = tpu.memref_slice %arg9[%run_scoped3A_82, %dma_wait3A_176, %dma_wait3A_177] : memref<4x64x128xf32, #tpu.memory_space<vmem>> -> memref<1x64x128xf32, #tpu.memory_space<vmem>>
      %dma_wait3A_179 = tpu.memref_squeeze %dma_wait3A_178 : memref<1x64x128xf32, #tpu.memory_space<vmem>> -> memref<64x128xf32, #tpu.memory_space<vmem>>
      %dma_wait3A_180 = arith.constant 0 : i32
      %dma_wait3A_181 = tpu.memref_slice %arg10[%add3A_81, %dma_wait3A_180] : memref<10240x128xf32, #tpu.memory_space<vmem_shared>> -> memref<64x128xf32, #tpu.memory_space<vmem_shared>>
      tpu.wait_dma2 semaphore(%run_scoped3A_159 : memref<!tpu.dma_semaphore, #tpu.memory_space<semaphore_mem>>) src(%dma_wait3A_181 : memref<64x128xf32, #tpu.memory_space<vmem_shared>>) dst(%dma_wait3A_179 : memref<64x128xf32, #tpu.memory_space<vmem>>)
      tpu.yield
    }) : () -> ()
    %mul3A_83 = arith.constant 10240 : i32
    %mul3A_84 = arith.muli %arg0, %mul3A_83 : i32
    %add3A_85 = arith.addi %mul3A_84, %add3A_81 : i32
    %run_scoped3A_86 = arith.constant 0 : i32
    "tpu.region"() ({
      %run_scoped3A_159 = tpu.sem_alloc : memref<!tpu.dma_semaphore, #tpu.memory_space<semaphore_mem>>
      %dma_start3A = arith.constant 0 : i32
      %dma_start3A_160 = arith.constant 0 : i32
      %dma_start3A_161 = tpu.memref_slice %arg9[%run_scoped3A_86, %dma_start3A, %dma_start3A_160] : memref<4x64x128xf32, #tpu.memory_space<vmem>> -> memref<1x64x128xf32, #tpu.memory_space<vmem>>
      %dma_start3A_162 = tpu.memref_squeeze %dma_start3A_161 : memref<1x64x128xf32, #tpu.memory_space<vmem>> -> memref<64x128xf32, #tpu.memory_space<vmem>>
      %dma_start3A_163 = arith.constant 0 : i32
      %dma_start3A_164 = tpu.memref_slice %arg6[%add3A_85, %dma_start3A_163] : memref<20480x128xf32, #tpu.memory_space<hbm>> -> memref<64x128xf32, #tpu.memory_space<hbm>>
      %dma_start3A_165 = arith.constant 0 : i32
      %dma_start3A_166 = tpu.memref_slice %arg6[%add3A_85, %dma_start3A_165] : memref<20480x128xf32, #tpu.memory_space<hbm>> -> memref<64x128xf32, #tpu.memory_space<hbm>>
      %dma_start3A_167 = arith.constant 0 : i32
      %dma_start3A_168 = arith.constant 0 : i32
      %dma_start3A_169 = tpu.memref_slice %arg9[%run_scoped3A_86, %dma_start3A_167, %dma_start3A_168] : memref<4x64x128xf32, #tpu.memory_space<vmem>> -> memref<1x64x128xf32, #tpu.memory_space<vmem>>
      %dma_start3A_170 = tpu.memref_squeeze %dma_start3A_169 : memref<1x64x128xf32, #tpu.memory_space<vmem>> -> memref<64x128xf32, #tpu.memory_space<vmem>>
      tpu.enqueue_dma source(%dma_start3A_170 : memref<64x128xf32, #tpu.memory_space<vmem>>) target(%dma_start3A_166 : memref<64x128xf32, #tpu.memory_space<hbm>>) target_semaphore(%run_scoped3A_159 : memref<!tpu.dma_semaphore, #tpu.memory_space<semaphore_mem>>)
      %dma_wait3A = arith.constant 0 : i32
      %dma_wait3A_171 = arith.constant 0 : i32
      %dma_wait3A_172 = tpu.memref_slice %arg9[%run_scoped3A_86, %dma_wait3A, %dma_wait3A_171] : memref<4x64x128xf32, #tpu.memory_space<vmem>> -> memref<1x64x128xf32, #tpu.memory_space<vmem>>
      %dma_wait3A_173 = tpu.memref_squeeze %dma_wait3A_172 : memref<1x64x128xf32, #tpu.memory_space<vmem>> -> memref<64x128xf32, #tpu.memory_space<vmem>>
      %dma_wait3A_174 = arith.constant 0 : i32
      %dma_wait3A_175 = tpu.memref_slice %arg6[%add3A_85, %dma_wait3A_174] : memref<20480x128xf32, #tpu.memory_space<hbm>> -> memref<64x128xf32, #tpu.memory_space<hbm>>
      %dma_wait3A_176 = arith.constant 0 : i32
      %dma_wait3A_177 = tpu.memref_slice %arg6[%add3A_85, %dma_wait3A_176] : memref<20480x128xf32, #tpu.memory_space<hbm>> -> memref<64x128xf32, #tpu.memory_space<hbm>>
      %dma_wait3A_178 = arith.constant 0 : i32
      %dma_wait3A_179 = arith.constant 0 : i32
      %dma_wait3A_180 = tpu.memref_slice %arg9[%run_scoped3A_86, %dma_wait3A_178, %dma_wait3A_179] : memref<4x64x128xf32, #tpu.memory_space<vmem>> -> memref<1x64x128xf32, #tpu.memory_space<vmem>>
      %dma_wait3A_181 = tpu.memref_squeeze %dma_wait3A_180 : memref<1x64x128xf32, #tpu.memory_space<vmem>> -> memref<64x128xf32, #tpu.memory_space<vmem>>
      tpu.wait_dma2 semaphore(%run_scoped3A_159 : memref<!tpu.dma_semaphore, #tpu.memory_space<semaphore_mem>>) src(%dma_wait3A_181 : memref<64x128xf32, #tpu.memory_space<vmem>>) dst(%dma_wait3A_177 : memref<64x128xf32, #tpu.memory_space<hbm>>)
      tpu.yield
    }) : () -> ()
    %mul3A_87 = arith.constant 640 : i32
    %mul3A_88 = arith.muli %arg1, %mul3A_87 : i32
    %add3A_89 = arith.constant 128 : i32
    %add3A_90 = arith.addi %mul3A_88, %add3A_89 : i32
    %run_scoped3A_91 = arith.constant 0 : i32
    "tpu.region"() ({
      %run_scoped3A_159 = tpu.sem_alloc : memref<!tpu.dma_semaphore, #tpu.memory_space<semaphore_mem>>
      %dma_start3A = arith.constant 0 : i32
      %dma_start3A_160 = arith.constant 0 : i32
      %dma_start3A_161 = tpu.memref_slice %arg9[%run_scoped3A_91, %dma_start3A, %dma_start3A_160] : memref<4x64x128xf32, #tpu.memory_space<vmem>> -> memref<1x64x128xf32, #tpu.memory_space<vmem>>
      %dma_start3A_162 = tpu.memref_squeeze %dma_start3A_161 : memref<1x64x128xf32, #tpu.memory_space<vmem>> -> memref<64x128xf32, #tpu.memory_space<vmem>>
      %dma_start3A_163 = arith.constant 0 : i32
      %dma_start3A_164 = tpu.memref_slice %arg10[%add3A_90, %dma_start3A_163] : memref<10240x128xf32, #tpu.memory_space<vmem_shared>> -> memref<64x128xf32, #tpu.memory_space<vmem_shared>>
      %dma_start3A_165 = arith.constant 0 : i32
      %dma_start3A_166 = arith.constant 0 : i32
      %dma_start3A_167 = tpu.memref_slice %arg9[%run_scoped3A_91, %dma_start3A_165, %dma_start3A_166] : memref<4x64x128xf32, #tpu.memory_space<vmem>> -> memref<1x64x128xf32, #tpu.memory_space<vmem>>
      %dma_start3A_168 = tpu.memref_squeeze %dma_start3A_167 : memref<1x64x128xf32, #tpu.memory_space<vmem>> -> memref<64x128xf32, #tpu.memory_space<vmem>>
      %dma_start3A_169 = arith.constant 0 : i32
      %dma_start3A_170 = tpu.memref_slice %arg10[%add3A_90, %dma_start3A_169] : memref<10240x128xf32, #tpu.memory_space<vmem_shared>> -> memref<64x128xf32, #tpu.memory_space<vmem_shared>>
      tpu.enqueue_dma source(%dma_start3A_170 : memref<64x128xf32, #tpu.memory_space<vmem_shared>>) target(%dma_start3A_168 : memref<64x128xf32, #tpu.memory_space<vmem>>) target_semaphore(%run_scoped3A_159 : memref<!tpu.dma_semaphore, #tpu.memory_space<semaphore_mem>>)
      %dma_wait3A = arith.constant 0 : i32
      %dma_wait3A_171 = arith.constant 0 : i32
      %dma_wait3A_172 = tpu.memref_slice %arg9[%run_scoped3A_91, %dma_wait3A, %dma_wait3A_171] : memref<4x64x128xf32, #tpu.memory_space<vmem>> -> memref<1x64x128xf32, #tpu.memory_space<vmem>>
      %dma_wait3A_173 = tpu.memref_squeeze %dma_wait3A_172 : memref<1x64x128xf32, #tpu.memory_space<vmem>> -> memref<64x128xf32, #tpu.memory_space<vmem>>
      %dma_wait3A_174 = arith.constant 0 : i32
      %dma_wait3A_175 = tpu.memref_slice %arg10[%add3A_90, %dma_wait3A_174] : memref<10240x128xf32, #tpu.memory_space<vmem_shared>> -> memref<64x128xf32, #tpu.memory_space<vmem_shared>>
      %dma_wait3A_176 = arith.constant 0 : i32
      %dma_wait3A_177 = arith.constant 0 : i32
      %dma_wait3A_178 = tpu.memref_slice %arg9[%run_scoped3A_91, %dma_wait3A_176, %dma_wait3A_177] : memref<4x64x128xf32, #tpu.memory_space<vmem>> -> memref<1x64x128xf32, #tpu.memory_space<vmem>>
      %dma_wait3A_179 = tpu.memref_squeeze %dma_wait3A_178 : memref<1x64x128xf32, #tpu.memory_space<vmem>> -> memref<64x128xf32, #tpu.memory_space<vmem>>
      %dma_wait3A_180 = arith.constant 0 : i32
      %dma_wait3A_181 = tpu.memref_slice %arg10[%add3A_90, %dma_wait3A_180] : memref<10240x128xf32, #tpu.memory_space<vmem_shared>> -> memref<64x128xf32, #tpu.memory_space<vmem_shared>>
      tpu.wait_dma2 semaphore(%run_scoped3A_159 : memref<!tpu.dma_semaphore, #tpu.memory_space<semaphore_mem>>) src(%dma_wait3A_181 : memref<64x128xf32, #tpu.memory_space<vmem_shared>>) dst(%dma_wait3A_179 : memref<64x128xf32, #tpu.memory_space<vmem>>)
      tpu.yield
    }) : () -> ()
    %mul3A_92 = arith.constant 10240 : i32
    %mul3A_93 = arith.muli %arg0, %mul3A_92 : i32
    %add3A_94 = arith.addi %mul3A_93, %add3A_90 : i32
    %run_scoped3A_95 = arith.constant 0 : i32
    "tpu.region"() ({
      %run_scoped3A_159 = tpu.sem_alloc : memref<!tpu.dma_semaphore, #tpu.memory_space<semaphore_mem>>
      %dma_start3A = arith.constant 0 : i32
      %dma_start3A_160 = arith.constant 0 : i32
      %dma_start3A_161 = tpu.memref_slice %arg9[%run_scoped3A_95, %dma_start3A, %dma_start3A_160] : memref<4x64x128xf32, #tpu.memory_space<vmem>> -> memref<1x64x128xf32, #tpu.memory_space<vmem>>
      %dma_start3A_162 = tpu.memref_squeeze %dma_start3A_161 : memref<1x64x128xf32, #tpu.memory_space<vmem>> -> memref<64x128xf32, #tpu.memory_space<vmem>>
      %dma_start3A_163 = arith.constant 0 : i32
      %dma_start3A_164 = tpu.memref_slice %arg6[%add3A_94, %dma_start3A_163] : memref<20480x128xf32, #tpu.memory_space<hbm>> -> memref<64x128xf32, #tpu.memory_space<hbm>>
      %dma_start3A_165 = arith.constant 0 : i32
      %dma_start3A_166 = tpu.memref_slice %arg6[%add3A_94, %dma_start3A_165] : memref<20480x128xf32, #tpu.memory_space<hbm>> -> memref<64x128xf32, #tpu.memory_space<hbm>>
      %dma_start3A_167 = arith.constant 0 : i32
      %dma_start3A_168 = arith.constant 0 : i32
      %dma_start3A_169 = tpu.memref_slice %arg9[%run_scoped3A_95, %dma_start3A_167, %dma_start3A_168] : memref<4x64x128xf32, #tpu.memory_space<vmem>> -> memref<1x64x128xf32, #tpu.memory_space<vmem>>
      %dma_start3A_170 = tpu.memref_squeeze %dma_start3A_169 : memref<1x64x128xf32, #tpu.memory_space<vmem>> -> memref<64x128xf32, #tpu.memory_space<vmem>>
      tpu.enqueue_dma source(%dma_start3A_170 : memref<64x128xf32, #tpu.memory_space<vmem>>) target(%dma_start3A_166 : memref<64x128xf32, #tpu.memory_space<hbm>>) target_semaphore(%run_scoped3A_159 : memref<!tpu.dma_semaphore, #tpu.memory_space<semaphore_mem>>)
      %dma_wait3A = arith.constant 0 : i32
      %dma_wait3A_171 = arith.constant 0 : i32
      %dma_wait3A_172 = tpu.memref_slice %arg9[%run_scoped3A_95, %dma_wait3A, %dma_wait3A_171] : memref<4x64x128xf32, #tpu.memory_space<vmem>> -> memref<1x64x128xf32, #tpu.memory_space<vmem>>
      %dma_wait3A_173 = tpu.memref_squeeze %dma_wait3A_172 : memref<1x64x128xf32, #tpu.memory_space<vmem>> -> memref<64x128xf32, #tpu.memory_space<vmem>>
      %dma_wait3A_174 = arith.constant 0 : i32
      %dma_wait3A_175 = tpu.memref_slice %arg6[%add3A_94, %dma_wait3A_174] : memref<20480x128xf32, #tpu.memory_space<hbm>> -> memref<64x128xf32, #tpu.memory_space<hbm>>
      %dma_wait3A_176 = arith.constant 0 : i32
      %dma_wait3A_177 = tpu.memref_slice %arg6[%add3A_94, %dma_wait3A_176] : memref<20480x128xf32, #tpu.memory_space<hbm>> -> memref<64x128xf32, #tpu.memory_space<hbm>>
      %dma_wait3A_178 = arith.constant 0 : i32
      %dma_wait3A_179 = arith.constant 0 : i32
      %dma_wait3A_180 = tpu.memref_slice %arg9[%run_scoped3A_95, %dma_wait3A_178, %dma_wait3A_179] : memref<4x64x128xf32, #tpu.memory_space<vmem>> -> memref<1x64x128xf32, #tpu.memory_space<vmem>>
      %dma_wait3A_181 = tpu.memref_squeeze %dma_wait3A_180 : memref<1x64x128xf32, #tpu.memory_space<vmem>> -> memref<64x128xf32, #tpu.memory_space<vmem>>
      tpu.wait_dma2 semaphore(%run_scoped3A_159 : memref<!tpu.dma_semaphore, #tpu.memory_space<semaphore_mem>>) src(%dma_wait3A_181 : memref<64x128xf32, #tpu.memory_space<vmem>>) dst(%dma_wait3A_177 : memref<64x128xf32, #tpu.memory_space<hbm>>)
      tpu.yield
    }) : () -> ()
    %mul3A_96 = arith.constant 640 : i32
    %mul3A_97 = arith.muli %arg1, %mul3A_96 : i32
    %add3A_98 = arith.constant 192 : i32
    %add3A_99 = arith.addi %mul3A_97, %add3A_98 : i32
    %run_scoped3A_100 = arith.constant 0 : i32
    "tpu.region"() ({
      %run_scoped3A_159 = tpu.sem_alloc : memref<!tpu.dma_semaphore, #tpu.memory_space<semaphore_mem>>
      %dma_start3A = arith.constant 0 : i32
      %dma_start3A_160 = arith.constant 0 : i32
      %dma_start3A_161 = tpu.memref_slice %arg9[%run_scoped3A_100, %dma_start3A, %dma_start3A_160] : memref<4x64x128xf32, #tpu.memory_space<vmem>> -> memref<1x64x128xf32, #tpu.memory_space<vmem>>
      %dma_start3A_162 = tpu.memref_squeeze %dma_start3A_161 : memref<1x64x128xf32, #tpu.memory_space<vmem>> -> memref<64x128xf32, #tpu.memory_space<vmem>>
      %dma_start3A_163 = arith.constant 0 : i32
      %dma_start3A_164 = tpu.memref_slice %arg10[%add3A_99, %dma_start3A_163] : memref<10240x128xf32, #tpu.memory_space<vmem_shared>> -> memref<64x128xf32, #tpu.memory_space<vmem_shared>>
      %dma_start3A_165 = arith.constant 0 : i32
      %dma_start3A_166 = arith.constant 0 : i32
      %dma_start3A_167 = tpu.memref_slice %arg9[%run_scoped3A_100, %dma_start3A_165, %dma_start3A_166] : memref<4x64x128xf32, #tpu.memory_space<vmem>> -> memref<1x64x128xf32, #tpu.memory_space<vmem>>
      %dma_start3A_168 = tpu.memref_squeeze %dma_start3A_167 : memref<1x64x128xf32, #tpu.memory_space<vmem>> -> memref<64x128xf32, #tpu.memory_space<vmem>>
      %dma_start3A_169 = arith.constant 0 : i32
      %dma_start3A_170 = tpu.memref_slice %arg10[%add3A_99, %dma_start3A_169] : memref<10240x128xf32, #tpu.memory_space<vmem_shared>> -> memref<64x128xf32, #tpu.memory_space<vmem_shared>>
      tpu.enqueue_dma source(%dma_start3A_170 : memref<64x128xf32, #tpu.memory_space<vmem_shared>>) target(%dma_start3A_168 : memref<64x128xf32, #tpu.memory_space<vmem>>) target_semaphore(%run_scoped3A_159 : memref<!tpu.dma_semaphore, #tpu.memory_space<semaphore_mem>>)
      %dma_wait3A = arith.constant 0 : i32
      %dma_wait3A_171 = arith.constant 0 : i32
      %dma_wait3A_172 = tpu.memref_slice %arg9[%run_scoped3A_100, %dma_wait3A, %dma_wait3A_171] : memref<4x64x128xf32, #tpu.memory_space<vmem>> -> memref<1x64x128xf32, #tpu.memory_space<vmem>>
      %dma_wait3A_173 = tpu.memref_squeeze %dma_wait3A_172 : memref<1x64x128xf32, #tpu.memory_space<vmem>> -> memref<64x128xf32, #tpu.memory_space<vmem>>
      %dma_wait3A_174 = arith.constant 0 : i32
      %dma_wait3A_175 = tpu.memref_slice %arg10[%add3A_99, %dma_wait3A_174] : memref<10240x128xf32, #tpu.memory_space<vmem_shared>> -> memref<64x128xf32, #tpu.memory_space<vmem_shared>>
      %dma_wait3A_176 = arith.constant 0 : i32
      %dma_wait3A_177 = arith.constant 0 : i32
      %dma_wait3A_178 = tpu.memref_slice %arg9[%run_scoped3A_100, %dma_wait3A_176, %dma_wait3A_177] : memref<4x64x128xf32, #tpu.memory_space<vmem>> -> memref<1x64x128xf32, #tpu.memory_space<vmem>>
      %dma_wait3A_179 = tpu.memref_squeeze %dma_wait3A_178 : memref<1x64x128xf32, #tpu.memory_space<vmem>> -> memref<64x128xf32, #tpu.memory_space<vmem>>
      %dma_wait3A_180 = arith.constant 0 : i32
      %dma_wait3A_181 = tpu.memref_slice %arg10[%add3A_99, %dma_wait3A_180] : memref<10240x128xf32, #tpu.memory_space<vmem_shared>> -> memref<64x128xf32, #tpu.memory_space<vmem_shared>>
      tpu.wait_dma2 semaphore(%run_scoped3A_159 : memref<!tpu.dma_semaphore, #tpu.memory_space<semaphore_mem>>) src(%dma_wait3A_181 : memref<64x128xf32, #tpu.memory_space<vmem_shared>>) dst(%dma_wait3A_179 : memref<64x128xf32, #tpu.memory_space<vmem>>)
      tpu.yield
    }) : () -> ()
    %mul3A_101 = arith.constant 10240 : i32
    %mul3A_102 = arith.muli %arg0, %mul3A_101 : i32
    %add3A_103 = arith.addi %mul3A_102, %add3A_99 : i32
    %run_scoped3A_104 = arith.constant 0 : i32
    "tpu.region"() ({
      %run_scoped3A_159 = tpu.sem_alloc : memref<!tpu.dma_semaphore, #tpu.memory_space<semaphore_mem>>
      %dma_start3A = arith.constant 0 : i32
      %dma_start3A_160 = arith.constant 0 : i32
      %dma_start3A_161 = tpu.memref_slice %arg9[%run_scoped3A_104, %dma_start3A, %dma_start3A_160] : memref<4x64x128xf32, #tpu.memory_space<vmem>> -> memref<1x64x128xf32, #tpu.memory_space<vmem>>
      %dma_start3A_162 = tpu.memref_squeeze %dma_start3A_161 : memref<1x64x128xf32, #tpu.memory_space<vmem>> -> memref<64x128xf32, #tpu.memory_space<vmem>>
      %dma_start3A_163 = arith.constant 0 : i32
      %dma_start3A_164 = tpu.memref_slice %arg6[%add3A_103, %dma_start3A_163] : memref<20480x128xf32, #tpu.memory_space<hbm>> -> memref<64x128xf32, #tpu.memory_space<hbm>>
      %dma_start3A_165 = arith.constant 0 : i32
      %dma_start3A_166 = tpu.memref_slice %arg6[%add3A_103, %dma_start3A_165] : memref<20480x128xf32, #tpu.memory_space<hbm>> -> memref<64x128xf32, #tpu.memory_space<hbm>>
      %dma_start3A_167 = arith.constant 0 : i32
      %dma_start3A_168 = arith.constant 0 : i32
      %dma_start3A_169 = tpu.memref_slice %arg9[%run_scoped3A_104, %dma_start3A_167, %dma_start3A_168] : memref<4x64x128xf32, #tpu.memory_space<vmem>> -> memref<1x64x128xf32, #tpu.memory_space<vmem>>
      %dma_start3A_170 = tpu.memref_squeeze %dma_start3A_169 : memref<1x64x128xf32, #tpu.memory_space<vmem>> -> memref<64x128xf32, #tpu.memory_space<vmem>>
      tpu.enqueue_dma source(%dma_start3A_170 : memref<64x128xf32, #tpu.memory_space<vmem>>) target(%dma_start3A_166 : memref<64x128xf32, #tpu.memory_space<hbm>>) target_semaphore(%run_scoped3A_159 : memref<!tpu.dma_semaphore, #tpu.memory_space<semaphore_mem>>)
      %dma_wait3A = arith.constant 0 : i32
      %dma_wait3A_171 = arith.constant 0 : i32
      %dma_wait3A_172 = tpu.memref_slice %arg9[%run_scoped3A_104, %dma_wait3A, %dma_wait3A_171] : memref<4x64x128xf32, #tpu.memory_space<vmem>> -> memref<1x64x128xf32, #tpu.memory_space<vmem>>
      %dma_wait3A_173 = tpu.memref_squeeze %dma_wait3A_172 : memref<1x64x128xf32, #tpu.memory_space<vmem>> -> memref<64x128xf32, #tpu.memory_space<vmem>>
      %dma_wait3A_174 = arith.constant 0 : i32
      %dma_wait3A_175 = tpu.memref_slice %arg6[%add3A_103, %dma_wait3A_174] : memref<20480x128xf32, #tpu.memory_space<hbm>> -> memref<64x128xf32, #tpu.memory_space<hbm>>
      %dma_wait3A_176 = arith.constant 0 : i32
      %dma_wait3A_177 = tpu.memref_slice %arg6[%add3A_103, %dma_wait3A_176] : memref<20480x128xf32, #tpu.memory_space<hbm>> -> memref<64x128xf32, #tpu.memory_space<hbm>>
      %dma_wait3A_178 = arith.constant 0 : i32
      %dma_wait3A_179 = arith.constant 0 : i32
      %dma_wait3A_180 = tpu.memref_slice %arg9[%run_scoped3A_104, %dma_wait3A_178, %dma_wait3A_179] : memref<4x64x128xf32, #tpu.memory_space<vmem>> -> memref<1x64x128xf32, #tpu.memory_space<vmem>>
      %dma_wait3A_181 = tpu.memref_squeeze %dma_wait3A_180 : memref<1x64x128xf32, #tpu.memory_space<vmem>> -> memref<64x128xf32, #tpu.memory_space<vmem>>
      tpu.wait_dma2 semaphore(%run_scoped3A_159 : memref<!tpu.dma_semaphore, #tpu.memory_space<semaphore_mem>>) src(%dma_wait3A_181 : memref<64x128xf32, #tpu.memory_space<vmem>>) dst(%dma_wait3A_177 : memref<64x128xf32, #tpu.memory_space<hbm>>)
      tpu.yield
    }) : () -> ()
    %mul3A_105 = arith.constant 640 : i32
    %mul3A_106 = arith.muli %arg1, %mul3A_105 : i32
    %add3A_107 = arith.constant 256 : i32
    %add3A_108 = arith.addi %mul3A_106, %add3A_107 : i32
    %run_scoped3A_109 = arith.constant 0 : i32
    "tpu.region"() ({
      %run_scoped3A_159 = tpu.sem_alloc : memref<!tpu.dma_semaphore, #tpu.memory_space<semaphore_mem>>
      %dma_start3A = arith.constant 0 : i32
      %dma_start3A_160 = arith.constant 0 : i32
      %dma_start3A_161 = tpu.memref_slice %arg9[%run_scoped3A_109, %dma_start3A, %dma_start3A_160] : memref<4x64x128xf32, #tpu.memory_space<vmem>> -> memref<1x64x128xf32, #tpu.memory_space<vmem>>
      %dma_start3A_162 = tpu.memref_squeeze %dma_start3A_161 : memref<1x64x128xf32, #tpu.memory_space<vmem>> -> memref<64x128xf32, #tpu.memory_space<vmem>>
      %dma_start3A_163 = arith.constant 0 : i32
      %dma_start3A_164 = tpu.memref_slice %arg10[%add3A_108, %dma_start3A_163] : memref<10240x128xf32, #tpu.memory_space<vmem_shared>> -> memref<64x128xf32, #tpu.memory_space<vmem_shared>>
      %dma_start3A_165 = arith.constant 0 : i32
      %dma_start3A_166 = arith.constant 0 : i32
      %dma_start3A_167 = tpu.memref_slice %arg9[%run_scoped3A_109, %dma_start3A_165, %dma_start3A_166] : memref<4x64x128xf32, #tpu.memory_space<vmem>> -> memref<1x64x128xf32, #tpu.memory_space<vmem>>
      %dma_start3A_168 = tpu.memref_squeeze %dma_start3A_167 : memref<1x64x128xf32, #tpu.memory_space<vmem>> -> memref<64x128xf32, #tpu.memory_space<vmem>>
      %dma_start3A_169 = arith.constant 0 : i32
      %dma_start3A_170 = tpu.memref_slice %arg10[%add3A_108, %dma_start3A_169] : memref<10240x128xf32, #tpu.memory_space<vmem_shared>> -> memref<64x128xf32, #tpu.memory_space<vmem_shared>>
      tpu.enqueue_dma source(%dma_start3A_170 : memref<64x128xf32, #tpu.memory_space<vmem_shared>>) target(%dma_start3A_168 : memref<64x128xf32, #tpu.memory_space<vmem>>) target_semaphore(%run_scoped3A_159 : memref<!tpu.dma_semaphore, #tpu.memory_space<semaphore_mem>>)
      %dma_wait3A = arith.constant 0 : i32
      %dma_wait3A_171 = arith.constant 0 : i32
      %dma_wait3A_172 = tpu.memref_slice %arg9[%run_scoped3A_109, %dma_wait3A, %dma_wait3A_171] : memref<4x64x128xf32, #tpu.memory_space<vmem>> -> memref<1x64x128xf32, #tpu.memory_space<vmem>>
      %dma_wait3A_173 = tpu.memref_squeeze %dma_wait3A_172 : memref<1x64x128xf32, #tpu.memory_space<vmem>> -> memref<64x128xf32, #tpu.memory_space<vmem>>
      %dma_wait3A_174 = arith.constant 0 : i32
      %dma_wait3A_175 = tpu.memref_slice %arg10[%add3A_108, %dma_wait3A_174] : memref<10240x128xf32, #tpu.memory_space<vmem_shared>> -> memref<64x128xf32, #tpu.memory_space<vmem_shared>>
      %dma_wait3A_176 = arith.constant 0 : i32
      %dma_wait3A_177 = arith.constant 0 : i32
      %dma_wait3A_178 = tpu.memref_slice %arg9[%run_scoped3A_109, %dma_wait3A_176, %dma_wait3A_177] : memref<4x64x128xf32, #tpu.memory_space<vmem>> -> memref<1x64x128xf32, #tpu.memory_space<vmem>>
      %dma_wait3A_179 = tpu.memref_squeeze %dma_wait3A_178 : memref<1x64x128xf32, #tpu.memory_space<vmem>> -> memref<64x128xf32, #tpu.memory_space<vmem>>
      %dma_wait3A_180 = arith.constant 0 : i32
      %dma_wait3A_181 = tpu.memref_slice %arg10[%add3A_108, %dma_wait3A_180] : memref<10240x128xf32, #tpu.memory_space<vmem_shared>> -> memref<64x128xf32, #tpu.memory_space<vmem_shared>>
      tpu.wait_dma2 semaphore(%run_scoped3A_159 : memref<!tpu.dma_semaphore, #tpu.memory_space<semaphore_mem>>) src(%dma_wait3A_181 : memref<64x128xf32, #tpu.memory_space<vmem_shared>>) dst(%dma_wait3A_179 : memref<64x128xf32, #tpu.memory_space<vmem>>)
      tpu.yield
    }) : () -> ()
    %mul3A_110 = arith.constant 10240 : i32
    %mul3A_111 = arith.muli %arg0, %mul3A_110 : i32
    %add3A_112 = arith.addi %mul3A_111, %add3A_108 : i32
    %run_scoped3A_113 = arith.constant 0 : i32
    "tpu.region"() ({
      %run_scoped3A_159 = tpu.sem_alloc : memref<!tpu.dma_semaphore, #tpu.memory_space<semaphore_mem>>
      %dma_start3A = arith.constant 0 : i32
      %dma_start3A_160 = arith.constant 0 : i32
      %dma_start3A_161 = tpu.memref_slice %arg9[%run_scoped3A_113, %dma_start3A, %dma_start3A_160] : memref<4x64x128xf32, #tpu.memory_space<vmem>> -> memref<1x64x128xf32, #tpu.memory_space<vmem>>
      %dma_start3A_162 = tpu.memref_squeeze %dma_start3A_161 : memref<1x64x128xf32, #tpu.memory_space<vmem>> -> memref<64x128xf32, #tpu.memory_space<vmem>>
      %dma_start3A_163 = arith.constant 0 : i32
      %dma_start3A_164 = tpu.memref_slice %arg6[%add3A_112, %dma_start3A_163] : memref<20480x128xf32, #tpu.memory_space<hbm>> -> memref<64x128xf32, #tpu.memory_space<hbm>>
      %dma_start3A_165 = arith.constant 0 : i32
      %dma_start3A_166 = tpu.memref_slice %arg6[%add3A_112, %dma_start3A_165] : memref<20480x128xf32, #tpu.memory_space<hbm>> -> memref<64x128xf32, #tpu.memory_space<hbm>>
      %dma_start3A_167 = arith.constant 0 : i32
      %dma_start3A_168 = arith.constant 0 : i32
      %dma_start3A_169 = tpu.memref_slice %arg9[%run_scoped3A_113, %dma_start3A_167, %dma_start3A_168] : memref<4x64x128xf32, #tpu.memory_space<vmem>> -> memref<1x64x128xf32, #tpu.memory_space<vmem>>
      %dma_start3A_170 = tpu.memref_squeeze %dma_start3A_169 : memref<1x64x128xf32, #tpu.memory_space<vmem>> -> memref<64x128xf32, #tpu.memory_space<vmem>>
      tpu.enqueue_dma source(%dma_start3A_170 : memref<64x128xf32, #tpu.memory_space<vmem>>) target(%dma_start3A_166 : memref<64x128xf32, #tpu.memory_space<hbm>>) target_semaphore(%run_scoped3A_159 : memref<!tpu.dma_semaphore, #tpu.memory_space<semaphore_mem>>)
      %dma_wait3A = arith.constant 0 : i32
      %dma_wait3A_171 = arith.constant 0 : i32
      %dma_wait3A_172 = tpu.memref_slice %arg9[%run_scoped3A_113, %dma_wait3A, %dma_wait3A_171] : memref<4x64x128xf32, #tpu.memory_space<vmem>> -> memref<1x64x128xf32, #tpu.memory_space<vmem>>
      %dma_wait3A_173 = tpu.memref_squeeze %dma_wait3A_172 : memref<1x64x128xf32, #tpu.memory_space<vmem>> -> memref<64x128xf32, #tpu.memory_space<vmem>>
      %dma_wait3A_174 = arith.constant 0 : i32
      %dma_wait3A_175 = tpu.memref_slice %arg6[%add3A_112, %dma_wait3A_174] : memref<20480x128xf32, #tpu.memory_space<hbm>> -> memref<64x128xf32, #tpu.memory_space<hbm>>
      %dma_wait3A_176 = arith.constant 0 : i32
      %dma_wait3A_177 = tpu.memref_slice %arg6[%add3A_112, %dma_wait3A_176] : memref<20480x128xf32, #tpu.memory_space<hbm>> -> memref<64x128xf32, #tpu.memory_space<hbm>>
      %dma_wait3A_178 = arith.constant 0 : i32
      %dma_wait3A_179 = arith.constant 0 : i32
      %dma_wait3A_180 = tpu.memref_slice %arg9[%run_scoped3A_113, %dma_wait3A_178, %dma_wait3A_179] : memref<4x64x128xf32, #tpu.memory_space<vmem>> -> memref<1x64x128xf32, #tpu.memory_space<vmem>>
      %dma_wait3A_181 = tpu.memref_squeeze %dma_wait3A_180 : memref<1x64x128xf32, #tpu.memory_space<vmem>> -> memref<64x128xf32, #tpu.memory_space<vmem>>
      tpu.wait_dma2 semaphore(%run_scoped3A_159 : memref<!tpu.dma_semaphore, #tpu.memory_space<semaphore_mem>>) src(%dma_wait3A_181 : memref<64x128xf32, #tpu.memory_space<vmem>>) dst(%dma_wait3A_177 : memref<64x128xf32, #tpu.memory_space<hbm>>)
      tpu.yield
    }) : () -> ()
    %mul3A_114 = arith.constant 640 : i32
    %mul3A_115 = arith.muli %arg1, %mul3A_114 : i32
    %add3A_116 = arith.constant 320 : i32
    %add3A_117 = arith.addi %mul3A_115, %add3A_116 : i32
    %run_scoped3A_118 = arith.constant 0 : i32
    "tpu.region"() ({
      %run_scoped3A_159 = tpu.sem_alloc : memref<!tpu.dma_semaphore, #tpu.memory_space<semaphore_mem>>
      %dma_start3A = arith.constant 0 : i32
      %dma_start3A_160 = arith.constant 0 : i32
      %dma_start3A_161 = tpu.memref_slice %arg9[%run_scoped3A_118, %dma_start3A, %dma_start3A_160] : memref<4x64x128xf32, #tpu.memory_space<vmem>> -> memref<1x64x128xf32, #tpu.memory_space<vmem>>
      %dma_start3A_162 = tpu.memref_squeeze %dma_start3A_161 : memref<1x64x128xf32, #tpu.memory_space<vmem>> -> memref<64x128xf32, #tpu.memory_space<vmem>>
      %dma_start3A_163 = arith.constant 0 : i32
      %dma_start3A_164 = tpu.memref_slice %arg10[%add3A_117, %dma_start3A_163] : memref<10240x128xf32, #tpu.memory_space<vmem_shared>> -> memref<64x128xf32, #tpu.memory_space<vmem_shared>>
      %dma_start3A_165 = arith.constant 0 : i32
      %dma_start3A_166 = arith.constant 0 : i32
      %dma_start3A_167 = tpu.memref_slice %arg9[%run_scoped3A_118, %dma_start3A_165, %dma_start3A_166] : memref<4x64x128xf32, #tpu.memory_space<vmem>> -> memref<1x64x128xf32, #tpu.memory_space<vmem>>
      %dma_start3A_168 = tpu.memref_squeeze %dma_start3A_167 : memref<1x64x128xf32, #tpu.memory_space<vmem>> -> memref<64x128xf32, #tpu.memory_space<vmem>>
      %dma_start3A_169 = arith.constant 0 : i32
      %dma_start3A_170 = tpu.memref_slice %arg10[%add3A_117, %dma_start3A_169] : memref<10240x128xf32, #tpu.memory_space<vmem_shared>> -> memref<64x128xf32, #tpu.memory_space<vmem_shared>>
      tpu.enqueue_dma source(%dma_start3A_170 : memref<64x128xf32, #tpu.memory_space<vmem_shared>>) target(%dma_start3A_168 : memref<64x128xf32, #tpu.memory_space<vmem>>) target_semaphore(%run_scoped3A_159 : memref<!tpu.dma_semaphore, #tpu.memory_space<semaphore_mem>>)
      %dma_wait3A = arith.constant 0 : i32
      %dma_wait3A_171 = arith.constant 0 : i32
      %dma_wait3A_172 = tpu.memref_slice %arg9[%run_scoped3A_118, %dma_wait3A, %dma_wait3A_171] : memref<4x64x128xf32, #tpu.memory_space<vmem>> -> memref<1x64x128xf32, #tpu.memory_space<vmem>>
      %dma_wait3A_173 = tpu.memref_squeeze %dma_wait3A_172 : memref<1x64x128xf32, #tpu.memory_space<vmem>> -> memref<64x128xf32, #tpu.memory_space<vmem>>
      %dma_wait3A_174 = arith.constant 0 : i32
      %dma_wait3A_175 = tpu.memref_slice %arg10[%add3A_117, %dma_wait3A_174] : memref<10240x128xf32, #tpu.memory_space<vmem_shared>> -> memref<64x128xf32, #tpu.memory_space<vmem_shared>>
      %dma_wait3A_176 = arith.constant 0 : i32
      %dma_wait3A_177 = arith.constant 0 : i32
      %dma_wait3A_178 = tpu.memref_slice %arg9[%run_scoped3A_118, %dma_wait3A_176, %dma_wait3A_177] : memref<4x64x128xf32, #tpu.memory_space<vmem>> -> memref<1x64x128xf32, #tpu.memory_space<vmem>>
      %dma_wait3A_179 = tpu.memref_squeeze %dma_wait3A_178 : memref<1x64x128xf32, #tpu.memory_space<vmem>> -> memref<64x128xf32, #tpu.memory_space<vmem>>
      %dma_wait3A_180 = arith.constant 0 : i32
      %dma_wait3A_181 = tpu.memref_slice %arg10[%add3A_117, %dma_wait3A_180] : memref<10240x128xf32, #tpu.memory_space<vmem_shared>> -> memref<64x128xf32, #tpu.memory_space<vmem_shared>>
      tpu.wait_dma2 semaphore(%run_scoped3A_159 : memref<!tpu.dma_semaphore, #tpu.memory_space<semaphore_mem>>) src(%dma_wait3A_181 : memref<64x128xf32, #tpu.memory_space<vmem_shared>>) dst(%dma_wait3A_179 : memref<64x128xf32, #tpu.memory_space<vmem>>)
      tpu.yield
    }) : () -> ()
    %mul3A_119 = arith.constant 10240 : i32
    %mul3A_120 = arith.muli %arg0, %mul3A_119 : i32
    %add3A_121 = arith.addi %mul3A_120, %add3A_117 : i32
    %run_scoped3A_122 = arith.constant 0 : i32
    "tpu.region"() ({
      %run_scoped3A_159 = tpu.sem_alloc : memref<!tpu.dma_semaphore, #tpu.memory_space<semaphore_mem>>
      %dma_start3A = arith.constant 0 : i32
      %dma_start3A_160 = arith.constant 0 : i32
      %dma_start3A_161 = tpu.memref_slice %arg9[%run_scoped3A_122, %dma_start3A, %dma_start3A_160] : memref<4x64x128xf32, #tpu.memory_space<vmem>> -> memref<1x64x128xf32, #tpu.memory_space<vmem>>
      %dma_start3A_162 = tpu.memref_squeeze %dma_start3A_161 : memref<1x64x128xf32, #tpu.memory_space<vmem>> -> memref<64x128xf32, #tpu.memory_space<vmem>>
      %dma_start3A_163 = arith.constant 0 : i32
      %dma_start3A_164 = tpu.memref_slice %arg6[%add3A_121, %dma_start3A_163] : memref<20480x128xf32, #tpu.memory_space<hbm>> -> memref<64x128xf32, #tpu.memory_space<hbm>>
      %dma_start3A_165 = arith.constant 0 : i32
      %dma_start3A_166 = tpu.memref_slice %arg6[%add3A_121, %dma_start3A_165] : memref<20480x128xf32, #tpu.memory_space<hbm>> -> memref<64x128xf32, #tpu.memory_space<hbm>>
      %dma_start3A_167 = arith.constant 0 : i32
      %dma_start3A_168 = arith.constant 0 : i32
      %dma_start3A_169 = tpu.memref_slice %arg9[%run_scoped3A_122, %dma_start3A_167, %dma_start3A_168] : memref<4x64x128xf32, #tpu.memory_space<vmem>> -> memref<1x64x128xf32, #tpu.memory_space<vmem>>
      %dma_start3A_170 = tpu.memref_squeeze %dma_start3A_169 : memref<1x64x128xf32, #tpu.memory_space<vmem>> -> memref<64x128xf32, #tpu.memory_space<vmem>>
      tpu.enqueue_dma source(%dma_start3A_170 : memref<64x128xf32, #tpu.memory_space<vmem>>) target(%dma_start3A_166 : memref<64x128xf32, #tpu.memory_space<hbm>>) target_semaphore(%run_scoped3A_159 : memref<!tpu.dma_semaphore, #tpu.memory_space<semaphore_mem>>)
      %dma_wait3A = arith.constant 0 : i32
      %dma_wait3A_171 = arith.constant 0 : i32
      %dma_wait3A_172 = tpu.memref_slice %arg9[%run_scoped3A_122, %dma_wait3A, %dma_wait3A_171] : memref<4x64x128xf32, #tpu.memory_space<vmem>> -> memref<1x64x128xf32, #tpu.memory_space<vmem>>
      %dma_wait3A_173 = tpu.memref_squeeze %dma_wait3A_172 : memref<1x64x128xf32, #tpu.memory_space<vmem>> -> memref<64x128xf32, #tpu.memory_space<vmem>>
      %dma_wait3A_174 = arith.constant 0 : i32
      %dma_wait3A_175 = tpu.memref_slice %arg6[%add3A_121, %dma_wait3A_174] : memref<20480x128xf32, #tpu.memory_space<hbm>> -> memref<64x128xf32, #tpu.memory_space<hbm>>
      %dma_wait3A_176 = arith.constant 0 : i32
      %dma_wait3A_177 = tpu.memref_slice %arg6[%add3A_121, %dma_wait3A_176] : memref<20480x128xf32, #tpu.memory_space<hbm>> -> memref<64x128xf32, #tpu.memory_space<hbm>>
      %dma_wait3A_178 = arith.constant 0 : i32
      %dma_wait3A_179 = arith.constant 0 : i32
      %dma_wait3A_180 = tpu.memref_slice %arg9[%run_scoped3A_122, %dma_wait3A_178, %dma_wait3A_179] : memref<4x64x128xf32, #tpu.memory_space<vmem>> -> memref<1x64x128xf32, #tpu.memory_space<vmem>>
      %dma_wait3A_181 = tpu.memref_squeeze %dma_wait3A_180 : memref<1x64x128xf32, #tpu.memory_space<vmem>> -> memref<64x128xf32, #tpu.memory_space<vmem>>
      tpu.wait_dma2 semaphore(%run_scoped3A_159 : memref<!tpu.dma_semaphore, #tpu.memory_space<semaphore_mem>>) src(%dma_wait3A_181 : memref<64x128xf32, #tpu.memory_space<vmem>>) dst(%dma_wait3A_177 : memref<64x128xf32, #tpu.memory_space<hbm>>)
      tpu.yield
    }) : () -> ()
    %mul3A_123 = arith.constant 640 : i32
    %mul3A_124 = arith.muli %arg1, %mul3A_123 : i32
    %add3A_125 = arith.constant 384 : i32
    %add3A_126 = arith.addi %mul3A_124, %add3A_125 : i32
    %run_scoped3A_127 = arith.constant 0 : i32
    "tpu.region"() ({
      %run_scoped3A_159 = tpu.sem_alloc : memref<!tpu.dma_semaphore, #tpu.memory_space<semaphore_mem>>
      %dma_start3A = arith.constant 0 : i32
      %dma_start3A_160 = arith.constant 0 : i32
      %dma_start3A_161 = tpu.memref_slice %arg9[%run_scoped3A_127, %dma_start3A, %dma_start3A_160] : memref<4x64x128xf32, #tpu.memory_space<vmem>> -> memref<1x64x128xf32, #tpu.memory_space<vmem>>
      %dma_start3A_162 = tpu.memref_squeeze %dma_start3A_161 : memref<1x64x128xf32, #tpu.memory_space<vmem>> -> memref<64x128xf32, #tpu.memory_space<vmem>>
      %dma_start3A_163 = arith.constant 0 : i32
      %dma_start3A_164 = tpu.memref_slice %arg10[%add3A_126, %dma_start3A_163] : memref<10240x128xf32, #tpu.memory_space<vmem_shared>> -> memref<64x128xf32, #tpu.memory_space<vmem_shared>>
      %dma_start3A_165 = arith.constant 0 : i32
      %dma_start3A_166 = arith.constant 0 : i32
      %dma_start3A_167 = tpu.memref_slice %arg9[%run_scoped3A_127, %dma_start3A_165, %dma_start3A_166] : memref<4x64x128xf32, #tpu.memory_space<vmem>> -> memref<1x64x128xf32, #tpu.memory_space<vmem>>
      %dma_start3A_168 = tpu.memref_squeeze %dma_start3A_167 : memref<1x64x128xf32, #tpu.memory_space<vmem>> -> memref<64x128xf32, #tpu.memory_space<vmem>>
      %dma_start3A_169 = arith.constant 0 : i32
      %dma_start3A_170 = tpu.memref_slice %arg10[%add3A_126, %dma_start3A_169] : memref<10240x128xf32, #tpu.memory_space<vmem_shared>> -> memref<64x128xf32, #tpu.memory_space<vmem_shared>>
      tpu.enqueue_dma source(%dma_start3A_170 : memref<64x128xf32, #tpu.memory_space<vmem_shared>>) target(%dma_start3A_168 : memref<64x128xf32, #tpu.memory_space<vmem>>) target_semaphore(%run_scoped3A_159 : memref<!tpu.dma_semaphore, #tpu.memory_space<semaphore_mem>>)
      %dma_wait3A = arith.constant 0 : i32
      %dma_wait3A_171 = arith.constant 0 : i32
      %dma_wait3A_172 = tpu.memref_slice %arg9[%run_scoped3A_127, %dma_wait3A, %dma_wait3A_171] : memref<4x64x128xf32, #tpu.memory_space<vmem>> -> memref<1x64x128xf32, #tpu.memory_space<vmem>>
      %dma_wait3A_173 = tpu.memref_squeeze %dma_wait3A_172 : memref<1x64x128xf32, #tpu.memory_space<vmem>> -> memref<64x128xf32, #tpu.memory_space<vmem>>
      %dma_wait3A_174 = arith.constant 0 : i32
      %dma_wait3A_175 = tpu.memref_slice %arg10[%add3A_126, %dma_wait3A_174] : memref<10240x128xf32, #tpu.memory_space<vmem_shared>> -> memref<64x128xf32, #tpu.memory_space<vmem_shared>>
      %dma_wait3A_176 = arith.constant 0 : i32
      %dma_wait3A_177 = arith.constant 0 : i32
      %dma_wait3A_178 = tpu.memref_slice %arg9[%run_scoped3A_127, %dma_wait3A_176, %dma_wait3A_177] : memref<4x64x128xf32, #tpu.memory_space<vmem>> -> memref<1x64x128xf32, #tpu.memory_space<vmem>>
      %dma_wait3A_179 = tpu.memref_squeeze %dma_wait3A_178 : memref<1x64x128xf32, #tpu.memory_space<vmem>> -> memref<64x128xf32, #tpu.memory_space<vmem>>
      %dma_wait3A_180 = arith.constant 0 : i32
      %dma_wait3A_181 = tpu.memref_slice %arg10[%add3A_126, %dma_wait3A_180] : memref<10240x128xf32, #tpu.memory_space<vmem_shared>> -> memref<64x128xf32, #tpu.memory_space<vmem_shared>>
      tpu.wait_dma2 semaphore(%run_scoped3A_159 : memref<!tpu.dma_semaphore, #tpu.memory_space<semaphore_mem>>) src(%dma_wait3A_181 : memref<64x128xf32, #tpu.memory_space<vmem_shared>>) dst(%dma_wait3A_179 : memref<64x128xf32, #tpu.memory_space<vmem>>)
      tpu.yield
    }) : () -> ()
    %mul3A_128 = arith.constant 10240 : i32
    %mul3A_129 = arith.muli %arg0, %mul3A_128 : i32
    %add3A_130 = arith.addi %mul3A_129, %add3A_126 : i32
    %run_scoped3A_131 = arith.constant 0 : i32
    "tpu.region"() ({
      %run_scoped3A_159 = tpu.sem_alloc : memref<!tpu.dma_semaphore, #tpu.memory_space<semaphore_mem>>
      %dma_start3A = arith.constant 0 : i32
      %dma_start3A_160 = arith.constant 0 : i32
      %dma_start3A_161 = tpu.memref_slice %arg9[%run_scoped3A_131, %dma_start3A, %dma_start3A_160] : memref<4x64x128xf32, #tpu.memory_space<vmem>> -> memref<1x64x128xf32, #tpu.memory_space<vmem>>
      %dma_start3A_162 = tpu.memref_squeeze %dma_start3A_161 : memref<1x64x128xf32, #tpu.memory_space<vmem>> -> memref<64x128xf32, #tpu.memory_space<vmem>>
      %dma_start3A_163 = arith.constant 0 : i32
      %dma_start3A_164 = tpu.memref_slice %arg6[%add3A_130, %dma_start3A_163] : memref<20480x128xf32, #tpu.memory_space<hbm>> -> memref<64x128xf32, #tpu.memory_space<hbm>>
      %dma_start3A_165 = arith.constant 0 : i32
      %dma_start3A_166 = tpu.memref_slice %arg6[%add3A_130, %dma_start3A_165] : memref<20480x128xf32, #tpu.memory_space<hbm>> -> memref<64x128xf32, #tpu.memory_space<hbm>>
      %dma_start3A_167 = arith.constant 0 : i32
      %dma_start3A_168 = arith.constant 0 : i32
      %dma_start3A_169 = tpu.memref_slice %arg9[%run_scoped3A_131, %dma_start3A_167, %dma_start3A_168] : memref<4x64x128xf32, #tpu.memory_space<vmem>> -> memref<1x64x128xf32, #tpu.memory_space<vmem>>
      %dma_start3A_170 = tpu.memref_squeeze %dma_start3A_169 : memref<1x64x128xf32, #tpu.memory_space<vmem>> -> memref<64x128xf32, #tpu.memory_space<vmem>>
      tpu.enqueue_dma source(%dma_start3A_170 : memref<64x128xf32, #tpu.memory_space<vmem>>) target(%dma_start3A_166 : memref<64x128xf32, #tpu.memory_space<hbm>>) target_semaphore(%run_scoped3A_159 : memref<!tpu.dma_semaphore, #tpu.memory_space<semaphore_mem>>)
      %dma_wait3A = arith.constant 0 : i32
      %dma_wait3A_171 = arith.constant 0 : i32
      %dma_wait3A_172 = tpu.memref_slice %arg9[%run_scoped3A_131, %dma_wait3A, %dma_wait3A_171] : memref<4x64x128xf32, #tpu.memory_space<vmem>> -> memref<1x64x128xf32, #tpu.memory_space<vmem>>
      %dma_wait3A_173 = tpu.memref_squeeze %dma_wait3A_172 : memref<1x64x128xf32, #tpu.memory_space<vmem>> -> memref<64x128xf32, #tpu.memory_space<vmem>>
      %dma_wait3A_174 = arith.constant 0 : i32
      %dma_wait3A_175 = tpu.memref_slice %arg6[%add3A_130, %dma_wait3A_174] : memref<20480x128xf32, #tpu.memory_space<hbm>> -> memref<64x128xf32, #tpu.memory_space<hbm>>
      %dma_wait3A_176 = arith.constant 0 : i32
      %dma_wait3A_177 = tpu.memref_slice %arg6[%add3A_130, %dma_wait3A_176] : memref<20480x128xf32, #tpu.memory_space<hbm>> -> memref<64x128xf32, #tpu.memory_space<hbm>>
      %dma_wait3A_178 = arith.constant 0 : i32
      %dma_wait3A_179 = arith.constant 0 : i32
      %dma_wait3A_180 = tpu.memref_slice %arg9[%run_scoped3A_131, %dma_wait3A_178, %dma_wait3A_179] : memref<4x64x128xf32, #tpu.memory_space<vmem>> -> memref<1x64x128xf32, #tpu.memory_space<vmem>>
      %dma_wait3A_181 = tpu.memref_squeeze %dma_wait3A_180 : memref<1x64x128xf32, #tpu.memory_space<vmem>> -> memref<64x128xf32, #tpu.memory_space<vmem>>
      tpu.wait_dma2 semaphore(%run_scoped3A_159 : memref<!tpu.dma_semaphore, #tpu.memory_space<semaphore_mem>>) src(%dma_wait3A_181 : memref<64x128xf32, #tpu.memory_space<vmem>>) dst(%dma_wait3A_177 : memref<64x128xf32, #tpu.memory_space<hbm>>)
      tpu.yield
    }) : () -> ()
    %mul3A_132 = arith.constant 640 : i32
    %mul3A_133 = arith.muli %arg1, %mul3A_132 : i32
    %add3A_134 = arith.constant 448 : i32
    %add3A_135 = arith.addi %mul3A_133, %add3A_134 : i32
    %run_scoped3A_136 = arith.constant 0 : i32
    "tpu.region"() ({
      %run_scoped3A_159 = tpu.sem_alloc : memref<!tpu.dma_semaphore, #tpu.memory_space<semaphore_mem>>
      %dma_start3A = arith.constant 0 : i32
      %dma_start3A_160 = arith.constant 0 : i32
      %dma_start3A_161 = tpu.memref_slice %arg9[%run_scoped3A_136, %dma_start3A, %dma_start3A_160] : memref<4x64x128xf32, #tpu.memory_space<vmem>> -> memref<1x64x128xf32, #tpu.memory_space<vmem>>
      %dma_start3A_162 = tpu.memref_squeeze %dma_start3A_161 : memref<1x64x128xf32, #tpu.memory_space<vmem>> -> memref<64x128xf32, #tpu.memory_space<vmem>>
      %dma_start3A_163 = arith.constant 0 : i32
      %dma_start3A_164 = tpu.memref_slice %arg10[%add3A_135, %dma_start3A_163] : memref<10240x128xf32, #tpu.memory_space<vmem_shared>> -> memref<64x128xf32, #tpu.memory_space<vmem_shared>>
      %dma_start3A_165 = arith.constant 0 : i32
      %dma_start3A_166 = arith.constant 0 : i32
      %dma_start3A_167 = tpu.memref_slice %arg9[%run_scoped3A_136, %dma_start3A_165, %dma_start3A_166] : memref<4x64x128xf32, #tpu.memory_space<vmem>> -> memref<1x64x128xf32, #tpu.memory_space<vmem>>
      %dma_start3A_168 = tpu.memref_squeeze %dma_start3A_167 : memref<1x64x128xf32, #tpu.memory_space<vmem>> -> memref<64x128xf32, #tpu.memory_space<vmem>>
      %dma_start3A_169 = arith.constant 0 : i32
      %dma_start3A_170 = tpu.memref_slice %arg10[%add3A_135, %dma_start3A_169] : memref<10240x128xf32, #tpu.memory_space<vmem_shared>> -> memref<64x128xf32, #tpu.memory_space<vmem_shared>>
      tpu.enqueue_dma source(%dma_start3A_170 : memref<64x128xf32, #tpu.memory_space<vmem_shared>>) target(%dma_start3A_168 : memref<64x128xf32, #tpu.memory_space<vmem>>) target_semaphore(%run_scoped3A_159 : memref<!tpu.dma_semaphore, #tpu.memory_space<semaphore_mem>>)
      %dma_wait3A = arith.constant 0 : i32
      %dma_wait3A_171 = arith.constant 0 : i32
      %dma_wait3A_172 = tpu.memref_slice %arg9[%run_scoped3A_136, %dma_wait3A, %dma_wait3A_171] : memref<4x64x128xf32, #tpu.memory_space<vmem>> -> memref<1x64x128xf32, #tpu.memory_space<vmem>>
      %dma_wait3A_173 = tpu.memref_squeeze %dma_wait3A_172 : memref<1x64x128xf32, #tpu.memory_space<vmem>> -> memref<64x128xf32, #tpu.memory_space<vmem>>
      %dma_wait3A_174 = arith.constant 0 : i32
      %dma_wait3A_175 = tpu.memref_slice %arg10[%add3A_135, %dma_wait3A_174] : memref<10240x128xf32, #tpu.memory_space<vmem_shared>> -> memref<64x128xf32, #tpu.memory_space<vmem_shared>>
      %dma_wait3A_176 = arith.constant 0 : i32
      %dma_wait3A_177 = arith.constant 0 : i32
      %dma_wait3A_178 = tpu.memref_slice %arg9[%run_scoped3A_136, %dma_wait3A_176, %dma_wait3A_177] : memref<4x64x128xf32, #tpu.memory_space<vmem>> -> memref<1x64x128xf32, #tpu.memory_space<vmem>>
      %dma_wait3A_179 = tpu.memref_squeeze %dma_wait3A_178 : memref<1x64x128xf32, #tpu.memory_space<vmem>> -> memref<64x128xf32, #tpu.memory_space<vmem>>
      %dma_wait3A_180 = arith.constant 0 : i32
      %dma_wait3A_181 = tpu.memref_slice %arg10[%add3A_135, %dma_wait3A_180] : memref<10240x128xf32, #tpu.memory_space<vmem_shared>> -> memref<64x128xf32, #tpu.memory_space<vmem_shared>>
      tpu.wait_dma2 semaphore(%run_scoped3A_159 : memref<!tpu.dma_semaphore, #tpu.memory_space<semaphore_mem>>) src(%dma_wait3A_181 : memref<64x128xf32, #tpu.memory_space<vmem_shared>>) dst(%dma_wait3A_179 : memref<64x128xf32, #tpu.memory_space<vmem>>)
      tpu.yield
    }) : () -> ()
    %mul3A_137 = arith.constant 10240 : i32
    %mul3A_138 = arith.muli %arg0, %mul3A_137 : i32
    %add3A_139 = arith.addi %mul3A_138, %add3A_135 : i32
    %run_scoped3A_140 = arith.constant 0 : i32
    "tpu.region"() ({
      %run_scoped3A_159 = tpu.sem_alloc : memref<!tpu.dma_semaphore, #tpu.memory_space<semaphore_mem>>
      %dma_start3A = arith.constant 0 : i32
      %dma_start3A_160 = arith.constant 0 : i32
      %dma_start3A_161 = tpu.memref_slice %arg9[%run_scoped3A_140, %dma_start3A, %dma_start3A_160] : memref<4x64x128xf32, #tpu.memory_space<vmem>> -> memref<1x64x128xf32, #tpu.memory_space<vmem>>
      %dma_start3A_162 = tpu.memref_squeeze %dma_start3A_161 : memref<1x64x128xf32, #tpu.memory_space<vmem>> -> memref<64x128xf32, #tpu.memory_space<vmem>>
      %dma_start3A_163 = arith.constant 0 : i32
      %dma_start3A_164 = tpu.memref_slice %arg6[%add3A_139, %dma_start3A_163] : memref<20480x128xf32, #tpu.memory_space<hbm>> -> memref<64x128xf32, #tpu.memory_space<hbm>>
      %dma_start3A_165 = arith.constant 0 : i32
      %dma_start3A_166 = tpu.memref_slice %arg6[%add3A_139, %dma_start3A_165] : memref<20480x128xf32, #tpu.memory_space<hbm>> -> memref<64x128xf32, #tpu.memory_space<hbm>>
      %dma_start3A_167 = arith.constant 0 : i32
      %dma_start3A_168 = arith.constant 0 : i32
      %dma_start3A_169 = tpu.memref_slice %arg9[%run_scoped3A_140, %dma_start3A_167, %dma_start3A_168] : memref<4x64x128xf32, #tpu.memory_space<vmem>> -> memref<1x64x128xf32, #tpu.memory_space<vmem>>
      %dma_start3A_170 = tpu.memref_squeeze %dma_start3A_169 : memref<1x64x128xf32, #tpu.memory_space<vmem>> -> memref<64x128xf32, #tpu.memory_space<vmem>>
      tpu.enqueue_dma source(%dma_start3A_170 : memref<64x128xf32, #tpu.memory_space<vmem>>) target(%dma_start3A_166 : memref<64x128xf32, #tpu.memory_space<hbm>>) target_semaphore(%run_scoped3A_159 : memref<!tpu.dma_semaphore, #tpu.memory_space<semaphore_mem>>)
      %dma_wait3A = arith.constant 0 : i32
      %dma_wait3A_171 = arith.constant 0 : i32
      %dma_wait3A_172 = tpu.memref_slice %arg9[%run_scoped3A_140, %dma_wait3A, %dma_wait3A_171] : memref<4x64x128xf32, #tpu.memory_space<vmem>> -> memref<1x64x128xf32, #tpu.memory_space<vmem>>
      %dma_wait3A_173 = tpu.memref_squeeze %dma_wait3A_172 : memref<1x64x128xf32, #tpu.memory_space<vmem>> -> memref<64x128xf32, #tpu.memory_space<vmem>>
      %dma_wait3A_174 = arith.constant 0 : i32
      %dma_wait3A_175 = tpu.memref_slice %arg6[%add3A_139, %dma_wait3A_174] : memref<20480x128xf32, #tpu.memory_space<hbm>> -> memref<64x128xf32, #tpu.memory_space<hbm>>
      %dma_wait3A_176 = arith.constant 0 : i32
      %dma_wait3A_177 = tpu.memref_slice %arg6[%add3A_139, %dma_wait3A_176] : memref<20480x128xf32, #tpu.memory_space<hbm>> -> memref<64x128xf32, #tpu.memory_space<hbm>>
      %dma_wait3A_178 = arith.constant 0 : i32
      %dma_wait3A_179 = arith.constant 0 : i32
      %dma_wait3A_180 = tpu.memref_slice %arg9[%run_scoped3A_140, %dma_wait3A_178, %dma_wait3A_179] : memref<4x64x128xf32, #tpu.memory_space<vmem>> -> memref<1x64x128xf32, #tpu.memory_space<vmem>>
      %dma_wait3A_181 = tpu.memref_squeeze %dma_wait3A_180 : memref<1x64x128xf32, #tpu.memory_space<vmem>> -> memref<64x128xf32, #tpu.memory_space<vmem>>
      tpu.wait_dma2 semaphore(%run_scoped3A_159 : memref<!tpu.dma_semaphore, #tpu.memory_space<semaphore_mem>>) src(%dma_wait3A_181 : memref<64x128xf32, #tpu.memory_space<vmem>>) dst(%dma_wait3A_177 : memref<64x128xf32, #tpu.memory_space<hbm>>)
      tpu.yield
    }) : () -> ()
    %mul3A_141 = arith.constant 640 : i32
    %mul3A_142 = arith.muli %arg1, %mul3A_141 : i32
    %add3A_143 = arith.constant 512 : i32
    %add3A_144 = arith.addi %mul3A_142, %add3A_143 : i32
    %run_scoped3A_145 = arith.constant 0 : i32
    "tpu.region"() ({
      %run_scoped3A_159 = tpu.sem_alloc : memref<!tpu.dma_semaphore, #tpu.memory_space<semaphore_mem>>
      %dma_start3A = arith.constant 0 : i32
      %dma_start3A_160 = arith.constant 0 : i32
      %dma_start3A_161 = tpu.memref_slice %arg9[%run_scoped3A_145, %dma_start3A, %dma_start3A_160] : memref<4x64x128xf32, #tpu.memory_space<vmem>> -> memref<1x64x128xf32, #tpu.memory_space<vmem>>
      %dma_start3A_162 = tpu.memref_squeeze %dma_start3A_161 : memref<1x64x128xf32, #tpu.memory_space<vmem>> -> memref<64x128xf32, #tpu.memory_space<vmem>>
      %dma_start3A_163 = arith.constant 0 : i32
      %dma_start3A_164 = tpu.memref_slice %arg10[%add3A_144, %dma_start3A_163] : memref<10240x128xf32, #tpu.memory_space<vmem_shared>> -> memref<64x128xf32, #tpu.memory_space<vmem_shared>>
      %dma_start3A_165 = arith.constant 0 : i32
      %dma_start3A_166 = arith.constant 0 : i32
      %dma_start3A_167 = tpu.memref_slice %arg9[%run_scoped3A_145, %dma_start3A_165, %dma_start3A_166] : memref<4x64x128xf32, #tpu.memory_space<vmem>> -> memref<1x64x128xf32, #tpu.memory_space<vmem>>
      %dma_start3A_168 = tpu.memref_squeeze %dma_start3A_167 : memref<1x64x128xf32, #tpu.memory_space<vmem>> -> memref<64x128xf32, #tpu.memory_space<vmem>>
      %dma_start3A_169 = arith.constant 0 : i32
      %dma_start3A_170 = tpu.memref_slice %arg10[%add3A_144, %dma_start3A_169] : memref<10240x128xf32, #tpu.memory_space<vmem_shared>> -> memref<64x128xf32, #tpu.memory_space<vmem_shared>>
      tpu.enqueue_dma source(%dma_start3A_170 : memref<64x128xf32, #tpu.memory_space<vmem_shared>>) target(%dma_start3A_168 : memref<64x128xf32, #tpu.memory_space<vmem>>) target_semaphore(%run_scoped3A_159 : memref<!tpu.dma_semaphore, #tpu.memory_space<semaphore_mem>>)
      %dma_wait3A = arith.constant 0 : i32
      %dma_wait3A_171 = arith.constant 0 : i32
      %dma_wait3A_172 = tpu.memref_slice %arg9[%run_scoped3A_145, %dma_wait3A, %dma_wait3A_171] : memref<4x64x128xf32, #tpu.memory_space<vmem>> -> memref<1x64x128xf32, #tpu.memory_space<vmem>>
      %dma_wait3A_173 = tpu.memref_squeeze %dma_wait3A_172 : memref<1x64x128xf32, #tpu.memory_space<vmem>> -> memref<64x128xf32, #tpu.memory_space<vmem>>
      %dma_wait3A_174 = arith.constant 0 : i32
      %dma_wait3A_175 = tpu.memref_slice %arg10[%add3A_144, %dma_wait3A_174] : memref<10240x128xf32, #tpu.memory_space<vmem_shared>> -> memref<64x128xf32, #tpu.memory_space<vmem_shared>>
      %dma_wait3A_176 = arith.constant 0 : i32
      %dma_wait3A_177 = arith.constant 0 : i32
      %dma_wait3A_178 = tpu.memref_slice %arg9[%run_scoped3A_145, %dma_wait3A_176, %dma_wait3A_177] : memref<4x64x128xf32, #tpu.memory_space<vmem>> -> memref<1x64x128xf32, #tpu.memory_space<vmem>>
      %dma_wait3A_179 = tpu.memref_squeeze %dma_wait3A_178 : memref<1x64x128xf32, #tpu.memory_space<vmem>> -> memref<64x128xf32, #tpu.memory_space<vmem>>
      %dma_wait3A_180 = arith.constant 0 : i32
      %dma_wait3A_181 = tpu.memref_slice %arg10[%add3A_144, %dma_wait3A_180] : memref<10240x128xf32, #tpu.memory_space<vmem_shared>> -> memref<64x128xf32, #tpu.memory_space<vmem_shared>>
      tpu.wait_dma2 semaphore(%run_scoped3A_159 : memref<!tpu.dma_semaphore, #tpu.memory_space<semaphore_mem>>) src(%dma_wait3A_181 : memref<64x128xf32, #tpu.memory_space<vmem_shared>>) dst(%dma_wait3A_179 : memref<64x128xf32, #tpu.memory_space<vmem>>)
      tpu.yield
    }) : () -> ()
    %mul3A_146 = arith.constant 10240 : i32
    %mul3A_147 = arith.muli %arg0, %mul3A_146 : i32
    %add3A_148 = arith.addi %mul3A_147, %add3A_144 : i32
    %run_scoped3A_149 = arith.constant 0 : i32
    "tpu.region"() ({
      %run_scoped3A_159 = tpu.sem_alloc : memref<!tpu.dma_semaphore, #tpu.memory_space<semaphore_mem>>
      %dma_start3A = arith.constant 0 : i32
      %dma_start3A_160 = arith.constant 0 : i32
      %dma_start3A_161 = tpu.memref_slice %arg9[%run_scoped3A_149, %dma_start3A, %dma_start3A_160] : memref<4x64x128xf32, #tpu.memory_space<vmem>> -> memref<1x64x128xf32, #tpu.memory_space<vmem>>
      %dma_start3A_162 = tpu.memref_squeeze %dma_start3A_161 : memref<1x64x128xf32, #tpu.memory_space<vmem>> -> memref<64x128xf32, #tpu.memory_space<vmem>>
      %dma_start3A_163 = arith.constant 0 : i32
      %dma_start3A_164 = tpu.memref_slice %arg6[%add3A_148, %dma_start3A_163] : memref<20480x128xf32, #tpu.memory_space<hbm>> -> memref<64x128xf32, #tpu.memory_space<hbm>>
      %dma_start3A_165 = arith.constant 0 : i32
      %dma_start3A_166 = tpu.memref_slice %arg6[%add3A_148, %dma_start3A_165] : memref<20480x128xf32, #tpu.memory_space<hbm>> -> memref<64x128xf32, #tpu.memory_space<hbm>>
      %dma_start3A_167 = arith.constant 0 : i32
      %dma_start3A_168 = arith.constant 0 : i32
      %dma_start3A_169 = tpu.memref_slice %arg9[%run_scoped3A_149, %dma_start3A_167, %dma_start3A_168] : memref<4x64x128xf32, #tpu.memory_space<vmem>> -> memref<1x64x128xf32, #tpu.memory_space<vmem>>
      %dma_start3A_170 = tpu.memref_squeeze %dma_start3A_169 : memref<1x64x128xf32, #tpu.memory_space<vmem>> -> memref<64x128xf32, #tpu.memory_space<vmem>>
      tpu.enqueue_dma source(%dma_start3A_170 : memref<64x128xf32, #tpu.memory_space<vmem>>) target(%dma_start3A_166 : memref<64x128xf32, #tpu.memory_space<hbm>>) target_semaphore(%run_scoped3A_159 : memref<!tpu.dma_semaphore, #tpu.memory_space<semaphore_mem>>)
      %dma_wait3A = arith.constant 0 : i32
      %dma_wait3A_171 = arith.constant 0 : i32
      %dma_wait3A_172 = tpu.memref_slice %arg9[%run_scoped3A_149, %dma_wait3A, %dma_wait3A_171] : memref<4x64x128xf32, #tpu.memory_space<vmem>> -> memref<1x64x128xf32, #tpu.memory_space<vmem>>
      %dma_wait3A_173 = tpu.memref_squeeze %dma_wait3A_172 : memref<1x64x128xf32, #tpu.memory_space<vmem>> -> memref<64x128xf32, #tpu.memory_space<vmem>>
      %dma_wait3A_174 = arith.constant 0 : i32
      %dma_wait3A_175 = tpu.memref_slice %arg6[%add3A_148, %dma_wait3A_174] : memref<20480x128xf32, #tpu.memory_space<hbm>> -> memref<64x128xf32, #tpu.memory_space<hbm>>
      %dma_wait3A_176 = arith.constant 0 : i32
      %dma_wait3A_177 = tpu.memref_slice %arg6[%add3A_148, %dma_wait3A_176] : memref<20480x128xf32, #tpu.memory_space<hbm>> -> memref<64x128xf32, #tpu.memory_space<hbm>>
      %dma_wait3A_178 = arith.constant 0 : i32
      %dma_wait3A_179 = arith.constant 0 : i32
      %dma_wait3A_180 = tpu.memref_slice %arg9[%run_scoped3A_149, %dma_wait3A_178, %dma_wait3A_179] : memref<4x64x128xf32, #tpu.memory_space<vmem>> -> memref<1x64x128xf32, #tpu.memory_space<vmem>>
      %dma_wait3A_181 = tpu.memref_squeeze %dma_wait3A_180 : memref<1x64x128xf32, #tpu.memory_space<vmem>> -> memref<64x128xf32, #tpu.memory_space<vmem>>
      tpu.wait_dma2 semaphore(%run_scoped3A_159 : memref<!tpu.dma_semaphore, #tpu.memory_space<semaphore_mem>>) src(%dma_wait3A_181 : memref<64x128xf32, #tpu.memory_space<vmem>>) dst(%dma_wait3A_177 : memref<64x128xf32, #tpu.memory_space<hbm>>)
      tpu.yield
    }) : () -> ()
    %mul3A_150 = arith.constant 640 : i32
    %mul3A_151 = arith.muli %arg1, %mul3A_150 : i32
    %add3A_152 = arith.constant 576 : i32
    %add3A_153 = arith.addi %mul3A_151, %add3A_152 : i32
    %run_scoped3A_154 = arith.constant 0 : i32
    "tpu.region"() ({
      %run_scoped3A_159 = tpu.sem_alloc : memref<!tpu.dma_semaphore, #tpu.memory_space<semaphore_mem>>
      %dma_start3A = arith.constant 0 : i32
      %dma_start3A_160 = arith.constant 0 : i32
      %dma_start3A_161 = tpu.memref_slice %arg9[%run_scoped3A_154, %dma_start3A, %dma_start3A_160] : memref<4x64x128xf32, #tpu.memory_space<vmem>> -> memref<1x64x128xf32, #tpu.memory_space<vmem>>
      %dma_start3A_162 = tpu.memref_squeeze %dma_start3A_161 : memref<1x64x128xf32, #tpu.memory_space<vmem>> -> memref<64x128xf32, #tpu.memory_space<vmem>>
      %dma_start3A_163 = arith.constant 0 : i32
      %dma_start3A_164 = tpu.memref_slice %arg10[%add3A_153, %dma_start3A_163] : memref<10240x128xf32, #tpu.memory_space<vmem_shared>> -> memref<64x128xf32, #tpu.memory_space<vmem_shared>>
      %dma_start3A_165 = arith.constant 0 : i32
      %dma_start3A_166 = arith.constant 0 : i32
      %dma_start3A_167 = tpu.memref_slice %arg9[%run_scoped3A_154, %dma_start3A_165, %dma_start3A_166] : memref<4x64x128xf32, #tpu.memory_space<vmem>> -> memref<1x64x128xf32, #tpu.memory_space<vmem>>
      %dma_start3A_168 = tpu.memref_squeeze %dma_start3A_167 : memref<1x64x128xf32, #tpu.memory_space<vmem>> -> memref<64x128xf32, #tpu.memory_space<vmem>>
      %dma_start3A_169 = arith.constant 0 : i32
      %dma_start3A_170 = tpu.memref_slice %arg10[%add3A_153, %dma_start3A_169] : memref<10240x128xf32, #tpu.memory_space<vmem_shared>> -> memref<64x128xf32, #tpu.memory_space<vmem_shared>>
      tpu.enqueue_dma source(%dma_start3A_170 : memref<64x128xf32, #tpu.memory_space<vmem_shared>>) target(%dma_start3A_168 : memref<64x128xf32, #tpu.memory_space<vmem>>) target_semaphore(%run_scoped3A_159 : memref<!tpu.dma_semaphore, #tpu.memory_space<semaphore_mem>>)
      %dma_wait3A = arith.constant 0 : i32
      %dma_wait3A_171 = arith.constant 0 : i32
      %dma_wait3A_172 = tpu.memref_slice %arg9[%run_scoped3A_154, %dma_wait3A, %dma_wait3A_171] : memref<4x64x128xf32, #tpu.memory_space<vmem>> -> memref<1x64x128xf32, #tpu.memory_space<vmem>>
      %dma_wait3A_173 = tpu.memref_squeeze %dma_wait3A_172 : memref<1x64x128xf32, #tpu.memory_space<vmem>> -> memref<64x128xf32, #tpu.memory_space<vmem>>
      %dma_wait3A_174 = arith.constant 0 : i32
      %dma_wait3A_175 = tpu.memref_slice %arg10[%add3A_153, %dma_wait3A_174] : memref<10240x128xf32, #tpu.memory_space<vmem_shared>> -> memref<64x128xf32, #tpu.memory_space<vmem_shared>>
      %dma_wait3A_176 = arith.constant 0 : i32
      %dma_wait3A_177 = arith.constant 0 : i32
      %dma_wait3A_178 = tpu.memref_slice %arg9[%run_scoped3A_154, %dma_wait3A_176, %dma_wait3A_177] : memref<4x64x128xf32, #tpu.memory_space<vmem>> -> memref<1x64x128xf32, #tpu.memory_space<vmem>>
      %dma_wait3A_179 = tpu.memref_squeeze %dma_wait3A_178 : memref<1x64x128xf32, #tpu.memory_space<vmem>> -> memref<64x128xf32, #tpu.memory_space<vmem>>
      %dma_wait3A_180 = arith.constant 0 : i32
      %dma_wait3A_181 = tpu.memref_slice %arg10[%add3A_153, %dma_wait3A_180] : memref<10240x128xf32, #tpu.memory_space<vmem_shared>> -> memref<64x128xf32, #tpu.memory_space<vmem_shared>>
      tpu.wait_dma2 semaphore(%run_scoped3A_159 : memref<!tpu.dma_semaphore, #tpu.memory_space<semaphore_mem>>) src(%dma_wait3A_181 : memref<64x128xf32, #tpu.memory_space<vmem_shared>>) dst(%dma_wait3A_179 : memref<64x128xf32, #tpu.memory_space<vmem>>)
      tpu.yield
    }) : () -> ()
    %mul3A_155 = arith.constant 10240 : i32
    %mul3A_156 = arith.muli %arg0, %mul3A_155 : i32
    %add3A_157 = arith.addi %mul3A_156, %add3A_153 : i32
    %run_scoped3A_158 = arith.constant 0 : i32
    "tpu.region"() ({
      %run_scoped3A_159 = tpu.sem_alloc : memref<!tpu.dma_semaphore, #tpu.memory_space<semaphore_mem>>
      %dma_start3A = arith.constant 0 : i32
      %dma_start3A_160 = arith.constant 0 : i32
      %dma_start3A_161 = tpu.memref_slice %arg9[%run_scoped3A_158, %dma_start3A, %dma_start3A_160] : memref<4x64x128xf32, #tpu.memory_space<vmem>> -> memref<1x64x128xf32, #tpu.memory_space<vmem>>
      %dma_start3A_162 = tpu.memref_squeeze %dma_start3A_161 : memref<1x64x128xf32, #tpu.memory_space<vmem>> -> memref<64x128xf32, #tpu.memory_space<vmem>>
      %dma_start3A_163 = arith.constant 0 : i32
      %dma_start3A_164 = tpu.memref_slice %arg6[%add3A_157, %dma_start3A_163] : memref<20480x128xf32, #tpu.memory_space<hbm>> -> memref<64x128xf32, #tpu.memory_space<hbm>>
      %dma_start3A_165 = arith.constant 0 : i32
      %dma_start3A_166 = tpu.memref_slice %arg6[%add3A_157, %dma_start3A_165] : memref<20480x128xf32, #tpu.memory_space<hbm>> -> memref<64x128xf32, #tpu.memory_space<hbm>>
      %dma_start3A_167 = arith.constant 0 : i32
      %dma_start3A_168 = arith.constant 0 : i32
      %dma_start3A_169 = tpu.memref_slice %arg9[%run_scoped3A_158, %dma_start3A_167, %dma_start3A_168] : memref<4x64x128xf32, #tpu.memory_space<vmem>> -> memref<1x64x128xf32, #tpu.memory_space<vmem>>
      %dma_start3A_170 = tpu.memref_squeeze %dma_start3A_169 : memref<1x64x128xf32, #tpu.memory_space<vmem>> -> memref<64x128xf32, #tpu.memory_space<vmem>>
      tpu.enqueue_dma source(%dma_start3A_170 : memref<64x128xf32, #tpu.memory_space<vmem>>) target(%dma_start3A_166 : memref<64x128xf32, #tpu.memory_space<hbm>>) target_semaphore(%run_scoped3A_159 : memref<!tpu.dma_semaphore, #tpu.memory_space<semaphore_mem>>)
      %dma_wait3A = arith.constant 0 : i32
      %dma_wait3A_171 = arith.constant 0 : i32
      %dma_wait3A_172 = tpu.memref_slice %arg9[%run_scoped3A_158, %dma_wait3A, %dma_wait3A_171] : memref<4x64x128xf32, #tpu.memory_space<vmem>> -> memref<1x64x128xf32, #tpu.memory_space<vmem>>
      %dma_wait3A_173 = tpu.memref_squeeze %dma_wait3A_172 : memref<1x64x128xf32, #tpu.memory_space<vmem>> -> memref<64x128xf32, #tpu.memory_space<vmem>>
      %dma_wait3A_174 = arith.constant 0 : i32
      %dma_wait3A_175 = tpu.memref_slice %arg6[%add3A_157, %dma_wait3A_174] : memref<20480x128xf32, #tpu.memory_space<hbm>> -> memref<64x128xf32, #tpu.memory_space<hbm>>
      %dma_wait3A_176 = arith.constant 0 : i32
      %dma_wait3A_177 = tpu.memref_slice %arg6[%add3A_157, %dma_wait3A_176] : memref<20480x128xf32, #tpu.memory_space<hbm>> -> memref<64x128xf32, #tpu.memory_space<hbm>>
      %dma_wait3A_178 = arith.constant 0 : i32
      %dma_wait3A_179 = arith.constant 0 : i32
      %dma_wait3A_180 = tpu.memref_slice %arg9[%run_scoped3A_158, %dma_wait3A_178, %dma_wait3A_179] : memref<4x64x128xf32, #tpu.memory_space<vmem>> -> memref<1x64x128xf32, #tpu.memory_space<vmem>>
      %dma_wait3A_181 = tpu.memref_squeeze %dma_wait3A_180 : memref<1x64x128xf32, #tpu.memory_space<vmem>> -> memref<64x128xf32, #tpu.memory_space<vmem>>
      tpu.wait_dma2 semaphore(%run_scoped3A_159 : memref<!tpu.dma_semaphore, #tpu.memory_space<semaphore_mem>>) src(%dma_wait3A_181 : memref<64x128xf32, #tpu.memory_space<vmem>>) dst(%dma_wait3A_177 : memref<64x128xf32, #tpu.memory_space<hbm>>)
      tpu.yield
    }) : () -> ()
    return
  }
}

module attributes {stable_mosaic.version = 14 : i64} {
  func.func @_tc0_body(%arg0: i32, %arg1: memref<1000x128xf32, #tpu.memory_space<vmem>>, %arg2: memref<128x128xf32, #tpu.memory_space<vmem>>, %arg3: memref<1000x128xf32, #tpu.memory_space<vmem>>) attributes {dimension_semantics = [#tpu.dimension_semantics<arbitrary>], iteration_bounds = array<i64: 10>, scalar_prefetch = 0 : i64, scratch_operands = 0 : i64, tpu.core_type = #tpu.core_type<tc>, window_params = [{transform_indices = @transform_0, window_bounds = array<i64: 1000, 128>}, {pipeline_mode = #tpu.pipeline_mode<synchronous>, transform_indices = @transform_1, window_bounds = array<i64: 128, 128>}, {transform_indices = @transform_2, window_bounds = array<i64: 1000, 128>}]} {
    %get3A = arith.constant 0 : index
    %get3A_0 = arith.constant 0 : index
    %get3A_1 = vector.load %arg1[%get3A, %get3A_0] : memref<1000x128xf32, #tpu.memory_space<vmem>>, vector<1000x128xf32>
    %get3A_2 = arith.constant 0 : index
    %get3A_3 = arith.constant 0 : index
    %get3A_4 = vector.load %arg2[%get3A_2, %get3A_3] : memref<128x128xf32, #tpu.memory_space<vmem>>, vector<128x128xf32>
    %dot_general3A = arith.constant dense<0.000000e+00> : vector<1000x128xf32>
    %dot_general3A_5 = tpu.matmul %get3A_1, %get3A_4, %dot_general3A {dimension_numbers = #tpu.dot_dimension_numbers<[1], [0], [0], [1], [0, 0, 1, 1], [], []>, transpose_lhs_hint = false} : vector<1000x128xf32>, vector<128x128xf32>, vector<1000x128xf32> -> vector<1000x128xf32>
    %swap3A = arith.constant 0 : index
    %swap3A_6 = arith.constant 0 : index
    %swap3A_7 = vector.load %arg3[%swap3A, %swap3A_6] : memref<1000x128xf32, #tpu.memory_space<vmem>>, vector<1000x128xf32>
    tpu.vector_store %arg3[%swap3A, %swap3A_6], %dot_general3A_5 {strides = array<i32>} : memref<1000x128xf32, #tpu.memory_space<vmem>>, vector<1000x128xf32>,
    return
  }
  func.func @transform_0(%arg0: i32) -> (i32, i32) {
    %c0_i32 = arith.constant 0 : i32
    %c0_i32_0 = arith.constant 0 : i32
    return %arg0, %c0_i32 : i32, i32
  }
  func.func @transform_1(%arg0: i32) -> (i32, i32) {
    %c0_i32 = arith.constant 0 : i32
    %c0_i32_0 = arith.constant 0 : i32
    %c0_i32_1 = arith.constant 0 : i32
    return %c0_i32, %c0_i32_0 : i32, i32
  }
  func.func @transform_2(%arg0: i32) -> (i32, i32) {
    %c0_i32 = arith.constant 0 : i32
    %c0_i32_0 = arith.constant 0 : i32
    return %arg0, %c0_i32 : i32, i32
  }
}

module attributes {stable_mosaic.version = 14 : i64} {
  func.func @_tc1_body(%arg0: i32, %arg1: memref<1000x128xf32, #tpu.memory_space<vmem>>, %arg2: memref<2x1000x128xf32, #tpu.memory_space<vmem>>, %arg3: memref<1000x128xf32, #tpu.memory_space<vmem>>, %arg4: memref<1000x128xf32, #tpu.memory_space<vmem>>) attributes {dimension_semantics = [#tpu.dimension_semantics<arbitrary>], iteration_bounds = array<i64: 10>, scalar_prefetch = 0 : i64, scratch_operands = 0 : i64, tpu.core_type = #tpu.core_type<tc>, window_params = [{transform_indices = @transform_0, window_bounds = array<i64: 1000, 128>}, {transform_indices = @transform_1, window_bounds = array<i64: 2, 1000, 128>}, {transform_indices = @transform_2, window_bounds = array<i64: 1000, 128>}, {transform_indices = @transform_3, window_bounds = array<i64: 1000, 128>}]} {
    %get3A = arith.constant 0 : index
    %get3A_0 = arith.constant 0 : index
    %get3A_1 = arith.constant 0 : index
    %get3A_2 = vector.load %arg2[%get3A, %get3A_0, %get3A_1] : memref<2x1000x128xf32, #tpu.memory_space<vmem>>, vector<2x1000x128xf32>
    %slice3A = vector.extract_strided_slice %get3A_2 {offsets = [0, 0, 0], sizes = [1, 1000, 128], strides = [1, 1, 1]} : vector<2x1000x128xf32> to vector<1x1000x128xf32>
    %squeeze3A = vector.shape_cast %slice3A : vector<1x1000x128xf32> to vector<1000x128xf32>
    %slice3A_3 = vector.extract_strided_slice %get3A_2 {offsets = [1, 0, 0], sizes = [1, 1000, 128], strides = [1, 1, 1]} : vector<2x1000x128xf32> to vector<1x1000x128xf32>
    %squeeze3A_4 = vector.shape_cast %slice3A_3 : vector<1x1000x128xf32> to vector<1000x128xf32>
    %add3A = arith.addf %squeeze3A, %squeeze3A_4 : vector<1000x128xf32>
    %add3A_5 = arith.constant 1.000000e+00 : f32
    %add3A_6 = vector.broadcast %add3A_5 : f32 to vector<1000x128xf32>
    %add3A_7 = arith.addf %add3A, %add3A_6 : vector<1000x128xf32>
    %max3A = arith.constant 1.000000e+00 : f32
    %max3A_8 = vector.broadcast %max3A : f32 to vector<1000x128xf32>
    %max3A_9 = arith.maximumf %add3A_7, %max3A_8 : vector<1000x128xf32>
    %rsqrt3A = math.rsqrt %max3A_9 : vector<1000x128xf32>
    %swap3A = arith.constant 0 : index
    %swap3A_10 = arith.constant 0 : index
    %swap3A_11 = vector.load %arg4[%swap3A, %swap3A_10] : memref<1000x128xf32, #tpu.memory_space<vmem>>, vector<1000x128xf32>
    tpu.vector_store %arg4[%swap3A, %swap3A_10], %rsqrt3A {strides = array<i32>} : memref<1000x128xf32, #tpu.memory_space<vmem>>, vector<1000x128xf32>,
    %get3A_12 = arith.constant 0 : index
    %get3A_13 = arith.constant 0 : index
    %get3A_14 = vector.load %arg1[%get3A_12, %get3A_13] : memref<1000x128xf32, #tpu.memory_space<vmem>>, vector<1000x128xf32>
    %mul3A = arith.mulf %get3A_14, %rsqrt3A : vector<1000x128xf32>
    %swap3A_15 = arith.constant 0 : index
    %swap3A_16 = arith.constant 0 : index
    %swap3A_17 = vector.load %arg3[%swap3A_15, %swap3A_16] : memref<1000x128xf32, #tpu.memory_space<vmem>>, vector<1000x128xf32>
    tpu.vector_store %arg3[%swap3A_15, %swap3A_16], %mul3A {strides = array<i32>} : memref<1000x128xf32, #tpu.memory_space<vmem>>, vector<1000x128xf32>,
    return
  }
  func.func @transform_0(%arg0: i32) -> (i32, i32) {
    %c0_i32 = arith.constant 0 : i32
    %c0_i32_0 = arith.constant 0 : i32
    return %arg0, %c0_i32 : i32, i32
  }
  func.func @transform_1(%arg0: i32) -> (i32, i32, i32) {
    %c0_i32 = arith.constant 0 : i32
    %c0_i32_0 = arith.constant 0 : i32
    %c0_i32_1 = arith.constant 0 : i32
    return %c0_i32, %arg0, %c0_i32_0 : i32, i32, i32
  }
  func.func @transform_2(%arg0: i32) -> (i32, i32) {
    %c0_i32 = arith.constant 0 : i32
    %c0_i32_0 = arith.constant 0 : i32
    return %arg0, %c0_i32 : i32, i32
  }
  func.func @transform_3(%arg0: i32) -> (i32, i32) {
    %c0_i32 = arith.constant 0 : i32
    %c0_i32_0 = arith.constant 0 : i32
    return %arg0, %c0_i32 : i32, i32
  }
}

module attributes {stable_mosaic.version = 14 : i64} {
  func.func @_tc2_body(%arg0: i32, %arg1: memref<2x1000x128xf32, #tpu.memory_space<vmem>>, %arg2: memref<1000x128xf32, #tpu.memory_space<vmem>>, %arg3: memref<1000x128xf32, #tpu.memory_space<vmem>>, %arg4: memref<1x128xf32, #tpu.memory_space<vmem>>, %arg5: memref<128x128xf32, #tpu.memory_space<vmem>>, %arg6: memref<1000x128xf32, #tpu.memory_space<vmem>>, %arg7: memref<1000x128xf32, #tpu.memory_space<vmem>>) attributes {dimension_semantics = [#tpu.dimension_semantics<arbitrary>], iteration_bounds = array<i64: 10>, scalar_prefetch = 0 : i64, scratch_operands = 0 : i64, tpu.core_type = #tpu.core_type<tc>, window_params = [{transform_indices = @transform_0, window_bounds = array<i64: 2, 1000, 128>}, {transform_indices = @transform_1, window_bounds = array<i64: 1000, 128>}, {transform_indices = @transform_2, window_bounds = array<i64: 1000, 128>}, {pipeline_mode = #tpu.pipeline_mode<synchronous>, transform_indices = @transform_3, window_bounds = array<i64: 1, 128>}, {pipeline_mode = #tpu.pipeline_mode<synchronous>, transform_indices = @transform_4, window_bounds = array<i64: 128, 128>}, {transform_indices = @transform_5, window_bounds = array<i64: 1000, 128>}, {transform_indices = @transform_6, window_bounds = array<i64: 1000, 128>}]} {
    %get3A = arith.constant 0 : index
    %get3A_0 = arith.constant 0 : index
    %get3A_1 = vector.load %arg3[%get3A, %get3A_0] : memref<1000x128xf32, #tpu.memory_space<vmem>>, vector<1000x128xf32>
    %get3A_2 = arith.constant 0 : index
    %get3A_3 = arith.constant 0 : index
    %get3A_4 = arith.constant 0 : index
    %get3A_5 = vector.load %arg1[%get3A_2, %get3A_3, %get3A_4] : memref<2x1000x128xf32, #tpu.memory_space<vmem>>, vector<1x1000x128xf32>
    %get3A_6 = vector.shape_cast %get3A_5 : vector<1x1000x128xf32> to vector<1000x128xf32>
    %get3A_7 = arith.constant 1 : index
    %get3A_8 = arith.constant 0 : index
    %get3A_9 = arith.constant 0 : index
    %get3A_10 = vector.load %arg1[%get3A_7, %get3A_8, %get3A_9] : memref<2x1000x128xf32, #tpu.memory_space<vmem>>, vector<1x1000x128xf32>
    %get3A_11 = vector.shape_cast %get3A_10 : vector<1x1000x128xf32> to vector<1000x128xf32>
    %add3A = arith.addf %get3A_6, %get3A_11 : vector<1000x128xf32>
    %get3A_12 = arith.constant 0 : index
    %get3A_13 = arith.constant 0 : index
    %get3A_14 = vector.load %arg2[%get3A_12, %get3A_13] : memref<1000x128xf32, #tpu.memory_space<vmem>>, vector<1000x128xf32>
    %add3A_15 = arith.addf %add3A, %get3A_14 : vector<1000x128xf32>
    %mul3A = arith.mulf %add3A_15, %get3A_1 : vector<1000x128xf32>
    %get3A_16 = arith.constant 0 : index
    %get3A_17 = arith.constant 0 : index
    %get3A_18 = vector.load %arg4[%get3A_16, %get3A_17] : memref<1x128xf32, #tpu.memory_space<vmem>>, vector<1x128xf32>
    %add3A_19 = vector.broadcast %get3A_18 : vector<1x128xf32> to vector<1000x128xf32>
    %add3A_20 = arith.addf %mul3A, %add3A_19 : vector<1000x128xf32>
    %max3A = arith.constant 0.000000e+00 : f32
    %max3A_21 = vector.broadcast %max3A : f32 to vector<1000x128xf32>
    %max3A_22 = arith.maximumf %add3A_20, %max3A_21 : vector<1000x128xf32>
    %swap3A = arith.constant 0 : index
    %swap3A_23 = arith.constant 0 : index
    %swap3A_24 = vector.load %arg6[%swap3A, %swap3A_23] : memref<1000x128xf32, #tpu.memory_space<vmem>>, vector<1000x128xf32>
    tpu.vector_store %arg6[%swap3A, %swap3A_23], %max3A_22 {strides = array<i32>} : memref<1000x128xf32, #tpu.memory_space<vmem>>, vector<1000x128xf32>,
    %get3A_25 = arith.constant 0 : index
    %get3A_26 = arith.constant 0 : index
    %get3A_27 = vector.load %arg5[%get3A_25, %get3A_26] : memref<128x128xf32, #tpu.memory_space<vmem>>, vector<128x128xf32>
    %dot_general3A = arith.constant dense<0.000000e+00> : vector<1000x128xf32>
    %dot_general3A_28 = tpu.matmul %max3A_22, %get3A_27, %dot_general3A {dimension_numbers = #tpu.dot_dimension_numbers<[1], [0], [0], [1], [0, 0, 1, 1], [], []>, transpose_lhs_hint = false} : vector<1000x128xf32>, vector<128x128xf32>, vector<1000x128xf32> -> vector<1000x128xf32>
    %mul3A_29 = arith.mulf %dot_general3A_28, %get3A_1 : vector<1000x128xf32>
    %swap3A_30 = arith.constant 0 : index
    %swap3A_31 = arith.constant 0 : index
    %swap3A_32 = vector.load %arg7[%swap3A_30, %swap3A_31] : memref<1000x128xf32, #tpu.memory_space<vmem>>, vector<1000x128xf32>
    tpu.vector_store %arg7[%swap3A_30, %swap3A_31], %mul3A_29 {strides = array<i32>} : memref<1000x128xf32, #tpu.memory_space<vmem>>, vector<1000x128xf32>,
    return
  }
  func.func @transform_0(%arg0: i32) -> (i32, i32, i32) {
    %c0_i32 = arith.constant 0 : i32
    %c0_i32_0 = arith.constant 0 : i32
    %c0_i32_1 = arith.constant 0 : i32
    return %c0_i32, %arg0, %c0_i32_0 : i32, i32, i32
  }
  func.func @transform_1(%arg0: i32) -> (i32, i32) {
    %c0_i32 = arith.constant 0 : i32
    %c0_i32_0 = arith.constant 0 : i32
    return %arg0, %c0_i32 : i32, i32
  }
  func.func @transform_2(%arg0: i32) -> (i32, i32) {
    %c0_i32 = arith.constant 0 : i32
    %c0_i32_0 = arith.constant 0 : i32
    return %arg0, %c0_i32 : i32, i32
  }
  func.func @transform_3(%arg0: i32) -> (i32, i32) {
    %c0_i32 = arith.constant 0 : i32
    %c0_i32_0 = arith.constant 0 : i32
    %c0_i32_1 = arith.constant 0 : i32
    return %c0_i32, %c0_i32_0 : i32, i32
  }
  func.func @transform_4(%arg0: i32) -> (i32, i32) {
    %c0_i32 = arith.constant 0 : i32
    %c0_i32_0 = arith.constant 0 : i32
    %c0_i32_1 = arith.constant 0 : i32
    return %c0_i32, %c0_i32_0 : i32, i32
  }
  func.func @transform_5(%arg0: i32) -> (i32, i32) {
    %c0_i32 = arith.constant 0 : i32
    %c0_i32_0 = arith.constant 0 : i32
    return %arg0, %c0_i32 : i32, i32
  }
  func.func @transform_6(%arg0: i32) -> (i32, i32) {
    %c0_i32 = arith.constant 0 : i32
    %c0_i32_0 = arith.constant 0 : i32
    return %arg0, %c0_i32 : i32, i32
  }
}

module attributes {stable_mosaic.version = 14 : i64} {
  func.func @_tc3_body(%arg0: i32, %arg1: memref<2x1000x128xf32, #tpu.memory_space<vmem>>, %arg2: memref<1000x128xf32, #tpu.memory_space<vmem>>, %arg3: memref<1000x128xf32, #tpu.memory_space<vmem>>, %arg4: memref<1x128xf32, #tpu.memory_space<vmem>>, %arg5: memref<1000x128xf32, #tpu.memory_space<vmem>>) attributes {dimension_semantics = [#tpu.dimension_semantics<arbitrary>], iteration_bounds = array<i64: 10>, scalar_prefetch = 0 : i64, scratch_operands = 0 : i64, tpu.core_type = #tpu.core_type<tc>, window_params = [{transform_indices = @transform_0, window_bounds = array<i64: 2, 1000, 128>}, {transform_indices = @transform_1, window_bounds = array<i64: 1000, 128>}, {transform_indices = @transform_2, window_bounds = array<i64: 1000, 128>}, {pipeline_mode = #tpu.pipeline_mode<synchronous>, transform_indices = @transform_3, window_bounds = array<i64: 1, 128>}, {transform_indices = @transform_4, window_bounds = array<i64: 1000, 128>}]} {
    %get3A = arith.constant 0 : index
    %get3A_0 = arith.constant 0 : index
    %get3A_1 = arith.constant 0 : index
    %get3A_2 = vector.load %arg1[%get3A, %get3A_0, %get3A_1] : memref<2x1000x128xf32, #tpu.memory_space<vmem>>, vector<1x1000x128xf32>
    %get3A_3 = vector.shape_cast %get3A_2 : vector<1x1000x128xf32> to vector<1000x128xf32>
    %get3A_4 = arith.constant 1 : index
    %get3A_5 = arith.constant 0 : index
    %get3A_6 = arith.constant 0 : index
    %get3A_7 = vector.load %arg1[%get3A_4, %get3A_5, %get3A_6] : memref<2x1000x128xf32, #tpu.memory_space<vmem>>, vector<1x1000x128xf32>
    %get3A_8 = vector.shape_cast %get3A_7 : vector<1x1000x128xf32> to vector<1000x128xf32>
    %add3A = arith.addf %get3A_3, %get3A_8 : vector<1000x128xf32>
    %get3A_9 = arith.constant 0 : index
    %get3A_10 = arith.constant 0 : index
    %get3A_11 = vector.load %arg2[%get3A_9, %get3A_10] : memref<1000x128xf32, #tpu.memory_space<vmem>>, vector<1000x128xf32>
    %add3A_12 = arith.addf %add3A, %get3A_11 : vector<1000x128xf32>
    %get3A_13 = arith.constant 0 : index
    %get3A_14 = arith.constant 0 : index
    %get3A_15 = vector.load %arg3[%get3A_13, %get3A_14] : memref<1000x128xf32, #tpu.memory_space<vmem>>, vector<1000x128xf32>
    %mul3A = arith.mulf %add3A_12, %get3A_15 : vector<1000x128xf32>
    %get3A_16 = arith.constant 0 : index
    %get3A_17 = arith.constant 0 : index
    %get3A_18 = vector.load %arg4[%get3A_16, %get3A_17] : memref<1x128xf32, #tpu.memory_space<vmem>>, vector<1x128xf32>
    %add3A_19 = vector.broadcast %get3A_18 : vector<1x128xf32> to vector<1000x128xf32>
    %add3A_20 = arith.addf %mul3A, %add3A_19 : vector<1000x128xf32>
    %swap3A = arith.constant 0 : index
    %swap3A_21 = arith.constant 0 : index
    %swap3A_22 = vector.load %arg5[%swap3A, %swap3A_21] : memref<1000x128xf32, #tpu.memory_space<vmem>>, vector<1000x128xf32>
    tpu.vector_store %arg5[%swap3A, %swap3A_21], %add3A_20 {strides = array<i32>} : memref<1000x128xf32, #tpu.memory_space<vmem>>, vector<1000x128xf32>,
    return
  }
  func.func @transform_0(%arg0: i32) -> (i32, i32, i32) {
    %c0_i32 = arith.constant 0 : i32
    %c0_i32_0 = arith.constant 0 : i32
    %c0_i32_1 = arith.constant 0 : i32
    return %c0_i32, %arg0, %c0_i32_0 : i32, i32, i32
  }
  func.func @transform_1(%arg0: i32) -> (i32, i32) {
    %c0_i32 = arith.constant 0 : i32
    %c0_i32_0 = arith.constant 0 : i32
    return %arg0, %c0_i32 : i32, i32
  }
  func.func @transform_2(%arg0: i32) -> (i32, i32) {
    %c0_i32 = arith.constant 0 : i32
    %c0_i32_0 = arith.constant 0 : i32
    return %arg0, %c0_i32 : i32, i32
  }
  func.func @transform_3(%arg0: i32) -> (i32, i32) {
    %c0_i32 = arith.constant 0 : i32
    %c0_i32_0 = arith.constant 0 : i32
    %c0_i32_1 = arith.constant 0 : i32
    return %c0_i32, %c0_i32_0 : i32, i32
  }
  func.func @transform_4(%arg0: i32) -> (i32, i32) {
    %c0_i32 = arith.constant 0 : i32
    %c0_i32_0 = arith.constant 0 : i32
    return %arg0, %c0_i32 : i32, i32
  }
}

</mosaic_0001>

<sc_bundles>
// kernel: kernel.12.cloned.1.call-start
scs
__scs_entry_jumppad:
0x0: {  	(pc) =	sbr.rel $0x88, $3  }
0x1: {  	(tag) =	ssettag $0x0;
	lr =	simm.s32 $0x1  }
0x2: {  	[smem:$0x3F9B] =	sst lr;
	_ =	strace $0xD0000000  }
0x3: {  	_ = 	snop  }
0x4: {  	_ = 	snop  }
0x5: {  	_ = 	snop  }
0x6: {  	_ = 	snop  }
0x7: {  	_ = 	snop  }
__scs_overlays_trampoline_lowered:
0x8: {  	[smem:$0x3FAA] =	sst s0  }
0x9: {  	[smem:$0x3FAB] =	sst s1  }
0xa: {  	[smem:$0x3FAC] =	sst s2  }
0xb: {  	[smem:$0x3FAD] =	sst s3  }
0xc: {  	[smem:$0x3FAE] =	sst s4  }
0xd: {  	[smem:$0x3FAF] =	sst s5  }
0xe: {  	[smem:$0x3FB0] =	sst s6  }
0xf: {  	[smem:$0x3FB1] =	sst s7  }
0x10: {  	[smem:$0x3FB2] =	sst s8  }
0x11: {  	[smem:$0x3FB3] =	sst s9;
	s0 =	simm.s32 @!p0 $0x0  }
0x12: {  	s1 =	sld [smem:$0x3F99];
	s0 =	simm.s32 @p0 $0x1  }
0x13: {  	[smem:$0x3FB4] =	sst s0;
	s0 =	simm.s32 @!p1 $0x0  }
0x14: {  	s2 =	sld [smem:$0x3F98];
	s0 =	simm.s32 @p1 $0x1  }
0x15: {  	[smem:$0x3FB5] =	sst s0;
	s0 =	simm.s32 @!p2 $0x0  }
0x16: {  	s3 =	sld [smem:$0x3FDB];
	s0 =	simm.s32 @p2 $0x1  }
0x17: {  	s4 =	simm.s32 $0x1BF5;
	[smem:$0x3FB7] =	sst s0  }
0x18: {  	s0 =	sld [smem:$0x3F9A];
	_ =	swait.ge [sflag:s4], $0x0  }
0x19: {  	s7 =	sld [smem:$0x3F9B]  }
0x1a: {  	s8 =	sadd.s32 $0xFFFFE003, lr  }
0x1b: {  	s9 =	sadd.s32 $0xFFFFFEF7, lr;
	s5 =	simm.s32 $0xFFFFFFFF;
	p2 =	slt.u32 s8, $0xFFFFF086  }
0x1c: {  	p1 =	slt.u32 s9, $0xF7A;
	s5 =	simm.s32 @!p2 $0x0  }
0x1d: {  	s5 =	simm.s32 @p1 $0x1;
	p0 =	seq.s32 s7, s2  }
0x1e: {  	s7 =	smul.u32 @!p0 $0xF7A, s2;
	p2 =	seq.s32 @!p0 s5, $0x0  }
0x1f: {  	s9 =	smul.u32 $0xF7A, s1;
	s8 =	simm.s32 @!p0 $0x1BF5;
	p2 =	por !p2, p0  }
0x20: {  	[sflag:s8] =	ssyncset.s32 @!p0 $0xFFFFF086;
	s6 =	sadd.s32 @!p0 s3, s7;
	s7 =	simm.s32 @!p0 $0x108  }
0x21: {  	s3 =	sadd.s32 s3, s9;
	s6 =	sadd.s32 @!p0 $0x88, s6;
	s7 =	simm.s32 @p2 $0x1082  }
0x22: {  	[simem:s7], [sflag:s8] =	dma.local @!p0 [hbm:s6], $0xF7A  }
0x23: {  	s9 =	sor.u32 $0xD0000000, s2;
	s6 =	simm.s32 $0x108;
	_ =	swait.ge @!p0 [sflag:s8], $0x0  }
0x24: {  	s3 =	sadd.s32 $0x88, s3;
	s6 =	simm.s32 @!p1 $0x1082;
	[sflag:s4] =	ssyncset.s32 $0xFFFFF086  }
0x25: {  	[simem:s6], [sflag:s4] =	dma.local [hbm:s3], $0xF7A  }
0x26: {  	[smem:$0x3F9B] =	sst s1;
	(tag) =	ssettag s2;
	_ =	strace s9  }
0x27: {  	s1 =	sld [smem:$0x3FAB]  }
0x28: {  	s2 =	sld [smem:$0x3FAC]  }
0x29: {  	s4 =	sld [smem:$0x3FAE]  }
0x2a: {  	p0 =	seq.s32 s5, $0x0;
	s5 =	sld [smem:$0x3FAF]  }
0x2b: {  	s6 =	sld [smem:$0x3FB0]  }
0x2c: {  	s7 =	sld [smem:$0x3FB1]  }
0x2d: {  	s3 =	simm.s32 $0x108;
	s8 =	sld [smem:$0x3FB2]  }
0x2e: {  	s3 =	simm.s32 @!p0 $0x1082;
	s9 =	sld [smem:$0x3FB3]  }
0x2f: {  	lr =	sadd.s32 s0, s3;
	s0 =	sld [smem:$0x3FAA]  }
0x30: {  	s3 =	sld [smem:$0x3FAD]  }
0x31: {  	[smem:$0x3FB6] =	sst s10  }
0x32: {  	s10 =	sld [smem:$0x3FB4];
	_ =	sdelay $0x3  }
0x33: {  	p0 =	seq.s32 s10, $0x1;
	s10 =	sld [smem:$0x3FB6];
	_ =	sdelay $0x3  }
0x34: {  	[smem:$0x3FB6] =	sst s10  }
0x35: {  	s10 =	sld [smem:$0x3FB5];
	_ =	sdelay $0x3  }
0x36: {  	p1 =	seq.s32 s10, $0x1;
	s10 =	sld [smem:$0x3FB6];
	_ =	sdelay $0x3  }
0x37: {  	[smem:$0x3FB6] =	sst s10  }
0x38: {  	s10 =	sld [smem:$0x3FB7]  }
0x39: {  	_ = 	snop;
	(pc) =	sbr.ind lr, $3  }
0x3a: {  	_ = 	snop  }
0x3b: {  	_ = 	snop  }
0x3c: {  	p2 =	seq.s32 s10, $0x1;
	s10 =	sld [smem:$0x3FB6]  }
0x3d: {  	_ =	shalt  }
0x3e: {  	_ =	shalt  }
0x3f: {  	_ =	shalt  }
0x40: {  	_ =	shalt  }
0x41: {  	_ =	shalt  }
0x42: {  	_ =	shalt  }
0x43: {  	_ =	shalt  }
0x44: {  	_ =	shalt  }
0x45: {  	_ =	shalt  }
0x46: {  	_ =	shalt  }
0x47: {  	_ =	shalt  }
0x48: {  	_ =	shalt  }
0x49: {  	_ =	shalt  }
0x4a: {  	_ =	shalt  }
0x4b: {  	_ =	shalt  }
0x4c: {  	_ =	shalt  }
0x4d: {  	_ =	shalt  }
0x4e: {  	_ =	shalt  }
0x4f: {  	_ =	shalt  }
0x50: {  	_ =	shalt  }
0x51: {  	_ =	shalt  }
0x52: {  	_ =	shalt  }
0x53: {  	_ =	shalt  }
0x54: {  	_ =	shalt  }
0x55: {  	_ =	shalt  }
0x56: {  	_ =	shalt  }
0x57: {  	_ =	shalt  }
0x58: {  	_ =	shalt  }
0x59: {  	_ =	shalt  }
0x5a: {  	_ =	shalt  }
0x5b: {  	_ =	shalt  }
0x5c: {  	_ =	shalt  }
0x5d: {  	_ =	shalt  }
0x5e: {  	_ =	shalt  }
0x5f: {  	_ =	shalt  }
0x60: {  	_ =	shalt  }
0x61: {  	_ =	shalt  }
0x62: {  	_ =	shalt  }
0x63: {  	_ =	shalt  }
0x64: {  	_ =	shalt  }
0x65: {  	_ =	shalt  }
0x66: {  	_ =	shalt  }
0x67: {  	_ =	shalt  }
0x68: {  	_ =	shalt  }
0x69: {  	_ =	shalt  }
0x6a: {  	_ =	shalt  }
0x6b: {  	_ =	shalt  }
0x6c: {  	_ =	shalt  }
0x6d: {  	_ =	shalt  }
0x6e: {  	_ =	shalt  }
0x6f: {  	_ =	shalt  }
0x70: {  	_ =	shalt  }
0x71: {  	_ =	shalt  }
0x72: {  	_ =	shalt  }
0x73: {  	_ =	shalt  }
0x74: {  	_ =	shalt  }
0x75: {  	_ =	shalt  }
0x76: {  	_ =	shalt  }
0x77: {  	_ =	shalt  }
0x78: {  	_ =	shalt  }
0x79: {  	_ =	shalt  }
0x7a: {  	_ =	shalt  }
0x7b: {  	_ =	shalt  }
0x7c: {  	_ =	shalt  }
0x7d: {  	_ =	shalt  }
0x7e: {  	_ =	shalt  }
0x7f: {  	_ =	shalt  }
0x80: {  	_ =	shalt  }
0x81: {  	_ =	shalt  }
0x82: {  	_ =	shalt  }
0x83: {  	_ =	shalt  }
0x84: {  	_ =	shalt  }
0x85: {  	_ =	shalt  }
0x86: {  	_ =	shalt  }
0x87: {  	_ =	shalt  }
.Lfunc_end0:
.L_simem_size_0:
called_computation.1_lowered:
.L_overlay_start_0:
0x88: {  	s2 =	sld [smem:$0x3FD9]  }
0x89: {  	s3 =	sld [smem:$0x3FFE];
	_ =	sdelay $0x1  }
0x8a: {  	s1 =	srdreg.scid  }
0x8b: {  	s0 =	sand.u32 $0x1, s1  }
0x8c: {  	s14 =	sshll.u32 s0, $0xA;
	s2 =	sadd.s32 s3, s2  }
0x8d: {  	s2 =	sadd.s32 s2, s14  }
0x8e: {  	[smem:$0x3FC2] =	sst s2  }
0x8f: {  	_ = 	snop  }
0x90: {  	s2 =	sld [smem:$0x3FD0];
	_ =	sdelay $0x2  }
0x91: {  	s15 =	simm.s32 $0xA;
	s4 =	simm.s32 $0x10  }
0x92: {  	[smem:s4], [sflag:s15] =	dma.local [hbm:s2], $0x1  }
0x93: {  	_ =	swait.eq [sflag:s15], $0x1  }
0x94: {  	[sflag:s15] =	ssyncset.done $0x0  }
0x95: {  	[sflag:s15] =	ssyncadd.s32 $0xFFFFFFFF  }
0x96: {  	s16 =	sld [smem:$0x11];
	(tm) =	ssettm $0x1  }
0x97: {  	s17 =	sld [smem:$0x3FFB];
	_ =	sdelay $0x3  }
0x98: {  	_ =	strace s17  }
0x99: {  	s3 =	sld [smem:$0x3FFC];
	_ =	sdelay $0x3  }
0x9a: {  	_ =	strace s3  }
0x9b: {  	s3 =	sld [smem:$0x3FFD];
	_ =	sdelay $0x3  }
0x9c: {  	_ =	strace s3  }
0x9d: {  	_ =	strace $0x8FFFFFFF  }
0x9e: {  	s18 =	sld [smem:$0x3FDB];
	_ =	sdelay $0x1  }
0x9f: {  	s19 =	simm.s32 $_scs_section_size  }
0xa0: {  	s5 =	simm.s32 $_size__tile_overlayer_lowered;
	s6 =	simm.s32 $_tile_overlayer_lowered  }
0xa1: {  	s22 =	simm.s32 $0x1BFF;
	s21 =	sshll.u32 s6, $0x1;
	s3 =	sadd.s32 s19, s18  }
0xa2: {  	s7 =	simm.s32 $0x0;
	s20 =	sshll.u32 s5, $0x1;
	s5 =	sadd.s32 s21, s3  }
0xa3: {  	[timem:s7], [sflag:s22] =	dma.local [hbm:s5], s20  }
0xa4: {  	_ =	swait.ge [sflag:s22], s20  }
0xa5: {  	s4 =	ssub.s32 $0x0, s20;
	[sflag:s22] =	ssyncset.done $0x0  }
0xa6: {  	[sflag:s22] =	ssyncadd.s32 s4;
	_ =	sdelay $0x1  }
0xa7: {  	s23 =	simm.s32 $0x1B8B  }
0xa8: {  	_ =	swait.ge [sflag:s23], $0x1  }
0xa9: {  	[sflag:s23] =	ssyncset.done $0x0  }
0xaa: {  	s25 =	simm.s32 $0x1B8E;
	s24 =	sld [smem:$0x3FFE];
	[sflag:s23] =	ssyncadd.s32 $0xFFFFFFFF  }
0xab: {  	s26 =	simm.s32 $execute0_lowered;
	[smem:$0x3FD2] =	sst s25  }
0xac: {  	s5 =	sshll.u32 s26, $0x1;
	_ =	strace $0x80000049;
	[dreg:$0x1] =	wrdreg $0xFFFFFFFF  }
0xad: {  	s28 =	simm.s32 $_size_execute0_lowered;
	s3 =	sadd.s32 s3, s5;
	[dreg:$0x0] =	wrdreg $0x0  }
0xae: {  	s5 =	sshll.u32 s28, $0x1;
	[dreg:$0x2] =	wrdreg s3  }
0xaf: {  	[dreg:$0x3] =	wrdreg s5  }
0xb0: {  	[dreg:$0x4] =	wrdreg $0xC0  }
0xb1: {  	_ =	task [dreg:s7], $0x5FFFF  }
0xb2: {  	[dreg:$0x1] =	wrdreg $0xFFFFFFFF  }
0xb3: {  	[dreg:$0x0] =	wrdreg $0x60  }
0xb4: {  	[dreg:$0x2] =	wrdreg s24  }
0xb5: {  	[dreg:$0x3] =	wrdreg s16  }
0xb6: {  	[dreg:$0x4] =	wrdreg $0xA0000  }
0xb7: {  	[dreg:$0x5] =	wrdreg $0x9  }
0xb8: {  	_ =	task.clear_ibuf [dreg:s7], $0x6FFFF;
	_ =	strace $0x90000049  }
0xb9: {  	s29 =	simm.s32 $0x9;
	_ =	strace $0x8000004B  }
0xba: {  	_ =	swait.ge [sflag:s29], $0x1  }
0xbb: {  	[sflag:s29] =	ssyncadd.s32 $0xFFFFFFFF  }
0xbc: {  	_ =	strace $0x9000004B  }
0xbd: {  	_ =	sfence  }
0xbe: {  	s30 =	sld [smem:$0x0];
	_ =	sdelay $0x2  }
0xbf: {  	s31 =	sshll.u32 s1, $0xD;
	s1 =	sshrl.u32 s1, $0x2  }
0xc0: {  	s3 =	sand.u32 $0x4000, s31;
	s1 =	sadd.s32 s1, s30  }
0xc1: {  	s0 =	sor.u32 s3, s0;
	s1 =	sshll.u32 s1, $0x11  }
0xc2: {  	s0 =	sor.u32 s1, s0  }
0xc3: {  	s0 =	sadd.s32 $0x8F2B, s0  }
0xc4: {  	[sflag:s0] =	ssyncadd.remote.s32 $0x1  }
0xc5: {  	_ =	sfence.sel $0xFFFF  }
0xc6: {  	[dreg:$0x0] =	wrdreg $0xFFFFFFFF;
	(pc) =	sbr.abs _section_cstart, $3  }
0xc7: {  	[dreg:$0x1] =	wrdreg $0xFFFFFFFF  }
0xc8: {  	_ =	task.clear_ibuf [dreg:s7], $0x2FFFF;
	_ =	strace $0x9FFFFFFF  }
0xc9: {  	(tm) =	ssettm $0x7FFFFFFF  }
tec
execute0_lowered:
.L_overlay_start_1:
0x0: {  	(tag) =	ssettag $0x1  }
0x1: {  	s4 =	rddreg [dreg:$0x0];
	s0 =	srdreg.scid  }
0x2: {  	s1 =	rddreg [dreg:$0x1];
	s19 =	stileid.u32  }
0x3: {  	s2 =	simm.s32 $0x0;
	s30 =	simm.s32 $0x8;
	s31 =	simm.s32 $0x4  }
0x4: {  	s3 =	sand.u32 $0x1, s0;
	s5 =	smul.u32 $0x280, s19;
	[smem:$0x7FF] =	sst s2  }
0x5: {  	s7 =	sadd.s32 $0x3400, s4;
	s16 =	sshll.u32 s19, $0xF;
	s24 =	sshll.u32 s19, $0xD  }
0x6: {  	s0 =	ssub.s32 $0x2, s3;
	s13 =	smul.u32 $0x2800, s3;
	p0 =	seq.s32 s3, $0x0  }
0x7: {  	s3 =	sor.u32 $0x80000, s24;
	s6 =	sshrl.u32 s0, $0x1;
	s8 =	sadd.s32 $0x80, s5  }
0x8: {  	s9 =	sadd.s32 $0xC0, s5;
	s10 =	sadd.s32 $0x100, s5;
	s11 =	sadd.s32 $0x140, s5  }
0x9: {  	s12 =	sadd.s32 $0x180, s5;
	s14 =	sadd.s32 $0x1C0, s5;
	s15 =	sadd.s32 $0x200, s5  }
0xa: {  	s18 =	sadd.s32 $0x240, s5;
	s3 =	smov.u32 @p0 s16;
	s30 =	simm.s32 @!p0 $0x2  }
0xb: {  	s0 =	ssub.s32 s0, s6;
	s6 =	sor.u32 $0x40, s5;
	s5 =	sadd.s32 s5, s13  }
0xc: {  	s16 =	sadd.s32 s13, s8;
	s20 =	sadd.s32 s13, s10;
	s24 =	sadd.s32 s13, s11  }
0xd: {  	s8 =	sshll.u32 s8, $0x7;
	s10 =	sshll.u32 s10, $0x7;
	s11 =	sshll.u32 s11, $0x7  }
0xe: {  	s17 =	sadd.s32 s13, s6;
	s5 =	sshll.u32 s5, $0x4;
	s22 =	sshll.u32 s20, $0x4  }
0xf: {  	s0 =	smax.u32 s0, $0x1;
	s25 =	sshll.u32 s17, $0x4;
	s5 =	sadd.s32 s7, s5  }
0x10: {  	s17 =	sadd.s32 s13, s9;
	s23 =	sadd.s32 s7, s22;
	s22 =	sadd.s32 s13, s15  }
0x11: {  	s9 =	sshll.u32 s9, $0x7;
	[dreg:$0x4] =	wrdreg s5;
	s26 =	sadd.s32 s7, s25  }
0x12: {  	s5 =	sshll.u32 s16, $0x4;
	s21 =	sshll.u32 s17, $0x4;
	[dreg:$0x8] =	wrdreg s23  }
0x13: {  	s25 =	sadd.s32 s13, s12;
	s23 =	sadd.s32 s13, s18;
	[dreg:$0x5] =	wrdreg s26  }
0x14: {  	s5 =	sadd.s32 s7, s5;
	s26 =	sadd.s32 s13, s14;
	s13 =	rddreg [dreg:$0x2]  }
0x15: {  	s17 =	sadd.s32 $0x67800, s4;
	s16 =	sshll.u32 s25, $0x4;
	[dreg:$0x6] =	wrdreg s5  }
0x16: {  	s5 =	sadd.s32 s7, s21;
	s20 =	sshll.u32 s26, $0x4;
	s8 =	sadd.s32 s8, s13  }
0x17: {  	[dreg:$0x7] =	wrdreg s5;
	s5 =	sshll.u32 s24, $0x4;
	s21 =	sadd.s32 s7, s20  }
0x18: {  	s24 =	smul.u32 $0x50000, s19;
	s19 =	sadd.s32 s9, s13;
	s20 =	sshll.u32 s12, $0x7  }
0x19: {  	s9 =	simm.s32 $0x6000;
	s5 =	sadd.s32 s7, s5;
	[dreg:$0xb] =	wrdreg s21  }
0x1a: {  	[dreg:$0x9] =	wrdreg s5;
	s5 =	sadd.s32 s7, s16;
	s16 =	sshll.u32 s23, $0x4  }
0x1b: {  	[dreg:$0xa] =	wrdreg s5;
	s5 =	sshll.u32 s22, $0x4;
	s25 =	sadd.s32 s7, s16  }
0x1c: {  	s26 =	sshrl.u32 s24, $0x2;
	s5 =	sadd.s32 s7, s5;
	[dreg:$0xd] =	wrdreg s25  }
0x1d: {  	s16 =	sadd.s32 $0x53800, s4;
	s4 =	sadd.s32 $0x3000, s4;
	[dreg:$0xc] =	wrdreg s5  }
0x1e: {  	s5 =	sadd.s32 s26, s13;
	_ =	strace $0x8000004A;
	[dreg:$0xe] =	wrdreg s4  }
0x1f: {  	s12 =	simm.s32 $0x8000;
	s29 =	sadd.s32 s20, s13;
	[dreg:$0x15] =	wrdreg s5  }
0x20: {  	s21 =	sshll.u32 s14, $0x7;
	s14 =	simm.s32 $0x1;
	[dreg:$0x19] =	wrdreg s0  }
0x21: {  	s20 =	simm.s32 $0x1E80;
	s23 =	sadd.s32 s10, s13;
	[dreg:$0x10] =	wrdreg s8  }
0x22: {  	s24 =	sshll.u32 s18, $0x7;
	s18 =	simm.s32 $0x3;
	[dreg:$0x11] =	wrdreg s19  }
0x23: {  	s22 =	sshll.u32 s15, $0x7;
	s25 =	sadd.s32 s11, s13;
	[dreg:$0x12] =	wrdreg s23  }
0x24: {  	s15 =	simm.s32 $0x2;
	s7 =	sshll.u32 s6, $0x7;
	[dreg:$0x13] =	wrdreg s25  }
0x25: {  	s28 =	sadd.s32 s22, s13;
	s26 =	sadd.s32 s21, s13;
	[dreg:$0x14] =	wrdreg s29  }
0x26: {  	s11 =	simm.s32 $0x2000;
	s6 =	simm.s32 $0x80;
	[dreg:$0x16] =	wrdreg s26  }
0x27: {  	s22 =	simm.s32 $0x1F80;
	s4 =	sadd.s32 s7, s13;
	[dreg:$0x17] =	wrdreg s28  }
0x28: {  	[dreg:$0xf] =	wrdreg s4;
	s4 =	sadd.s32 s24, s13;
	s24 =	simm.s32 $0x0  }
0x29: {  	s21 =	simm.s32 $0x1F00;
	s0 =	simm.s32 $0x5;
	[dreg:$0x1a] =	wrdreg s24  }
0x2a: {  	s5 =	simm.s32 $0x40;
	s7 =	simm.s32 $0x4000;
	[dreg:$0x18] =	wrdreg s4  }
.LBB2_1:
0x2b: {  	s24 =	rddreg [dreg:$0xe]  }
0x2c: {  	[tilespmem:s11], [sflag:$0x5] =	stream.linear.gather [hbm4b:s24+s2], $0x2000, $0x38;
	[tilespmem:$0x1E000] =	vst v63  }
0x2d: {  	_ =	swait.ge [sflag:s0], $0x2000  }
0x2e: {  	[sflag:s0] =	ssyncset.done $0x0  }
0x2f: {  	s10 =	rddreg [dreg:$0x15];
	[sflag:s0] =	ssyncadd.s32 $0xFFFFE000  }
0x30: {  	[spmem:s10] =	stream.linear.scatter [tilespmem:s11], [sflag:$0x5], $0x2000, $0x38;
	[tilespmem:$0x1E000] =	vst v63  }
0x31: {  	_ =	swait.ge [sflag:s0], $0x2000  }
0x32: {  	[sflag:s0] =	ssyncset.done $0x0  }
0x33: {  	s10 =	rddreg [dreg:$0xf];
	[sflag:s0] =	ssyncadd.s32 $0xFFFFE000  }
0x34: {  	[spmem:s10] =	stream.linear.scatter [tilespmem:s11], [sflag:$0x5], $0x2000, $0x38;
	[tilespmem:$0x1E000] =	vst v63  }
0x35: {  	_ =	swait.ge [sflag:s0], $0x2000  }
0x36: {  	[sflag:s0] =	ssyncset.done $0x0  }
0x37: {  	s24 =	smov.u32 s19;
	s19 =	smov.u32 s8;
	[sflag:s0] =	ssyncadd.s32 $0xFFFFE000  }
0x38: {  	[spmem:s19] =	stream.linear.scatter [tilespmem:s11], [sflag:$0x5], $0x2000, $0x38;
	[tilespmem:$0x1E000] =	vst v63  }
0x39: {  	_ =	swait.ge [sflag:s0], $0x2000  }
0x3a: {  	[sflag:s0] =	ssyncset.done $0x0  }
0x3b: {  	[sflag:s0] =	ssyncadd.s32 $0xFFFFE000  }
0x3c: {  	[spmem:s24] =	stream.linear.scatter [tilespmem:s11], [sflag:$0x5], $0x2000, $0x38;
	[tilespmem:$0x1E000] =	vst v63  }
0x3d: {  	_ =	swait.ge [sflag:s0], $0x2000  }
0x3e: {  	[sflag:s0] =	ssyncset.done $0x0  }
0x3f: {  	[sflag:s0] =	ssyncadd.s32 $0xFFFFE000  }
0x40: {  	[spmem:s23] =	stream.linear.scatter [tilespmem:s11], [sflag:$0x5], $0x2000, $0x38;
	[tilespmem:$0x1E000] =	vst v63  }
0x41: {  	_ =	swait.ge [sflag:s0], $0x2000  }
0x42: {  	[sflag:s0] =	ssyncset.done $0x0  }
0x43: {  	[sflag:s0] =	ssyncadd.s32 $0xFFFFE000  }
0x44: {  	[spmem:s25] =	stream.linear.scatter [tilespmem:s11], [sflag:$0x5], $0x2000, $0x38;
	[tilespmem:$0x1E000] =	vst v63  }
0x45: {  	_ =	swait.ge [sflag:s0], $0x2000  }
0x46: {  	[sflag:s0] =	ssyncset.done $0x0  }
0x47: {  	[sflag:s0] =	ssyncadd.s32 $0xFFFFE000  }
0x48: {  	[spmem:s29] =	stream.linear.scatter [tilespmem:s11], [sflag:$0x5], $0x2000, $0x38;
	[tilespmem:$0x1E000] =	vst v63  }
0x49: {  	_ =	swait.ge [sflag:s0], $0x2000  }
0x4a: {  	[sflag:s0] =	ssyncset.done $0x0  }
0x4b: {  	[sflag:s0] =	ssyncadd.s32 $0xFFFFE000  }
0x4c: {  	[spmem:s26] =	stream.linear.scatter [tilespmem:s11], [sflag:$0x5], $0x2000, $0x38;
	[tilespmem:$0x1E000] =	vst v63  }
0x4d: {  	_ =	swait.ge [sflag:s0], $0x2000  }
0x4e: {  	[sflag:s0] =	ssyncset.done $0x0  }
0x4f: {  	[sflag:s0] =	ssyncadd.s32 $0xFFFFE000  }
0x50: {  	[spmem:s28] =	stream.linear.scatter [tilespmem:s11], [sflag:$0x5], $0x2000, $0x38;
	[tilespmem:$0x1E000] =	vst v63  }
0x51: {  	_ =	swait.ge [sflag:s0], $0x2000  }
0x52: {  	[sflag:s0] =	ssyncset.done $0x0  }
0x53: {  	[sflag:s0] =	ssyncadd.s32 $0xFFFFE000  }
0x54: {  	[spmem:s4] =	stream.linear.scatter [tilespmem:s11], [sflag:$0x5], $0x2000, $0x38;
	[tilespmem:$0x1E000] =	vst v63  }
0x55: {  	_ =	swait.ge [sflag:s0], $0x2000  }
0x56: {  	s8 =	simm.s32 $0x100;
	[sflag:s0] =	ssyncset.done $0x0  }
0x57: {  	s10 =	simm.s32 $0x180;
	s19 =	simm.s32 $0x1E00;
	[sflag:s0] =	ssyncadd.s32 $0xFFFFE000  }
0x58: {  	s24 =	simm.s32 $0x0;
	s4 =	simm.s32 $0x1000;
	[bflag:$0x0] =	sbarrier.arrive $0xFFFF  }
.LBB2_2:
0x59: {  	s25 =	sshll.u32 s24, $0xC  }
0x5a: {  	s25 =	sadd.s32 s3, s25  }
0x5b: {  	s25 =	sshrl.u32 s25, $0x3  }
0x5c: {  	s28 =	simm.s32 $0x0;
	s26 =	sadd.s32 s16, s25  }
0x5d: {  	[tilespmem:s28], [sflag:$0x5] =	stream.linear.gather [hbm4b:s26+s28], $0x1000, $0x38;
	[tilespmem:$0x1E000] =	vst v63  }
0x5e: {  	_ =	swait.ge [sflag:s0], $0x1000  }
0x5f: {  	[sflag:s0] =	ssyncset.done $0x0  }
0x60: {  	s25 =	sadd.s32 s17, s25;
	[sflag:s0] =	ssyncadd.s32 $0xFFFFF000  }
0x61: {  	[tilespmem:s4], [sflag:$0x5] =	stream.linear.gather [hbm4b:s25+s28], $0x1000, $0x38;
	[tilespmem:$0x1E000] =	vst v63  }
0x62: {  	_ =	swait.ge [sflag:s0], $0x1000  }
0x63: {  	[sflag:s0] =	ssyncset.done $0x0  }
0x64: {  	[sflag:s0] =	ssyncadd.s32 $0xFFFFF000  }
0x65: {  	[tilespmem:s11], [sflag:$0x1] =	stream.indirect.gather [hbm4b:s1+s5], $0x80, s28, s5, $0xb8;
	[tilespmem:$0x1E000] =	vst v63  }
0x66: {  	_ = 	snop  }
0x67: {  	[tilespmem:s7], [sflag:$0x2] =	stream.indirect.gather [hbm4b:s1+s5], $0x80, s6, s5, $0xb8;
	[tilespmem:$0x1E000] =	vst v63  }
0x68: {  	_ = 	snop  }
0x69: {  	[tilespmem:s9], [sflag:$0x3] =	stream.indirect.gather [hbm4b:s1+s5], $0x80, s8, s5, $0xb8;
	[tilespmem:$0x1E000] =	vst v63  }
0x6a: {  	_ = 	snop  }
0x6b: {  	[tilespmem:s12], [sflag:$0x4] =	stream.indirect.gather [hbm4b:s1+s5], $0x80, s10, s5, $0xb8;
	[tilespmem:$0x1E000] =	vst v63  }
0x6c: {  	_ =	swait.ge [sflag:s14], $0x2000  }
0x6d: {  	[sflag:s14] =	ssyncset.done $0x0  }
0x6e: {  	s26 =	simm.s32 $0x1000;
	[sflag:s14] =	ssyncadd.s32 $0xFFFFE000  }
0x6f: {  	[spmem:s13] =	stream.indirect.scatter.add.f32 [tilespmem:s11], [sflag:$0x5], $0x80, s26, s5, $0xb8;
	[tilespmem:$0x1E000] =	vst v63  }
0x70: {  	_ =	swait.ge [sflag:s0], $0x2000  }
0x71: {  	[sflag:s0] =	ssyncset.done $0x0  }
0x72: {  	s28 =	simm.s32 $0x200;
	[sflag:s0] =	ssyncadd.s32 $0xFFFFE000  }
0x73: {  	[tilespmem:s11], [sflag:$0x1] =	stream.indirect.gather [hbm4b:s1+s5], $0x80, s28, s5, $0xb8;
	[tilespmem:$0x1E000] =	vst v63  }
0x74: {  	_ =	swait.ge [sflag:s15], $0x2000  }
0x75: {  	[sflag:s15] =	ssyncset.done $0x0  }
0x76: {  	s29 =	simm.s32 $0x1080;
	[sflag:s15] =	ssyncadd.s32 $0xFFFFE000  }
0x77: {  	[spmem:s13] =	stream.indirect.scatter.add.f32 [tilespmem:s7], [sflag:$0x5], $0x80, s29, s5, $0xb8;
	[tilespmem:$0x1E000] =	vst v63  }
0x78: {  	_ =	swait.ge [sflag:s0], $0x2000  }
0x79: {  	[sflag:s0] =	ssyncset.done $0x0  }
0x7a: {  	s23 =	simm.s32 $0x280;
	[sflag:s0] =	ssyncadd.s32 $0xFFFFE000  }
0x7b: {  	[tilespmem:s7], [sflag:$0x2] =	stream.indirect.gather [hbm4b:s1+s5], $0x80, s23, s5, $0xb8;
	[tilespmem:$0x1E000] =	vst v63  }
0x7c: {  	_ =	swait.ge [sflag:s18], $0x2000  }
0x7d: {  	[sflag:s18] =	ssyncset.done $0x0  }
0x7e: {  	s26 =	simm.s32 $0x1100;
	[sflag:s18] =	ssyncadd.s32 $0xFFFFE000  }
0x7f: {  	[spmem:s13] =	stream.indirect.scatter.add.f32 [tilespmem:s9], [sflag:$0x5], $0x80, s26, s5, $0xb8;
	[tilespmem:$0x1E000] =	vst v63  }
0x80: {  	_ =	swait.ge [sflag:s0], $0x2000  }
0x81: {  	[sflag:s0] =	ssyncset.done $0x0  }
0x82: {  	s28 =	simm.s32 $0x300;
	[sflag:s0] =	ssyncadd.s32 $0xFFFFE000  }
0x83: {  	[tilespmem:s9], [sflag:$0x3] =	stream.indirect.gather [hbm4b:s1+s5], $0x80, s28, s5, $0xb8;
	[tilespmem:$0x1E000] =	vst v63  }
0x84: {  	_ =	swait.ge [sflag:s31], $0x2000  }
0x85: {  	[sflag:s31] =	ssyncset.done $0x0  }
0x86: {  	s29 =	simm.s32 $0x1180;
	[sflag:s31] =	ssyncadd.s32 $0xFFFFE000  }
0x87: {  	[spmem:s13] =	stream.indirect.scatter.add.f32 [tilespmem:s12], [sflag:$0x5], $0x80, s29, s5, $0xb8;
	[tilespmem:$0x1E000] =	vst v63  }
0x88: {  	_ =	swait.ge [sflag:s0], $0x2000  }
0x89: {  	[sflag:s0] =	ssyncset.done $0x0  }
0x8a: {  	s25 =	simm.s32 $0x800;
	s26 =	simm.s32 $0x380;
	[sflag:s0] =	ssyncadd.s32 $0xFFFFE000  }
.LBB2_3:
0x8b: {  	[tilespmem:s12], [sflag:$0x4] =	stream.indirect.gather [hbm4b:s1+s5], $0x80, s26, s5, $0xb8;
	[tilespmem:$0x1E000] =	vst v63  }
0x8c: {  	s26 =	smov.u32 s25  }
0x8d: {  	p0 =	sne.s32 s25, $0x3000;
	s25 =	sadd.s32 $0x800, s25;
	_ =	swait.ge [sflag:s14], $0x2000  }
0x8e: {  	s26 =	sshra.s32 s26, $0x2;
	[sflag:s14] =	ssyncset.done $0x0  }
0x8f: {  	s28 =	sadd.s32 $0x1000, s26;
	[sflag:s14] =	ssyncadd.s32 $0xFFFFE000  }
0x90: {  	[spmem:s13] =	stream.indirect.scatter.add.f32 [tilespmem:s11], [sflag:$0x5], $0x80, s28, s5, $0xb8;
	[tilespmem:$0x1E000] =	vst v63  }
0x91: {  	_ =	swait.ge [sflag:s0], $0x2000  }
0x92: {  	[sflag:s0] =	ssyncset.done $0x0  }
0x93: {  	s28 =	sadd.s32 $0x200, s26;
	[sflag:s0] =	ssyncadd.s32 $0xFFFFE000  }
0x94: {  	[tilespmem:s11], [sflag:$0x1] =	stream.indirect.gather [hbm4b:s1+s5], $0x80, s28, s5, $0xb8;
	[tilespmem:$0x1E000] =	vst v63  }
0x95: {  	_ =	swait.ge [sflag:s15], $0x2000  }
0x96: {  	[sflag:s15] =	ssyncset.done $0x0  }
0x97: {  	s28 =	sadd.s32 $0x1080, s26;
	[sflag:s15] =	ssyncadd.s32 $0xFFFFE000  }
0x98: {  	[spmem:s13] =	stream.indirect.scatter.add.f32 [tilespmem:s7], [sflag:$0x5], $0x80, s28, s5, $0xb8;
	[tilespmem:$0x1E000] =	vst v63  }
0x99: {  	_ =	swait.ge [sflag:s0], $0x2000  }
0x9a: {  	[sflag:s0] =	ssyncset.done $0x0  }
0x9b: {  	s28 =	sadd.s32 $0x280, s26;
	[sflag:s0] =	ssyncadd.s32 $0xFFFFE000  }
0x9c: {  	[tilespmem:s7], [sflag:$0x2] =	stream.indirect.gather [hbm4b:s1+s5], $0x80, s28, s5, $0xb8;
	[tilespmem:$0x1E000] =	vst v63  }
0x9d: {  	_ =	swait.ge [sflag:s18], $0x2000  }
0x9e: {  	[sflag:s18] =	ssyncset.done $0x0  }
0x9f: {  	s28 =	sadd.s32 $0x1100, s26;
	[sflag:s18] =	ssyncadd.s32 $0xFFFFE000  }
0xa0: {  	[spmem:s13] =	stream.indirect.scatter.add.f32 [tilespmem:s9], [sflag:$0x5], $0x80, s28, s5, $0xb8;
	[tilespmem:$0x1E000] =	vst v63  }
0xa1: {  	_ =	swait.ge [sflag:s0], $0x2000  }
0xa2: {  	[sflag:s0] =	ssyncset.done $0x0  }
0xa3: {  	s28 =	sadd.s32 $0x300, s26;
	[sflag:s0] =	ssyncadd.s32 $0xFFFFE000  }
0xa4: {  	[tilespmem:s9], [sflag:$0x3] =	stream.indirect.gather [hbm4b:s1+s5], $0x80, s28, s5, $0xb8;
	[tilespmem:$0x1E000] =	vst v63  }
0xa5: {  	_ =	swait.ge [sflag:s31], $0x2000  }
0xa6: {  	[sflag:s31] =	ssyncset.done $0x0  }
.Ltmp0:
0xa7: {  	s28 =	sadd.s32 $0x1180, s26;
	[sflag:s31] =	ssyncadd.s32 $0xFFFFE000;
	(pc) =	sbr.rel @p0 .LBB2_3-.Ltmp0, $4  }
0xa8: {  	[spmem:s13] =	stream.indirect.scatter.add.f32 [tilespmem:s12], [sflag:$0x5], $0x80, s28, s5, $0xb8;
	[tilespmem:$0x1E000] =	vst v63  }
0xa9: {  	_ =	swait.ge [sflag:s0], $0x2000  }
0xaa: {  	[sflag:s0] =	ssyncset.done $0x0  }
0xab: {  	s26 =	sadd.s32 $0x380, s26;
	[sflag:s0] =	ssyncadd.s32 $0xFFFFE000  }
0xac: {  	[tilespmem:s12], [sflag:$0x4] =	stream.indirect.gather [hbm4b:s1+s5], $0x80, s26, s5, $0xb8;
	[tilespmem:$0x1E000] =	vst v63  }
0xad: {  	_ =	swait.ge [sflag:s14], $0x2000  }
0xae: {  	[sflag:s14] =	ssyncset.done $0x0  }
0xaf: {  	[sflag:s14] =	ssyncadd.s32 $0xFFFFE000  }
0xb0: {  	[spmem:s13] =	stream.indirect.scatter.add.f32 [tilespmem:s11], [sflag:$0x5], $0x80, s19, s5, $0xb8;
	[tilespmem:$0x1E000] =	vst v63  }
0xb1: {  	_ =	swait.ge [sflag:s0], $0x2000  }
0xb2: {  	[sflag:s0] =	ssyncset.done $0x0  }
0xb3: {  	[sflag:s0] =	ssyncadd.s32 $0xFFFFE000  }
0xb4: {  	[tilespmem:s11], [sflag:$0x1] =	stream.indirect.gather [hbm4b:s1+s5], $0x80, s2, s5, $0xb8;
	[tilespmem:$0x1E000] =	vst v63  }
0xb5: {  	_ =	swait.ge [sflag:s15], $0x2000  }
0xb6: {  	[sflag:s15] =	ssyncset.done $0x0  }
0xb7: {  	[sflag:s15] =	ssyncadd.s32 $0xFFFFE000  }
0xb8: {  	[spmem:s13] =	stream.indirect.scatter.add.f32 [tilespmem:s7], [sflag:$0x5], $0x80, s20, s5, $0xb8;
	[tilespmem:$0x1E000] =	vst v63  }
0xb9: {  	_ =	swait.ge [sflag:s0], $0x2000  }
0xba: {  	[sflag:s0] =	ssyncset.done $0x0  }
0xbb: {  	[sflag:s0] =	ssyncadd.s32 $0xFFFFE000  }
0xbc: {  	[tilespmem:s7], [sflag:$0x2] =	stream.indirect.gather [hbm4b:s1+s5], $0x80, s2, s5, $0xb8;
	[tilespmem:$0x1E000] =	vst v63  }
0xbd: {  	_ =	swait.ge [sflag:s18], $0x2000  }
0xbe: {  	[sflag:s18] =	ssyncset.done $0x0  }
0xbf: {  	[sflag:s18] =	ssyncadd.s32 $0xFFFFE000  }
0xc0: {  	[spmem:s13] =	stream.indirect.scatter.add.f32 [tilespmem:s9], [sflag:$0x5], $0x80, s21, s5, $0xb8;
	[tilespmem:$0x1E000] =	vst v63  }
0xc1: {  	_ =	swait.ge [sflag:s0], $0x2000  }
0xc2: {  	[sflag:s0] =	ssyncset.done $0x0  }
0xc3: {  	[sflag:s0] =	ssyncadd.s32 $0xFFFFE000  }
0xc4: {  	[tilespmem:s9], [sflag:$0x3] =	stream.indirect.gather [hbm4b:s1+s5], $0x80, s2, s5, $0xb8;
	[tilespmem:$0x1E000] =	vst v63  }
0xc5: {  	_ =	swait.ge [sflag:s31], $0x2000  }
0xc6: {  	[sflag:s31] =	ssyncset.done $0x0  }
0xc7: {  	[sflag:s31] =	ssyncadd.s32 $0xFFFFE000  }
0xc8: {  	[spmem:s13] =	stream.indirect.scatter.add.f32 [tilespmem:s12], [sflag:$0x5], $0x80, s22, s5, $0xb8;
	[tilespmem:$0x1E000] =	vst v63  }
0xc9: {  	_ =	swait.ge [sflag:s0], $0x2000  }
0xca: {  	[sflag:s0] =	ssyncset.done $0x0  }
0xcb: {  	[sflag:s0] =	ssyncadd.s32 $0xFFFFE000  }
0xcc: {  	[tilespmem:s12], [sflag:$0x4] =	stream.indirect.gather [hbm4b:s1+s5], $0x80, s2, s5, $0xb8;
	[tilespmem:$0x1E000] =	vst v63  }
0xcd: {  	_ =	swait.ge [sflag:s14], $0x2000  }
0xce: {  	[sflag:s14] =	ssyncset.done $0x0  }
0xcf: {  	[sflag:s14] =	ssyncadd.s32 $0xFFFFE000  }
0xd0: {  	_ =	swait.ge [sflag:s15], $0x2000  }
0xd1: {  	[sflag:s15] =	ssyncset.done $0x0  }
0xd2: {  	s24 =	sadd.s32 $0x1, s24;
	[sflag:s15] =	ssyncadd.s32 $0xFFFFE000  }
0xd3: {  	p0 =	sne.s32 s24, s30;
	_ =	swait.ge [sflag:s18], $0x2000  }
.Ltmp1:
0xd4: {  	[sflag:s18] =	ssyncset.done $0x0;
	(pc) =	sbr.rel @p0 .LBB2_2-.Ltmp1, $4  }
0xd5: {  	[sflag:s18] =	ssyncadd.s32 $0xFFFFE000  }
0xd6: {  	_ =	swait.ge [sflag:s31], $0x2000  }
0xd7: {  	[sflag:s31] =	ssyncset.done $0x0  }
0xd8: {  	[sflag:s31] =	ssyncadd.s32 $0xFFFFE000  }
0xd9: {  	[bflag:$0x0] =	sbarrier.arrive $0xFFFF  }
0xda: {  	s4 =	rddreg [dreg:$0x15]  }
0xdb: {  	[tilespmem:s11], [sflag:$0x5] =	stream.linear.gather [spmem:s4], $0x2000, $0x38;
	[tilespmem:$0x1E000] =	vst v63  }
0xdc: {  	_ =	swait.ge [sflag:s0], $0x2000  }
0xdd: {  	[sflag:s0] =	ssyncset.done $0x0  }
0xde: {  	s24 =	rddreg [dreg:$0x4];
	[sflag:s0] =	ssyncadd.s32 $0xFFFFE000  }
0xdf: {  	[hbm4b:s24+s2] =	stream.linear.scatter [tilespmem:s11], [sflag:$0x5], $0x2000, $0x38;
	[tilespmem:$0x1E000] =	vst v63  }
0xe0: {  	_ =	swait.ge [sflag:s0], $0x2000  }
0xe1: {  	[sflag:s0] =	ssyncset.done $0x0  }
0xe2: {  	s10 =	rddreg [dreg:$0xf];
	[sflag:s0] =	ssyncadd.s32 $0xFFFFE000  }
0xe3: {  	[tilespmem:s11], [sflag:$0x5] =	stream.linear.gather [spmem:s10], $0x2000, $0x38;
	[tilespmem:$0x1E000] =	vst v63  }
0xe4: {  	_ =	swait.ge [sflag:s0], $0x2000  }
0xe5: {  	[sflag:s0] =	ssyncset.done $0x0  }
0xe6: {  	s19 =	rddreg [dreg:$0x5];
	[sflag:s0] =	ssyncadd.s32 $0xFFFFE000  }
0xe7: {  	[hbm4b:s19+s2] =	stream.linear.scatter [tilespmem:s11], [sflag:$0x5], $0x2000, $0x38;
	[tilespmem:$0x1E000] =	vst v63  }
0xe8: {  	_ =	swait.ge [sflag:s0], $0x2000  }
0xe9: {  	[sflag:s0] =	ssyncset.done $0x0  }
0xea: {  	s8 =	rddreg [dreg:$0x10];
	[sflag:s0] =	ssyncadd.s32 $0xFFFFE000  }
0xeb: {  	[tilespmem:s11], [sflag:$0x5] =	stream.linear.gather [spmem:s8], $0x2000, $0x38;
	[tilespmem:$0x1E000] =	vst v63  }
0xec: {  	_ =	swait.ge [sflag:s0], $0x2000  }
0xed: {  	[sflag:s0] =	ssyncset.done $0x0  }
0xee: {  	s23 =	rddreg [dreg:$0x6];
	[sflag:s0] =	ssyncadd.s32 $0xFFFFE000  }
0xef: {  	[hbm4b:s23+s2] =	stream.linear.scatter [tilespmem:s11], [sflag:$0x5], $0x2000, $0x38;
	[tilespmem:$0x1E000] =	vst v63  }
0xf0: {  	_ =	swait.ge [sflag:s0], $0x2000  }
0xf1: {  	[sflag:s0] =	ssyncset.done $0x0  }
0xf2: {  	s19 =	rddreg [dreg:$0x11];
	[sflag:s0] =	ssyncadd.s32 $0xFFFFE000  }
0xf3: {  	[tilespmem:s11], [sflag:$0x5] =	stream.linear.gather [spmem:s19], $0x2000, $0x38;
	[tilespmem:$0x1E000] =	vst v63  }
0xf4: {  	_ =	swait.ge [sflag:s0], $0x2000  }
0xf5: {  	[sflag:s0] =	ssyncset.done $0x0  }
0xf6: {  	s25 =	rddreg [dreg:$0x7];
	[sflag:s0] =	ssyncadd.s32 $0xFFFFE000  }
0xf7: {  	[hbm4b:s25+s2] =	stream.linear.scatter [tilespmem:s11], [sflag:$0x5], $0x2000, $0x38;
	[tilespmem:$0x1E000] =	vst v63  }
0xf8: {  	_ =	swait.ge [sflag:s0], $0x2000  }
0xf9: {  	[sflag:s0] =	ssyncset.done $0x0  }
0xfa: {  	s23 =	rddreg [dreg:$0x12];
	[sflag:s0] =	ssyncadd.s32 $0xFFFFE000  }
0xfb: {  	[tilespmem:s11], [sflag:$0x5] =	stream.linear.gather [spmem:s23], $0x2000, $0x38;
	[tilespmem:$0x1E000] =	vst v63  }
0xfc: {  	_ =	swait.ge [sflag:s0], $0x2000  }
0xfd: {  	[sflag:s0] =	ssyncset.done $0x0  }
0xfe: {  	s26 =	rddreg [dreg:$0x8];
	[sflag:s0] =	ssyncadd.s32 $0xFFFFE000  }
0xff: {  	[hbm4b:s26+s2] =	stream.linear.scatter [tilespmem:s11], [sflag:$0x5], $0x2000, $0x38;
	[tilespmem:$0x1E000] =	vst v63  }
0x100: {  	_ =	swait.ge [sflag:s0], $0x2000  }
0x101: {  	[sflag:s0] =	ssyncset.done $0x0  }
0x102: {  	s25 =	rddreg [dreg:$0x13];
	[sflag:s0] =	ssyncadd.s32 $0xFFFFE000  }
0x103: {  	[tilespmem:s11], [sflag:$0x5] =	stream.linear.gather [spmem:s25], $0x2000, $0x38;
	[tilespmem:$0x1E000] =	vst v63  }
0x104: {  	_ =	swait.ge [sflag:s0], $0x2000  }
0x105: {  	[sflag:s0] =	ssyncset.done $0x0  }
0x106: {  	s4 =	rddreg [dreg:$0x9];
	[sflag:s0] =	ssyncadd.s32 $0xFFFFE000  }
0x107: {  	[hbm4b:s4+s2] =	stream.linear.scatter [tilespmem:s11], [sflag:$0x5], $0x2000, $0x38;
	[tilespmem:$0x1E000] =	vst v63  }
0x108: {  	_ =	swait.ge [sflag:s0], $0x2000  }
0x109: {  	[sflag:s0] =	ssyncset.done $0x0  }
0x10a: {  	s29 =	rddreg [dreg:$0x14];
	[sflag:s0] =	ssyncadd.s32 $0xFFFFE000  }
0x10b: {  	[tilespmem:s11], [sflag:$0x5] =	stream.linear.gather [spmem:s29], $0x2000, $0x38;
	[tilespmem:$0x1E000] =	vst v63  }
0x10c: {  	_ =	swait.ge [sflag:s0], $0x2000  }
0x10d: {  	[sflag:s0] =	ssyncset.done $0x0  }
0x10e: {  	s6 =	rddreg [dreg:$0xa];
	[sflag:s0] =	ssyncadd.s32 $0xFFFFE000  }
0x10f: {  	[hbm4b:s6+s2] =	stream.linear.scatter [tilespmem:s11], [sflag:$0x5], $0x2000, $0x38;
	[tilespmem:$0x1E000] =	vst v63  }
0x110: {  	_ =	swait.ge [sflag:s0], $0x2000  }
0x111: {  	[sflag:s0] =	ssyncset.done $0x0  }
0x112: {  	s26 =	rddreg [dreg:$0x16];
	[sflag:s0] =	ssyncadd.s32 $0xFFFFE000  }
0x113: {  	[tilespmem:s11], [sflag:$0x5] =	stream.linear.gather [spmem:s26], $0x2000, $0x38;
	[tilespmem:$0x1E000] =	vst v63  }
0x114: {  	_ =	swait.ge [sflag:s0], $0x2000  }
0x115: {  	[sflag:s0] =	ssyncset.done $0x0  }
0x116: {  	s10 =	rddreg [dreg:$0xb];
	[sflag:s0] =	ssyncadd.s32 $0xFFFFE000  }
0x117: {  	[hbm4b:s10+s2] =	stream.linear.scatter [tilespmem:s11], [sflag:$0x5], $0x2000, $0x38;
	[tilespmem:$0x1E000] =	vst v63  }
0x118: {  	_ =	swait.ge [sflag:s0], $0x2000  }
0x119: {  	[sflag:s0] =	ssyncset.done $0x0  }
0x11a: {  	s28 =	rddreg [dreg:$0x17];
	[sflag:s0] =	ssyncadd.s32 $0xFFFFE000  }
0x11b: {  	[tilespmem:s11], [sflag:$0x5] =	stream.linear.gather [spmem:s28], $0x2000, $0x38;
	[tilespmem:$0x1E000] =	vst v63  }
0x11c: {  	_ =	swait.ge [sflag:s0], $0x2000  }
0x11d: {  	[sflag:s0] =	ssyncset.done $0x0  }
0x11e: {  	s4 =	rddreg [dreg:$0xc];
	[sflag:s0] =	ssyncadd.s32 $0xFFFFE000  }
0x11f: {  	[hbm4b:s4+s2] =	stream.linear.scatter [tilespmem:s11], [sflag:$0x5], $0x2000, $0x38;
	[tilespmem:$0x1E000] =	vst v63  }
0x120: {  	_ =	swait.ge [sflag:s0], $0x2000  }
0x121: {  	[sflag:s0] =	ssyncset.done $0x0  }
0x122: {  	s4 =	rddreg [dreg:$0x18];
	[sflag:s0] =	ssyncadd.s32 $0xFFFFE000  }
0x123: {  	[tilespmem:s11], [sflag:$0x5] =	stream.linear.gather [spmem:s4], $0x2000, $0x38;
	[tilespmem:$0x1E000] =	vst v63  }
0x124: {  	_ =	swait.ge [sflag:s0], $0x2000  }
0x125: {  	[sflag:s0] =	ssyncset.done $0x0  }
0x126: {  	s6 =	rddreg [dreg:$0xd];
	[sflag:s0] =	ssyncadd.s32 $0xFFFFE000  }
0x127: {  	[hbm4b:s6+s2] =	stream.linear.scatter [tilespmem:s11], [sflag:$0x5], $0x2000, $0x38;
	[tilespmem:$0x1E000] =	vst v63  }
0x128: {  	_ =	swait.ge [sflag:s0], $0x2000  }
0x129: {  	s6 =	rddreg [dreg:$0x1a]  }
0x12a: {  	s10 =	rddreg [dreg:$0x19];
	s6 =	sadd.s32 $0x1, s6  }
0x12b: {  	p0 =	sne.s32 s6, s10  }
.Ltmp2:
0x12c: {  	_ = 	snop;
	(pc) =	sbr.rel @p0 .LBB2_1-.Ltmp2, $3  }
0x12d: {  	_ =	sdelay $0x1  }
0x12e: {  	[sflag:s0] =	ssyncset.done $0x0  }
0x12f: {  	[sflag:s0] =	ssyncadd.s32 $0xFFFFE000;
	[dreg:$0x1a] =	wrdreg s6;
	s6 =	simm.s32 $0x80  }
0x130: {  	_ =	sfence.sel $0x180000  }
0x131: {  	[bflag:$0x0] =	sbarrier.arrive $0xFFFF  }
0x132: {  	_ =	strace $0x9000004A  }
0x133: {  	s0 =	stileid.u32;
	[bflag:$0x2] =	sbarrier.arrive $0xFFFF  }
0x134: {  	p0 =	sne.s32 s0, $0x0;
	s0 =	rddreg [dreg:$0x3]  }
0x135: {  	s0 =	sadd.s32 @!p0 $0x100000, s0  }
0x136: {  	[sflag:s0] =	ssyncadd.tile.s32 @!p0 $0x1;
	_ =	shalt  }
.Lfunc_end2:
_tile_overlayer_lowered:
.L_overlay_start_2:
0x137: {  	(tag) =	ssettag $0x2  }
0x138: {  	s0 =	rddreg [dreg:$0x0];
	s2 =	stileid.u32  }
0x139: {  	s1 =	rddreg [dreg:$0x1];
	p0 =	sne.s32 s2, $0x0  }
0x13a: {  	s3 =	rddreg [dreg:$0x2];
	[bflag:$0x3] =	sbarrier.arrive $0xFFFF;
	s2 =	simm.s32 @!p0 $0x1C05  }
0x13b: {  	[timem:s3], [sflag:s2] =	dma.local @!p0 [hbm:s0], s1  }
0x13c: {  	s0 =	simm.s32 @!p0 $0x5  }
0x13d: {  	_ =	swait.ge @!p0 [sflag:s0], s1  }
0x13e: {  	s1 =	ssub.s32 @!p0 $0x0, s1;
	[sflag:s0] =	ssyncset.done @!p0 $0x0  }
0x13f: {  	[sflag:s0] =	ssyncadd.s32 @!p0 s1  }
0x140: {  	[bflag:$0x3] =	sbarrier.arrive $0xFFFF  }
0x141: {  	_ =	shalt  }

// kernel: kernel.15.cloned.1.call-start
scs
__scs_entry_jumppad:
0x0: {  	(pc) =	sbr.rel $0x88, $3  }
0x1: {  	(tag) =	ssettag $0x0;
	lr =	simm.s32 $0x1  }
0x2: {  	[smem:$0x3F9B] =	sst lr;
	_ =	strace $0xD0000000  }
0x3: {  	_ = 	snop  }
0x4: {  	_ = 	snop  }
0x5: {  	_ = 	snop  }
0x6: {  	_ = 	snop  }
0x7: {  	_ = 	snop  }
__scs_overlays_trampoline_lowered:
0x8: {  	[smem:$0x3FAA] =	sst s0  }
0x9: {  	[smem:$0x3FAB] =	sst s1  }
0xa: {  	[smem:$0x3FAC] =	sst s2  }
0xb: {  	[smem:$0x3FAD] =	sst s3  }
0xc: {  	[smem:$0x3FAE] =	sst s4  }
0xd: {  	[smem:$0x3FAF] =	sst s5  }
0xe: {  	[smem:$0x3FB0] =	sst s6  }
0xf: {  	[smem:$0x3FB1] =	sst s7  }
0x10: {  	[smem:$0x3FB2] =	sst s8  }
0x11: {  	[smem:$0x3FB3] =	sst s9;
	s0 =	simm.s32 @!p0 $0x0  }
0x12: {  	s1 =	sld [smem:$0x3F99];
	s0 =	simm.s32 @p0 $0x1  }
0x13: {  	[smem:$0x3FB4] =	sst s0;
	s0 =	simm.s32 @!p1 $0x0  }
0x14: {  	s2 =	sld [smem:$0x3F98];
	s0 =	simm.s32 @p1 $0x1  }
0x15: {  	[smem:$0x3FB5] =	sst s0;
	s0 =	simm.s32 @!p2 $0x0  }
0x16: {  	s3 =	sld [smem:$0x3FDB];
	s0 =	simm.s32 @p2 $0x1  }
0x17: {  	s4 =	simm.s32 $0x1BF5;
	[smem:$0x3FB7] =	sst s0  }
0x18: {  	s0 =	sld [smem:$0x3F9A];
	_ =	swait.ge [sflag:s4], $0x0  }
0x19: {  	s7 =	sld [smem:$0x3F9B]  }
0x1a: {  	s8 =	sadd.s32 $0xFFFFE003, lr  }
0x1b: {  	s9 =	sadd.s32 $0xFFFFFEF7, lr;
	s5 =	simm.s32 $0xFFFFFFFF;
	p2 =	slt.u32 s8, $0xFFFFF086  }
0x1c: {  	p1 =	slt.u32 s9, $0xF7A;
	s5 =	simm.s32 @!p2 $0x0  }
0x1d: {  	s5 =	simm.s32 @p1 $0x1;
	p0 =	seq.s32 s7, s2  }
0x1e: {  	s7 =	smul.u32 @!p0 $0xF7A, s2;
	p2 =	seq.s32 @!p0 s5, $0x0  }
0x1f: {  	s9 =	smul.u32 $0xF7A, s1;
	s8 =	simm.s32 @!p0 $0x1BF5;
	p2 =	por !p2, p0  }
0x20: {  	[sflag:s8] =	ssyncset.s32 @!p0 $0xFFFFF086;
	s6 =	sadd.s32 @!p0 s3, s7;
	s7 =	simm.s32 @!p0 $0x108  }
0x21: {  	s3 =	sadd.s32 s3, s9;
	s6 =	sadd.s32 @!p0 $0x88, s6;
	s7 =	simm.s32 @p2 $0x1082  }
0x22: {  	[simem:s7], [sflag:s8] =	dma.local @!p0 [hbm:s6], $0xF7A  }
0x23: {  	s9 =	sor.u32 $0xD0000000, s2;
	s6 =	simm.s32 $0x108;
	_ =	swait.ge @!p0 [sflag:s8], $0x0  }
0x24: {  	s3 =	sadd.s32 $0x88, s3;
	s6 =	simm.s32 @!p1 $0x1082;
	[sflag:s4] =	ssyncset.s32 $0xFFFFF086  }
0x25: {  	[simem:s6], [sflag:s4] =	dma.local [hbm:s3], $0xF7A  }
0x26: {  	[smem:$0x3F9B] =	sst s1;
	(tag) =	ssettag s2;
	_ =	strace s9  }
0x27: {  	s1 =	sld [smem:$0x3FAB]  }
0x28: {  	s2 =	sld [smem:$0x3FAC]  }
0x29: {  	s4 =	sld [smem:$0x3FAE]  }
0x2a: {  	p0 =	seq.s32 s5, $0x0;
	s5 =	sld [smem:$0x3FAF]  }
0x2b: {  	s6 =	sld [smem:$0x3FB0]  }
0x2c: {  	s7 =	sld [smem:$0x3FB1]  }
0x2d: {  	s3 =	simm.s32 $0x108;
	s8 =	sld [smem:$0x3FB2]  }
0x2e: {  	s3 =	simm.s32 @!p0 $0x1082;
	s9 =	sld [smem:$0x3FB3]  }
0x2f: {  	lr =	sadd.s32 s0, s3;
	s0 =	sld [smem:$0x3FAA]  }
0x30: {  	s3 =	sld [smem:$0x3FAD]  }
0x31: {  	[smem:$0x3FB6] =	sst s10  }
0x32: {  	s10 =	sld [smem:$0x3FB4];
	_ =	sdelay $0x3  }
0x33: {  	p0 =	seq.s32 s10, $0x1;
	s10 =	sld [smem:$0x3FB6];
	_ =	sdelay $0x3  }
0x34: {  	[smem:$0x3FB6] =	sst s10  }
0x35: {  	s10 =	sld [smem:$0x3FB5];
	_ =	sdelay $0x3  }
0x36: {  	p1 =	seq.s32 s10, $0x1;
	s10 =	sld [smem:$0x3FB6];
	_ =	sdelay $0x3  }
0x37: {  	[smem:$0x3FB6] =	sst s10  }
0x38: {  	s10 =	sld [smem:$0x3FB7]  }
0x39: {  	_ = 	snop;
	(pc) =	sbr.ind lr, $3  }
0x3a: {  	_ = 	snop  }
0x3b: {  	_ = 	snop  }
0x3c: {  	p2 =	seq.s32 s10, $0x1;
	s10 =	sld [smem:$0x3FB6]  }
0x3d: {  	_ =	shalt  }
0x3e: {  	_ =	shalt  }
0x3f: {  	_ =	shalt  }
0x40: {  	_ =	shalt  }
0x41: {  	_ =	shalt  }
0x42: {  	_ =	shalt  }
0x43: {  	_ =	shalt  }
0x44: {  	_ =	shalt  }
0x45: {  	_ =	shalt  }
0x46: {  	_ =	shalt  }
0x47: {  	_ =	shalt  }
0x48: {  	_ =	shalt  }
0x49: {  	_ =	shalt  }
0x4a: {  	_ =	shalt  }
0x4b: {  	_ =	shalt  }
0x4c: {  	_ =	shalt  }
0x4d: {  	_ =	shalt  }
0x4e: {  	_ =	shalt  }
0x4f: {  	_ =	shalt  }
0x50: {  	_ =	shalt  }
0x51: {  	_ =	shalt  }
0x52: {  	_ =	shalt  }
0x53: {  	_ =	shalt  }
0x54: {  	_ =	shalt  }
0x55: {  	_ =	shalt  }
0x56: {  	_ =	shalt  }
0x57: {  	_ =	shalt  }
0x58: {  	_ =	shalt  }
0x59: {  	_ =	shalt  }
0x5a: {  	_ =	shalt  }
0x5b: {  	_ =	shalt  }
0x5c: {  	_ =	shalt  }
0x5d: {  	_ =	shalt  }
0x5e: {  	_ =	shalt  }
0x5f: {  	_ =	shalt  }
0x60: {  	_ =	shalt  }
0x61: {  	_ =	shalt  }
0x62: {  	_ =	shalt  }
0x63: {  	_ =	shalt  }
0x64: {  	_ =	shalt  }
0x65: {  	_ =	shalt  }
0x66: {  	_ =	shalt  }
0x67: {  	_ =	shalt  }
0x68: {  	_ =	shalt  }
0x69: {  	_ =	shalt  }
0x6a: {  	_ =	shalt  }
0x6b: {  	_ =	shalt  }
0x6c: {  	_ =	shalt  }
0x6d: {  	_ =	shalt  }
0x6e: {  	_ =	shalt  }
0x6f: {  	_ =	shalt  }
0x70: {  	_ =	shalt  }
0x71: {  	_ =	shalt  }
0x72: {  	_ =	shalt  }
0x73: {  	_ =	shalt  }
0x74: {  	_ =	shalt  }
0x75: {  	_ =	shalt  }
0x76: {  	_ =	shalt  }
0x77: {  	_ =	shalt  }
0x78: {  	_ =	shalt  }
0x79: {  	_ =	shalt  }
0x7a: {  	_ =	shalt  }
0x7b: {  	_ =	shalt  }
0x7c: {  	_ =	shalt  }
0x7d: {  	_ =	shalt  }
0x7e: {  	_ =	shalt  }
0x7f: {  	_ =	shalt  }
0x80: {  	_ =	shalt  }
0x81: {  	_ =	shalt  }
0x82: {  	_ =	shalt  }
0x83: {  	_ =	shalt  }
0x84: {  	_ =	shalt  }
0x85: {  	_ =	shalt  }
0x86: {  	_ =	shalt  }
0x87: {  	_ =	shalt  }
.Lfunc_end0:
.L_simem_size_0:
called_computation.2_lowered:
.L_overlay_start_0:
0x88: {  	s2 =	sld [smem:$0x3FD9]  }
0x89: {  	s3 =	sld [smem:$0x3FFE];
	_ =	sdelay $0x1  }
0x8a: {  	s1 =	srdreg.scid  }
0x8b: {  	s0 =	sand.u32 $0x1, s1  }
0x8c: {  	s14 =	sshll.u32 s0, $0xA;
	s2 =	sadd.s32 s3, s2  }
0x8d: {  	s2 =	sadd.s32 s2, s14  }
0x8e: {  	[smem:$0x3FC2] =	sst s2  }
0x8f: {  	_ = 	snop  }
0x90: {  	s2 =	sld [smem:$0x3FD0];
	_ =	sdelay $0x2  }
0x91: {  	s15 =	simm.s32 $0xA;
	s4 =	simm.s32 $0x10  }
0x92: {  	[smem:s4], [sflag:s15] =	dma.local [hbm:s2], $0x1  }
0x93: {  	_ =	swait.eq [sflag:s15], $0x1  }
0x94: {  	[sflag:s15] =	ssyncset.done $0x0  }
0x95: {  	[sflag:s15] =	ssyncadd.s32 $0xFFFFFFFF  }
0x96: {  	s16 =	sld [smem:$0x11];
	(tm) =	ssettm $0x1  }
0x97: {  	s17 =	sld [smem:$0x3FFB];
	_ =	sdelay $0x3  }
0x98: {  	_ =	strace s17  }
0x99: {  	s3 =	sld [smem:$0x3FFC];
	_ =	sdelay $0x3  }
0x9a: {  	_ =	strace s3  }
0x9b: {  	s3 =	sld [smem:$0x3FFD];
	_ =	sdelay $0x3  }
0x9c: {  	_ =	strace s3  }
0x9d: {  	_ =	strace $0x8FFFFFFF  }
0x9e: {  	s18 =	sld [smem:$0x3FDB];
	_ =	sdelay $0x1  }
0x9f: {  	s19 =	simm.s32 $_scs_section_size  }
0xa0: {  	s5 =	simm.s32 $_size__tile_overlayer_lowered;
	s6 =	simm.s32 $_tile_overlayer_lowered  }
0xa1: {  	s22 =	simm.s32 $0x1BFF;
	s21 =	sshll.u32 s6, $0x1;
	s3 =	sadd.s32 s19, s18  }
0xa2: {  	s7 =	simm.s32 $0x0;
	s20 =	sshll.u32 s5, $0x1;
	s5 =	sadd.s32 s21, s3  }
0xa3: {  	[timem:s7], [sflag:s22] =	dma.local [hbm:s5], s20  }
0xa4: {  	_ =	swait.ge [sflag:s22], s20  }
0xa5: {  	s4 =	ssub.s32 $0x0, s20;
	[sflag:s22] =	ssyncset.done $0x0  }
0xa6: {  	[sflag:s22] =	ssyncadd.s32 s4;
	_ =	sdelay $0x1  }
0xa7: {  	s23 =	simm.s32 $0x1B8B  }
0xa8: {  	_ =	swait.ge [sflag:s23], $0x1  }
0xa9: {  	[sflag:s23] =	ssyncset.done $0x0  }
0xaa: {  	s25 =	simm.s32 $0x1B8E;
	s24 =	sld [smem:$0x3FFE];
	[sflag:s23] =	ssyncadd.s32 $0xFFFFFFFF  }
0xab: {  	s26 =	simm.s32 $execute0_lowered;
	[smem:$0x3FD2] =	sst s25  }
0xac: {  	s5 =	sshll.u32 s26, $0x1;
	_ =	strace $0x8000004C;
	[dreg:$0x1] =	wrdreg $0xFFFFFFFF  }
0xad: {  	s28 =	simm.s32 $_size_execute0_lowered;
	s3 =	sadd.s32 s3, s5;
	[dreg:$0x0] =	wrdreg $0x0  }
0xae: {  	s5 =	sshll.u32 s28, $0x1;
	[dreg:$0x2] =	wrdreg s3  }
0xaf: {  	[dreg:$0x3] =	wrdreg s5  }
0xb0: {  	[dreg:$0x4] =	wrdreg $0xC0  }
0xb1: {  	_ =	task [dreg:s7], $0x5FFFF  }
0xb2: {  	[dreg:$0x1] =	wrdreg $0xFFFFFFFF  }
0xb3: {  	[dreg:$0x0] =	wrdreg $0x60  }
0xb4: {  	[dreg:$0x2] =	wrdreg s24  }
0xb5: {  	[dreg:$0x3] =	wrdreg s16  }
0xb6: {  	[dreg:$0x4] =	wrdreg $0xA0000  }
0xb7: {  	[dreg:$0x5] =	wrdreg $0x9  }
0xb8: {  	_ =	task.clear_ibuf [dreg:s7], $0x6FFFF;
	_ =	strace $0x9000004C  }
0xb9: {  	s29 =	simm.s32 $0x9;
	_ =	strace $0x8000004E  }
0xba: {  	_ =	swait.ge [sflag:s29], $0x1  }
0xbb: {  	[sflag:s29] =	ssyncadd.s32 $0xFFFFFFFF  }
0xbc: {  	_ =	strace $0x9000004E  }
0xbd: {  	_ =	sfence  }
0xbe: {  	s30 =	sld [smem:$0x0];
	_ =	sdelay $0x2  }
0xbf: {  	s31 =	sshll.u32 s1, $0xD;
	s1 =	sshrl.u32 s1, $0x2  }
0xc0: {  	s3 =	sand.u32 $0x4000, s31;
	s1 =	sadd.s32 s1, s30  }
0xc1: {  	s0 =	sor.u32 s3, s0;
	s1 =	sshll.u32 s1, $0x11  }
0xc2: {  	s0 =	sor.u32 s1, s0  }
0xc3: {  	s0 =	sadd.s32 $0x8F2B, s0  }
0xc4: {  	[sflag:s0] =	ssyncadd.remote.s32 $0x1  }
0xc5: {  	_ =	sfence.sel $0xFFFF  }
0xc6: {  	[dreg:$0x0] =	wrdreg $0xFFFFFFFF;
	(pc) =	sbr.abs _section_cstart, $3  }
0xc7: {  	[dreg:$0x1] =	wrdreg $0xFFFFFFFF  }
0xc8: {  	_ =	task.clear_ibuf [dreg:s7], $0x2FFFF;
	_ =	strace $0x9FFFFFFF  }
0xc9: {  	(tm) =	ssettm $0x7FFFFFFF  }
tec
execute0_lowered:
.L_overlay_start_1:
0x0: {  	(tag) =	ssettag $0x1  }
0x1: {  	s4 =	rddreg [dreg:$0x0];
	s0 =	srdreg.scid  }
0x2: {  	s1 =	rddreg [dreg:$0x1];
	s19 =	stileid.u32  }
0x3: {  	s2 =	simm.s32 $0x0;
	s30 =	simm.s32 $0x8;
	s31 =	simm.s32 $0x4  }
0x4: {  	s3 =	sand.u32 $0x1, s0;
	s5 =	smul.u32 $0x280, s19;
	[smem:$0x7FF] =	sst s2  }
0x5: {  	s7 =	sadd.s32 $0x3400, s4;
	s16 =	sshll.u32 s19, $0xF;
	s24 =	sshll.u32 s19, $0xD  }
0x6: {  	s0 =	ssub.s32 $0x2, s3;
	s13 =	smul.u32 $0x2800, s3;
	p0 =	seq.s32 s3, $0x0  }
0x7: {  	s3 =	sor.u32 $0x80000, s24;
	s6 =	sshrl.u32 s0, $0x1;
	s8 =	sadd.s32 $0x80, s5  }
0x8: {  	s9 =	sadd.s32 $0xC0, s5;
	s10 =	sadd.s32 $0x100, s5;
	s11 =	sadd.s32 $0x140, s5  }
0x9: {  	s12 =	sadd.s32 $0x180, s5;
	s14 =	sadd.s32 $0x1C0, s5;
	s15 =	sadd.s32 $0x200, s5  }
0xa: {  	s18 =	sadd.s32 $0x240, s5;
	s3 =	smov.u32 @p0 s16;
	s30 =	simm.s32 @!p0 $0x2  }
0xb: {  	s0 =	ssub.s32 s0, s6;
	s6 =	sor.u32 $0x40, s5;
	s5 =	sadd.s32 s5, s13  }
0xc: {  	s16 =	sadd.s32 s13, s8;
	s20 =	sadd.s32 s13, s10;
	s24 =	sadd.s32 s13, s11  }
0xd: {  	s8 =	sshll.u32 s8, $0x7;
	s10 =	sshll.u32 s10, $0x7;
	s11 =	sshll.u32 s11, $0x7  }
0xe: {  	s17 =	sadd.s32 s13, s6;
	s5 =	sshll.u32 s5, $0x4;
	s22 =	sshll.u32 s20, $0x4  }
0xf: {  	s0 =	smax.u32 s0, $0x1;
	s25 =	sshll.u32 s17, $0x4;
	s5 =	sadd.s32 s7, s5  }
0x10: {  	s17 =	sadd.s32 s13, s9;
	s23 =	sadd.s32 s7, s22;
	s22 =	sadd.s32 s13, s15  }
0x11: {  	s9 =	sshll.u32 s9, $0x7;
	[dreg:$0x4] =	wrdreg s5;
	s26 =	sadd.s32 s7, s25  }
0x12: {  	s5 =	sshll.u32 s16, $0x4;
	s21 =	sshll.u32 s17, $0x4;
	[dreg:$0x8] =	wrdreg s23  }
0x13: {  	s25 =	sadd.s32 s13, s12;
	s23 =	sadd.s32 s13, s18;
	[dreg:$0x5] =	wrdreg s26  }
0x14: {  	s5 =	sadd.s32 s7, s5;
	s26 =	sadd.s32 s13, s14;
	s13 =	rddreg [dreg:$0x2]  }
0x15: {  	s17 =	sadd.s32 $0x67800, s4;
	s16 =	sshll.u32 s25, $0x4;
	[dreg:$0x6] =	wrdreg s5  }
0x16: {  	s5 =	sadd.s32 s7, s21;
	s20 =	sshll.u32 s26, $0x4;
	s8 =	sadd.s32 s8, s13  }
0x17: {  	[dreg:$0x7] =	wrdreg s5;
	s5 =	sshll.u32 s24, $0x4;
	s21 =	sadd.s32 s7, s20  }
0x18: {  	s24 =	smul.u32 $0x50000, s19;
	s19 =	sadd.s32 s9, s13;
	s20 =	sshll.u32 s12, $0x7  }
0x19: {  	s9 =	simm.s32 $0x6000;
	s5 =	sadd.s32 s7, s5;
	[dreg:$0xb] =	wrdreg s21  }
0x1a: {  	[dreg:$0x9] =	wrdreg s5;
	s5 =	sadd.s32 s7, s16;
	s16 =	sshll.u32 s23, $0x4  }
0x1b: {  	[dreg:$0xa] =	wrdreg s5;
	s5 =	sshll.u32 s22, $0x4;
	s25 =	sadd.s32 s7, s16  }
0x1c: {  	s26 =	sshrl.u32 s24, $0x2;
	s5 =	sadd.s32 s7, s5;
	[dreg:$0xd] =	wrdreg s25  }
0x1d: {  	s16 =	sadd.s32 $0x53800, s4;
	s4 =	sadd.s32 $0x3000, s4;
	[dreg:$0xc] =	wrdreg s5  }
0x1e: {  	s5 =	sadd.s32 s26, s13;
	_ =	strace $0x8000004D;
	[dreg:$0xe] =	wrdreg s4  }
0x1f: {  	s12 =	simm.s32 $0x8000;
	s29 =	sadd.s32 s20, s13;
	[dreg:$0x15] =	wrdreg s5  }
0x20: {  	s21 =	sshll.u32 s14, $0x7;
	s14 =	simm.s32 $0x1;
	[dreg:$0x19] =	wrdreg s0  }
0x21: {  	s20 =	simm.s32 $0x1E80;
	s23 =	sadd.s32 s10, s13;
	[dreg:$0x10] =	wrdreg s8  }
0x22: {  	s24 =	sshll.u32 s18, $0x7;
	s18 =	simm.s32 $0x3;
	[dreg:$0x11] =	wrdreg s19  }
0x23: {  	s22 =	sshll.u32 s15, $0x7;
	s25 =	sadd.s32 s11, s13;
	[dreg:$0x12] =	wrdreg s23  }
0x24: {  	s15 =	simm.s32 $0x2;
	s7 =	sshll.u32 s6, $0x7;
	[dreg:$0x13] =	wrdreg s25  }
0x25: {  	s28 =	sadd.s32 s22, s13;
	s26 =	sadd.s32 s21, s13;
	[dreg:$0x14] =	wrdreg s29  }
0x26: {  	s11 =	simm.s32 $0x2000;
	s6 =	simm.s32 $0x80;
	[dreg:$0x16] =	wrdreg s26  }
0x27: {  	s22 =	simm.s32 $0x1F80;
	s4 =	sadd.s32 s7, s13;
	[dreg:$0x17] =	wrdreg s28  }
0x28: {  	[dreg:$0xf] =	wrdreg s4;
	s4 =	sadd.s32 s24, s13;
	s24 =	simm.s32 $0x0  }
0x29: {  	s21 =	simm.s32 $0x1F00;
	s0 =	simm.s32 $0x5;
	[dreg:$0x1a] =	wrdreg s24  }
0x2a: {  	s5 =	simm.s32 $0x40;
	s7 =	simm.s32 $0x4000;
	[dreg:$0x18] =	wrdreg s4  }
.LBB2_1:
0x2b: {  	s24 =	rddreg [dreg:$0xe]  }
0x2c: {  	[tilespmem:s11], [sflag:$0x5] =	stream.linear.gather [hbm4b:s24+s2], $0x2000, $0x38;
	[tilespmem:$0x1E000] =	vst v63  }
0x2d: {  	_ =	swait.ge [sflag:s0], $0x2000  }
0x2e: {  	[sflag:s0] =	ssyncset.done $0x0  }
0x2f: {  	s10 =	rddreg [dreg:$0x15];
	[sflag:s0] =	ssyncadd.s32 $0xFFFFE000  }
0x30: {  	[spmem:s10] =	stream.linear.scatter [tilespmem:s11], [sflag:$0x5], $0x2000, $0x38;
	[tilespmem:$0x1E000] =	vst v63  }
0x31: {  	_ =	swait.ge [sflag:s0], $0x2000  }
0x32: {  	[sflag:s0] =	ssyncset.done $0x0  }
0x33: {  	s10 =	rddreg [dreg:$0xf];
	[sflag:s0] =	ssyncadd.s32 $0xFFFFE000  }
0x34: {  	[spmem:s10] =	stream.linear.scatter [tilespmem:s11], [sflag:$0x5], $0x2000, $0x38;
	[tilespmem:$0x1E000] =	vst v63  }
0x35: {  	_ =	swait.ge [sflag:s0], $0x2000  }
0x36: {  	[sflag:s0] =	ssyncset.done $0x0  }
0x37: {  	s24 =	smov.u32 s19;
	s19 =	smov.u32 s8;
	[sflag:s0] =	ssyncadd.s32 $0xFFFFE000  }
0x38: {  	[spmem:s19] =	stream.linear.scatter [tilespmem:s11], [sflag:$0x5], $0x2000, $0x38;
	[tilespmem:$0x1E000] =	vst v63  }
0x39: {  	_ =	swait.ge [sflag:s0], $0x2000  }
0x3a: {  	[sflag:s0] =	ssyncset.done $0x0  }
0x3b: {  	[sflag:s0] =	ssyncadd.s32 $0xFFFFE000  }
0x3c: {  	[spmem:s24] =	stream.linear.scatter [tilespmem:s11], [sflag:$0x5], $0x2000, $0x38;
	[tilespmem:$0x1E000] =	vst v63  }
0x3d: {  	_ =	swait.ge [sflag:s0], $0x2000  }
0x3e: {  	[sflag:s0] =	ssyncset.done $0x0  }
0x3f: {  	[sflag:s0] =	ssyncadd.s32 $0xFFFFE000  }
0x40: {  	[spmem:s23] =	stream.linear.scatter [tilespmem:s11], [sflag:$0x5], $0x2000, $0x38;
	[tilespmem:$0x1E000] =	vst v63  }
0x41: {  	_ =	swait.ge [sflag:s0], $0x2000  }
0x42: {  	[sflag:s0] =	ssyncset.done $0x0  }
0x43: {  	[sflag:s0] =	ssyncadd.s32 $0xFFFFE000  }
0x44: {  	[spmem:s25] =	stream.linear.scatter [tilespmem:s11], [sflag:$0x5], $0x2000, $0x38;
	[tilespmem:$0x1E000] =	vst v63  }
0x45: {  	_ =	swait.ge [sflag:s0], $0x2000  }
0x46: {  	[sflag:s0] =	ssyncset.done $0x0  }
0x47: {  	[sflag:s0] =	ssyncadd.s32 $0xFFFFE000  }
0x48: {  	[spmem:s29] =	stream.linear.scatter [tilespmem:s11], [sflag:$0x5], $0x2000, $0x38;
	[tilespmem:$0x1E000] =	vst v63  }
0x49: {  	_ =	swait.ge [sflag:s0], $0x2000  }
0x4a: {  	[sflag:s0] =	ssyncset.done $0x0  }
0x4b: {  	[sflag:s0] =	ssyncadd.s32 $0xFFFFE000  }
0x4c: {  	[spmem:s26] =	stream.linear.scatter [tilespmem:s11], [sflag:$0x5], $0x2000, $0x38;
	[tilespmem:$0x1E000] =	vst v63  }
0x4d: {  	_ =	swait.ge [sflag:s0], $0x2000  }
0x4e: {  	[sflag:s0] =	ssyncset.done $0x0  }
0x4f: {  	[sflag:s0] =	ssyncadd.s32 $0xFFFFE000  }
0x50: {  	[spmem:s28] =	stream.linear.scatter [tilespmem:s11], [sflag:$0x5], $0x2000, $0x38;
	[tilespmem:$0x1E000] =	vst v63  }
0x51: {  	_ =	swait.ge [sflag:s0], $0x2000  }
0x52: {  	[sflag:s0] =	ssyncset.done $0x0  }
0x53: {  	[sflag:s0] =	ssyncadd.s32 $0xFFFFE000  }
0x54: {  	[spmem:s4] =	stream.linear.scatter [tilespmem:s11], [sflag:$0x5], $0x2000, $0x38;
	[tilespmem:$0x1E000] =	vst v63  }
0x55: {  	_ =	swait.ge [sflag:s0], $0x2000  }
0x56: {  	s8 =	simm.s32 $0x100;
	[sflag:s0] =	ssyncset.done $0x0  }
0x57: {  	s10 =	simm.s32 $0x180;
	s19 =	simm.s32 $0x1E00;
	[sflag:s0] =	ssyncadd.s32 $0xFFFFE000  }
0x58: {  	s24 =	simm.s32 $0x0;
	s4 =	simm.s32 $0x1000;
	[bflag:$0x0] =	sbarrier.arrive $0xFFFF  }
.LBB2_2:
0x59: {  	s25 =	sshll.u32 s24, $0xC  }
0x5a: {  	s25 =	sadd.s32 s3, s25  }
0x5b: {  	s25 =	sshrl.u32 s25, $0x3  }
0x5c: {  	s28 =	simm.s32 $0x0;
	s26 =	sadd.s32 s16, s25  }
0x5d: {  	[tilespmem:s28], [sflag:$0x5] =	stream.linear.gather [hbm4b:s26+s28], $0x1000, $0x38;
	[tilespmem:$0x1E000] =	vst v63  }
0x5e: {  	_ =	swait.ge [sflag:s0], $0x1000  }
0x5f: {  	[sflag:s0] =	ssyncset.done $0x0  }
0x60: {  	s25 =	sadd.s32 s17, s25;
	[sflag:s0] =	ssyncadd.s32 $0xFFFFF000  }
0x61: {  	[tilespmem:s4], [sflag:$0x5] =	stream.linear.gather [hbm4b:s25+s28], $0x1000, $0x38;
	[tilespmem:$0x1E000] =	vst v63  }
0x62: {  	_ =	swait.ge [sflag:s0], $0x1000  }
0x63: {  	[sflag:s0] =	ssyncset.done $0x0  }
0x64: {  	[sflag:s0] =	ssyncadd.s32 $0xFFFFF000  }
0x65: {  	[tilespmem:s11], [sflag:$0x1] =	stream.indirect.gather [hbm4b:s1+s5], $0x80, s28, s5, $0xb8;
	[tilespmem:$0x1E000] =	vst v63  }
0x66: {  	_ = 	snop  }
0x67: {  	[tilespmem:s7], [sflag:$0x2] =	stream.indirect.gather [hbm4b:s1+s5], $0x80, s6, s5, $0xb8;
	[tilespmem:$0x1E000] =	vst v63  }
0x68: {  	_ = 	snop  }
0x69: {  	[tilespmem:s9], [sflag:$0x3] =	stream.indirect.gather [hbm4b:s1+s5], $0x80, s8, s5, $0xb8;
	[tilespmem:$0x1E000] =	vst v63  }
0x6a: {  	_ = 	snop  }
0x6b: {  	[tilespmem:s12], [sflag:$0x4] =	stream.indirect.gather [hbm4b:s1+s5], $0x80, s10, s5, $0xb8;
	[tilespmem:$0x1E000] =	vst v63  }
0x6c: {  	_ =	swait.ge [sflag:s14], $0x2000  }
0x6d: {  	[sflag:s14] =	ssyncset.done $0x0  }
0x6e: {  	s26 =	simm.s32 $0x1000;
	[sflag:s14] =	ssyncadd.s32 $0xFFFFE000  }
0x6f: {  	[spmem:s13] =	stream.indirect.scatter.add.f32 [tilespmem:s11], [sflag:$0x5], $0x80, s26, s5, $0xb8;
	[tilespmem:$0x1E000] =	vst v63  }
0x70: {  	_ =	swait.ge [sflag:s0], $0x2000  }
0x71: {  	[sflag:s0] =	ssyncset.done $0x0  }
0x72: {  	s28 =	simm.s32 $0x200;
	[sflag:s0] =	ssyncadd.s32 $0xFFFFE000  }
0x73: {  	[tilespmem:s11], [sflag:$0x1] =	stream.indirect.gather [hbm4b:s1+s5], $0x80, s28, s5, $0xb8;
	[tilespmem:$0x1E000] =	vst v63  }
0x74: {  	_ =	swait.ge [sflag:s15], $0x2000  }
0x75: {  	[sflag:s15] =	ssyncset.done $0x0  }
0x76: {  	s29 =	simm.s32 $0x1080;
	[sflag:s15] =	ssyncadd.s32 $0xFFFFE000  }
0x77: {  	[spmem:s13] =	stream.indirect.scatter.add.f32 [tilespmem:s7], [sflag:$0x5], $0x80, s29, s5, $0xb8;
	[tilespmem:$0x1E000] =	vst v63  }
0x78: {  	_ =	swait.ge [sflag:s0], $0x2000  }
0x79: {  	[sflag:s0] =	ssyncset.done $0x0  }
0x7a: {  	s23 =	simm.s32 $0x280;
	[sflag:s0] =	ssyncadd.s32 $0xFFFFE000  }
0x7b: {  	[tilespmem:s7], [sflag:$0x2] =	stream.indirect.gather [hbm4b:s1+s5], $0x80, s23, s5, $0xb8;
	[tilespmem:$0x1E000] =	vst v63  }
0x7c: {  	_ =	swait.ge [sflag:s18], $0x2000  }
0x7d: {  	[sflag:s18] =	ssyncset.done $0x0  }
0x7e: {  	s26 =	simm.s32 $0x1100;
	[sflag:s18] =	ssyncadd.s32 $0xFFFFE000  }
0x7f: {  	[spmem:s13] =	stream.indirect.scatter.add.f32 [tilespmem:s9], [sflag:$0x5], $0x80, s26, s5, $0xb8;
	[tilespmem:$0x1E000] =	vst v63  }
0x80: {  	_ =	swait.ge [sflag:s0], $0x2000  }
0x81: {  	[sflag:s0] =	ssyncset.done $0x0  }
0x82: {  	s28 =	simm.s32 $0x300;
	[sflag:s0] =	ssyncadd.s32 $0xFFFFE000  }
0x83: {  	[tilespmem:s9], [sflag:$0x3] =	stream.indirect.gather [hbm4b:s1+s5], $0x80, s28, s5, $0xb8;
	[tilespmem:$0x1E000] =	vst v63  }
0x84: {  	_ =	swait.ge [sflag:s31], $0x2000  }
0x85: {  	[sflag:s31] =	ssyncset.done $0x0  }
0x86: {  	s29 =	simm.s32 $0x1180;
	[sflag:s31] =	ssyncadd.s32 $0xFFFFE000  }
0x87: {  	[spmem:s13] =	stream.indirect.scatter.add.f32 [tilespmem:s12], [sflag:$0x5], $0x80, s29, s5, $0xb8;
	[tilespmem:$0x1E000] =	vst v63  }
0x88: {  	_ =	swait.ge [sflag:s0], $0x2000  }
0x89: {  	[sflag:s0] =	ssyncset.done $0x0  }
0x8a: {  	s25 =	simm.s32 $0x800;
	s26 =	simm.s32 $0x380;
	[sflag:s0] =	ssyncadd.s32 $0xFFFFE000  }
.LBB2_3:
0x8b: {  	[tilespmem:s12], [sflag:$0x4] =	stream.indirect.gather [hbm4b:s1+s5], $0x80, s26, s5, $0xb8;
	[tilespmem:$0x1E000] =	vst v63  }
0x8c: {  	s26 =	smov.u32 s25  }
0x8d: {  	p0 =	sne.s32 s25, $0x3000;
	s25 =	sadd.s32 $0x800, s25;
	_ =	swait.ge [sflag:s14], $0x2000  }
0x8e: {  	s26 =	sshra.s32 s26, $0x2;
	[sflag:s14] =	ssyncset.done $0x0  }
0x8f: {  	s28 =	sadd.s32 $0x1000, s26;
	[sflag:s14] =	ssyncadd.s32 $0xFFFFE000  }
0x90: {  	[spmem:s13] =	stream.indirect.scatter.add.f32 [tilespmem:s11], [sflag:$0x5], $0x80, s28, s5, $0xb8;
	[tilespmem:$0x1E000] =	vst v63  }
0x91: {  	_ =	swait.ge [sflag:s0], $0x2000  }
0x92: {  	[sflag:s0] =	ssyncset.done $0x0  }
0x93: {  	s28 =	sadd.s32 $0x200, s26;
	[sflag:s0] =	ssyncadd.s32 $0xFFFFE000  }
0x94: {  	[tilespmem:s11], [sflag:$0x1] =	stream.indirect.gather [hbm4b:s1+s5], $0x80, s28, s5, $0xb8;
	[tilespmem:$0x1E000] =	vst v63  }
0x95: {  	_ =	swait.ge [sflag:s15], $0x2000  }
0x96: {  	[sflag:s15] =	ssyncset.done $0x0  }
0x97: {  	s28 =	sadd.s32 $0x1080, s26;
	[sflag:s15] =	ssyncadd.s32 $0xFFFFE000  }
0x98: {  	[spmem:s13] =	stream.indirect.scatter.add.f32 [tilespmem:s7], [sflag:$0x5], $0x80, s28, s5, $0xb8;
	[tilespmem:$0x1E000] =	vst v63  }
0x99: {  	_ =	swait.ge [sflag:s0], $0x2000  }
0x9a: {  	[sflag:s0] =	ssyncset.done $0x0  }
0x9b: {  	s28 =	sadd.s32 $0x280, s26;
	[sflag:s0] =	ssyncadd.s32 $0xFFFFE000  }
0x9c: {  	[tilespmem:s7], [sflag:$0x2] =	stream.indirect.gather [hbm4b:s1+s5], $0x80, s28, s5, $0xb8;
	[tilespmem:$0x1E000] =	vst v63  }
0x9d: {  	_ =	swait.ge [sflag:s18], $0x2000  }
0x9e: {  	[sflag:s18] =	ssyncset.done $0x0  }
0x9f: {  	s28 =	sadd.s32 $0x1100, s26;
	[sflag:s18] =	ssyncadd.s32 $0xFFFFE000  }
0xa0: {  	[spmem:s13] =	stream.indirect.scatter.add.f32 [tilespmem:s9], [sflag:$0x5], $0x80, s28, s5, $0xb8;
	[tilespmem:$0x1E000] =	vst v63  }
0xa1: {  	_ =	swait.ge [sflag:s0], $0x2000  }
0xa2: {  	[sflag:s0] =	ssyncset.done $0x0  }
0xa3: {  	s28 =	sadd.s32 $0x300, s26;
	[sflag:s0] =	ssyncadd.s32 $0xFFFFE000  }
0xa4: {  	[tilespmem:s9], [sflag:$0x3] =	stream.indirect.gather [hbm4b:s1+s5], $0x80, s28, s5, $0xb8;
	[tilespmem:$0x1E000] =	vst v63  }
0xa5: {  	_ =	swait.ge [sflag:s31], $0x2000  }
0xa6: {  	[sflag:s31] =	ssyncset.done $0x0  }
.Ltmp0:
0xa7: {  	s28 =	sadd.s32 $0x1180, s26;
	[sflag:s31] =	ssyncadd.s32 $0xFFFFE000;
	(pc) =	sbr.rel @p0 .LBB2_3-.Ltmp0, $4  }
0xa8: {  	[spmem:s13] =	stream.indirect.scatter.add.f32 [tilespmem:s12], [sflag:$0x5], $0x80, s28, s5, $0xb8;
	[tilespmem:$0x1E000] =	vst v63  }
0xa9: {  	_ =	swait.ge [sflag:s0], $0x2000  }
0xaa: {  	[sflag:s0] =	ssyncset.done $0x0  }
0xab: {  	s26 =	sadd.s32 $0x380, s26;
	[sflag:s0] =	ssyncadd.s32 $0xFFFFE000  }
0xac: {  	[tilespmem:s12], [sflag:$0x4] =	stream.indirect.gather [hbm4b:s1+s5], $0x80, s26, s5, $0xb8;
	[tilespmem:$0x1E000] =	vst v63  }
0xad: {  	_ =	swait.ge [sflag:s14], $0x2000  }
0xae: {  	[sflag:s14] =	ssyncset.done $0x0  }
0xaf: {  	[sflag:s14] =	ssyncadd.s32 $0xFFFFE000  }
0xb0: {  	[spmem:s13] =	stream.indirect.scatter.add.f32 [tilespmem:s11], [sflag:$0x5], $0x80, s19, s5, $0xb8;
	[tilespmem:$0x1E000] =	vst v63  }
0xb1: {  	_ =	swait.ge [sflag:s0], $0x2000  }
0xb2: {  	[sflag:s0] =	ssyncset.done $0x0  }
0xb3: {  	[sflag:s0] =	ssyncadd.s32 $0xFFFFE000  }
0xb4: {  	[tilespmem:s11], [sflag:$0x1] =	stream.indirect.gather [hbm4b:s1+s5], $0x80, s2, s5, $0xb8;
	[tilespmem:$0x1E000] =	vst v63  }
0xb5: {  	_ =	swait.ge [sflag:s15], $0x2000  }
0xb6: {  	[sflag:s15] =	ssyncset.done $0x0  }
0xb7: {  	[sflag:s15] =	ssyncadd.s32 $0xFFFFE000  }
0xb8: {  	[spmem:s13] =	stream.indirect.scatter.add.f32 [tilespmem:s7], [sflag:$0x5], $0x80, s20, s5, $0xb8;
	[tilespmem:$0x1E000] =	vst v63  }
0xb9: {  	_ =	swait.ge [sflag:s0], $0x2000  }
0xba: {  	[sflag:s0] =	ssyncset.done $0x0  }
0xbb: {  	[sflag:s0] =	ssyncadd.s32 $0xFFFFE000  }
0xbc: {  	[tilespmem:s7], [sflag:$0x2] =	stream.indirect.gather [hbm4b:s1+s5], $0x80, s2, s5, $0xb8;
	[tilespmem:$0x1E000] =	vst v63  }
0xbd: {  	_ =	swait.ge [sflag:s18], $0x2000  }
0xbe: {  	[sflag:s18] =	ssyncset.done $0x0  }
0xbf: {  	[sflag:s18] =	ssyncadd.s32 $0xFFFFE000  }
0xc0: {  	[spmem:s13] =	stream.indirect.scatter.add.f32 [tilespmem:s9], [sflag:$0x5], $0x80, s21, s5, $0xb8;
	[tilespmem:$0x1E000] =	vst v63  }
0xc1: {  	_ =	swait.ge [sflag:s0], $0x2000  }
0xc2: {  	[sflag:s0] =	ssyncset.done $0x0  }
0xc3: {  	[sflag:s0] =	ssyncadd.s32 $0xFFFFE000  }
0xc4: {  	[tilespmem:s9], [sflag:$0x3] =	stream.indirect.gather [hbm4b:s1+s5], $0x80, s2, s5, $0xb8;
	[tilespmem:$0x1E000] =	vst v63  }
0xc5: {  	_ =	swait.ge [sflag:s31], $0x2000  }
0xc6: {  	[sflag:s31] =	ssyncset.done $0x0  }
0xc7: {  	[sflag:s31] =	ssyncadd.s32 $0xFFFFE000  }
0xc8: {  	[spmem:s13] =	stream.indirect.scatter.add.f32 [tilespmem:s12], [sflag:$0x5], $0x80, s22, s5, $0xb8;
	[tilespmem:$0x1E000] =	vst v63  }
0xc9: {  	_ =	swait.ge [sflag:s0], $0x2000  }
0xca: {  	[sflag:s0] =	ssyncset.done $0x0  }
0xcb: {  	[sflag:s0] =	ssyncadd.s32 $0xFFFFE000  }
0xcc: {  	[tilespmem:s12], [sflag:$0x4] =	stream.indirect.gather [hbm4b:s1+s5], $0x80, s2, s5, $0xb8;
	[tilespmem:$0x1E000] =	vst v63  }
0xcd: {  	_ =	swait.ge [sflag:s14], $0x2000  }
0xce: {  	[sflag:s14] =	ssyncset.done $0x0  }
0xcf: {  	[sflag:s14] =	ssyncadd.s32 $0xFFFFE000  }
0xd0: {  	_ =	swait.ge [sflag:s15], $0x2000  }
0xd1: {  	[sflag:s15] =	ssyncset.done $0x0  }
0xd2: {  	s24 =	sadd.s32 $0x1, s24;
	[sflag:s15] =	ssyncadd.s32 $0xFFFFE000  }
0xd3: {  	p0 =	sne.s32 s24, s30;
	_ =	swait.ge [sflag:s18], $0x2000  }
.Ltmp1:
0xd4: {  	[sflag:s18] =	ssyncset.done $0x0;
	(pc) =	sbr.rel @p0 .LBB2_2-.Ltmp1, $4  }
0xd5: {  	[sflag:s18] =	ssyncadd.s32 $0xFFFFE000  }
0xd6: {  	_ =	swait.ge [sflag:s31], $0x2000  }
0xd7: {  	[sflag:s31] =	ssyncset.done $0x0  }
0xd8: {  	[sflag:s31] =	ssyncadd.s32 $0xFFFFE000  }
0xd9: {  	[bflag:$0x0] =	sbarrier.arrive $0xFFFF  }
0xda: {  	s4 =	rddreg [dreg:$0x15]  }
0xdb: {  	[tilespmem:s11], [sflag:$0x5] =	stream.linear.gather [spmem:s4], $0x2000, $0x38;
	[tilespmem:$0x1E000] =	vst v63  }
0xdc: {  	_ =	swait.ge [sflag:s0], $0x2000  }
0xdd: {  	[sflag:s0] =	ssyncset.done $0x0  }
0xde: {  	s24 =	rddreg [dreg:$0x4];
	[sflag:s0] =	ssyncadd.s32 $0xFFFFE000  }
0xdf: {  	[hbm4b:s24+s2] =	stream.linear.scatter [tilespmem:s11], [sflag:$0x5], $0x2000, $0x38;
	[tilespmem:$0x1E000] =	vst v63  }
0xe0: {  	_ =	swait.ge [sflag:s0], $0x2000  }
0xe1: {  	[sflag:s0] =	ssyncset.done $0x0  }
0xe2: {  	s10 =	rddreg [dreg:$0xf];
	[sflag:s0] =	ssyncadd.s32 $0xFFFFE000  }
0xe3: {  	[tilespmem:s11], [sflag:$0x5] =	stream.linear.gather [spmem:s10], $0x2000, $0x38;
	[tilespmem:$0x1E000] =	vst v63  }
0xe4: {  	_ =	swait.ge [sflag:s0], $0x2000  }
0xe5: {  	[sflag:s0] =	ssyncset.done $0x0  }
0xe6: {  	s19 =	rddreg [dreg:$0x5];
	[sflag:s0] =	ssyncadd.s32 $0xFFFFE000  }
0xe7: {  	[hbm4b:s19+s2] =	stream.linear.scatter [tilespmem:s11], [sflag:$0x5], $0x2000, $0x38;
	[tilespmem:$0x1E000] =	vst v63  }
0xe8: {  	_ =	swait.ge [sflag:s0], $0x2000  }
0xe9: {  	[sflag:s0] =	ssyncset.done $0x0  }
0xea: {  	s8 =	rddreg [dreg:$0x10];
	[sflag:s0] =	ssyncadd.s32 $0xFFFFE000  }
0xeb: {  	[tilespmem:s11], [sflag:$0x5] =	stream.linear.gather [spmem:s8], $0x2000, $0x38;
	[tilespmem:$0x1E000] =	vst v63  }
0xec: {  	_ =	swait.ge [sflag:s0], $0x2000  }
0xed: {  	[sflag:s0] =	ssyncset.done $0x0  }
0xee: {  	s23 =	rddreg [dreg:$0x6];
	[sflag:s0] =	ssyncadd.s32 $0xFFFFE000  }
0xef: {  	[hbm4b:s23+s2] =	stream.linear.scatter [tilespmem:s11], [sflag:$0x5], $0x2000, $0x38;
	[tilespmem:$0x1E000] =	vst v63  }
0xf0: {  	_ =	swait.ge [sflag:s0], $0x2000  }
0xf1: {  	[sflag:s0] =	ssyncset.done $0x0  }
0xf2: {  	s19 =	rddreg [dreg:$0x11];
	[sflag:s0] =	ssyncadd.s32 $0xFFFFE000  }
0xf3: {  	[tilespmem:s11], [sflag:$0x5] =	stream.linear.gather [spmem:s19], $0x2000, $0x38;
	[tilespmem:$0x1E000] =	vst v63  }
0xf4: {  	_ =	swait.ge [sflag:s0], $0x2000  }
0xf5: {  	[sflag:s0] =	ssyncset.done $0x0  }
0xf6: {  	s25 =	rddreg [dreg:$0x7];
	[sflag:s0] =	ssyncadd.s32 $0xFFFFE000  }
0xf7: {  	[hbm4b:s25+s2] =	stream.linear.scatter [tilespmem:s11], [sflag:$0x5], $0x2000, $0x38;
	[tilespmem:$0x1E000] =	vst v63  }
0xf8: {  	_ =	swait.ge [sflag:s0], $0x2000  }
0xf9: {  	[sflag:s0] =	ssyncset.done $0x0  }
0xfa: {  	s23 =	rddreg [dreg:$0x12];
	[sflag:s0] =	ssyncadd.s32 $0xFFFFE000  }
0xfb: {  	[tilespmem:s11], [sflag:$0x5] =	stream.linear.gather [spmem:s23], $0x2000, $0x38;
	[tilespmem:$0x1E000] =	vst v63  }
0xfc: {  	_ =	swait.ge [sflag:s0], $0x2000  }
0xfd: {  	[sflag:s0] =	ssyncset.done $0x0  }
0xfe: {  	s26 =	rddreg [dreg:$0x8];
	[sflag:s0] =	ssyncadd.s32 $0xFFFFE000  }
0xff: {  	[hbm4b:s26+s2] =	stream.linear.scatter [tilespmem:s11], [sflag:$0x5], $0x2000, $0x38;
	[tilespmem:$0x1E000] =	vst v63  }
0x100: {  	_ =	swait.ge [sflag:s0], $0x2000  }
0x101: {  	[sflag:s0] =	ssyncset.done $0x0  }
0x102: {  	s25 =	rddreg [dreg:$0x13];
	[sflag:s0] =	ssyncadd.s32 $0xFFFFE000  }
0x103: {  	[tilespmem:s11], [sflag:$0x5] =	stream.linear.gather [spmem:s25], $0x2000, $0x38;
	[tilespmem:$0x1E000] =	vst v63  }
0x104: {  	_ =	swait.ge [sflag:s0], $0x2000  }
0x105: {  	[sflag:s0] =	ssyncset.done $0x0  }
0x106: {  	s4 =	rddreg [dreg:$0x9];
	[sflag:s0] =	ssyncadd.s32 $0xFFFFE000  }
0x107: {  	[hbm4b:s4+s2] =	stream.linear.scatter [tilespmem:s11], [sflag:$0x5], $0x2000, $0x38;
	[tilespmem:$0x1E000] =	vst v63  }
0x108: {  	_ =	swait.ge [sflag:s0], $0x2000  }
0x109: {  	[sflag:s0] =	ssyncset.done $0x0  }
0x10a: {  	s29 =	rddreg [dreg:$0x14];
	[sflag:s0] =	ssyncadd.s32 $0xFFFFE000  }
0x10b: {  	[tilespmem:s11], [sflag:$0x5] =	stream.linear.gather [spmem:s29], $0x2000, $0x38;
	[tilespmem:$0x1E000] =	vst v63  }
0x10c: {  	_ =	swait.ge [sflag:s0], $0x2000  }
0x10d: {  	[sflag:s0] =	ssyncset.done $0x0  }
0x10e: {  	s6 =	rddreg [dreg:$0xa];
	[sflag:s0] =	ssyncadd.s32 $0xFFFFE000  }
0x10f: {  	[hbm4b:s6+s2] =	stream.linear.scatter [tilespmem:s11], [sflag:$0x5], $0x2000, $0x38;
	[tilespmem:$0x1E000] =	vst v63  }
0x110: {  	_ =	swait.ge [sflag:s0], $0x2000  }
0x111: {  	[sflag:s0] =	ssyncset.done $0x0  }
0x112: {  	s26 =	rddreg [dreg:$0x16];
	[sflag:s0] =	ssyncadd.s32 $0xFFFFE000  }
0x113: {  	[tilespmem:s11], [sflag:$0x5] =	stream.linear.gather [spmem:s26], $0x2000, $0x38;
	[tilespmem:$0x1E000] =	vst v63  }
0x114: {  	_ =	swait.ge [sflag:s0], $0x2000  }
0x115: {  	[sflag:s0] =	ssyncset.done $0x0  }
0x116: {  	s10 =	rddreg [dreg:$0xb];
	[sflag:s0] =	ssyncadd.s32 $0xFFFFE000  }
0x117: {  	[hbm4b:s10+s2] =	stream.linear.scatter [tilespmem:s11], [sflag:$0x5], $0x2000, $0x38;
	[tilespmem:$0x1E000] =	vst v63  }
0x118: {  	_ =	swait.ge [sflag:s0], $0x2000  }
0x119: {  	[sflag:s0] =	ssyncset.done $0x0  }
0x11a: {  	s28 =	rddreg [dreg:$0x17];
	[sflag:s0] =	ssyncadd.s32 $0xFFFFE000  }
0x11b: {  	[tilespmem:s11], [sflag:$0x5] =	stream.linear.gather [spmem:s28], $0x2000, $0x38;
	[tilespmem:$0x1E000] =	vst v63  }
0x11c: {  	_ =	swait.ge [sflag:s0], $0x2000  }
0x11d: {  	[sflag:s0] =	ssyncset.done $0x0  }
0x11e: {  	s4 =	rddreg [dreg:$0xc];
	[sflag:s0] =	ssyncadd.s32 $0xFFFFE000  }
0x11f: {  	[hbm4b:s4+s2] =	stream.linear.scatter [tilespmem:s11], [sflag:$0x5], $0x2000, $0x38;
	[tilespmem:$0x1E000] =	vst v63  }
0x120: {  	_ =	swait.ge [sflag:s0], $0x2000  }
0x121: {  	[sflag:s0] =	ssyncset.done $0x0  }
0x122: {  	s4 =	rddreg [dreg:$0x18];
	[sflag:s0] =	ssyncadd.s32 $0xFFFFE000  }
0x123: {  	[tilespmem:s11], [sflag:$0x5] =	stream.linear.gather [spmem:s4], $0x2000, $0x38;
	[tilespmem:$0x1E000] =	vst v63  }
0x124: {  	_ =	swait.ge [sflag:s0], $0x2000  }
0x125: {  	[sflag:s0] =	ssyncset.done $0x0  }
0x126: {  	s6 =	rddreg [dreg:$0xd];
	[sflag:s0] =	ssyncadd.s32 $0xFFFFE000  }
0x127: {  	[hbm4b:s6+s2] =	stream.linear.scatter [tilespmem:s11], [sflag:$0x5], $0x2000, $0x38;
	[tilespmem:$0x1E000] =	vst v63  }
0x128: {  	_ =	swait.ge [sflag:s0], $0x2000  }
0x129: {  	s6 =	rddreg [dreg:$0x1a]  }
0x12a: {  	s10 =	rddreg [dreg:$0x19];
	s6 =	sadd.s32 $0x1, s6  }
0x12b: {  	p0 =	sne.s32 s6, s10  }
.Ltmp2:
0x12c: {  	_ = 	snop;
	(pc) =	sbr.rel @p0 .LBB2_1-.Ltmp2, $3  }
0x12d: {  	_ =	sdelay $0x1  }
0x12e: {  	[sflag:s0] =	ssyncset.done $0x0  }
0x12f: {  	[sflag:s0] =	ssyncadd.s32 $0xFFFFE000;
	[dreg:$0x1a] =	wrdreg s6;
	s6 =	simm.s32 $0x80  }
0x130: {  	_ =	sfence.sel $0x180000  }
0x131: {  	[bflag:$0x0] =	sbarrier.arrive $0xFFFF  }
0x132: {  	_ =	strace $0x9000004D  }
0x133: {  	s0 =	stileid.u32;
	[bflag:$0x2] =	sbarrier.arrive $0xFFFF  }
0x134: {  	p0 =	sne.s32 s0, $0x0;
	s0 =	rddreg [dreg:$0x3]  }
0x135: {  	s0 =	sadd.s32 @!p0 $0x100000, s0  }
0x136: {  	[sflag:s0] =	ssyncadd.tile.s32 @!p0 $0x1;
	_ =	shalt  }
.Lfunc_end2:
_tile_overlayer_lowered:
.L_overlay_start_2:
0x137: {  	(tag) =	ssettag $0x2  }
0x138: {  	s0 =	rddreg [dreg:$0x0];
	s2 =	stileid.u32  }
0x139: {  	s1 =	rddreg [dreg:$0x1];
	p0 =	sne.s32 s2, $0x0  }
0x13a: {  	s3 =	rddreg [dreg:$0x2];
	[bflag:$0x3] =	sbarrier.arrive $0xFFFF;
	s2 =	simm.s32 @!p0 $0x1C05  }
0x13b: {  	[timem:s3], [sflag:s2] =	dma.local @!p0 [hbm:s0], s1  }
0x13c: {  	s0 =	simm.s32 @!p0 $0x5  }
0x13d: {  	_ =	swait.ge @!p0 [sflag:s0], s1  }
0x13e: {  	s1 =	ssub.s32 @!p0 $0x0, s1;
	[sflag:s0] =	ssyncset.done @!p0 $0x0  }
0x13f: {  	[sflag:s0] =	ssyncadd.s32 @!p0 s1  }
0x140: {  	[bflag:$0x3] =	sbarrier.arrive $0xFFFF  }
0x141: {  	_ =	shalt  }

// kernel: kernel.9.cloned.1.call-start
scs
__scs_entry_jumppad:
0x0: {  	(pc) =	sbr.rel $0x88, $3  }
0x1: {  	(tag) =	ssettag $0x0;
	lr =	simm.s32 $0x1  }
0x2: {  	[smem:$0x3F9B] =	sst lr;
	_ =	strace $0xD0000000  }
0x3: {  	_ = 	snop  }
0x4: {  	_ = 	snop  }
0x5: {  	_ = 	snop  }
0x6: {  	_ = 	snop  }
0x7: {  	_ = 	snop  }
__scs_overlays_trampoline_lowered:
0x8: {  	[smem:$0x3FAA] =	sst s0  }
0x9: {  	[smem:$0x3FAB] =	sst s1  }
0xa: {  	[smem:$0x3FAC] =	sst s2  }
0xb: {  	[smem:$0x3FAD] =	sst s3  }
0xc: {  	[smem:$0x3FAE] =	sst s4  }
0xd: {  	[smem:$0x3FAF] =	sst s5  }
0xe: {  	[smem:$0x3FB0] =	sst s6  }
0xf: {  	[smem:$0x3FB1] =	sst s7  }
0x10: {  	[smem:$0x3FB2] =	sst s8  }
0x11: {  	[smem:$0x3FB3] =	sst s9;
	s0 =	simm.s32 @!p0 $0x0  }
0x12: {  	s1 =	sld [smem:$0x3F99];
	s0 =	simm.s32 @p0 $0x1  }
0x13: {  	[smem:$0x3FB4] =	sst s0;
	s0 =	simm.s32 @!p1 $0x0  }
0x14: {  	s2 =	sld [smem:$0x3F98];
	s0 =	simm.s32 @p1 $0x1  }
0x15: {  	[smem:$0x3FB5] =	sst s0;
	s0 =	simm.s32 @!p2 $0x0  }
0x16: {  	s3 =	sld [smem:$0x3FDB];
	s0 =	simm.s32 @p2 $0x1  }
0x17: {  	s4 =	simm.s32 $0x1BF5;
	[smem:$0x3FB7] =	sst s0  }
0x18: {  	s0 =	sld [smem:$0x3F9A];
	_ =	swait.ge [sflag:s4], $0x0  }
0x19: {  	s7 =	sld [smem:$0x3F9B]  }
0x1a: {  	s8 =	sadd.s32 $0xFFFFE003, lr  }
0x1b: {  	s9 =	sadd.s32 $0xFFFFFEF7, lr;
	s5 =	simm.s32 $0xFFFFFFFF;
	p2 =	slt.u32 s8, $0xFFFFF086  }
0x1c: {  	p1 =	slt.u32 s9, $0xF7A;
	s5 =	simm.s32 @!p2 $0x0  }
0x1d: {  	s5 =	simm.s32 @p1 $0x1;
	p0 =	seq.s32 s7, s2  }
0x1e: {  	s7 =	smul.u32 @!p0 $0xF7A, s2;
	p2 =	seq.s32 @!p0 s5, $0x0  }
0x1f: {  	s9 =	smul.u32 $0xF7A, s1;
	s8 =	simm.s32 @!p0 $0x1BF5;
	p2 =	por !p2, p0  }
0x20: {  	[sflag:s8] =	ssyncset.s32 @!p0 $0xFFFFF086;
	s6 =	sadd.s32 @!p0 s3, s7;
	s7 =	simm.s32 @!p0 $0x108  }
0x21: {  	s3 =	sadd.s32 s3, s9;
	s6 =	sadd.s32 @!p0 $0x88, s6;
	s7 =	simm.s32 @p2 $0x1082  }
0x22: {  	[simem:s7], [sflag:s8] =	dma.local @!p0 [hbm:s6], $0xF7A  }
0x23: {  	s9 =	sor.u32 $0xD0000000, s2;
	s6 =	simm.s32 $0x108;
	_ =	swait.ge @!p0 [sflag:s8], $0x0  }
0x24: {  	s3 =	sadd.s32 $0x88, s3;
	s6 =	simm.s32 @!p1 $0x1082;
	[sflag:s4] =	ssyncset.s32 $0xFFFFF086  }
0x25: {  	[simem:s6], [sflag:s4] =	dma.local [hbm:s3], $0xF7A  }
0x26: {  	[smem:$0x3F9B] =	sst s1;
	(tag) =	ssettag s2;
	_ =	strace s9  }
0x27: {  	s1 =	sld [smem:$0x3FAB]  }
0x28: {  	s2 =	sld [smem:$0x3FAC]  }
0x29: {  	s4 =	sld [smem:$0x3FAE]  }
0x2a: {  	p0 =	seq.s32 s5, $0x0;
	s5 =	sld [smem:$0x3FAF]  }
0x2b: {  	s6 =	sld [smem:$0x3FB0]  }
0x2c: {  	s7 =	sld [smem:$0x3FB1]  }
0x2d: {  	s3 =	simm.s32 $0x108;
	s8 =	sld [smem:$0x3FB2]  }
0x2e: {  	s3 =	simm.s32 @!p0 $0x1082;
	s9 =	sld [smem:$0x3FB3]  }
0x2f: {  	lr =	sadd.s32 s0, s3;
	s0 =	sld [smem:$0x3FAA]  }
0x30: {  	s3 =	sld [smem:$0x3FAD]  }
0x31: {  	[smem:$0x3FB6] =	sst s10  }
0x32: {  	s10 =	sld [smem:$0x3FB4];
	_ =	sdelay $0x3  }
0x33: {  	p0 =	seq.s32 s10, $0x1;
	s10 =	sld [smem:$0x3FB6];
	_ =	sdelay $0x3  }
0x34: {  	[smem:$0x3FB6] =	sst s10  }
0x35: {  	s10 =	sld [smem:$0x3FB5];
	_ =	sdelay $0x3  }
0x36: {  	p1 =	seq.s32 s10, $0x1;
	s10 =	sld [smem:$0x3FB6];
	_ =	sdelay $0x3  }
0x37: {  	[smem:$0x3FB6] =	sst s10  }
0x38: {  	s10 =	sld [smem:$0x3FB7]  }
0x39: {  	_ = 	snop;
	(pc) =	sbr.ind lr, $3  }
0x3a: {  	_ = 	snop  }
0x3b: {  	_ = 	snop  }
0x3c: {  	p2 =	seq.s32 s10, $0x1;
	s10 =	sld [smem:$0x3FB6]  }
0x3d: {  	_ =	shalt  }
0x3e: {  	_ =	shalt  }
0x3f: {  	_ =	shalt  }
0x40: {  	_ =	shalt  }
0x41: {  	_ =	shalt  }
0x42: {  	_ =	shalt  }
0x43: {  	_ =	shalt  }
0x44: {  	_ =	shalt  }
0x45: {  	_ =	shalt  }
0x46: {  	_ =	shalt  }
0x47: {  	_ =	shalt  }
0x48: {  	_ =	shalt  }
0x49: {  	_ =	shalt  }
0x4a: {  	_ =	shalt  }
0x4b: {  	_ =	shalt  }
0x4c: {  	_ =	shalt  }
0x4d: {  	_ =	shalt  }
0x4e: {  	_ =	shalt  }
0x4f: {  	_ =	shalt  }
0x50: {  	_ =	shalt  }
0x51: {  	_ =	shalt  }
0x52: {  	_ =	shalt  }
0x53: {  	_ =	shalt  }
0x54: {  	_ =	shalt  }
0x55: {  	_ =	shalt  }
0x56: {  	_ =	shalt  }
0x57: {  	_ =	shalt  }
0x58: {  	_ =	shalt  }
0x59: {  	_ =	shalt  }
0x5a: {  	_ =	shalt  }
0x5b: {  	_ =	shalt  }
0x5c: {  	_ =	shalt  }
0x5d: {  	_ =	shalt  }
0x5e: {  	_ =	shalt  }
0x5f: {  	_ =	shalt  }
0x60: {  	_ =	shalt  }
0x61: {  	_ =	shalt  }
0x62: {  	_ =	shalt  }
0x63: {  	_ =	shalt  }
0x64: {  	_ =	shalt  }
0x65: {  	_ =	shalt  }
0x66: {  	_ =	shalt  }
0x67: {  	_ =	shalt  }
0x68: {  	_ =	shalt  }
0x69: {  	_ =	shalt  }
0x6a: {  	_ =	shalt  }
0x6b: {  	_ =	shalt  }
0x6c: {  	_ =	shalt  }
0x6d: {  	_ =	shalt  }
0x6e: {  	_ =	shalt  }
0x6f: {  	_ =	shalt  }
0x70: {  	_ =	shalt  }
0x71: {  	_ =	shalt  }
0x72: {  	_ =	shalt  }
0x73: {  	_ =	shalt  }
0x74: {  	_ =	shalt  }
0x75: {  	_ =	shalt  }
0x76: {  	_ =	shalt  }
0x77: {  	_ =	shalt  }
0x78: {  	_ =	shalt  }
0x79: {  	_ =	shalt  }
0x7a: {  	_ =	shalt  }
0x7b: {  	_ =	shalt  }
0x7c: {  	_ =	shalt  }
0x7d: {  	_ =	shalt  }
0x7e: {  	_ =	shalt  }
0x7f: {  	_ =	shalt  }
0x80: {  	_ =	shalt  }
0x81: {  	_ =	shalt  }
0x82: {  	_ =	shalt  }
0x83: {  	_ =	shalt  }
0x84: {  	_ =	shalt  }
0x85: {  	_ =	shalt  }
0x86: {  	_ =	shalt  }
0x87: {  	_ =	shalt  }
.Lfunc_end0:
.L_simem_size_0:
called_computation_lowered:
.L_overlay_start_0:
0x88: {  	s2 =	sld [smem:$0x3FD9]  }
0x89: {  	s3 =	sld [smem:$0x3FFE];
	_ =	sdelay $0x1  }
0x8a: {  	s1 =	srdreg.scid  }
0x8b: {  	s0 =	sand.u32 $0x1, s1  }
0x8c: {  	s14 =	sshll.u32 s0, $0xA;
	s2 =	sadd.s32 s3, s2  }
0x8d: {  	s2 =	sadd.s32 s2, s14  }
0x8e: {  	[smem:$0x3FC2] =	sst s2  }
0x8f: {  	_ = 	snop  }
0x90: {  	s2 =	sld [smem:$0x3FD0];
	_ =	sdelay $0x2  }
0x91: {  	s15 =	simm.s32 $0xA;
	s4 =	simm.s32 $0x10  }
0x92: {  	[smem:s4], [sflag:s15] =	dma.local [hbm:s2], $0x1  }
0x93: {  	_ =	swait.eq [sflag:s15], $0x1  }
0x94: {  	[sflag:s15] =	ssyncset.done $0x0  }
0x95: {  	s16 =	sld [smem:$0x10];
	[sflag:s15] =	ssyncadd.s32 $0xFFFFFFFF  }
0x96: {  	s17 =	sld [smem:$0x11];
	(tm) =	ssettm $0x1  }
0x97: {  	s18 =	sld [smem:$0x3FFB];
	_ =	sdelay $0x3  }
0x98: {  	_ =	strace s18  }
0x99: {  	s4 =	sld [smem:$0x3FFC];
	_ =	sdelay $0x3  }
0x9a: {  	_ =	strace s4  }
0x9b: {  	s4 =	sld [smem:$0x3FFD];
	_ =	sdelay $0x3  }
0x9c: {  	_ =	strace s4  }
0x9d: {  	_ =	strace $0x8FFFFFFF  }
0x9e: {  	s19 =	sld [smem:$0x3FDB];
	_ =	sdelay $0x1  }
0x9f: {  	s5 =	simm.s32 $_scs_section_size  }
0xa0: {  	s6 =	simm.s32 $_size__tile_overlayer_lowered;
	s7 =	simm.s32 $_tile_overlayer_lowered  }
0xa1: {  	s22 =	simm.s32 $0x1BFF;
	s21 =	sshll.u32 s7, $0x1;
	s4 =	sadd.s32 s5, s19  }
0xa2: {  	s8 =	simm.s32 $0x0;
	s20 =	sshll.u32 s6, $0x1;
	s6 =	sadd.s32 s21, s4  }
0xa3: {  	[timem:s8], [sflag:s22] =	dma.local [hbm:s6], s20  }
0xa4: {  	_ =	swait.ge [sflag:s22], s20  }
0xa5: {  	s5 =	ssub.s32 $0x0, s20;
	[sflag:s22] =	ssyncset.done $0x0  }
0xa6: {  	[sflag:s22] =	ssyncadd.s32 s5;
	_ =	sdelay $0x1  }
0xa7: {  	s23 =	simm.s32 $0x1B8B  }
0xa8: {  	_ =	swait.ge [sflag:s23], $0x1  }
0xa9: {  	[sflag:s23] =	ssyncset.done $0x0  }
0xaa: {  	s25 =	simm.s32 $0x1B8E;
	s24 =	sld [smem:$0x3FFE];
	[sflag:s23] =	ssyncadd.s32 $0xFFFFFFFF  }
0xab: {  	s26 =	simm.s32 $execute0_lowered;
	[smem:$0x3FD2] =	sst s25  }
0xac: {  	s6 =	sshll.u32 s26, $0x1;
	_ =	strace $0x80000046;
	[dreg:$0x1] =	wrdreg $0xFFFFFFFF  }
0xad: {  	s28 =	simm.s32 $_size_execute0_lowered;
	s4 =	sadd.s32 s4, s6;
	[dreg:$0x0] =	wrdreg $0x0  }
0xae: {  	s6 =	sshll.u32 s28, $0x1;
	[dreg:$0x2] =	wrdreg s4  }
0xaf: {  	[dreg:$0x3] =	wrdreg s6  }
0xb0: {  	[dreg:$0x4] =	wrdreg $0xC0  }
0xb1: {  	_ =	task [dreg:s8], $0x5FFFF  }
0xb2: {  	[dreg:$0x1] =	wrdreg $0xFFFFFFFF  }
0xb3: {  	[dreg:$0x0] =	wrdreg $0x60  }
0xb4: {  	[dreg:$0x2] =	wrdreg s17  }
0xb5: {  	[dreg:$0x3] =	wrdreg s16  }
0xb6: {  	[dreg:$0x4] =	wrdreg s24  }
0xb7: {  	[dreg:$0x5] =	wrdreg $0xA8000  }
0xb8: {  	[dreg:$0x6] =	wrdreg $0x9  }
0xb9: {  	_ =	task.clear_ibuf [dreg:s8], $0x7FFFF;
	_ =	strace $0x90000046  }
0xba: {  	s29 =	simm.s32 $0x9;
	_ =	strace $0x80000048  }
0xbb: {  	_ =	swait.ge [sflag:s29], $0x1  }
0xbc: {  	[sflag:s29] =	ssyncadd.s32 $0xFFFFFFFF  }
0xbd: {  	_ =	strace $0x90000048  }
0xbe: {  	_ =	sfence  }
0xbf: {  	s30 =	sld [smem:$0x0];
	_ =	sdelay $0x2  }
0xc0: {  	s31 =	sshll.u32 s1, $0xD;
	s1 =	sshrl.u32 s1, $0x2  }
0xc1: {  	s3 =	sand.u32 $0x4000, s31;
	s1 =	sadd.s32 s1, s30  }
0xc2: {  	s0 =	sor.u32 s3, s0;
	s1 =	sshll.u32 s1, $0x11  }
0xc3: {  	s0 =	sor.u32 s1, s0  }
0xc4: {  	s0 =	sadd.s32 $0x8F2B, s0  }
0xc5: {  	[sflag:s0] =	ssyncadd.remote.s32 $0x1  }
0xc6: {  	_ =	sfence.sel $0xFFFF  }
0xc7: {  	[dreg:$0x0] =	wrdreg $0xFFFFFFFF;
	(pc) =	sbr.abs _section_cstart, $3  }
0xc8: {  	[dreg:$0x1] =	wrdreg $0xFFFFFFFF  }
0xc9: {  	_ =	task.clear_ibuf [dreg:s8], $0x2FFFF;
	_ =	strace $0x9FFFFFFF  }
0xca: {  	(tm) =	ssettm $0x7FFFFFFF  }
0xcb: {  	_ =	shalt  }
tec
execute0_lowered:
.L_overlay_start_1:
0x0: {  	(tag) =	ssettag $0x1  }
0x1: {  	s11 =	rddreg [dreg:$0x0]  }
0x2: {  	s1 =	rddreg [dreg:$0x1]  }
0x3: {  	s6 =	rddreg [dreg:$0x2]  }
0x4: {  	s2 =	rddreg [dreg:$0x3]  }
0x5: {  	s0 =	rddreg [dreg:$0x4];
	s4 =	simm.s32 $0x0;
	s5 =	srdreg.scid  }
0x6: {  	s3 =	stileid.u32;
	s22 =	simm.s32 $0x0;
	[smem:$0x7FF] =	sst s4  }
0x7: {  	s10 =	sand.u32 $0x1, s5;
	s8 =	smul.u32 $0x50000, s3;
	s5 =	sadd.s32 $0x3000, s6  }
0x8: {  	s12 =	smul.u32 $0x280, s3;
	s16 =	sadd.s32 $0x3800, s6;
	s19 =	sshll.u32 s3, $0x1  }
0x9: {  	_ =	strace $0x80000047;
	s7 =	ssub.s32 $0x2, s10;
	s20 =	smul.u32 $0x2800, s10  }
0xa: {  	s10 =	sor.u32 s10, s19;
	s9 =	sshrl.u32 s7, $0x1;
	s28 =	sshrl.u32 s8, $0x2  }
0xb: {  	s13 =	sadd.s32 $0x80, s12;
	s14 =	sadd.s32 $0x100, s12;
	s15 =	sadd.s32 $0x180, s12  }
0xc: {  	s18 =	sadd.s32 $0x200, s12;
	s19 =	smul.u32 $0x500, s10;
	s17 =	ssub.s32 s7, s9  }
0xd: {  	s6 =	sadd.s32 s28, s2;
	s29 =	sshll.u32 s13, $0x7;
	s30 =	sshll.u32 s14, $0x7  }
0xe: {  	s31 =	sshll.u32 s15, $0x7;
	s21 =	sshll.u32 s18, $0x7;
	s12 =	sadd.s32 s12, s20  }
0xf: {  	s13 =	sadd.s32 s20, s13;
	s14 =	sadd.s32 s20, s14;
	s15 =	sadd.s32 s20, s15  }
0x10: {  	s18 =	sadd.s32 s20, s18;
	s20 =	simm.s32 $0x2800;
	s7 =	sadd.s32 s29, s2  }
0x11: {  	s8 =	sadd.s32 s30, s2;
	s9 =	sadd.s32 s31, s2;
	s10 =	sadd.s32 s21, s2  }
0x12: {  	s12 =	sshll.u32 s12, $0x4;
	s13 =	sshll.u32 s13, $0x4;
	s11 =	sadd.s32 s11, s19  }
0x13: {  	s14 =	sshll.u32 s14, $0x4;
	s15 =	sshll.u32 s15, $0x4;
	s18 =	sshll.u32 s18, $0x4  }
0x14: {  	s17 =	smax.u32 s17, $0x1;
	s19 =	simm.s32 $0x1;
	s21 =	simm.s32 $0x80  }
0x15: {  	s12 =	sadd.s32 s16, s12;
	s13 =	sadd.s32 s16, s13;
	s14 =	sadd.s32 s16, s14  }
0x16: {  	s15 =	sadd.s32 s16, s15;
	s16 =	sadd.s32 s16, s18;
	s18 =	simm.s32 $0x6800  }
.LBB2_1:
0x17: {  	[tilespmem:s18], [sflag:$0x1] =	stream.linear.gather [hbm4b:s5+s4], $0x4000, $0x38;
	[tilespmem:$0x1E800] =	vst v63  }
0x18: {  	_ =	swait.ge [sflag:s19], $0x4000  }
0x19: {  	[sflag:s19] =	ssyncset.done $0x0  }
0x1a: {  	[sflag:s19] =	ssyncadd.s32 $0xFFFFC000  }
0x1b: {  	[spmem:s6] =	stream.linear.scatter [tilespmem:s18], [sflag:$0x1], $0x4000, $0x38;
	[tilespmem:$0x1E800] =	vst v63  }
0x1c: {  	_ =	swait.ge [sflag:s19], $0x4000  }
0x1d: {  	[sflag:s19] =	ssyncset.done $0x0  }
0x1e: {  	[sflag:s19] =	ssyncadd.s32 $0xFFFFC000  }
0x1f: {  	[spmem:s7] =	stream.linear.scatter [tilespmem:s18], [sflag:$0x1], $0x4000, $0x38;
	[tilespmem:$0x1E800] =	vst v63  }
0x20: {  	_ =	swait.ge [sflag:s19], $0x4000  }
0x21: {  	[sflag:s19] =	ssyncset.done $0x0  }
0x22: {  	[sflag:s19] =	ssyncadd.s32 $0xFFFFC000  }
0x23: {  	[spmem:s8] =	stream.linear.scatter [tilespmem:s18], [sflag:$0x1], $0x4000, $0x38;
	[tilespmem:$0x1E800] =	vst v63  }
0x24: {  	_ =	swait.ge [sflag:s19], $0x4000  }
0x25: {  	[sflag:s19] =	ssyncset.done $0x0  }
0x26: {  	[sflag:s19] =	ssyncadd.s32 $0xFFFFC000  }
0x27: {  	[spmem:s9] =	stream.linear.scatter [tilespmem:s18], [sflag:$0x1], $0x4000, $0x38;
	[tilespmem:$0x1E800] =	vst v63  }
0x28: {  	_ =	swait.ge [sflag:s19], $0x4000  }
0x29: {  	[sflag:s19] =	ssyncset.done $0x0  }
0x2a: {  	[sflag:s19] =	ssyncadd.s32 $0xFFFFC000  }
0x2b: {  	[spmem:s10] =	stream.linear.scatter [tilespmem:s18], [sflag:$0x1], $0x4000, $0x38;
	[tilespmem:$0x1E800] =	vst v63  }
0x2c: {  	_ =	swait.ge [sflag:s19], $0x4000  }
0x2d: {  	[sflag:s19] =	ssyncset.done $0x0  }
0x2e: {  	[sflag:s19] =	ssyncadd.s32 $0xFFFFC000  }
0x2f: {  	[tilespmem:s20], [sflag:$0x1] =	stream.linear.gather [hbm4b:s1+s4], $0x4000, $0x38;
	[tilespmem:$0x1E800] =	vst v63  }
0x30: {  	_ =	swait.ge [sflag:s19], $0x4000  }
0x31: {  	[sflag:s19] =	ssyncset.done $0x0  }
0x32: {  	[sflag:s19] =	ssyncadd.s32 $0xFFFFC000  }
0x33: {  	[tilespmem:s4], [sflag:$0x1] =	stream.linear.gather [hbm4b:s11+s4], $0x2800, $0x38;
	[tilespmem:$0x1E800] =	vst v63  }
0x34: {  	_ =	swait.ge [sflag:s19], $0x2800  }
0x35: {  	[sflag:s19] =	ssyncset.done $0x0  }
0x36: {  	[sflag:s19] =	ssyncadd.s32 $0xFFFFD800  }
0x37: {  	s23 =	simm.s32 $0x0;
	[bflag:$0x0] =	sbarrier.arrive $0xFFFF  }
0x38: {  	[spmem:s2] =	stream.indirect.scatter.add.f32 [tilespmem:s20], [sflag:$0x1], $0x80, s23, s21, $0xb8;
	[tilespmem:$0x1E800] =	vst v63  }
0x39: {  	_ =	swait.ge [sflag:s19], $0x4000  }
0x3a: {  	s23 =	simm.s32 $0x200;
	[sflag:s19] =	ssyncset.done $0x0  }
.LBB2_2:
0x3b: {  	s24 =	sshra.s32 s23, $0x2;
	[sflag:s19] =	ssyncadd.s32 $0xFFFFC000;
	p0 =	sne.s32 s23, $0x9E00  }
0x3c: {  	[spmem:s2] =	stream.indirect.scatter.add.f32 [tilespmem:s20], [sflag:$0x1], $0x80, s24, s21, $0xb8;
	[tilespmem:$0x1E800] =	vst v63  }
.Ltmp0:
0x3d: {  	_ = 	snop;
	(pc) =	sbr.rel @p0 .LBB2_2-.Ltmp0, $4  }
0x3e: {  	_ = 	snop  }
0x3f: {  	s23 =	sadd.s32 $0x200, s23  }
0x40: {  	_ =	swait.ge [sflag:s19], $0x4000  }
0x41: {  	[sflag:s19] =	ssyncset.done $0x0  }
0x42: {  	[sflag:s19] =	ssyncadd.s32 $0xFFFFC000  }
0x43: {  	[bflag:$0x0] =	sbarrier.arrive $0xFFFF  }
0x44: {  	[tilespmem:s18], [sflag:$0x1] =	stream.linear.gather [spmem:s6], $0x4000, $0x38;
	[tilespmem:$0x1E800] =	vst v63  }
0x45: {  	_ =	swait.ge [sflag:s19], $0x4000  }
0x46: {  	[sflag:s19] =	ssyncset.done $0x0  }
0x47: {  	[sflag:s19] =	ssyncadd.s32 $0xFFFFC000  }
0x48: {  	[hbm4b:s12+s4] =	stream.linear.scatter [tilespmem:s18], [sflag:$0x1], $0x4000, $0x38;
	[tilespmem:$0x1E800] =	vst v63  }
0x49: {  	_ =	swait.ge [sflag:s19], $0x4000  }
0x4a: {  	[sflag:s19] =	ssyncset.done $0x0  }
0x4b: {  	[sflag:s19] =	ssyncadd.s32 $0xFFFFC000  }
0x4c: {  	[tilespmem:s18], [sflag:$0x1] =	stream.linear.gather [spmem:s7], $0x4000, $0x38;
	[tilespmem:$0x1E800] =	vst v63  }
0x4d: {  	_ =	swait.ge [sflag:s19], $0x4000  }
0x4e: {  	[sflag:s19] =	ssyncset.done $0x0  }
0x4f: {  	[sflag:s19] =	ssyncadd.s32 $0xFFFFC000  }
0x50: {  	[hbm4b:s13+s4] =	stream.linear.scatter [tilespmem:s18], [sflag:$0x1], $0x4000, $0x38;
	[tilespmem:$0x1E800] =	vst v63  }
0x51: {  	_ =	swait.ge [sflag:s19], $0x4000  }
0x52: {  	[sflag:s19] =	ssyncset.done $0x0  }
0x53: {  	[sflag:s19] =	ssyncadd.s32 $0xFFFFC000  }
0x54: {  	[tilespmem:s18], [sflag:$0x1] =	stream.linear.gather [spmem:s8], $0x4000, $0x38;
	[tilespmem:$0x1E800] =	vst v63  }
0x55: {  	_ =	swait.ge [sflag:s19], $0x4000  }
0x56: {  	[sflag:s19] =	ssyncset.done $0x0  }
0x57: {  	[sflag:s19] =	ssyncadd.s32 $0xFFFFC000  }
0x58: {  	[hbm4b:s14+s4] =	stream.linear.scatter [tilespmem:s18], [sflag:$0x1], $0x4000, $0x38;
	[tilespmem:$0x1E800] =	vst v63  }
0x59: {  	_ =	swait.ge [sflag:s19], $0x4000  }
0x5a: {  	[sflag:s19] =	ssyncset.done $0x0  }
0x5b: {  	[sflag:s19] =	ssyncadd.s32 $0xFFFFC000  }
0x5c: {  	[tilespmem:s18], [sflag:$0x1] =	stream.linear.gather [spmem:s9], $0x4000, $0x38;
	[tilespmem:$0x1E800] =	vst v63  }
0x5d: {  	_ =	swait.ge [sflag:s19], $0x4000  }
0x5e: {  	[sflag:s19] =	ssyncset.done $0x0  }
0x5f: {  	[sflag:s19] =	ssyncadd.s32 $0xFFFFC000  }
0x60: {  	[hbm4b:s15+s4] =	stream.linear.scatter [tilespmem:s18], [sflag:$0x1], $0x4000, $0x38;
	[tilespmem:$0x1E800] =	vst v63  }
0x61: {  	_ =	swait.ge [sflag:s19], $0x4000  }
0x62: {  	[sflag:s19] =	ssyncset.done $0x0  }
0x63: {  	[sflag:s19] =	ssyncadd.s32 $0xFFFFC000  }
0x64: {  	[tilespmem:s18], [sflag:$0x1] =	stream.linear.gather [spmem:s10], $0x4000, $0x38;
	[tilespmem:$0x1E800] =	vst v63  }
0x65: {  	s22 =	sadd.s32 $0x1, s22;
	_ =	swait.ge [sflag:s19], $0x4000  }
0x66: {  	p0 =	sne.s32 s22, s17;
	[sflag:s19] =	ssyncset.done $0x0  }
.Ltmp1:
0x67: {  	[sflag:s19] =	ssyncadd.s32 $0xFFFFC000;
	(pc) =	sbr.rel @p0 .LBB2_1-.Ltmp1, $4  }
0x68: {  	[hbm4b:s16+s4] =	stream.linear.scatter [tilespmem:s18], [sflag:$0x1], $0x4000, $0x38;
	[tilespmem:$0x1E800] =	vst v63  }
0x69: {  	_ =	swait.ge [sflag:s19], $0x4000  }
0x6a: {  	[sflag:s19] =	ssyncset.done $0x0  }
0x6b: {  	[sflag:s19] =	ssyncadd.s32 $0xFFFFC000  }
0x6c: {  	_ =	sfence.sel $0x180000  }
0x6d: {  	[bflag:$0x0] =	sbarrier.arrive $0xFFFF  }
0x6e: {  	p0 =	sne.s32 s3, $0x0;
	_ =	strace $0x90000047  }
0x6f: {  	s0 =	sadd.s32 @!p0 $0x100000, s0;
	[bflag:$0x2] =	sbarrier.arrive $0xFFFF  }
0x70: {  	[sflag:s0] =	ssyncadd.tile.s32 @!p0 $0x1;
	_ =	shalt  }
.Lfunc_end2:
_tile_overlayer_lowered:
.L_overlay_start_2:
0x71: {  	(tag) =	ssettag $0x2  }
0x72: {  	s0 =	rddreg [dreg:$0x0];
	s2 =	stileid.u32  }
0x73: {  	s1 =	rddreg [dreg:$0x1];
	p0 =	sne.s32 s2, $0x0  }
0x74: {  	s3 =	rddreg [dreg:$0x2];
	[bflag:$0x3] =	sbarrier.arrive $0xFFFF;
	s2 =	simm.s32 @!p0 $0x1C01  }
0x75: {  	[timem:s3], [sflag:s2] =	dma.local @!p0 [hbm:s0], s1  }
0x76: {  	s0 =	simm.s32 @!p0 $0x1  }
0x77: {  	_ =	swait.ge @!p0 [sflag:s0], s1  }
0x78: {  	s1 =	ssub.s32 @!p0 $0x0, s1;
	[sflag:s0] =	ssyncset.done @!p0 $0x0  }
0x79: {  	[sflag:s0] =	ssyncadd.s32 @!p0 s1  }
0x7a: {  	[bflag:$0x3] =	sbarrier.arrive $0xFFFF  }
0x7b: {  	_ =	shalt  }

</sc_bundles>
